<compile_context>
chip_gen: v7x
topology: tpu7x:2x2x1
jax: 0.10.2.dev20260603
libtpu: 0.0.44.dev20260713+nightly
codegen_flags: <defaults>
</compile_context>

<pallas_src>
import functools

import jax
import jax.numpy as jnp
from jax import lax
from jax.experimental import pallas as pl
from jax.experimental.pallas import tpu as pltpu
from jax.experimental.pallas import tpu_sc as plsc

DIM = 64
BATCH = 16384
NROW = 1000000
NFULL = (NROW // 128) * 128
BMAX = NROW // 128 - 1
NC = 2
NS = 16
NW = NC * NS
BPW = BATCH // NW
L = 16
NG = BPW // L
RING = 4


def _body(uid_hbm, iid_hbm, utab_hbm, itab_hbm, ulast_hbm, ilast_hbm, out_hbm,
          uids_v, iids_v, ublk_v, iblk_v, ulast_v, ilast_v, out_v, sem):
    wid = lax.axis_index("s") * NC + lax.axis_index("c")
    base = wid * BPW

    pltpu.sync_copy(uid_hbm.at[pl.ds(base, BPW)], uids_v)
    pltpu.sync_copy(iid_hbm.at[pl.ds(base, BPW)], iids_v)
    pltpu.sync_copy(ulast_hbm, ulast_v)
    pltpu.sync_copy(ilast_hbm, ilast_v)

    lane = lax.iota(jnp.int32, L)
    dvec = [jnp.full((L,), q * L, jnp.int32) + lane for q in range(DIM // L)]

    def xlane(v, t):
        return v.at[lane ^ t].get(mode="promise_in_bounds")

    def splat(s):
        return jnp.full((L,), 0, jnp.int32) + s

    def fire(vec, k, tab, blk):
        b = jnp.minimum(vec[k] >> 7, BMAX)
        off = pl.multiple_of(b * 128, 128)
        pltpu.async_copy(tab.at[:, pl.ds(off, 128)], blk.at[k % RING], sem)

    def drain(tab, blk, k):
        pltpu.make_async_copy(tab.at[:, pl.ds(0, 128)],
                              blk.at[k % RING], sem).wait()

    def col(vec, k, blk, lastf):
        vid = vec[k]
        c = splat(vid & 127)
        rel = splat(jnp.maximum(vid - NFULL, 0) * DIM)
        m = splat(vid) >= NFULL
        out = []
        for q in range(DIM // L):
            hbm_q = plsc.load_gather(blk, [splat(k % RING), dvec[q], c])
            last_q = plsc.load_gather(lastf, [rel + dvec[q]])
            out.append(jnp.where(m, last_q, hbm_q))
        return out

    def prologue():
        uvec = uids_v[pl.ds(0, L)]
        ivec = iids_v[pl.ds(0, L)]
        for k in range(RING):
            fire(uvec, k, utab_hbm, ublk_v)
            fire(ivec, k, itab_hbm, iblk_v)

    def group(g, _):
        uvec = uids_v[pl.ds(g * L, L)]
        ivec = iids_v[pl.ds(g * L, L)]
        nxt = jnp.minimum(g + 1, NG - 1) * L
        uvec_n = uids_v[pl.ds(nxt, L)]
        ivec_n = iids_v[pl.ds(nxt, L)]
        vecs = []
        for k in range(L):
            drain(utab_hbm, ublk_v, k)
            drain(itab_hbm, iblk_v, k)
            u = col(uvec, k, ublk_v, ulast_v)
            v = col(ivec, k, iblk_v, ilast_v)
            acc = None
            for q in range(DIM // L):
                prod = u[q] * v[q]
                acc = prod if acc is None else acc + prod
            vecs.append(acc)
            if k + RING < L:
                fire(uvec, k + RING, utab_hbm, ublk_v)
                fire(ivec, k + RING, itab_hbm, iblk_v)
            else:
                @pl.when(g < NG - 1)
                def _fire_next():
                    fire(uvec_n, k + RING - L, utab_hbm, ublk_v)
                    fire(ivec_n, k + RING - L, itab_hbm, iblk_v)
        t = 1
        while len(vecs) > 1:
            m = (lane & t) != 0
            vecs = [jnp.where(m, vecs[i + 1] + xlane(vecs[i + 1], t),
                              vecs[i] + xlane(vecs[i], t))
                    for i in range(0, len(vecs), 2)]
            t *= 2
        out_v[pl.ds(g * L, L)] = vecs[0]
        return _

    prologue()
    lax.fori_loop(0, NG, group, None)

    pltpu.sync_copy(out_v, out_hbm.at[pl.ds(base, BPW)])


@jax.jit
def _scores(user_ids, item_ids, utab_t, itab_t, ulast, ilast):
    mesh = plsc.VectorSubcoreMesh(core_axis_name="c", subcore_axis_name="s")
    kern = functools.partial(
        pl.kernel,
        out_type=jax.ShapeDtypeStruct((BATCH,), jnp.float32),
        mesh=mesh,
        compiler_params=pltpu.CompilerParams(needs_layout_passes=False),
        scratch_types=[
            pltpu.VMEM((BPW,), jnp.int32),
            pltpu.VMEM((BPW,), jnp.int32),
            pltpu.VMEM((RING, DIM, 128), jnp.float32),
            pltpu.VMEM((RING, DIM, 128), jnp.float32),
            pltpu.VMEM(((NROW - NFULL) * DIM,), jnp.float32),
            pltpu.VMEM(((NROW - NFULL) * DIM,), jnp.float32),
            pltpu.VMEM((BPW,), jnp.float32),
            pltpu.SemaphoreType.DMA,
        ],
    )(_body)
    return kern(user_ids, item_ids, utab_t, itab_t, ulast, ilast)


def kernel(user_ids, item_ids, user_table, item_table):
    return _scores(user_ids.astype(jnp.int32), item_ids.astype(jnp.int32),
                   user_table.T, item_table.T,
                   user_table[NFULL:].reshape(-1),
                   item_table[NFULL:].reshape(-1))

# --- scband reference (transcript-rebuilt; emitter-appended) ---
"""Pipeline reference for scband-bprmf-66176856097303 (READ-ONLY COPY).

The authoritative reference and input builder live on the scoring server;
editing this copy changes nothing except your own understanding.
"""

import jax, jax.numpy as jnp
import numpy as np

N_USERS = 1000000
N_ITEMS = 1000000
DIM = 64
BATCH = 16384


def setup_inputs(seed: int = 0) -> dict:
    key = jax.random.key(seed)
    k1, k2, k3, k4 = jax.random.split(key, 4)
    user_ids = jax.random.randint(k1, (BATCH,), 0, N_USERS, dtype=jnp.int64 if jax.config.jax_enable_x64 else jnp.int32)
    item_ids = jax.random.randint(k2, (BATCH,), 0, N_ITEMS, dtype=jnp.int64 if jax.config.jax_enable_x64 else jnp.int32)
    user_table = jax.random.normal(k3, (N_USERS, DIM), dtype=jnp.float32) * 0.01
    item_table = jax.random.normal(k4, (N_ITEMS, DIM), dtype=jnp.float32) * 0.01
    return {"user_ids": user_ids, "item_ids": item_ids, "user_table": user_table, "item_table": item_table}


def reference(user_ids, item_ids, user_table, item_table):
    # users_emb = Embedding_User(user_ids); items_emb = Embedding_Item(item_ids)
    users_emb = jnp.take(user_table, user_ids, axis=0)
    items_emb = jnp.take(item_table, item_ids, axis=0)
    # scores = sum(users_emb * items_emb, dim=-1)
    scores = jnp.sum(users_emb * items_emb, axis=-1)
    return scores

if __name__ == "__main__":
    import jax
    _d = setup_inputs()
    print(jax.jit(kernel)(*tuple(_d.values())))

</pallas_src>

<mosaic_0001>
#map = affine_map<(d0, d1) -> (0)>
#map1 = affine_map<(d0, d1) -> (0, 0)>
module attributes {stable_mosaic.version = 14 : i64} {
  func.func @_body(%arg0: i32, %arg1: i32, %arg2: memref<16384xi32, #tpu.memory_space<hbm>>, %arg3: memref<16384xi32, #tpu.memory_space<hbm>>, %arg4: memref<64x1000000xf32, #tpu.memory_space<hbm>>, %arg5: memref<64x1000000xf32, #tpu.memory_space<hbm>>, %arg6: memref<4096xf32, #tpu.memory_space<hbm>>, %arg7: memref<4096xf32, #tpu.memory_space<hbm>>, %arg8: memref<16384xf32, #tpu.memory_space<hbm>>, %arg9: memref<512xi32, #tpu.memory_space<vmem>>, %arg10: memref<512xi32, #tpu.memory_space<vmem>>, %arg11: memref<4x64x128xf32, #tpu.memory_space<vmem>>, %arg12: memref<4x64x128xf32, #tpu.memory_space<vmem>>, %arg13: memref<4096xf32, #tpu.memory_space<vmem>>, %arg14: memref<4096xf32, #tpu.memory_space<vmem>>, %arg15: memref<512xf32, #tpu.memory_space<vmem>>, %arg16: memref<!tpu.dma_semaphore, #tpu.memory_space<semaphore_mem>>) attributes {dimension_semantics = [#tpu.dimension_semantics<core_parallel>, #tpu.dimension_semantics<subcore_parallel>], iteration_bounds = array<i64: 2, 16>, scalar_prefetch = 0 : i64, scratch_operands = 8 : i64, tpu.core_type = #tpu.core_type<sc_vector_subcore>, window_params = [{transform_indices = #map}, {transform_indices = #map}, {transform_indices = #map1}, {transform_indices = #map1}, {transform_indices = #map}, {transform_indices = #map}, {transform_indices = #map}]} {
    %mul3A = arith.constant 2 : i32
    %mul3A_0 = arith.muli %arg1, %mul3A : i32
    %add3A = arith.addi %mul3A_0, %arg0 : i32
    %mul3A_1 = arith.constant 512 : i32
    %mul3A_2 = arith.muli %add3A, %mul3A_1 : i32
    "tpu.region"() ({
      %run_scoped3A = tpu.sem_alloc : memref<!tpu.dma_semaphore, #tpu.memory_space<semaphore_mem>>
      %dma_start3A_191 = tpu.memref_slice %arg2[%mul3A_2] : memref<16384xi32, #tpu.memory_space<hbm>> -> memref<512xi32, #tpu.memory_space<hbm>>
      %dma_start3A_192 = tpu.memref_slice %arg2[%mul3A_2] : memref<16384xi32, #tpu.memory_space<hbm>> -> memref<512xi32, #tpu.memory_space<hbm>>
      tpu.enqueue_dma source(%dma_start3A_192 : memref<512xi32, #tpu.memory_space<hbm>>) target(%arg9 : memref<512xi32, #tpu.memory_space<vmem>>) target_semaphore(%run_scoped3A : memref<!tpu.dma_semaphore, #tpu.memory_space<semaphore_mem>>)
      %dma_wait3A = tpu.memref_slice %arg2[%mul3A_2] : memref<16384xi32, #tpu.memory_space<hbm>> -> memref<512xi32, #tpu.memory_space<hbm>>
      %dma_wait3A_193 = tpu.memref_slice %arg2[%mul3A_2] : memref<16384xi32, #tpu.memory_space<hbm>> -> memref<512xi32, #tpu.memory_space<hbm>>
      tpu.wait_dma2 semaphore(%run_scoped3A : memref<!tpu.dma_semaphore, #tpu.memory_space<semaphore_mem>>) src(%dma_wait3A_193 : memref<512xi32, #tpu.memory_space<hbm>>) dst(%arg9 : memref<512xi32, #tpu.memory_space<vmem>>)
      tpu.yield
    }) : () -> ()
    "tpu.region"() ({
      %run_scoped3A = tpu.sem_alloc : memref<!tpu.dma_semaphore, #tpu.memory_space<semaphore_mem>>
      %dma_start3A_191 = tpu.memref_slice %arg3[%mul3A_2] : memref<16384xi32, #tpu.memory_space<hbm>> -> memref<512xi32, #tpu.memory_space<hbm>>
      %dma_start3A_192 = tpu.memref_slice %arg3[%mul3A_2] : memref<16384xi32, #tpu.memory_space<hbm>> -> memref<512xi32, #tpu.memory_space<hbm>>
      tpu.enqueue_dma source(%dma_start3A_192 : memref<512xi32, #tpu.memory_space<hbm>>) target(%arg10 : memref<512xi32, #tpu.memory_space<vmem>>) target_semaphore(%run_scoped3A : memref<!tpu.dma_semaphore, #tpu.memory_space<semaphore_mem>>)
      %dma_wait3A = tpu.memref_slice %arg3[%mul3A_2] : memref<16384xi32, #tpu.memory_space<hbm>> -> memref<512xi32, #tpu.memory_space<hbm>>
      %dma_wait3A_193 = tpu.memref_slice %arg3[%mul3A_2] : memref<16384xi32, #tpu.memory_space<hbm>> -> memref<512xi32, #tpu.memory_space<hbm>>
      tpu.wait_dma2 semaphore(%run_scoped3A : memref<!tpu.dma_semaphore, #tpu.memory_space<semaphore_mem>>) src(%dma_wait3A_193 : memref<512xi32, #tpu.memory_space<hbm>>) dst(%arg10 : memref<512xi32, #tpu.memory_space<vmem>>)
      tpu.yield
    }) : () -> ()
    "tpu.region"() ({
      %run_scoped3A = tpu.sem_alloc : memref<!tpu.dma_semaphore, #tpu.memory_space<semaphore_mem>>
      tpu.enqueue_dma source(%arg6 : memref<4096xf32, #tpu.memory_space<hbm>>) target(%arg13 : memref<4096xf32, #tpu.memory_space<vmem>>) target_semaphore(%run_scoped3A : memref<!tpu.dma_semaphore, #tpu.memory_space<semaphore_mem>>)
      tpu.wait_dma2 semaphore(%run_scoped3A : memref<!tpu.dma_semaphore, #tpu.memory_space<semaphore_mem>>) src(%arg6 : memref<4096xf32, #tpu.memory_space<hbm>>) dst(%arg13 : memref<4096xf32, #tpu.memory_space<vmem>>)
      tpu.yield
    }) : () -> ()
    "tpu.region"() ({
      %run_scoped3A = tpu.sem_alloc : memref<!tpu.dma_semaphore, #tpu.memory_space<semaphore_mem>>
      tpu.enqueue_dma source(%arg7 : memref<4096xf32, #tpu.memory_space<hbm>>) target(%arg14 : memref<4096xf32, #tpu.memory_space<vmem>>) target_semaphore(%run_scoped3A : memref<!tpu.dma_semaphore, #tpu.memory_space<semaphore_mem>>)
      tpu.wait_dma2 semaphore(%run_scoped3A : memref<!tpu.dma_semaphore, #tpu.memory_space<semaphore_mem>>) src(%arg7 : memref<4096xf32, #tpu.memory_space<hbm>>) dst(%arg14 : memref<4096xf32, #tpu.memory_space<vmem>>)
      tpu.yield
    }) : () -> ()
    %iota3A = tpu.iota {dimensions = array<i32: 0>} : vector<16xi32>
    %broadcast_in_dim3A = arith.constant 0 : i32
    %broadcast_in_dim3A_3 = vector.broadcast %broadcast_in_dim3A : i32 to vector<16xi32>
    %add3A_4 = arith.addi %broadcast_in_dim3A_3, %iota3A : vector<16xi32>
    %broadcast_in_dim3A_5 = arith.constant 16 : i32
    %broadcast_in_dim3A_6 = vector.broadcast %broadcast_in_dim3A_5 : i32 to vector<16xi32>
    %add3A_7 = arith.addi %broadcast_in_dim3A_6, %iota3A : vector<16xi32>
    %broadcast_in_dim3A_8 = arith.constant 32 : i32
    %broadcast_in_dim3A_9 = vector.broadcast %broadcast_in_dim3A_8 : i32 to vector<16xi32>
    %add3A_10 = arith.addi %broadcast_in_dim3A_9, %iota3A : vector<16xi32>
    %broadcast_in_dim3A_11 = arith.constant 48 : i32
    %broadcast_in_dim3A_12 = vector.broadcast %broadcast_in_dim3A_11 : i32 to vector<16xi32>
    %add3A_13 = arith.addi %broadcast_in_dim3A_12, %iota3A : vector<16xi32>
    %get3A = arith.constant 0 : index
    %get3A_14 = tpu.vector_load %arg9[%get3A] {strides = array<i32>} : memref<512xi32, #tpu.memory_space<vmem>>, vector<16xi32>,
    %get3A_15 = arith.constant 0 : index
    %get3A_16 = tpu.vector_load %arg10[%get3A_15] {strides = array<i32>} : memref<512xi32, #tpu.memory_space<vmem>>, vector<16xi32>,
    %slice3A = vector.extract_strided_slice %get3A_14 {offsets = [0], sizes = [1], strides = [1]} : vector<16xi32> to vector<1xi32>
    %squeeze3A = vector.extract %slice3A[0] : i32 from vector<1xi32>
    %shift_right_arithmetic3A = arith.constant 7 : i32
    %shift_right_arithmetic3A_17 = arith.shrsi %squeeze3A, %shift_right_arithmetic3A : i32
    %min3A = arith.constant 7811 : i32
    %min3A_18 = arith.minsi %shift_right_arithmetic3A_17, %min3A : i32
    %mul3A_19 = arith.constant 128 : i32
    %mul3A_20 = arith.muli %min3A_18, %mul3A_19 : i32
    %multiple_of3A = tpu.assume_multiple %mul3A_20, 128 : i32
    %dma_start3A = arith.constant 0 : i32
    %dma_start3A_21 = arith.constant 0 : i32
    %dma_start3A_22 = arith.constant 0 : i32
    %dma_start3A_23 = tpu.memref_slice %arg11[%dma_start3A, %dma_start3A_21, %dma_start3A_22] : memref<4x64x128xf32, #tpu.memory_space<vmem>> -> memref<1x64x128xf32, #tpu.memory_space<vmem>>
    %dma_start3A_24 = tpu.memref_squeeze %dma_start3A_23 : memref<1x64x128xf32, #tpu.memory_space<vmem>> -> memref<64x128xf32, #tpu.memory_space<vmem>>
    %dma_start3A_25 = arith.constant 0 : i32
    %dma_start3A_26 = tpu.memref_slice %arg4[%dma_start3A_25, %multiple_of3A] : memref<64x1000000xf32, #tpu.memory_space<hbm>> -> memref<64x128xf32, #tpu.memory_space<hbm>>
    %dma_start3A_27 = arith.constant 0 : i32
    %dma_start3A_28 = arith.constant 0 : i32
    %dma_start3A_29 = tpu.memref_slice %arg11[%dma_start3A, %dma_start3A_27, %dma_start3A_28] : memref<4x64x128xf32, #tpu.memory_space<vmem>> -> memref<1x64x128xf32, #tpu.memory_space<vmem>>
    %dma_start3A_30 = tpu.memref_squeeze %dma_start3A_29 : memref<1x64x128xf32, #tpu.memory_space<vmem>> -> memref<64x128xf32, #tpu.memory_space<vmem>>
    %dma_start3A_31 = arith.constant 0 : i32
    %dma_start3A_32 = tpu.memref_slice %arg4[%dma_start3A_31, %multiple_of3A] : memref<64x1000000xf32, #tpu.memory_space<hbm>> -> memref<64x128xf32, #tpu.memory_space<hbm>>
    tpu.enqueue_dma source(%dma_start3A_32 : memref<64x128xf32, #tpu.memory_space<hbm>>) target(%dma_start3A_30 : memref<64x128xf32, #tpu.memory_space<vmem>>) target_semaphore(%arg16 : memref<!tpu.dma_semaphore, #tpu.memory_space<semaphore_mem>>)
    %slice3A_33 = vector.extract_strided_slice %get3A_16 {offsets = [0], sizes = [1], strides = [1]} : vector<16xi32> to vector<1xi32>
    %squeeze3A_34 = vector.extract %slice3A_33[0] : i32 from vector<1xi32>
    %shift_right_arithmetic3A_35 = arith.constant 7 : i32
    %shift_right_arithmetic3A_36 = arith.shrsi %squeeze3A_34, %shift_right_arithmetic3A_35 : i32
    %min3A_37 = arith.constant 7811 : i32
    %min3A_38 = arith.minsi %shift_right_arithmetic3A_36, %min3A_37 : i32
    %mul3A_39 = arith.constant 128 : i32
    %mul3A_40 = arith.muli %min3A_38, %mul3A_39 : i32
    %multiple_of3A_41 = tpu.assume_multiple %mul3A_40, 128 : i32
    %dma_start3A_42 = arith.constant 0 : i32
    %dma_start3A_43 = arith.constant 0 : i32
    %dma_start3A_44 = arith.constant 0 : i32
    %dma_start3A_45 = tpu.memref_slice %arg12[%dma_start3A_42, %dma_start3A_43, %dma_start3A_44] : memref<4x64x128xf32, #tpu.memory_space<vmem>> -> memref<1x64x128xf32, #tpu.memory_space<vmem>>
    %dma_start3A_46 = tpu.memref_squeeze %dma_start3A_45 : memref<1x64x128xf32, #tpu.memory_space<vmem>> -> memref<64x128xf32, #tpu.memory_space<vmem>>
    %dma_start3A_47 = arith.constant 0 : i32
    %dma_start3A_48 = tpu.memref_slice %arg5[%dma_start3A_47, %multiple_of3A_41] : memref<64x1000000xf32, #tpu.memory_space<hbm>> -> memref<64x128xf32, #tpu.memory_space<hbm>>
    %dma_start3A_49 = arith.constant 0 : i32
    %dma_start3A_50 = arith.constant 0 : i32
    %dma_start3A_51 = tpu.memref_slice %arg12[%dma_start3A_42, %dma_start3A_49, %dma_start3A_50] : memref<4x64x128xf32, #tpu.memory_space<vmem>> -> memref<1x64x128xf32, #tpu.memory_space<vmem>>
    %dma_start3A_52 = tpu.memref_squeeze %dma_start3A_51 : memref<1x64x128xf32, #tpu.memory_space<vmem>> -> memref<64x128xf32, #tpu.memory_space<vmem>>
    %dma_start3A_53 = arith.constant 0 : i32
    %dma_start3A_54 = tpu.memref_slice %arg5[%dma_start3A_53, %multiple_of3A_41] : memref<64x1000000xf32, #tpu.memory_space<hbm>> -> memref<64x128xf32, #tpu.memory_space<hbm>>
    tpu.enqueue_dma source(%dma_start3A_54 : memref<64x128xf32, #tpu.memory_space<hbm>>) target(%dma_start3A_52 : memref<64x128xf32, #tpu.memory_space<vmem>>) target_semaphore(%arg16 : memref<!tpu.dma_semaphore, #tpu.memory_space<semaphore_mem>>)
    %slice3A_55 = vector.extract_strided_slice %get3A_14 {offsets = [1], sizes = [1], strides = [1]} : vector<16xi32> to vector<1xi32>
    %squeeze3A_56 = vector.extract %slice3A_55[0] : i32 from vector<1xi32>
    %shift_right_arithmetic3A_57 = arith.constant 7 : i32
    %shift_right_arithmetic3A_58 = arith.shrsi %squeeze3A_56, %shift_right_arithmetic3A_57 : i32
    %min3A_59 = arith.constant 7811 : i32
    %min3A_60 = arith.minsi %shift_right_arithmetic3A_58, %min3A_59 : i32
    %mul3A_61 = arith.constant 128 : i32
    %mul3A_62 = arith.muli %min3A_60, %mul3A_61 : i32
    %multiple_of3A_63 = tpu.assume_multiple %mul3A_62, 128 : i32
    %dma_start3A_64 = arith.constant 1 : i32
    %dma_start3A_65 = arith.constant 0 : i32
    %dma_start3A_66 = arith.constant 0 : i32
    %dma_start3A_67 = tpu.memref_slice %arg11[%dma_start3A_64, %dma_start3A_65, %dma_start3A_66] : memref<4x64x128xf32, #tpu.memory_space<vmem>> -> memref<1x64x128xf32, #tpu.memory_space<vmem>>
    %dma_start3A_68 = tpu.memref_squeeze %dma_start3A_67 : memref<1x64x128xf32, #tpu.memory_space<vmem>> -> memref<64x128xf32, #tpu.memory_space<vmem>>
    %dma_start3A_69 = arith.constant 0 : i32
    %dma_start3A_70 = tpu.memref_slice %arg4[%dma_start3A_69, %multiple_of3A_63] : memref<64x1000000xf32, #tpu.memory_space<hbm>> -> memref<64x128xf32, #tpu.memory_space<hbm>>
    %dma_start3A_71 = arith.constant 0 : i32
    %dma_start3A_72 = arith.constant 0 : i32
    %dma_start3A_73 = tpu.memref_slice %arg11[%dma_start3A_64, %dma_start3A_71, %dma_start3A_72] : memref<4x64x128xf32, #tpu.memory_space<vmem>> -> memref<1x64x128xf32, #tpu.memory_space<vmem>>
    %dma_start3A_74 = tpu.memref_squeeze %dma_start3A_73 : memref<1x64x128xf32, #tpu.memory_space<vmem>> -> memref<64x128xf32, #tpu.memory_space<vmem>>
    %dma_start3A_75 = arith.constant 0 : i32
    %dma_start3A_76 = tpu.memref_slice %arg4[%dma_start3A_75, %multiple_of3A_63] : memref<64x1000000xf32, #tpu.memory_space<hbm>> -> memref<64x128xf32, #tpu.memory_space<hbm>>
    tpu.enqueue_dma source(%dma_start3A_76 : memref<64x128xf32, #tpu.memory_space<hbm>>) target(%dma_start3A_74 : memref<64x128xf32, #tpu.memory_space<vmem>>) target_semaphore(%arg16 : memref<!tpu.dma_semaphore, #tpu.memory_space<semaphore_mem>>)
    %slice3A_77 = vector.extract_strided_slice %get3A_16 {offsets = [1], sizes = [1], strides = [1]} : vector<16xi32> to vector<1xi32>
    %squeeze3A_78 = vector.extract %slice3A_77[0] : i32 from vector<1xi32>
    %shift_right_arithmetic3A_79 = arith.constant 7 : i32
    %shift_right_arithmetic3A_80 = arith.shrsi %squeeze3A_78, %shift_right_arithmetic3A_79 : i32
    %min3A_81 = arith.constant 7811 : i32
    %min3A_82 = arith.minsi %shift_right_arithmetic3A_80, %min3A_81 : i32
    %mul3A_83 = arith.constant 128 : i32
    %mul3A_84 = arith.muli %min3A_82, %mul3A_83 : i32
    %multiple_of3A_85 = tpu.assume_multiple %mul3A_84, 128 : i32
    %dma_start3A_86 = arith.constant 1 : i32
    %dma_start3A_87 = arith.constant 0 : i32
    %dma_start3A_88 = arith.constant 0 : i32
    %dma_start3A_89 = tpu.memref_slice %arg12[%dma_start3A_86, %dma_start3A_87, %dma_start3A_88] : memref<4x64x128xf32, #tpu.memory_space<vmem>> -> memref<1x64x128xf32, #tpu.memory_space<vmem>>
    %dma_start3A_90 = tpu.memref_squeeze %dma_start3A_89 : memref<1x64x128xf32, #tpu.memory_space<vmem>> -> memref<64x128xf32, #tpu.memory_space<vmem>>
    %dma_start3A_91 = arith.constant 0 : i32
    %dma_start3A_92 = tpu.memref_slice %arg5[%dma_start3A_91, %multiple_of3A_85] : memref<64x1000000xf32, #tpu.memory_space<hbm>> -> memref<64x128xf32, #tpu.memory_space<hbm>>
    %dma_start3A_93 = arith.constant 0 : i32
    %dma_start3A_94 = arith.constant 0 : i32
    %dma_start3A_95 = tpu.memref_slice %arg12[%dma_start3A_86, %dma_start3A_93, %dma_start3A_94] : memref<4x64x128xf32, #tpu.memory_space<vmem>> -> memref<1x64x128xf32, #tpu.memory_space<vmem>>
    %dma_start3A_96 = tpu.memref_squeeze %dma_start3A_95 : memref<1x64x128xf32, #tpu.memory_space<vmem>> -> memref<64x128xf32, #tpu.memory_space<vmem>>
    %dma_start3A_97 = arith.constant 0 : i32
    %dma_start3A_98 = tpu.memref_slice %arg5[%dma_start3A_97, %multiple_of3A_85] : memref<64x1000000xf32, #tpu.memory_space<hbm>> -> memref<64x128xf32, #tpu.memory_space<hbm>>
    tpu.enqueue_dma source(%dma_start3A_98 : memref<64x128xf32, #tpu.memory_space<hbm>>) target(%dma_start3A_96 : memref<64x128xf32, #tpu.memory_space<vmem>>) target_semaphore(%arg16 : memref<!tpu.dma_semaphore, #tpu.memory_space<semaphore_mem>>)
    %slice3A_99 = vector.extract_strided_slice %get3A_14 {offsets = [2], sizes = [1], strides = [1]} : vector<16xi32> to vector<1xi32>
    %squeeze3A_100 = vector.extract %slice3A_99[0] : i32 from vector<1xi32>
    %shift_right_arithmetic3A_101 = arith.constant 7 : i32
    %shift_right_arithmetic3A_102 = arith.shrsi %squeeze3A_100, %shift_right_arithmetic3A_101 : i32
    %min3A_103 = arith.constant 7811 : i32
    %min3A_104 = arith.minsi %shift_right_arithmetic3A_102, %min3A_103 : i32
    %mul3A_105 = arith.constant 128 : i32
    %mul3A_106 = arith.muli %min3A_104, %mul3A_105 : i32
    %multiple_of3A_107 = tpu.assume_multiple %mul3A_106, 128 : i32
    %dma_start3A_108 = arith.constant 2 : i32
    %dma_start3A_109 = arith.constant 0 : i32
    %dma_start3A_110 = arith.constant 0 : i32
    %dma_start3A_111 = tpu.memref_slice %arg11[%dma_start3A_108, %dma_start3A_109, %dma_start3A_110] : memref<4x64x128xf32, #tpu.memory_space<vmem>> -> memref<1x64x128xf32, #tpu.memory_space<vmem>>
    %dma_start3A_112 = tpu.memref_squeeze %dma_start3A_111 : memref<1x64x128xf32, #tpu.memory_space<vmem>> -> memref<64x128xf32, #tpu.memory_space<vmem>>
    %dma_start3A_113 = arith.constant 0 : i32
    %dma_start3A_114 = tpu.memref_slice %arg4[%dma_start3A_113, %multiple_of3A_107] : memref<64x1000000xf32, #tpu.memory_space<hbm>> -> memref<64x128xf32, #tpu.memory_space<hbm>>
    %dma_start3A_115 = arith.constant 0 : i32
    %dma_start3A_116 = arith.constant 0 : i32
    %dma_start3A_117 = tpu.memref_slice %arg11[%dma_start3A_108, %dma_start3A_115, %dma_start3A_116] : memref<4x64x128xf32, #tpu.memory_space<vmem>> -> memref<1x64x128xf32, #tpu.memory_space<vmem>>
    %dma_start3A_118 = tpu.memref_squeeze %dma_start3A_117 : memref<1x64x128xf32, #tpu.memory_space<vmem>> -> memref<64x128xf32, #tpu.memory_space<vmem>>
    %dma_start3A_119 = arith.constant 0 : i32
    %dma_start3A_120 = tpu.memref_slice %arg4[%dma_start3A_119, %multiple_of3A_107] : memref<64x1000000xf32, #tpu.memory_space<hbm>> -> memref<64x128xf32, #tpu.memory_space<hbm>>
    tpu.enqueue_dma source(%dma_start3A_120 : memref<64x128xf32, #tpu.memory_space<hbm>>) target(%dma_start3A_118 : memref<64x128xf32, #tpu.memory_space<vmem>>) target_semaphore(%arg16 : memref<!tpu.dma_semaphore, #tpu.memory_space<semaphore_mem>>)
    %slice3A_121 = vector.extract_strided_slice %get3A_16 {offsets = [2], sizes = [1], strides = [1]} : vector<16xi32> to vector<1xi32>
    %squeeze3A_122 = vector.extract %slice3A_121[0] : i32 from vector<1xi32>
    %shift_right_arithmetic3A_123 = arith.constant 7 : i32
    %shift_right_arithmetic3A_124 = arith.shrsi %squeeze3A_122, %shift_right_arithmetic3A_123 : i32
    %min3A_125 = arith.constant 7811 : i32
    %min3A_126 = arith.minsi %shift_right_arithmetic3A_124, %min3A_125 : i32
    %mul3A_127 = arith.constant 128 : i32
    %mul3A_128 = arith.muli %min3A_126, %mul3A_127 : i32
    %multiple_of3A_129 = tpu.assume_multiple %mul3A_128, 128 : i32
    %dma_start3A_130 = arith.constant 2 : i32
    %dma_start3A_131 = arith.constant 0 : i32
    %dma_start3A_132 = arith.constant 0 : i32
    %dma_start3A_133 = tpu.memref_slice %arg12[%dma_start3A_130, %dma_start3A_131, %dma_start3A_132] : memref<4x64x128xf32, #tpu.memory_space<vmem>> -> memref<1x64x128xf32, #tpu.memory_space<vmem>>
    %dma_start3A_134 = tpu.memref_squeeze %dma_start3A_133 : memref<1x64x128xf32, #tpu.memory_space<vmem>> -> memref<64x128xf32, #tpu.memory_space<vmem>>
    %dma_start3A_135 = arith.constant 0 : i32
    %dma_start3A_136 = tpu.memref_slice %arg5[%dma_start3A_135, %multiple_of3A_129] : memref<64x1000000xf32, #tpu.memory_space<hbm>> -> memref<64x128xf32, #tpu.memory_space<hbm>>
    %dma_start3A_137 = arith.constant 0 : i32
    %dma_start3A_138 = arith.constant 0 : i32
    %dma_start3A_139 = tpu.memref_slice %arg12[%dma_start3A_130, %dma_start3A_137, %dma_start3A_138] : memref<4x64x128xf32, #tpu.memory_space<vmem>> -> memref<1x64x128xf32, #tpu.memory_space<vmem>>
    %dma_start3A_140 = tpu.memref_squeeze %dma_start3A_139 : memref<1x64x128xf32, #tpu.memory_space<vmem>> -> memref<64x128xf32, #tpu.memory_space<vmem>>
    %dma_start3A_141 = arith.constant 0 : i32
    %dma_start3A_142 = tpu.memref_slice %arg5[%dma_start3A_141, %multiple_of3A_129] : memref<64x1000000xf32, #tpu.memory_space<hbm>> -> memref<64x128xf32, #tpu.memory_space<hbm>>
    tpu.enqueue_dma source(%dma_start3A_142 : memref<64x128xf32, #tpu.memory_space<hbm>>) target(%dma_start3A_140 : memref<64x128xf32, #tpu.memory_space<vmem>>) target_semaphore(%arg16 : memref<!tpu.dma_semaphore, #tpu.memory_space<semaphore_mem>>)
    %slice3A_143 = vector.extract_strided_slice %get3A_14 {offsets = [3], sizes = [1], strides = [1]} : vector<16xi32> to vector<1xi32>
    %squeeze3A_144 = vector.extract %slice3A_143[0] : i32 from vector<1xi32>
    %shift_right_arithmetic3A_145 = arith.constant 7 : i32
    %shift_right_arithmetic3A_146 = arith.shrsi %squeeze3A_144, %shift_right_arithmetic3A_145 : i32
    %min3A_147 = arith.constant 7811 : i32
    %min3A_148 = arith.minsi %shift_right_arithmetic3A_146, %min3A_147 : i32
    %mul3A_149 = arith.constant 128 : i32
    %mul3A_150 = arith.muli %min3A_148, %mul3A_149 : i32
    %multiple_of3A_151 = tpu.assume_multiple %mul3A_150, 128 : i32
    %dma_start3A_152 = arith.constant 3 : i32
    %dma_start3A_153 = arith.constant 0 : i32
    %dma_start3A_154 = arith.constant 0 : i32
    %dma_start3A_155 = tpu.memref_slice %arg11[%dma_start3A_152, %dma_start3A_153, %dma_start3A_154] : memref<4x64x128xf32, #tpu.memory_space<vmem>> -> memref<1x64x128xf32, #tpu.memory_space<vmem>>
    %dma_start3A_156 = tpu.memref_squeeze %dma_start3A_155 : memref<1x64x128xf32, #tpu.memory_space<vmem>> -> memref<64x128xf32, #tpu.memory_space<vmem>>
    %dma_start3A_157 = arith.constant 0 : i32
    %dma_start3A_158 = tpu.memref_slice %arg4[%dma_start3A_157, %multiple_of3A_151] : memref<64x1000000xf32, #tpu.memory_space<hbm>> -> memref<64x128xf32, #tpu.memory_space<hbm>>
    %dma_start3A_159 = arith.constant 0 : i32
    %dma_start3A_160 = arith.constant 0 : i32
    %dma_start3A_161 = tpu.memref_slice %arg11[%dma_start3A_152, %dma_start3A_159, %dma_start3A_160] : memref<4x64x128xf32, #tpu.memory_space<vmem>> -> memref<1x64x128xf32, #tpu.memory_space<vmem>>
    %dma_start3A_162 = tpu.memref_squeeze %dma_start3A_161 : memref<1x64x128xf32, #tpu.memory_space<vmem>> -> memref<64x128xf32, #tpu.memory_space<vmem>>
    %dma_start3A_163 = arith.constant 0 : i32
    %dma_start3A_164 = tpu.memref_slice %arg4[%dma_start3A_163, %multiple_of3A_151] : memref<64x1000000xf32, #tpu.memory_space<hbm>> -> memref<64x128xf32, #tpu.memory_space<hbm>>
    tpu.enqueue_dma source(%dma_start3A_164 : memref<64x128xf32, #tpu.memory_space<hbm>>) target(%dma_start3A_162 : memref<64x128xf32, #tpu.memory_space<vmem>>) target_semaphore(%arg16 : memref<!tpu.dma_semaphore, #tpu.memory_space<semaphore_mem>>)
    %slice3A_165 = vector.extract_strided_slice %get3A_16 {offsets = [3], sizes = [1], strides = [1]} : vector<16xi32> to vector<1xi32>
    %squeeze3A_166 = vector.extract %slice3A_165[0] : i32 from vector<1xi32>
    %shift_right_arithmetic3A_167 = arith.constant 7 : i32
    %shift_right_arithmetic3A_168 = arith.shrsi %squeeze3A_166, %shift_right_arithmetic3A_167 : i32
    %min3A_169 = arith.constant 7811 : i32
    %min3A_170 = arith.minsi %shift_right_arithmetic3A_168, %min3A_169 : i32
    %mul3A_171 = arith.constant 128 : i32
    %mul3A_172 = arith.muli %min3A_170, %mul3A_171 : i32
    %multiple_of3A_173 = tpu.assume_multiple %mul3A_172, 128 : i32
    %dma_start3A_174 = arith.constant 3 : i32
    %dma_start3A_175 = arith.constant 0 : i32
    %dma_start3A_176 = arith.constant 0 : i32
    %dma_start3A_177 = tpu.memref_slice %arg12[%dma_start3A_174, %dma_start3A_175, %dma_start3A_176] : memref<4x64x128xf32, #tpu.memory_space<vmem>> -> memref<1x64x128xf32, #tpu.memory_space<vmem>>
    %dma_start3A_178 = tpu.memref_squeeze %dma_start3A_177 : memref<1x64x128xf32, #tpu.memory_space<vmem>> -> memref<64x128xf32, #tpu.memory_space<vmem>>
    %dma_start3A_179 = arith.constant 0 : i32
    %dma_start3A_180 = tpu.memref_slice %arg5[%dma_start3A_179, %multiple_of3A_173] : memref<64x1000000xf32, #tpu.memory_space<hbm>> -> memref<64x128xf32, #tpu.memory_space<hbm>>
    %dma_start3A_181 = arith.constant 0 : i32
    %dma_start3A_182 = arith.constant 0 : i32
    %dma_start3A_183 = tpu.memref_slice %arg12[%dma_start3A_174, %dma_start3A_181, %dma_start3A_182] : memref<4x64x128xf32, #tpu.memory_space<vmem>> -> memref<1x64x128xf32, #tpu.memory_space<vmem>>
    %dma_start3A_184 = tpu.memref_squeeze %dma_start3A_183 : memref<1x64x128xf32, #tpu.memory_space<vmem>> -> memref<64x128xf32, #tpu.memory_space<vmem>>
    %dma_start3A_185 = arith.constant 0 : i32
    %dma_start3A_186 = tpu.memref_slice %arg5[%dma_start3A_185, %multiple_of3A_173] : memref<64x1000000xf32, #tpu.memory_space<hbm>> -> memref<64x128xf32, #tpu.memory_space<hbm>>
    tpu.enqueue_dma source(%dma_start3A_186 : memref<64x128xf32, #tpu.memory_space<hbm>>) target(%dma_start3A_184 : memref<64x128xf32, #tpu.memory_space<vmem>>) target_semaphore(%arg16 : memref<!tpu.dma_semaphore, #tpu.memory_space<semaphore_mem>>)
    %scan3A = arith.constant 0 : i32
    %scan3A_187 = arith.constant 32 : i32
    %scan3A_188 = arith.addi %scan3A, %scan3A_187 : i32
    %scan3A_189 = arith.constant 1 : i32
    scf.for %scan3A_191 = %scan3A to %scan3A_188 step %scan3A_189  : i32 {
      %mul3A_192 = arith.constant 16 : i32
      %mul3A_193 = arith.muli %scan3A_191, %mul3A_192 : i32
      %get3A_194 = arith.index_cast %mul3A_193 : i32 to index
      %get3A_195 = tpu.vector_load %arg9[%get3A_194] {strides = array<i32>} : memref<512xi32, #tpu.memory_space<vmem>>, vector<16xi32>,
      %mul3A_196 = arith.constant 16 : i32
      %mul3A_197 = arith.muli %scan3A_191, %mul3A_196 : i32
      %get3A_198 = arith.index_cast %mul3A_197 : i32 to index
      %get3A_199 = tpu.vector_load %arg10[%get3A_198] {strides = array<i32>} : memref<512xi32, #tpu.memory_space<vmem>>, vector<16xi32>,
      %add3A_200 = arith.constant 1 : i32
      %add3A_201 = arith.addi %scan3A_191, %add3A_200 : i32
      %min3A_202 = arith.constant 31 : i32
      %min3A_203 = arith.minsi %add3A_201, %min3A_202 : i32
      %mul3A_204 = arith.constant 16 : i32
      %mul3A_205 = arith.muli %min3A_203, %mul3A_204 : i32
      %get3A_206 = arith.index_cast %mul3A_205 : i32 to index
      %get3A_207 = tpu.vector_load %arg9[%get3A_206] {strides = array<i32>} : memref<512xi32, #tpu.memory_space<vmem>>, vector<16xi32>,
      %get3A_208 = arith.index_cast %mul3A_205 : i32 to index
      %get3A_209 = tpu.vector_load %arg10[%get3A_208] {strides = array<i32>} : memref<512xi32, #tpu.memory_space<vmem>>, vector<16xi32>,
      %dma_wait3A = arith.constant 0 : i32
      %dma_wait3A_210 = arith.constant 0 : i32
      %dma_wait3A_211 = arith.constant 0 : i32
      %dma_wait3A_212 = tpu.memref_slice %arg11[%dma_wait3A, %dma_wait3A_210, %dma_wait3A_211] : memref<4x64x128xf32, #tpu.memory_space<vmem>> -> memref<1x64x128xf32, #tpu.memory_space<vmem>>
      %dma_wait3A_213 = tpu.memref_squeeze %dma_wait3A_212 : memref<1x64x128xf32, #tpu.memory_space<vmem>> -> memref<64x128xf32, #tpu.memory_space<vmem>>
      %dma_wait3A_214 = arith.constant 0 : i32
      %dma_wait3A_215 = arith.constant 0 : i32
      %dma_wait3A_216 = tpu.memref_slice %arg4[%dma_wait3A_214, %dma_wait3A_215] : memref<64x1000000xf32, #tpu.memory_space<hbm>> -> memref<64x128xf32, #tpu.memory_space<hbm>>
      %dma_wait3A_217 = arith.constant 0 : i32
      %dma_wait3A_218 = arith.constant 0 : i32
      %dma_wait3A_219 = tpu.memref_slice %arg11[%dma_wait3A, %dma_wait3A_217, %dma_wait3A_218] : memref<4x64x128xf32, #tpu.memory_space<vmem>> -> memref<1x64x128xf32, #tpu.memory_space<vmem>>
      %dma_wait3A_220 = tpu.memref_squeeze %dma_wait3A_219 : memref<1x64x128xf32, #tpu.memory_space<vmem>> -> memref<64x128xf32, #tpu.memory_space<vmem>>
      %dma_wait3A_221 = arith.constant 0 : i32
      %dma_wait3A_222 = arith.constant 0 : i32
      %dma_wait3A_223 = tpu.memref_slice %arg4[%dma_wait3A_221, %dma_wait3A_222] : memref<64x1000000xf32, #tpu.memory_space<hbm>> -> memref<64x128xf32, #tpu.memory_space<hbm>>
      tpu.wait_dma2 semaphore(%arg16 : memref<!tpu.dma_semaphore, #tpu.memory_space<semaphore_mem>>) src(%dma_wait3A_223 : memref<64x128xf32, #tpu.memory_space<hbm>>) dst(%dma_wait3A_220 : memref<64x128xf32, #tpu.memory_space<vmem>>)
      %dma_wait3A_224 = arith.constant 0 : i32
      %dma_wait3A_225 = arith.constant 0 : i32
      %dma_wait3A_226 = arith.constant 0 : i32
      %dma_wait3A_227 = tpu.memref_slice %arg12[%dma_wait3A_224, %dma_wait3A_225, %dma_wait3A_226] : memref<4x64x128xf32, #tpu.memory_space<vmem>> -> memref<1x64x128xf32, #tpu.memory_space<vmem>>
      %dma_wait3A_228 = tpu.memref_squeeze %dma_wait3A_227 : memref<1x64x128xf32, #tpu.memory_space<vmem>> -> memref<64x128xf32, #tpu.memory_space<vmem>>
      %dma_wait3A_229 = arith.constant 0 : i32
      %dma_wait3A_230 = arith.constant 0 : i32
      %dma_wait3A_231 = tpu.memref_slice %arg5[%dma_wait3A_229, %dma_wait3A_230] : memref<64x1000000xf32, #tpu.memory_space<hbm>> -> memref<64x128xf32, #tpu.memory_space<hbm>>
      %dma_wait3A_232 = arith.constant 0 : i32
      %dma_wait3A_233 = arith.constant 0 : i32
      %dma_wait3A_234 = tpu.memref_slice %arg12[%dma_wait3A_224, %dma_wait3A_232, %dma_wait3A_233] : memref<4x64x128xf32, #tpu.memory_space<vmem>> -> memref<1x64x128xf32, #tpu.memory_space<vmem>>
      %dma_wait3A_235 = tpu.memref_squeeze %dma_wait3A_234 : memref<1x64x128xf32, #tpu.memory_space<vmem>> -> memref<64x128xf32, #tpu.memory_space<vmem>>
      %dma_wait3A_236 = arith.constant 0 : i32
      %dma_wait3A_237 = arith.constant 0 : i32
      %dma_wait3A_238 = tpu.memref_slice %arg5[%dma_wait3A_236, %dma_wait3A_237] : memref<64x1000000xf32, #tpu.memory_space<hbm>> -> memref<64x128xf32, #tpu.memory_space<hbm>>
      tpu.wait_dma2 semaphore(%arg16 : memref<!tpu.dma_semaphore, #tpu.memory_space<semaphore_mem>>) src(%dma_wait3A_238 : memref<64x128xf32, #tpu.memory_space<hbm>>) dst(%dma_wait3A_235 : memref<64x128xf32, #tpu.memory_space<vmem>>)
      %slice3A_239 = vector.extract_strided_slice %get3A_195 {offsets = [0], sizes = [1], strides = [1]} : vector<16xi32> to vector<1xi32>
      %squeeze3A_240 = vector.extract %slice3A_239[0] : i32 from vector<1xi32>
      %and3A = arith.constant 127 : i32
      %and3A_241 = arith.andi %squeeze3A_240, %and3A : i32
      %broadcast_in_dim3A_242 = arith.constant 0 : i32
      %broadcast_in_dim3A_243 = vector.broadcast %broadcast_in_dim3A_242 : i32 to vector<16xi32>
      %add3A_244 = vector.broadcast %and3A_241 : i32 to vector<16xi32>
      %add3A_245 = arith.addi %broadcast_in_dim3A_243, %add3A_244 : vector<16xi32>
      %sub3A = arith.constant 999936 : i32
      %sub3A_246 = arith.subi %squeeze3A_240, %sub3A : i32
      %max3A = arith.constant 0 : i32
      %max3A_247 = arith.maxsi %sub3A_246, %max3A : i32
      %mul3A_248 = arith.constant 64 : i32
      %mul3A_249 = arith.muli %max3A_247, %mul3A_248 : i32
      %broadcast_in_dim3A_250 = arith.constant 0 : i32
      %broadcast_in_dim3A_251 = vector.broadcast %broadcast_in_dim3A_250 : i32 to vector<16xi32>
      %add3A_252 = vector.broadcast %mul3A_249 : i32 to vector<16xi32>
      %add3A_253 = arith.addi %broadcast_in_dim3A_251, %add3A_252 : vector<16xi32>
      %broadcast_in_dim3A_254 = arith.constant 0 : i32
      %broadcast_in_dim3A_255 = vector.broadcast %broadcast_in_dim3A_254 : i32 to vector<16xi32>
      %add3A_256 = vector.broadcast %squeeze3A_240 : i32 to vector<16xi32>
      %add3A_257 = arith.addi %broadcast_in_dim3A_255, %add3A_256 : vector<16xi32>
      %ge3A = arith.constant 999936 : i32
      %ge3A_258 = vector.broadcast %ge3A : i32 to vector<16xi32>
      %ge3A_259 = arith.cmpi sge, %add3A_257, %ge3A_258 : vector<16xi32>
      %broadcast_in_dim3A_260 = arith.constant 0 : i32
      %broadcast_in_dim3A_261 = vector.broadcast %broadcast_in_dim3A_260 : i32 to vector<16xi32>
      %add3A_262 = arith.constant 0 : i32
      %add3A_263 = vector.broadcast %add3A_262 : i32 to vector<16xi32>
      %add3A_264 = arith.addi %broadcast_in_dim3A_261, %add3A_263 : vector<16xi32>
      %gather3A = tpu.vector_load_idx %arg11[%add3A_264, %add3A_4, %add3A_245] : memref<4x64x128xf32, #tpu.memory_space<vmem>>[vector<16xi32>, vector<16xi32>, vector<16xi32>], vector<16xf32>,
      %add3A_265 = arith.addi %add3A_253, %add3A_4 : vector<16xi32>
      %gather3A_266 = tpu.vector_load_idx %arg13[%add3A_265] : memref<4096xf32, #tpu.memory_space<vmem>>[vector<16xi32>], vector<16xf32>,
      %select_n3A = arith.select %ge3A_259, %gather3A_266, %gather3A : vector<16xi1>, vector<16xf32>
      %broadcast_in_dim3A_267 = arith.constant 0 : i32
      %broadcast_in_dim3A_268 = vector.broadcast %broadcast_in_dim3A_267 : i32 to vector<16xi32>
      %add3A_269 = arith.constant 0 : i32
      %add3A_270 = vector.broadcast %add3A_269 : i32 to vector<16xi32>
      %add3A_271 = arith.addi %broadcast_in_dim3A_268, %add3A_270 : vector<16xi32>
      %gather3A_272 = tpu.vector_load_idx %arg11[%add3A_271, %add3A_7, %add3A_245] : memref<4x64x128xf32, #tpu.memory_space<vmem>>[vector<16xi32>, vector<16xi32>, vector<16xi32>], vector<16xf32>,
      %add3A_273 = arith.addi %add3A_253, %add3A_7 : vector<16xi32>
      %gather3A_274 = tpu.vector_load_idx %arg13[%add3A_273] : memref<4096xf32, #tpu.memory_space<vmem>>[vector<16xi32>], vector<16xf32>,
      %select_n3A_275 = arith.select %ge3A_259, %gather3A_274, %gather3A_272 : vector<16xi1>, vector<16xf32>
      %broadcast_in_dim3A_276 = arith.constant 0 : i32
      %broadcast_in_dim3A_277 = vector.broadcast %broadcast_in_dim3A_276 : i32 to vector<16xi32>
      %add3A_278 = arith.constant 0 : i32
      %add3A_279 = vector.broadcast %add3A_278 : i32 to vector<16xi32>
      %add3A_280 = arith.addi %broadcast_in_dim3A_277, %add3A_279 : vector<16xi32>
      %gather3A_281 = tpu.vector_load_idx %arg11[%add3A_280, %add3A_10, %add3A_245] : memref<4x64x128xf32, #tpu.memory_space<vmem>>[vector<16xi32>, vector<16xi32>, vector<16xi32>], vector<16xf32>,
      %add3A_282 = arith.addi %add3A_253, %add3A_10 : vector<16xi32>
      %gather3A_283 = tpu.vector_load_idx %arg13[%add3A_282] : memref<4096xf32, #tpu.memory_space<vmem>>[vector<16xi32>], vector<16xf32>,
      %select_n3A_284 = arith.select %ge3A_259, %gather3A_283, %gather3A_281 : vector<16xi1>, vector<16xf32>
      %broadcast_in_dim3A_285 = arith.constant 0 : i32
      %broadcast_in_dim3A_286 = vector.broadcast %broadcast_in_dim3A_285 : i32 to vector<16xi32>
      %add3A_287 = arith.constant 0 : i32
      %add3A_288 = vector.broadcast %add3A_287 : i32 to vector<16xi32>
      %add3A_289 = arith.addi %broadcast_in_dim3A_286, %add3A_288 : vector<16xi32>
      %gather3A_290 = tpu.vector_load_idx %arg11[%add3A_289, %add3A_13, %add3A_245] : memref<4x64x128xf32, #tpu.memory_space<vmem>>[vector<16xi32>, vector<16xi32>, vector<16xi32>], vector<16xf32>,
      %add3A_291 = arith.addi %add3A_253, %add3A_13 : vector<16xi32>
      %gather3A_292 = tpu.vector_load_idx %arg13[%add3A_291] : memref<4096xf32, #tpu.memory_space<vmem>>[vector<16xi32>], vector<16xf32>,
      %select_n3A_293 = arith.select %ge3A_259, %gather3A_292, %gather3A_290 : vector<16xi1>, vector<16xf32>
      %slice3A_294 = vector.extract_strided_slice %get3A_199 {offsets = [0], sizes = [1], strides = [1]} : vector<16xi32> to vector<1xi32>
      %squeeze3A_295 = vector.extract %slice3A_294[0] : i32 from vector<1xi32>
      %and3A_296 = arith.constant 127 : i32
      %and3A_297 = arith.andi %squeeze3A_295, %and3A_296 : i32
      %broadcast_in_dim3A_298 = arith.constant 0 : i32
      %broadcast_in_dim3A_299 = vector.broadcast %broadcast_in_dim3A_298 : i32 to vector<16xi32>
      %add3A_300 = vector.broadcast %and3A_297 : i32 to vector<16xi32>
      %add3A_301 = arith.addi %broadcast_in_dim3A_299, %add3A_300 : vector<16xi32>
      %sub3A_302 = arith.constant 999936 : i32
      %sub3A_303 = arith.subi %squeeze3A_295, %sub3A_302 : i32
      %max3A_304 = arith.constant 0 : i32
      %max3A_305 = arith.maxsi %sub3A_303, %max3A_304 : i32
      %mul3A_306 = arith.constant 64 : i32
      %mul3A_307 = arith.muli %max3A_305, %mul3A_306 : i32
      %broadcast_in_dim3A_308 = arith.constant 0 : i32
      %broadcast_in_dim3A_309 = vector.broadcast %broadcast_in_dim3A_308 : i32 to vector<16xi32>
      %add3A_310 = vector.broadcast %mul3A_307 : i32 to vector<16xi32>
      %add3A_311 = arith.addi %broadcast_in_dim3A_309, %add3A_310 : vector<16xi32>
      %broadcast_in_dim3A_312 = arith.constant 0 : i32
      %broadcast_in_dim3A_313 = vector.broadcast %broadcast_in_dim3A_312 : i32 to vector<16xi32>
      %add3A_314 = vector.broadcast %squeeze3A_295 : i32 to vector<16xi32>
      %add3A_315 = arith.addi %broadcast_in_dim3A_313, %add3A_314 : vector<16xi32>
      %ge3A_316 = arith.constant 999936 : i32
      %ge3A_317 = vector.broadcast %ge3A_316 : i32 to vector<16xi32>
      %ge3A_318 = arith.cmpi sge, %add3A_315, %ge3A_317 : vector<16xi32>
      %broadcast_in_dim3A_319 = arith.constant 0 : i32
      %broadcast_in_dim3A_320 = vector.broadcast %broadcast_in_dim3A_319 : i32 to vector<16xi32>
      %add3A_321 = arith.constant 0 : i32
      %add3A_322 = vector.broadcast %add3A_321 : i32 to vector<16xi32>
      %add3A_323 = arith.addi %broadcast_in_dim3A_320, %add3A_322 : vector<16xi32>
      %gather3A_324 = tpu.vector_load_idx %arg12[%add3A_323, %add3A_4, %add3A_301] : memref<4x64x128xf32, #tpu.memory_space<vmem>>[vector<16xi32>, vector<16xi32>, vector<16xi32>], vector<16xf32>,
      %add3A_325 = arith.addi %add3A_311, %add3A_4 : vector<16xi32>
      %gather3A_326 = tpu.vector_load_idx %arg14[%add3A_325] : memref<4096xf32, #tpu.memory_space<vmem>>[vector<16xi32>], vector<16xf32>,
      %select_n3A_327 = arith.select %ge3A_318, %gather3A_326, %gather3A_324 : vector<16xi1>, vector<16xf32>
      %broadcast_in_dim3A_328 = arith.constant 0 : i32
      %broadcast_in_dim3A_329 = vector.broadcast %broadcast_in_dim3A_328 : i32 to vector<16xi32>
      %add3A_330 = arith.constant 0 : i32
      %add3A_331 = vector.broadcast %add3A_330 : i32 to vector<16xi32>
      %add3A_332 = arith.addi %broadcast_in_dim3A_329, %add3A_331 : vector<16xi32>
      %gather3A_333 = tpu.vector_load_idx %arg12[%add3A_332, %add3A_7, %add3A_301] : memref<4x64x128xf32, #tpu.memory_space<vmem>>[vector<16xi32>, vector<16xi32>, vector<16xi32>], vector<16xf32>,
      %add3A_334 = arith.addi %add3A_311, %add3A_7 : vector<16xi32>
      %gather3A_335 = tpu.vector_load_idx %arg14[%add3A_334] : memref<4096xf32, #tpu.memory_space<vmem>>[vector<16xi32>], vector<16xf32>,
      %select_n3A_336 = arith.select %ge3A_318, %gather3A_335, %gather3A_333 : vector<16xi1>, vector<16xf32>
      %broadcast_in_dim3A_337 = arith.constant 0 : i32
      %broadcast_in_dim3A_338 = vector.broadcast %broadcast_in_dim3A_337 : i32 to vector<16xi32>
      %add3A_339 = arith.constant 0 : i32
      %add3A_340 = vector.broadcast %add3A_339 : i32 to vector<16xi32>
      %add3A_341 = arith.addi %broadcast_in_dim3A_338, %add3A_340 : vector<16xi32>
      %gather3A_342 = tpu.vector_load_idx %arg12[%add3A_341, %add3A_10, %add3A_301] : memref<4x64x128xf32, #tpu.memory_space<vmem>>[vector<16xi32>, vector<16xi32>, vector<16xi32>], vector<16xf32>,
      %add3A_343 = arith.addi %add3A_311, %add3A_10 : vector<16xi32>
      %gather3A_344 = tpu.vector_load_idx %arg14[%add3A_343] : memref<4096xf32, #tpu.memory_space<vmem>>[vector<16xi32>], vector<16xf32>,
      %select_n3A_345 = arith.select %ge3A_318, %gather3A_344, %gather3A_342 : vector<16xi1>, vector<16xf32>
      %broadcast_in_dim3A_346 = arith.constant 0 : i32
      %broadcast_in_dim3A_347 = vector.broadcast %broadcast_in_dim3A_346 : i32 to vector<16xi32>
      %add3A_348 = arith.constant 0 : i32
      %add3A_349 = vector.broadcast %add3A_348 : i32 to vector<16xi32>
      %add3A_350 = arith.addi %broadcast_in_dim3A_347, %add3A_349 : vector<16xi32>
      %gather3A_351 = tpu.vector_load_idx %arg12[%add3A_350, %add3A_13, %add3A_301] : memref<4x64x128xf32, #tpu.memory_space<vmem>>[vector<16xi32>, vector<16xi32>, vector<16xi32>], vector<16xf32>,
      %add3A_352 = arith.addi %add3A_311, %add3A_13 : vector<16xi32>
      %gather3A_353 = tpu.vector_load_idx %arg14[%add3A_352] : memref<4096xf32, #tpu.memory_space<vmem>>[vector<16xi32>], vector<16xf32>,
      %select_n3A_354 = arith.select %ge3A_318, %gather3A_353, %gather3A_351 : vector<16xi1>, vector<16xf32>
      %mul3A_355 = arith.mulf %select_n3A, %select_n3A_327 : vector<16xf32>
      %mul3A_356 = arith.mulf %select_n3A_275, %select_n3A_336 : vector<16xf32>
      %add3A_357 = arith.addf %mul3A_355, %mul3A_356 : vector<16xf32>
      %mul3A_358 = arith.mulf %select_n3A_284, %select_n3A_345 : vector<16xf32>
      %add3A_359 = arith.addf %add3A_357, %mul3A_358 : vector<16xf32>
      %mul3A_360 = arith.mulf %select_n3A_293, %select_n3A_354 : vector<16xf32>
      %add3A_361 = arith.addf %add3A_359, %mul3A_360 : vector<16xf32>
      %slice3A_362 = vector.extract_strided_slice %get3A_195 {offsets = [4], sizes = [1], strides = [1]} : vector<16xi32> to vector<1xi32>
      %squeeze3A_363 = vector.extract %slice3A_362[0] : i32 from vector<1xi32>
      %shift_right_arithmetic3A_364 = arith.constant 7 : i32
      %shift_right_arithmetic3A_365 = arith.shrsi %squeeze3A_363, %shift_right_arithmetic3A_364 : i32
      %min3A_366 = arith.constant 7811 : i32
      %min3A_367 = arith.minsi %shift_right_arithmetic3A_365, %min3A_366 : i32
      %mul3A_368 = arith.constant 128 : i32
      %mul3A_369 = arith.muli %min3A_367, %mul3A_368 : i32
      %multiple_of3A_370 = tpu.assume_multiple %mul3A_369, 128 : i32
      %dma_start3A_371 = arith.constant 0 : i32
      %dma_start3A_372 = arith.constant 0 : i32
      %dma_start3A_373 = arith.constant 0 : i32
      %dma_start3A_374 = tpu.memref_slice %arg11[%dma_start3A_371, %dma_start3A_372, %dma_start3A_373] : memref<4x64x128xf32, #tpu.memory_space<vmem>> -> memref<1x64x128xf32, #tpu.memory_space<vmem>>
      %dma_start3A_375 = tpu.memref_squeeze %dma_start3A_374 : memref<1x64x128xf32, #tpu.memory_space<vmem>> -> memref<64x128xf32, #tpu.memory_space<vmem>>
      %dma_start3A_376 = arith.constant 0 : i32
      %dma_start3A_377 = tpu.memref_slice %arg4[%dma_start3A_376, %multiple_of3A_370] : memref<64x1000000xf32, #tpu.memory_space<hbm>> -> memref<64x128xf32, #tpu.memory_space<hbm>>
      %dma_start3A_378 = arith.constant 0 : i32
      %dma_start3A_379 = arith.constant 0 : i32
      %dma_start3A_380 = tpu.memref_slice %arg11[%dma_start3A_371, %dma_start3A_378, %dma_start3A_379] : memref<4x64x128xf32, #tpu.memory_space<vmem>> -> memref<1x64x128xf32, #tpu.memory_space<vmem>>
      %dma_start3A_381 = tpu.memref_squeeze %dma_start3A_380 : memref<1x64x128xf32, #tpu.memory_space<vmem>> -> memref<64x128xf32, #tpu.memory_space<vmem>>
      %dma_start3A_382 = arith.constant 0 : i32
      %dma_start3A_383 = tpu.memref_slice %arg4[%dma_start3A_382, %multiple_of3A_370] : memref<64x1000000xf32, #tpu.memory_space<hbm>> -> memref<64x128xf32, #tpu.memory_space<hbm>>
      tpu.enqueue_dma source(%dma_start3A_383 : memref<64x128xf32, #tpu.memory_space<hbm>>) target(%dma_start3A_381 : memref<64x128xf32, #tpu.memory_space<vmem>>) target_semaphore(%arg16 : memref<!tpu.dma_semaphore, #tpu.memory_space<semaphore_mem>>)
      %slice3A_384 = vector.extract_strided_slice %get3A_199 {offsets = [4], sizes = [1], strides = [1]} : vector<16xi32> to vector<1xi32>
      %squeeze3A_385 = vector.extract %slice3A_384[0] : i32 from vector<1xi32>
      %shift_right_arithmetic3A_386 = arith.constant 7 : i32
      %shift_right_arithmetic3A_387 = arith.shrsi %squeeze3A_385, %shift_right_arithmetic3A_386 : i32
      %min3A_388 = arith.constant 7811 : i32
      %min3A_389 = arith.minsi %shift_right_arithmetic3A_387, %min3A_388 : i32
      %mul3A_390 = arith.constant 128 : i32
      %mul3A_391 = arith.muli %min3A_389, %mul3A_390 : i32
      %multiple_of3A_392 = tpu.assume_multiple %mul3A_391, 128 : i32
      %dma_start3A_393 = arith.constant 0 : i32
      %dma_start3A_394 = arith.constant 0 : i32
      %dma_start3A_395 = arith.constant 0 : i32
      %dma_start3A_396 = tpu.memref_slice %arg12[%dma_start3A_393, %dma_start3A_394, %dma_start3A_395] : memref<4x64x128xf32, #tpu.memory_space<vmem>> -> memref<1x64x128xf32, #tpu.memory_space<vmem>>
      %dma_start3A_397 = tpu.memref_squeeze %dma_start3A_396 : memref<1x64x128xf32, #tpu.memory_space<vmem>> -> memref<64x128xf32, #tpu.memory_space<vmem>>
      %dma_start3A_398 = arith.constant 0 : i32
      %dma_start3A_399 = tpu.memref_slice %arg5[%dma_start3A_398, %multiple_of3A_392] : memref<64x1000000xf32, #tpu.memory_space<hbm>> -> memref<64x128xf32, #tpu.memory_space<hbm>>
      %dma_start3A_400 = arith.constant 0 : i32
      %dma_start3A_401 = arith.constant 0 : i32
      %dma_start3A_402 = tpu.memref_slice %arg12[%dma_start3A_393, %dma_start3A_400, %dma_start3A_401] : memref<4x64x128xf32, #tpu.memory_space<vmem>> -> memref<1x64x128xf32, #tpu.memory_space<vmem>>
      %dma_start3A_403 = tpu.memref_squeeze %dma_start3A_402 : memref<1x64x128xf32, #tpu.memory_space<vmem>> -> memref<64x128xf32, #tpu.memory_space<vmem>>
      %dma_start3A_404 = arith.constant 0 : i32
      %dma_start3A_405 = tpu.memref_slice %arg5[%dma_start3A_404, %multiple_of3A_392] : memref<64x1000000xf32, #tpu.memory_space<hbm>> -> memref<64x128xf32, #tpu.memory_space<hbm>>
      tpu.enqueue_dma source(%dma_start3A_405 : memref<64x128xf32, #tpu.memory_space<hbm>>) target(%dma_start3A_403 : memref<64x128xf32, #tpu.memory_space<vmem>>) target_semaphore(%arg16 : memref<!tpu.dma_semaphore, #tpu.memory_space<semaphore_mem>>)
      %dma_wait3A_406 = arith.constant 1 : i32
      %dma_wait3A_407 = arith.constant 0 : i32
      %dma_wait3A_408 = arith.constant 0 : i32
      %dma_wait3A_409 = tpu.memref_slice %arg11[%dma_wait3A_406, %dma_wait3A_407, %dma_wait3A_408] : memref<4x64x128xf32, #tpu.memory_space<vmem>> -> memref<1x64x128xf32, #tpu.memory_space<vmem>>
      %dma_wait3A_410 = tpu.memref_squeeze %dma_wait3A_409 : memref<1x64x128xf32, #tpu.memory_space<vmem>> -> memref<64x128xf32, #tpu.memory_space<vmem>>
      %dma_wait3A_411 = arith.constant 0 : i32
      %dma_wait3A_412 = arith.constant 0 : i32
      %dma_wait3A_413 = tpu.memref_slice %arg4[%dma_wait3A_411, %dma_wait3A_412] : memref<64x1000000xf32, #tpu.memory_space<hbm>> -> memref<64x128xf32, #tpu.memory_space<hbm>>
      %dma_wait3A_414 = arith.constant 0 : i32
      %dma_wait3A_415 = arith.constant 0 : i32
      %dma_wait3A_416 = tpu.memref_slice %arg11[%dma_wait3A_406, %dma_wait3A_414, %dma_wait3A_415] : memref<4x64x128xf32, #tpu.memory_space<vmem>> -> memref<1x64x128xf32, #tpu.memory_space<vmem>>
      %dma_wait3A_417 = tpu.memref_squeeze %dma_wait3A_416 : memref<1x64x128xf32, #tpu.memory_space<vmem>> -> memref<64x128xf32, #tpu.memory_space<vmem>>
      %dma_wait3A_418 = arith.constant 0 : i32
      %dma_wait3A_419 = arith.constant 0 : i32
      %dma_wait3A_420 = tpu.memref_slice %arg4[%dma_wait3A_418, %dma_wait3A_419] : memref<64x1000000xf32, #tpu.memory_space<hbm>> -> memref<64x128xf32, #tpu.memory_space<hbm>>
      tpu.wait_dma2 semaphore(%arg16 : memref<!tpu.dma_semaphore, #tpu.memory_space<semaphore_mem>>) src(%dma_wait3A_420 : memref<64x128xf32, #tpu.memory_space<hbm>>) dst(%dma_wait3A_417 : memref<64x128xf32, #tpu.memory_space<vmem>>)
      %dma_wait3A_421 = arith.constant 1 : i32
      %dma_wait3A_422 = arith.constant 0 : i32
      %dma_wait3A_423 = arith.constant 0 : i32
      %dma_wait3A_424 = tpu.memref_slice %arg12[%dma_wait3A_421, %dma_wait3A_422, %dma_wait3A_423] : memref<4x64x128xf32, #tpu.memory_space<vmem>> -> memref<1x64x128xf32, #tpu.memory_space<vmem>>
      %dma_wait3A_425 = tpu.memref_squeeze %dma_wait3A_424 : memref<1x64x128xf32, #tpu.memory_space<vmem>> -> memref<64x128xf32, #tpu.memory_space<vmem>>
      %dma_wait3A_426 = arith.constant 0 : i32
      %dma_wait3A_427 = arith.constant 0 : i32
      %dma_wait3A_428 = tpu.memref_slice %arg5[%dma_wait3A_426, %dma_wait3A_427] : memref<64x1000000xf32, #tpu.memory_space<hbm>> -> memref<64x128xf32, #tpu.memory_space<hbm>>
      %dma_wait3A_429 = arith.constant 0 : i32
      %dma_wait3A_430 = arith.constant 0 : i32
      %dma_wait3A_431 = tpu.memref_slice %arg12[%dma_wait3A_421, %dma_wait3A_429, %dma_wait3A_430] : memref<4x64x128xf32, #tpu.memory_space<vmem>> -> memref<1x64x128xf32, #tpu.memory_space<vmem>>
      %dma_wait3A_432 = tpu.memref_squeeze %dma_wait3A_431 : memref<1x64x128xf32, #tpu.memory_space<vmem>> -> memref<64x128xf32, #tpu.memory_space<vmem>>
      %dma_wait3A_433 = arith.constant 0 : i32
      %dma_wait3A_434 = arith.constant 0 : i32
      %dma_wait3A_435 = tpu.memref_slice %arg5[%dma_wait3A_433, %dma_wait3A_434] : memref<64x1000000xf32, #tpu.memory_space<hbm>> -> memref<64x128xf32, #tpu.memory_space<hbm>>
      tpu.wait_dma2 semaphore(%arg16 : memref<!tpu.dma_semaphore, #tpu.memory_space<semaphore_mem>>) src(%dma_wait3A_435 : memref<64x128xf32, #tpu.memory_space<hbm>>) dst(%dma_wait3A_432 : memref<64x128xf32, #tpu.memory_space<vmem>>)
      %slice3A_436 = vector.extract_strided_slice %get3A_195 {offsets = [1], sizes = [1], strides = [1]} : vector<16xi32> to vector<1xi32>
      %squeeze3A_437 = vector.extract %slice3A_436[0] : i32 from vector<1xi32>
      %and3A_438 = arith.constant 127 : i32
      %and3A_439 = arith.andi %squeeze3A_437, %and3A_438 : i32
      %broadcast_in_dim3A_440 = arith.constant 0 : i32
      %broadcast_in_dim3A_441 = vector.broadcast %broadcast_in_dim3A_440 : i32 to vector<16xi32>
      %add3A_442 = vector.broadcast %and3A_439 : i32 to vector<16xi32>
      %add3A_443 = arith.addi %broadcast_in_dim3A_441, %add3A_442 : vector<16xi32>
      %sub3A_444 = arith.constant 999936 : i32
      %sub3A_445 = arith.subi %squeeze3A_437, %sub3A_444 : i32
      %max3A_446 = arith.constant 0 : i32
      %max3A_447 = arith.maxsi %sub3A_445, %max3A_446 : i32
      %mul3A_448 = arith.constant 64 : i32
      %mul3A_449 = arith.muli %max3A_447, %mul3A_448 : i32
      %broadcast_in_dim3A_450 = arith.constant 0 : i32
      %broadcast_in_dim3A_451 = vector.broadcast %broadcast_in_dim3A_450 : i32 to vector<16xi32>
      %add3A_452 = vector.broadcast %mul3A_449 : i32 to vector<16xi32>
      %add3A_453 = arith.addi %broadcast_in_dim3A_451, %add3A_452 : vector<16xi32>
      %broadcast_in_dim3A_454 = arith.constant 0 : i32
      %broadcast_in_dim3A_455 = vector.broadcast %broadcast_in_dim3A_454 : i32 to vector<16xi32>
      %add3A_456 = vector.broadcast %squeeze3A_437 : i32 to vector<16xi32>
      %add3A_457 = arith.addi %broadcast_in_dim3A_455, %add3A_456 : vector<16xi32>
      %ge3A_458 = arith.constant 999936 : i32
      %ge3A_459 = vector.broadcast %ge3A_458 : i32 to vector<16xi32>
      %ge3A_460 = arith.cmpi sge, %add3A_457, %ge3A_459 : vector<16xi32>
      %broadcast_in_dim3A_461 = arith.constant 0 : i32
      %broadcast_in_dim3A_462 = vector.broadcast %broadcast_in_dim3A_461 : i32 to vector<16xi32>
      %add3A_463 = arith.constant 1 : i32
      %add3A_464 = vector.broadcast %add3A_463 : i32 to vector<16xi32>
      %add3A_465 = arith.addi %broadcast_in_dim3A_462, %add3A_464 : vector<16xi32>
      %gather3A_466 = tpu.vector_load_idx %arg11[%add3A_465, %add3A_4, %add3A_443] : memref<4x64x128xf32, #tpu.memory_space<vmem>>[vector<16xi32>, vector<16xi32>, vector<16xi32>], vector<16xf32>,
      %add3A_467 = arith.addi %add3A_453, %add3A_4 : vector<16xi32>
      %gather3A_468 = tpu.vector_load_idx %arg13[%add3A_467] : memref<4096xf32, #tpu.memory_space<vmem>>[vector<16xi32>], vector<16xf32>,
      %select_n3A_469 = arith.select %ge3A_460, %gather3A_468, %gather3A_466 : vector<16xi1>, vector<16xf32>
      %broadcast_in_dim3A_470 = arith.constant 0 : i32
      %broadcast_in_dim3A_471 = vector.broadcast %broadcast_in_dim3A_470 : i32 to vector<16xi32>
      %add3A_472 = arith.constant 1 : i32
      %add3A_473 = vector.broadcast %add3A_472 : i32 to vector<16xi32>
      %add3A_474 = arith.addi %broadcast_in_dim3A_471, %add3A_473 : vector<16xi32>
      %gather3A_475 = tpu.vector_load_idx %arg11[%add3A_474, %add3A_7, %add3A_443] : memref<4x64x128xf32, #tpu.memory_space<vmem>>[vector<16xi32>, vector<16xi32>, vector<16xi32>], vector<16xf32>,
      %add3A_476 = arith.addi %add3A_453, %add3A_7 : vector<16xi32>
      %gather3A_477 = tpu.vector_load_idx %arg13[%add3A_476] : memref<4096xf32, #tpu.memory_space<vmem>>[vector<16xi32>], vector<16xf32>,
      %select_n3A_478 = arith.select %ge3A_460, %gather3A_477, %gather3A_475 : vector<16xi1>, vector<16xf32>
      %broadcast_in_dim3A_479 = arith.constant 0 : i32
      %broadcast_in_dim3A_480 = vector.broadcast %broadcast_in_dim3A_479 : i32 to vector<16xi32>
      %add3A_481 = arith.constant 1 : i32
      %add3A_482 = vector.broadcast %add3A_481 : i32 to vector<16xi32>
      %add3A_483 = arith.addi %broadcast_in_dim3A_480, %add3A_482 : vector<16xi32>
      %gather3A_484 = tpu.vector_load_idx %arg11[%add3A_483, %add3A_10, %add3A_443] : memref<4x64x128xf32, #tpu.memory_space<vmem>>[vector<16xi32>, vector<16xi32>, vector<16xi32>], vector<16xf32>,
      %add3A_485 = arith.addi %add3A_453, %add3A_10 : vector<16xi32>
      %gather3A_486 = tpu.vector_load_idx %arg13[%add3A_485] : memref<4096xf32, #tpu.memory_space<vmem>>[vector<16xi32>], vector<16xf32>,
      %select_n3A_487 = arith.select %ge3A_460, %gather3A_486, %gather3A_484 : vector<16xi1>, vector<16xf32>
      %broadcast_in_dim3A_488 = arith.constant 0 : i32
      %broadcast_in_dim3A_489 = vector.broadcast %broadcast_in_dim3A_488 : i32 to vector<16xi32>
      %add3A_490 = arith.constant 1 : i32
      %add3A_491 = vector.broadcast %add3A_490 : i32 to vector<16xi32>
      %add3A_492 = arith.addi %broadcast_in_dim3A_489, %add3A_491 : vector<16xi32>
      %gather3A_493 = tpu.vector_load_idx %arg11[%add3A_492, %add3A_13, %add3A_443] : memref<4x64x128xf32, #tpu.memory_space<vmem>>[vector<16xi32>, vector<16xi32>, vector<16xi32>], vector<16xf32>,
      %add3A_494 = arith.addi %add3A_453, %add3A_13 : vector<16xi32>
      %gather3A_495 = tpu.vector_load_idx %arg13[%add3A_494] : memref<4096xf32, #tpu.memory_space<vmem>>[vector<16xi32>], vector<16xf32>,
      %select_n3A_496 = arith.select %ge3A_460, %gather3A_495, %gather3A_493 : vector<16xi1>, vector<16xf32>
      %slice3A_497 = vector.extract_strided_slice %get3A_199 {offsets = [1], sizes = [1], strides = [1]} : vector<16xi32> to vector<1xi32>
      %squeeze3A_498 = vector.extract %slice3A_497[0] : i32 from vector<1xi32>
      %and3A_499 = arith.constant 127 : i32
      %and3A_500 = arith.andi %squeeze3A_498, %and3A_499 : i32
      %broadcast_in_dim3A_501 = arith.constant 0 : i32
      %broadcast_in_dim3A_502 = vector.broadcast %broadcast_in_dim3A_501 : i32 to vector<16xi32>
      %add3A_503 = vector.broadcast %and3A_500 : i32 to vector<16xi32>
      %add3A_504 = arith.addi %broadcast_in_dim3A_502, %add3A_503 : vector<16xi32>
      %sub3A_505 = arith.constant 999936 : i32
      %sub3A_506 = arith.subi %squeeze3A_498, %sub3A_505 : i32
      %max3A_507 = arith.constant 0 : i32
      %max3A_508 = arith.maxsi %sub3A_506, %max3A_507 : i32
      %mul3A_509 = arith.constant 64 : i32
      %mul3A_510 = arith.muli %max3A_508, %mul3A_509 : i32
      %broadcast_in_dim3A_511 = arith.constant 0 : i32
      %broadcast_in_dim3A_512 = vector.broadcast %broadcast_in_dim3A_511 : i32 to vector<16xi32>
      %add3A_513 = vector.broadcast %mul3A_510 : i32 to vector<16xi32>
      %add3A_514 = arith.addi %broadcast_in_dim3A_512, %add3A_513 : vector<16xi32>
      %broadcast_in_dim3A_515 = arith.constant 0 : i32
      %broadcast_in_dim3A_516 = vector.broadcast %broadcast_in_dim3A_515 : i32 to vector<16xi32>
      %add3A_517 = vector.broadcast %squeeze3A_498 : i32 to vector<16xi32>
      %add3A_518 = arith.addi %broadcast_in_dim3A_516, %add3A_517 : vector<16xi32>
      %ge3A_519 = arith.constant 999936 : i32
      %ge3A_520 = vector.broadcast %ge3A_519 : i32 to vector<16xi32>
      %ge3A_521 = arith.cmpi sge, %add3A_518, %ge3A_520 : vector<16xi32>
      %broadcast_in_dim3A_522 = arith.constant 0 : i32
      %broadcast_in_dim3A_523 = vector.broadcast %broadcast_in_dim3A_522 : i32 to vector<16xi32>
      %add3A_524 = arith.constant 1 : i32
      %add3A_525 = vector.broadcast %add3A_524 : i32 to vector<16xi32>
      %add3A_526 = arith.addi %broadcast_in_dim3A_523, %add3A_525 : vector<16xi32>
      %gather3A_527 = tpu.vector_load_idx %arg12[%add3A_526, %add3A_4, %add3A_504] : memref<4x64x128xf32, #tpu.memory_space<vmem>>[vector<16xi32>, vector<16xi32>, vector<16xi32>], vector<16xf32>,
      %add3A_528 = arith.addi %add3A_514, %add3A_4 : vector<16xi32>
      %gather3A_529 = tpu.vector_load_idx %arg14[%add3A_528] : memref<4096xf32, #tpu.memory_space<vmem>>[vector<16xi32>], vector<16xf32>,
      %select_n3A_530 = arith.select %ge3A_521, %gather3A_529, %gather3A_527 : vector<16xi1>, vector<16xf32>
      %broadcast_in_dim3A_531 = arith.constant 0 : i32
      %broadcast_in_dim3A_532 = vector.broadcast %broadcast_in_dim3A_531 : i32 to vector<16xi32>
      %add3A_533 = arith.constant 1 : i32
      %add3A_534 = vector.broadcast %add3A_533 : i32 to vector<16xi32>
      %add3A_535 = arith.addi %broadcast_in_dim3A_532, %add3A_534 : vector<16xi32>
      %gather3A_536 = tpu.vector_load_idx %arg12[%add3A_535, %add3A_7, %add3A_504] : memref<4x64x128xf32, #tpu.memory_space<vmem>>[vector<16xi32>, vector<16xi32>, vector<16xi32>], vector<16xf32>,
      %add3A_537 = arith.addi %add3A_514, %add3A_7 : vector<16xi32>
      %gather3A_538 = tpu.vector_load_idx %arg14[%add3A_537] : memref<4096xf32, #tpu.memory_space<vmem>>[vector<16xi32>], vector<16xf32>,
      %select_n3A_539 = arith.select %ge3A_521, %gather3A_538, %gather3A_536 : vector<16xi1>, vector<16xf32>
      %broadcast_in_dim3A_540 = arith.constant 0 : i32
      %broadcast_in_dim3A_541 = vector.broadcast %broadcast_in_dim3A_540 : i32 to vector<16xi32>
      %add3A_542 = arith.constant 1 : i32
      %add3A_543 = vector.broadcast %add3A_542 : i32 to vector<16xi32>
      %add3A_544 = arith.addi %broadcast_in_dim3A_541, %add3A_543 : vector<16xi32>
      %gather3A_545 = tpu.vector_load_idx %arg12[%add3A_544, %add3A_10, %add3A_504] : memref<4x64x128xf32, #tpu.memory_space<vmem>>[vector<16xi32>, vector<16xi32>, vector<16xi32>], vector<16xf32>,
      %add3A_546 = arith.addi %add3A_514, %add3A_10 : vector<16xi32>
      %gather3A_547 = tpu.vector_load_idx %arg14[%add3A_546] : memref<4096xf32, #tpu.memory_space<vmem>>[vector<16xi32>], vector<16xf32>,
      %select_n3A_548 = arith.select %ge3A_521, %gather3A_547, %gather3A_545 : vector<16xi1>, vector<16xf32>
      %broadcast_in_dim3A_549 = arith.constant 0 : i32
      %broadcast_in_dim3A_550 = vector.broadcast %broadcast_in_dim3A_549 : i32 to vector<16xi32>
      %add3A_551 = arith.constant 1 : i32
      %add3A_552 = vector.broadcast %add3A_551 : i32 to vector<16xi32>
      %add3A_553 = arith.addi %broadcast_in_dim3A_550, %add3A_552 : vector<16xi32>
      %gather3A_554 = tpu.vector_load_idx %arg12[%add3A_553, %add3A_13, %add3A_504] : memref<4x64x128xf32, #tpu.memory_space<vmem>>[vector<16xi32>, vector<16xi32>, vector<16xi32>], vector<16xf32>,
      %add3A_555 = arith.addi %add3A_514, %add3A_13 : vector<16xi32>
      %gather3A_556 = tpu.vector_load_idx %arg14[%add3A_555] : memref<4096xf32, #tpu.memory_space<vmem>>[vector<16xi32>], vector<16xf32>,
      %select_n3A_557 = arith.select %ge3A_521, %gather3A_556, %gather3A_554 : vector<16xi1>, vector<16xf32>
      %mul3A_558 = arith.mulf %select_n3A_469, %select_n3A_530 : vector<16xf32>
      %mul3A_559 = arith.mulf %select_n3A_478, %select_n3A_539 : vector<16xf32>
      %add3A_560 = arith.addf %mul3A_558, %mul3A_559 : vector<16xf32>
      %mul3A_561 = arith.mulf %select_n3A_487, %select_n3A_548 : vector<16xf32>
      %add3A_562 = arith.addf %add3A_560, %mul3A_561 : vector<16xf32>
      %mul3A_563 = arith.mulf %select_n3A_496, %select_n3A_557 : vector<16xf32>
      %add3A_564 = arith.addf %add3A_562, %mul3A_563 : vector<16xf32>
      %slice3A_565 = vector.extract_strided_slice %get3A_195 {offsets = [5], sizes = [1], strides = [1]} : vector<16xi32> to vector<1xi32>
      %squeeze3A_566 = vector.extract %slice3A_565[0] : i32 from vector<1xi32>
      %shift_right_arithmetic3A_567 = arith.constant 7 : i32
      %shift_right_arithmetic3A_568 = arith.shrsi %squeeze3A_566, %shift_right_arithmetic3A_567 : i32
      %min3A_569 = arith.constant 7811 : i32
      %min3A_570 = arith.minsi %shift_right_arithmetic3A_568, %min3A_569 : i32
      %mul3A_571 = arith.constant 128 : i32
      %mul3A_572 = arith.muli %min3A_570, %mul3A_571 : i32
      %multiple_of3A_573 = tpu.assume_multiple %mul3A_572, 128 : i32
      %dma_start3A_574 = arith.constant 1 : i32
      %dma_start3A_575 = arith.constant 0 : i32
      %dma_start3A_576 = arith.constant 0 : i32
      %dma_start3A_577 = tpu.memref_slice %arg11[%dma_start3A_574, %dma_start3A_575, %dma_start3A_576] : memref<4x64x128xf32, #tpu.memory_space<vmem>> -> memref<1x64x128xf32, #tpu.memory_space<vmem>>
      %dma_start3A_578 = tpu.memref_squeeze %dma_start3A_577 : memref<1x64x128xf32, #tpu.memory_space<vmem>> -> memref<64x128xf32, #tpu.memory_space<vmem>>
      %dma_start3A_579 = arith.constant 0 : i32
      %dma_start3A_580 = tpu.memref_slice %arg4[%dma_start3A_579, %multiple_of3A_573] : memref<64x1000000xf32, #tpu.memory_space<hbm>> -> memref<64x128xf32, #tpu.memory_space<hbm>>
      %dma_start3A_581 = arith.constant 0 : i32
      %dma_start3A_582 = arith.constant 0 : i32
      %dma_start3A_583 = tpu.memref_slice %arg11[%dma_start3A_574, %dma_start3A_581, %dma_start3A_582] : memref<4x64x128xf32, #tpu.memory_space<vmem>> -> memref<1x64x128xf32, #tpu.memory_space<vmem>>
      %dma_start3A_584 = tpu.memref_squeeze %dma_start3A_583 : memref<1x64x128xf32, #tpu.memory_space<vmem>> -> memref<64x128xf32, #tpu.memory_space<vmem>>
      %dma_start3A_585 = arith.constant 0 : i32
      %dma_start3A_586 = tpu.memref_slice %arg4[%dma_start3A_585, %multiple_of3A_573] : memref<64x1000000xf32, #tpu.memory_space<hbm>> -> memref<64x128xf32, #tpu.memory_space<hbm>>
      tpu.enqueue_dma source(%dma_start3A_586 : memref<64x128xf32, #tpu.memory_space<hbm>>) target(%dma_start3A_584 : memref<64x128xf32, #tpu.memory_space<vmem>>) target_semaphore(%arg16 : memref<!tpu.dma_semaphore, #tpu.memory_space<semaphore_mem>>)
      %slice3A_587 = vector.extract_strided_slice %get3A_199 {offsets = [5], sizes = [1], strides = [1]} : vector<16xi32> to vector<1xi32>
      %squeeze3A_588 = vector.extract %slice3A_587[0] : i32 from vector<1xi32>
      %shift_right_arithmetic3A_589 = arith.constant 7 : i32
      %shift_right_arithmetic3A_590 = arith.shrsi %squeeze3A_588, %shift_right_arithmetic3A_589 : i32
      %min3A_591 = arith.constant 7811 : i32
      %min3A_592 = arith.minsi %shift_right_arithmetic3A_590, %min3A_591 : i32
      %mul3A_593 = arith.constant 128 : i32
      %mul3A_594 = arith.muli %min3A_592, %mul3A_593 : i32
      %multiple_of3A_595 = tpu.assume_multiple %mul3A_594, 128 : i32
      %dma_start3A_596 = arith.constant 1 : i32
      %dma_start3A_597 = arith.constant 0 : i32
      %dma_start3A_598 = arith.constant 0 : i32
      %dma_start3A_599 = tpu.memref_slice %arg12[%dma_start3A_596, %dma_start3A_597, %dma_start3A_598] : memref<4x64x128xf32, #tpu.memory_space<vmem>> -> memref<1x64x128xf32, #tpu.memory_space<vmem>>
      %dma_start3A_600 = tpu.memref_squeeze %dma_start3A_599 : memref<1x64x128xf32, #tpu.memory_space<vmem>> -> memref<64x128xf32, #tpu.memory_space<vmem>>
      %dma_start3A_601 = arith.constant 0 : i32
      %dma_start3A_602 = tpu.memref_slice %arg5[%dma_start3A_601, %multiple_of3A_595] : memref<64x1000000xf32, #tpu.memory_space<hbm>> -> memref<64x128xf32, #tpu.memory_space<hbm>>
      %dma_start3A_603 = arith.constant 0 : i32
      %dma_start3A_604 = arith.constant 0 : i32
      %dma_start3A_605 = tpu.memref_slice %arg12[%dma_start3A_596, %dma_start3A_603, %dma_start3A_604] : memref<4x64x128xf32, #tpu.memory_space<vmem>> -> memref<1x64x128xf32, #tpu.memory_space<vmem>>
      %dma_start3A_606 = tpu.memref_squeeze %dma_start3A_605 : memref<1x64x128xf32, #tpu.memory_space<vmem>> -> memref<64x128xf32, #tpu.memory_space<vmem>>
      %dma_start3A_607 = arith.constant 0 : i32
      %dma_start3A_608 = tpu.memref_slice %arg5[%dma_start3A_607, %multiple_of3A_595] : memref<64x1000000xf32, #tpu.memory_space<hbm>> -> memref<64x128xf32, #tpu.memory_space<hbm>>
      tpu.enqueue_dma source(%dma_start3A_608 : memref<64x128xf32, #tpu.memory_space<hbm>>) target(%dma_start3A_606 : memref<64x128xf32, #tpu.memory_space<vmem>>) target_semaphore(%arg16 : memref<!tpu.dma_semaphore, #tpu.memory_space<semaphore_mem>>)
      %dma_wait3A_609 = arith.constant 2 : i32
      %dma_wait3A_610 = arith.constant 0 : i32
      %dma_wait3A_611 = arith.constant 0 : i32
      %dma_wait3A_612 = tpu.memref_slice %arg11[%dma_wait3A_609, %dma_wait3A_610, %dma_wait3A_611] : memref<4x64x128xf32, #tpu.memory_space<vmem>> -> memref<1x64x128xf32, #tpu.memory_space<vmem>>
      %dma_wait3A_613 = tpu.memref_squeeze %dma_wait3A_612 : memref<1x64x128xf32, #tpu.memory_space<vmem>> -> memref<64x128xf32, #tpu.memory_space<vmem>>
      %dma_wait3A_614 = arith.constant 0 : i32
      %dma_wait3A_615 = arith.constant 0 : i32
      %dma_wait3A_616 = tpu.memref_slice %arg4[%dma_wait3A_614, %dma_wait3A_615] : memref<64x1000000xf32, #tpu.memory_space<hbm>> -> memref<64x128xf32, #tpu.memory_space<hbm>>
      %dma_wait3A_617 = arith.constant 0 : i32
      %dma_wait3A_618 = arith.constant 0 : i32
      %dma_wait3A_619 = tpu.memref_slice %arg11[%dma_wait3A_609, %dma_wait3A_617, %dma_wait3A_618] : memref<4x64x128xf32, #tpu.memory_space<vmem>> -> memref<1x64x128xf32, #tpu.memory_space<vmem>>
      %dma_wait3A_620 = tpu.memref_squeeze %dma_wait3A_619 : memref<1x64x128xf32, #tpu.memory_space<vmem>> -> memref<64x128xf32, #tpu.memory_space<vmem>>
      %dma_wait3A_621 = arith.constant 0 : i32
      %dma_wait3A_622 = arith.constant 0 : i32
      %dma_wait3A_623 = tpu.memref_slice %arg4[%dma_wait3A_621, %dma_wait3A_622] : memref<64x1000000xf32, #tpu.memory_space<hbm>> -> memref<64x128xf32, #tpu.memory_space<hbm>>
      tpu.wait_dma2 semaphore(%arg16 : memref<!tpu.dma_semaphore, #tpu.memory_space<semaphore_mem>>) src(%dma_wait3A_623 : memref<64x128xf32, #tpu.memory_space<hbm>>) dst(%dma_wait3A_620 : memref<64x128xf32, #tpu.memory_space<vmem>>)
      %dma_wait3A_624 = arith.constant 2 : i32
      %dma_wait3A_625 = arith.constant 0 : i32
      %dma_wait3A_626 = arith.constant 0 : i32
      %dma_wait3A_627 = tpu.memref_slice %arg12[%dma_wait3A_624, %dma_wait3A_625, %dma_wait3A_626] : memref<4x64x128xf32, #tpu.memory_space<vmem>> -> memref<1x64x128xf32, #tpu.memory_space<vmem>>
      %dma_wait3A_628 = tpu.memref_squeeze %dma_wait3A_627 : memref<1x64x128xf32, #tpu.memory_space<vmem>> -> memref<64x128xf32, #tpu.memory_space<vmem>>
      %dma_wait3A_629 = arith.constant 0 : i32
      %dma_wait3A_630 = arith.constant 0 : i32
      %dma_wait3A_631 = tpu.memref_slice %arg5[%dma_wait3A_629, %dma_wait3A_630] : memref<64x1000000xf32, #tpu.memory_space<hbm>> -> memref<64x128xf32, #tpu.memory_space<hbm>>
      %dma_wait3A_632 = arith.constant 0 : i32
      %dma_wait3A_633 = arith.constant 0 : i32
      %dma_wait3A_634 = tpu.memref_slice %arg12[%dma_wait3A_624, %dma_wait3A_632, %dma_wait3A_633] : memref<4x64x128xf32, #tpu.memory_space<vmem>> -> memref<1x64x128xf32, #tpu.memory_space<vmem>>
      %dma_wait3A_635 = tpu.memref_squeeze %dma_wait3A_634 : memref<1x64x128xf32, #tpu.memory_space<vmem>> -> memref<64x128xf32, #tpu.memory_space<vmem>>
      %dma_wait3A_636 = arith.constant 0 : i32
      %dma_wait3A_637 = arith.constant 0 : i32
      %dma_wait3A_638 = tpu.memref_slice %arg5[%dma_wait3A_636, %dma_wait3A_637] : memref<64x1000000xf32, #tpu.memory_space<hbm>> -> memref<64x128xf32, #tpu.memory_space<hbm>>
      tpu.wait_dma2 semaphore(%arg16 : memref<!tpu.dma_semaphore, #tpu.memory_space<semaphore_mem>>) src(%dma_wait3A_638 : memref<64x128xf32, #tpu.memory_space<hbm>>) dst(%dma_wait3A_635 : memref<64x128xf32, #tpu.memory_space<vmem>>)
      %slice3A_639 = vector.extract_strided_slice %get3A_195 {offsets = [2], sizes = [1], strides = [1]} : vector<16xi32> to vector<1xi32>
      %squeeze3A_640 = vector.extract %slice3A_639[0] : i32 from vector<1xi32>
      %and3A_641 = arith.constant 127 : i32
      %and3A_642 = arith.andi %squeeze3A_640, %and3A_641 : i32
      %broadcast_in_dim3A_643 = arith.constant 0 : i32
      %broadcast_in_dim3A_644 = vector.broadcast %broadcast_in_dim3A_643 : i32 to vector<16xi32>
      %add3A_645 = vector.broadcast %and3A_642 : i32 to vector<16xi32>
      %add3A_646 = arith.addi %broadcast_in_dim3A_644, %add3A_645 : vector<16xi32>
      %sub3A_647 = arith.constant 999936 : i32
      %sub3A_648 = arith.subi %squeeze3A_640, %sub3A_647 : i32
      %max3A_649 = arith.constant 0 : i32
      %max3A_650 = arith.maxsi %sub3A_648, %max3A_649 : i32
      %mul3A_651 = arith.constant 64 : i32
      %mul3A_652 = arith.muli %max3A_650, %mul3A_651 : i32
      %broadcast_in_dim3A_653 = arith.constant 0 : i32
      %broadcast_in_dim3A_654 = vector.broadcast %broadcast_in_dim3A_653 : i32 to vector<16xi32>
      %add3A_655 = vector.broadcast %mul3A_652 : i32 to vector<16xi32>
      %add3A_656 = arith.addi %broadcast_in_dim3A_654, %add3A_655 : vector<16xi32>
      %broadcast_in_dim3A_657 = arith.constant 0 : i32
      %broadcast_in_dim3A_658 = vector.broadcast %broadcast_in_dim3A_657 : i32 to vector<16xi32>
      %add3A_659 = vector.broadcast %squeeze3A_640 : i32 to vector<16xi32>
      %add3A_660 = arith.addi %broadcast_in_dim3A_658, %add3A_659 : vector<16xi32>
      %ge3A_661 = arith.constant 999936 : i32
      %ge3A_662 = vector.broadcast %ge3A_661 : i32 to vector<16xi32>
      %ge3A_663 = arith.cmpi sge, %add3A_660, %ge3A_662 : vector<16xi32>
      %broadcast_in_dim3A_664 = arith.constant 0 : i32
      %broadcast_in_dim3A_665 = vector.broadcast %broadcast_in_dim3A_664 : i32 to vector<16xi32>
      %add3A_666 = arith.constant 2 : i32
      %add3A_667 = vector.broadcast %add3A_666 : i32 to vector<16xi32>
      %add3A_668 = arith.addi %broadcast_in_dim3A_665, %add3A_667 : vector<16xi32>
      %gather3A_669 = tpu.vector_load_idx %arg11[%add3A_668, %add3A_4, %add3A_646] : memref<4x64x128xf32, #tpu.memory_space<vmem>>[vector<16xi32>, vector<16xi32>, vector<16xi32>], vector<16xf32>,
      %add3A_670 = arith.addi %add3A_656, %add3A_4 : vector<16xi32>
      %gather3A_671 = tpu.vector_load_idx %arg13[%add3A_670] : memref<4096xf32, #tpu.memory_space<vmem>>[vector<16xi32>], vector<16xf32>,
      %select_n3A_672 = arith.select %ge3A_663, %gather3A_671, %gather3A_669 : vector<16xi1>, vector<16xf32>
      %broadcast_in_dim3A_673 = arith.constant 0 : i32
      %broadcast_in_dim3A_674 = vector.broadcast %broadcast_in_dim3A_673 : i32 to vector<16xi32>
      %add3A_675 = arith.constant 2 : i32
      %add3A_676 = vector.broadcast %add3A_675 : i32 to vector<16xi32>
      %add3A_677 = arith.addi %broadcast_in_dim3A_674, %add3A_676 : vector<16xi32>
      %gather3A_678 = tpu.vector_load_idx %arg11[%add3A_677, %add3A_7, %add3A_646] : memref<4x64x128xf32, #tpu.memory_space<vmem>>[vector<16xi32>, vector<16xi32>, vector<16xi32>], vector<16xf32>,
      %add3A_679 = arith.addi %add3A_656, %add3A_7 : vector<16xi32>
      %gather3A_680 = tpu.vector_load_idx %arg13[%add3A_679] : memref<4096xf32, #tpu.memory_space<vmem>>[vector<16xi32>], vector<16xf32>,
      %select_n3A_681 = arith.select %ge3A_663, %gather3A_680, %gather3A_678 : vector<16xi1>, vector<16xf32>
      %broadcast_in_dim3A_682 = arith.constant 0 : i32
      %broadcast_in_dim3A_683 = vector.broadcast %broadcast_in_dim3A_682 : i32 to vector<16xi32>
      %add3A_684 = arith.constant 2 : i32
      %add3A_685 = vector.broadcast %add3A_684 : i32 to vector<16xi32>
      %add3A_686 = arith.addi %broadcast_in_dim3A_683, %add3A_685 : vector<16xi32>
      %gather3A_687 = tpu.vector_load_idx %arg11[%add3A_686, %add3A_10, %add3A_646] : memref<4x64x128xf32, #tpu.memory_space<vmem>>[vector<16xi32>, vector<16xi32>, vector<16xi32>], vector<16xf32>,
      %add3A_688 = arith.addi %add3A_656, %add3A_10 : vector<16xi32>
      %gather3A_689 = tpu.vector_load_idx %arg13[%add3A_688] : memref<4096xf32, #tpu.memory_space<vmem>>[vector<16xi32>], vector<16xf32>,
      %select_n3A_690 = arith.select %ge3A_663, %gather3A_689, %gather3A_687 : vector<16xi1>, vector<16xf32>
      %broadcast_in_dim3A_691 = arith.constant 0 : i32
      %broadcast_in_dim3A_692 = vector.broadcast %broadcast_in_dim3A_691 : i32 to vector<16xi32>
      %add3A_693 = arith.constant 2 : i32
      %add3A_694 = vector.broadcast %add3A_693 : i32 to vector<16xi32>
      %add3A_695 = arith.addi %broadcast_in_dim3A_692, %add3A_694 : vector<16xi32>
      %gather3A_696 = tpu.vector_load_idx %arg11[%add3A_695, %add3A_13, %add3A_646] : memref<4x64x128xf32, #tpu.memory_space<vmem>>[vector<16xi32>, vector<16xi32>, vector<16xi32>], vector<16xf32>,
      %add3A_697 = arith.addi %add3A_656, %add3A_13 : vector<16xi32>
      %gather3A_698 = tpu.vector_load_idx %arg13[%add3A_697] : memref<4096xf32, #tpu.memory_space<vmem>>[vector<16xi32>], vector<16xf32>,
      %select_n3A_699 = arith.select %ge3A_663, %gather3A_698, %gather3A_696 : vector<16xi1>, vector<16xf32>
      %slice3A_700 = vector.extract_strided_slice %get3A_199 {offsets = [2], sizes = [1], strides = [1]} : vector<16xi32> to vector<1xi32>
      %squeeze3A_701 = vector.extract %slice3A_700[0] : i32 from vector<1xi32>
      %and3A_702 = arith.constant 127 : i32
      %and3A_703 = arith.andi %squeeze3A_701, %and3A_702 : i32
      %broadcast_in_dim3A_704 = arith.constant 0 : i32
      %broadcast_in_dim3A_705 = vector.broadcast %broadcast_in_dim3A_704 : i32 to vector<16xi32>
      %add3A_706 = vector.broadcast %and3A_703 : i32 to vector<16xi32>
      %add3A_707 = arith.addi %broadcast_in_dim3A_705, %add3A_706 : vector<16xi32>
      %sub3A_708 = arith.constant 999936 : i32
      %sub3A_709 = arith.subi %squeeze3A_701, %sub3A_708 : i32
      %max3A_710 = arith.constant 0 : i32
      %max3A_711 = arith.maxsi %sub3A_709, %max3A_710 : i32
      %mul3A_712 = arith.constant 64 : i32
      %mul3A_713 = arith.muli %max3A_711, %mul3A_712 : i32
      %broadcast_in_dim3A_714 = arith.constant 0 : i32
      %broadcast_in_dim3A_715 = vector.broadcast %broadcast_in_dim3A_714 : i32 to vector<16xi32>
      %add3A_716 = vector.broadcast %mul3A_713 : i32 to vector<16xi32>
      %add3A_717 = arith.addi %broadcast_in_dim3A_715, %add3A_716 : vector<16xi32>
      %broadcast_in_dim3A_718 = arith.constant 0 : i32
      %broadcast_in_dim3A_719 = vector.broadcast %broadcast_in_dim3A_718 : i32 to vector<16xi32>
      %add3A_720 = vector.broadcast %squeeze3A_701 : i32 to vector<16xi32>
      %add3A_721 = arith.addi %broadcast_in_dim3A_719, %add3A_720 : vector<16xi32>
      %ge3A_722 = arith.constant 999936 : i32
      %ge3A_723 = vector.broadcast %ge3A_722 : i32 to vector<16xi32>
      %ge3A_724 = arith.cmpi sge, %add3A_721, %ge3A_723 : vector<16xi32>
      %broadcast_in_dim3A_725 = arith.constant 0 : i32
      %broadcast_in_dim3A_726 = vector.broadcast %broadcast_in_dim3A_725 : i32 to vector<16xi32>
      %add3A_727 = arith.constant 2 : i32
      %add3A_728 = vector.broadcast %add3A_727 : i32 to vector<16xi32>
      %add3A_729 = arith.addi %broadcast_in_dim3A_726, %add3A_728 : vector<16xi32>
      %gather3A_730 = tpu.vector_load_idx %arg12[%add3A_729, %add3A_4, %add3A_707] : memref<4x64x128xf32, #tpu.memory_space<vmem>>[vector<16xi32>, vector<16xi32>, vector<16xi32>], vector<16xf32>,
      %add3A_731 = arith.addi %add3A_717, %add3A_4 : vector<16xi32>
      %gather3A_732 = tpu.vector_load_idx %arg14[%add3A_731] : memref<4096xf32, #tpu.memory_space<vmem>>[vector<16xi32>], vector<16xf32>,
      %select_n3A_733 = arith.select %ge3A_724, %gather3A_732, %gather3A_730 : vector<16xi1>, vector<16xf32>
      %broadcast_in_dim3A_734 = arith.constant 0 : i32
      %broadcast_in_dim3A_735 = vector.broadcast %broadcast_in_dim3A_734 : i32 to vector<16xi32>
      %add3A_736 = arith.constant 2 : i32
      %add3A_737 = vector.broadcast %add3A_736 : i32 to vector<16xi32>
      %add3A_738 = arith.addi %broadcast_in_dim3A_735, %add3A_737 : vector<16xi32>
      %gather3A_739 = tpu.vector_load_idx %arg12[%add3A_738, %add3A_7, %add3A_707] : memref<4x64x128xf32, #tpu.memory_space<vmem>>[vector<16xi32>, vector<16xi32>, vector<16xi32>], vector<16xf32>,
      %add3A_740 = arith.addi %add3A_717, %add3A_7 : vector<16xi32>
      %gather3A_741 = tpu.vector_load_idx %arg14[%add3A_740] : memref<4096xf32, #tpu.memory_space<vmem>>[vector<16xi32>], vector<16xf32>,
      %select_n3A_742 = arith.select %ge3A_724, %gather3A_741, %gather3A_739 : vector<16xi1>, vector<16xf32>
      %broadcast_in_dim3A_743 = arith.constant 0 : i32
      %broadcast_in_dim3A_744 = vector.broadcast %broadcast_in_dim3A_743 : i32 to vector<16xi32>
      %add3A_745 = arith.constant 2 : i32
      %add3A_746 = vector.broadcast %add3A_745 : i32 to vector<16xi32>
      %add3A_747 = arith.addi %broadcast_in_dim3A_744, %add3A_746 : vector<16xi32>
      %gather3A_748 = tpu.vector_load_idx %arg12[%add3A_747, %add3A_10, %add3A_707] : memref<4x64x128xf32, #tpu.memory_space<vmem>>[vector<16xi32>, vector<16xi32>, vector<16xi32>], vector<16xf32>,
      %add3A_749 = arith.addi %add3A_717, %add3A_10 : vector<16xi32>
      %gather3A_750 = tpu.vector_load_idx %arg14[%add3A_749] : memref<4096xf32, #tpu.memory_space<vmem>>[vector<16xi32>], vector<16xf32>,
      %select_n3A_751 = arith.select %ge3A_724, %gather3A_750, %gather3A_748 : vector<16xi1>, vector<16xf32>
      %broadcast_in_dim3A_752 = arith.constant 0 : i32
      %broadcast_in_dim3A_753 = vector.broadcast %broadcast_in_dim3A_752 : i32 to vector<16xi32>
      %add3A_754 = arith.constant 2 : i32
      %add3A_755 = vector.broadcast %add3A_754 : i32 to vector<16xi32>
      %add3A_756 = arith.addi %broadcast_in_dim3A_753, %add3A_755 : vector<16xi32>
      %gather3A_757 = tpu.vector_load_idx %arg12[%add3A_756, %add3A_13, %add3A_707] : memref<4x64x128xf32, #tpu.memory_space<vmem>>[vector<16xi32>, vector<16xi32>, vector<16xi32>], vector<16xf32>,
      %add3A_758 = arith.addi %add3A_717, %add3A_13 : vector<16xi32>
      %gather3A_759 = tpu.vector_load_idx %arg14[%add3A_758] : memref<4096xf32, #tpu.memory_space<vmem>>[vector<16xi32>], vector<16xf32>,
      %select_n3A_760 = arith.select %ge3A_724, %gather3A_759, %gather3A_757 : vector<16xi1>, vector<16xf32>
      %mul3A_761 = arith.mulf %select_n3A_672, %select_n3A_733 : vector<16xf32>
      %mul3A_762 = arith.mulf %select_n3A_681, %select_n3A_742 : vector<16xf32>
      %add3A_763 = arith.addf %mul3A_761, %mul3A_762 : vector<16xf32>
      %mul3A_764 = arith.mulf %select_n3A_690, %select_n3A_751 : vector<16xf32>
      %add3A_765 = arith.addf %add3A_763, %mul3A_764 : vector<16xf32>
      %mul3A_766 = arith.mulf %select_n3A_699, %select_n3A_760 : vector<16xf32>
      %add3A_767 = arith.addf %add3A_765, %mul3A_766 : vector<16xf32>
      %slice3A_768 = vector.extract_strided_slice %get3A_195 {offsets = [6], sizes = [1], strides = [1]} : vector<16xi32> to vector<1xi32>
      %squeeze3A_769 = vector.extract %slice3A_768[0] : i32 from vector<1xi32>
      %shift_right_arithmetic3A_770 = arith.constant 7 : i32
      %shift_right_arithmetic3A_771 = arith.shrsi %squeeze3A_769, %shift_right_arithmetic3A_770 : i32
      %min3A_772 = arith.constant 7811 : i32
      %min3A_773 = arith.minsi %shift_right_arithmetic3A_771, %min3A_772 : i32
      %mul3A_774 = arith.constant 128 : i32
      %mul3A_775 = arith.muli %min3A_773, %mul3A_774 : i32
      %multiple_of3A_776 = tpu.assume_multiple %mul3A_775, 128 : i32
      %dma_start3A_777 = arith.constant 2 : i32
      %dma_start3A_778 = arith.constant 0 : i32
      %dma_start3A_779 = arith.constant 0 : i32
      %dma_start3A_780 = tpu.memref_slice %arg11[%dma_start3A_777, %dma_start3A_778, %dma_start3A_779] : memref<4x64x128xf32, #tpu.memory_space<vmem>> -> memref<1x64x128xf32, #tpu.memory_space<vmem>>
      %dma_start3A_781 = tpu.memref_squeeze %dma_start3A_780 : memref<1x64x128xf32, #tpu.memory_space<vmem>> -> memref<64x128xf32, #tpu.memory_space<vmem>>
      %dma_start3A_782 = arith.constant 0 : i32
      %dma_start3A_783 = tpu.memref_slice %arg4[%dma_start3A_782, %multiple_of3A_776] : memref<64x1000000xf32, #tpu.memory_space<hbm>> -> memref<64x128xf32, #tpu.memory_space<hbm>>
      %dma_start3A_784 = arith.constant 0 : i32
      %dma_start3A_785 = arith.constant 0 : i32
      %dma_start3A_786 = tpu.memref_slice %arg11[%dma_start3A_777, %dma_start3A_784, %dma_start3A_785] : memref<4x64x128xf32, #tpu.memory_space<vmem>> -> memref<1x64x128xf32, #tpu.memory_space<vmem>>
      %dma_start3A_787 = tpu.memref_squeeze %dma_start3A_786 : memref<1x64x128xf32, #tpu.memory_space<vmem>> -> memref<64x128xf32, #tpu.memory_space<vmem>>
      %dma_start3A_788 = arith.constant 0 : i32
      %dma_start3A_789 = tpu.memref_slice %arg4[%dma_start3A_788, %multiple_of3A_776] : memref<64x1000000xf32, #tpu.memory_space<hbm>> -> memref<64x128xf32, #tpu.memory_space<hbm>>
      tpu.enqueue_dma source(%dma_start3A_789 : memref<64x128xf32, #tpu.memory_space<hbm>>) target(%dma_start3A_787 : memref<64x128xf32, #tpu.memory_space<vmem>>) target_semaphore(%arg16 : memref<!tpu.dma_semaphore, #tpu.memory_space<semaphore_mem>>)
      %slice3A_790 = vector.extract_strided_slice %get3A_199 {offsets = [6], sizes = [1], strides = [1]} : vector<16xi32> to vector<1xi32>
      %squeeze3A_791 = vector.extract %slice3A_790[0] : i32 from vector<1xi32>
      %shift_right_arithmetic3A_792 = arith.constant 7 : i32
      %shift_right_arithmetic3A_793 = arith.shrsi %squeeze3A_791, %shift_right_arithmetic3A_792 : i32
      %min3A_794 = arith.constant 7811 : i32
      %min3A_795 = arith.minsi %shift_right_arithmetic3A_793, %min3A_794 : i32
      %mul3A_796 = arith.constant 128 : i32
      %mul3A_797 = arith.muli %min3A_795, %mul3A_796 : i32
      %multiple_of3A_798 = tpu.assume_multiple %mul3A_797, 128 : i32
      %dma_start3A_799 = arith.constant 2 : i32
      %dma_start3A_800 = arith.constant 0 : i32
      %dma_start3A_801 = arith.constant 0 : i32
      %dma_start3A_802 = tpu.memref_slice %arg12[%dma_start3A_799, %dma_start3A_800, %dma_start3A_801] : memref<4x64x128xf32, #tpu.memory_space<vmem>> -> memref<1x64x128xf32, #tpu.memory_space<vmem>>
      %dma_start3A_803 = tpu.memref_squeeze %dma_start3A_802 : memref<1x64x128xf32, #tpu.memory_space<vmem>> -> memref<64x128xf32, #tpu.memory_space<vmem>>
      %dma_start3A_804 = arith.constant 0 : i32
      %dma_start3A_805 = tpu.memref_slice %arg5[%dma_start3A_804, %multiple_of3A_798] : memref<64x1000000xf32, #tpu.memory_space<hbm>> -> memref<64x128xf32, #tpu.memory_space<hbm>>
      %dma_start3A_806 = arith.constant 0 : i32
      %dma_start3A_807 = arith.constant 0 : i32
      %dma_start3A_808 = tpu.memref_slice %arg12[%dma_start3A_799, %dma_start3A_806, %dma_start3A_807] : memref<4x64x128xf32, #tpu.memory_space<vmem>> -> memref<1x64x128xf32, #tpu.memory_space<vmem>>
      %dma_start3A_809 = tpu.memref_squeeze %dma_start3A_808 : memref<1x64x128xf32, #tpu.memory_space<vmem>> -> memref<64x128xf32, #tpu.memory_space<vmem>>
      %dma_start3A_810 = arith.constant 0 : i32
      %dma_start3A_811 = tpu.memref_slice %arg5[%dma_start3A_810, %multiple_of3A_798] : memref<64x1000000xf32, #tpu.memory_space<hbm>> -> memref<64x128xf32, #tpu.memory_space<hbm>>
      tpu.enqueue_dma source(%dma_start3A_811 : memref<64x128xf32, #tpu.memory_space<hbm>>) target(%dma_start3A_809 : memref<64x128xf32, #tpu.memory_space<vmem>>) target_semaphore(%arg16 : memref<!tpu.dma_semaphore, #tpu.memory_space<semaphore_mem>>)
      %dma_wait3A_812 = arith.constant 3 : i32
      %dma_wait3A_813 = arith.constant 0 : i32
      %dma_wait3A_814 = arith.constant 0 : i32
      %dma_wait3A_815 = tpu.memref_slice %arg11[%dma_wait3A_812, %dma_wait3A_813, %dma_wait3A_814] : memref<4x64x128xf32, #tpu.memory_space<vmem>> -> memref<1x64x128xf32, #tpu.memory_space<vmem>>
      %dma_wait3A_816 = tpu.memref_squeeze %dma_wait3A_815 : memref<1x64x128xf32, #tpu.memory_space<vmem>> -> memref<64x128xf32, #tpu.memory_space<vmem>>
      %dma_wait3A_817 = arith.constant 0 : i32
      %dma_wait3A_818 = arith.constant 0 : i32
      %dma_wait3A_819 = tpu.memref_slice %arg4[%dma_wait3A_817, %dma_wait3A_818] : memref<64x1000000xf32, #tpu.memory_space<hbm>> -> memref<64x128xf32, #tpu.memory_space<hbm>>
      %dma_wait3A_820 = arith.constant 0 : i32
      %dma_wait3A_821 = arith.constant 0 : i32
      %dma_wait3A_822 = tpu.memref_slice %arg11[%dma_wait3A_812, %dma_wait3A_820, %dma_wait3A_821] : memref<4x64x128xf32, #tpu.memory_space<vmem>> -> memref<1x64x128xf32, #tpu.memory_space<vmem>>
      %dma_wait3A_823 = tpu.memref_squeeze %dma_wait3A_822 : memref<1x64x128xf32, #tpu.memory_space<vmem>> -> memref<64x128xf32, #tpu.memory_space<vmem>>
      %dma_wait3A_824 = arith.constant 0 : i32
      %dma_wait3A_825 = arith.constant 0 : i32
      %dma_wait3A_826 = tpu.memref_slice %arg4[%dma_wait3A_824, %dma_wait3A_825] : memref<64x1000000xf32, #tpu.memory_space<hbm>> -> memref<64x128xf32, #tpu.memory_space<hbm>>
      tpu.wait_dma2 semaphore(%arg16 : memref<!tpu.dma_semaphore, #tpu.memory_space<semaphore_mem>>) src(%dma_wait3A_826 : memref<64x128xf32, #tpu.memory_space<hbm>>) dst(%dma_wait3A_823 : memref<64x128xf32, #tpu.memory_space<vmem>>)
      %dma_wait3A_827 = arith.constant 3 : i32
      %dma_wait3A_828 = arith.constant 0 : i32
      %dma_wait3A_829 = arith.constant 0 : i32
      %dma_wait3A_830 = tpu.memref_slice %arg12[%dma_wait3A_827, %dma_wait3A_828, %dma_wait3A_829] : memref<4x64x128xf32, #tpu.memory_space<vmem>> -> memref<1x64x128xf32, #tpu.memory_space<vmem>>
      %dma_wait3A_831 = tpu.memref_squeeze %dma_wait3A_830 : memref<1x64x128xf32, #tpu.memory_space<vmem>> -> memref<64x128xf32, #tpu.memory_space<vmem>>
      %dma_wait3A_832 = arith.constant 0 : i32
      %dma_wait3A_833 = arith.constant 0 : i32
      %dma_wait3A_834 = tpu.memref_slice %arg5[%dma_wait3A_832, %dma_wait3A_833] : memref<64x1000000xf32, #tpu.memory_space<hbm>> -> memref<64x128xf32, #tpu.memory_space<hbm>>
      %dma_wait3A_835 = arith.constant 0 : i32
      %dma_wait3A_836 = arith.constant 0 : i32
      %dma_wait3A_837 = tpu.memref_slice %arg12[%dma_wait3A_827, %dma_wait3A_835, %dma_wait3A_836] : memref<4x64x128xf32, #tpu.memory_space<vmem>> -> memref<1x64x128xf32, #tpu.memory_space<vmem>>
      %dma_wait3A_838 = tpu.memref_squeeze %dma_wait3A_837 : memref<1x64x128xf32, #tpu.memory_space<vmem>> -> memref<64x128xf32, #tpu.memory_space<vmem>>
      %dma_wait3A_839 = arith.constant 0 : i32
      %dma_wait3A_840 = arith.constant 0 : i32
      %dma_wait3A_841 = tpu.memref_slice %arg5[%dma_wait3A_839, %dma_wait3A_840] : memref<64x1000000xf32, #tpu.memory_space<hbm>> -> memref<64x128xf32, #tpu.memory_space<hbm>>
      tpu.wait_dma2 semaphore(%arg16 : memref<!tpu.dma_semaphore, #tpu.memory_space<semaphore_mem>>) src(%dma_wait3A_841 : memref<64x128xf32, #tpu.memory_space<hbm>>) dst(%dma_wait3A_838 : memref<64x128xf32, #tpu.memory_space<vmem>>)
      %slice3A_842 = vector.extract_strided_slice %get3A_195 {offsets = [3], sizes = [1], strides = [1]} : vector<16xi32> to vector<1xi32>
      %squeeze3A_843 = vector.extract %slice3A_842[0] : i32 from vector<1xi32>
      %and3A_844 = arith.constant 127 : i32
      %and3A_845 = arith.andi %squeeze3A_843, %and3A_844 : i32
      %broadcast_in_dim3A_846 = arith.constant 0 : i32
      %broadcast_in_dim3A_847 = vector.broadcast %broadcast_in_dim3A_846 : i32 to vector<16xi32>
      %add3A_848 = vector.broadcast %and3A_845 : i32 to vector<16xi32>
      %add3A_849 = arith.addi %broadcast_in_dim3A_847, %add3A_848 : vector<16xi32>
      %sub3A_850 = arith.constant 999936 : i32
      %sub3A_851 = arith.subi %squeeze3A_843, %sub3A_850 : i32
      %max3A_852 = arith.constant 0 : i32
      %max3A_853 = arith.maxsi %sub3A_851, %max3A_852 : i32
      %mul3A_854 = arith.constant 64 : i32
      %mul3A_855 = arith.muli %max3A_853, %mul3A_854 : i32
      %broadcast_in_dim3A_856 = arith.constant 0 : i32
      %broadcast_in_dim3A_857 = vector.broadcast %broadcast_in_dim3A_856 : i32 to vector<16xi32>
      %add3A_858 = vector.broadcast %mul3A_855 : i32 to vector<16xi32>
      %add3A_859 = arith.addi %broadcast_in_dim3A_857, %add3A_858 : vector<16xi32>
      %broadcast_in_dim3A_860 = arith.constant 0 : i32
      %broadcast_in_dim3A_861 = vector.broadcast %broadcast_in_dim3A_860 : i32 to vector<16xi32>
      %add3A_862 = vector.broadcast %squeeze3A_843 : i32 to vector<16xi32>
      %add3A_863 = arith.addi %broadcast_in_dim3A_861, %add3A_862 : vector<16xi32>
      %ge3A_864 = arith.constant 999936 : i32
      %ge3A_865 = vector.broadcast %ge3A_864 : i32 to vector<16xi32>
      %ge3A_866 = arith.cmpi sge, %add3A_863, %ge3A_865 : vector<16xi32>
      %broadcast_in_dim3A_867 = arith.constant 0 : i32
      %broadcast_in_dim3A_868 = vector.broadcast %broadcast_in_dim3A_867 : i32 to vector<16xi32>
      %add3A_869 = arith.constant 3 : i32
      %add3A_870 = vector.broadcast %add3A_869 : i32 to vector<16xi32>
      %add3A_871 = arith.addi %broadcast_in_dim3A_868, %add3A_870 : vector<16xi32>
      %gather3A_872 = tpu.vector_load_idx %arg11[%add3A_871, %add3A_4, %add3A_849] : memref<4x64x128xf32, #tpu.memory_space<vmem>>[vector<16xi32>, vector<16xi32>, vector<16xi32>], vector<16xf32>,
      %add3A_873 = arith.addi %add3A_859, %add3A_4 : vector<16xi32>
      %gather3A_874 = tpu.vector_load_idx %arg13[%add3A_873] : memref<4096xf32, #tpu.memory_space<vmem>>[vector<16xi32>], vector<16xf32>,
      %select_n3A_875 = arith.select %ge3A_866, %gather3A_874, %gather3A_872 : vector<16xi1>, vector<16xf32>
      %broadcast_in_dim3A_876 = arith.constant 0 : i32
      %broadcast_in_dim3A_877 = vector.broadcast %broadcast_in_dim3A_876 : i32 to vector<16xi32>
      %add3A_878 = arith.constant 3 : i32
      %add3A_879 = vector.broadcast %add3A_878 : i32 to vector<16xi32>
      %add3A_880 = arith.addi %broadcast_in_dim3A_877, %add3A_879 : vector<16xi32>
      %gather3A_881 = tpu.vector_load_idx %arg11[%add3A_880, %add3A_7, %add3A_849] : memref<4x64x128xf32, #tpu.memory_space<vmem>>[vector<16xi32>, vector<16xi32>, vector<16xi32>], vector<16xf32>,
      %add3A_882 = arith.addi %add3A_859, %add3A_7 : vector<16xi32>
      %gather3A_883 = tpu.vector_load_idx %arg13[%add3A_882] : memref<4096xf32, #tpu.memory_space<vmem>>[vector<16xi32>], vector<16xf32>,
      %select_n3A_884 = arith.select %ge3A_866, %gather3A_883, %gather3A_881 : vector<16xi1>, vector<16xf32>
      %broadcast_in_dim3A_885 = arith.constant 0 : i32
      %broadcast_in_dim3A_886 = vector.broadcast %broadcast_in_dim3A_885 : i32 to vector<16xi32>
      %add3A_887 = arith.constant 3 : i32
      %add3A_888 = vector.broadcast %add3A_887 : i32 to vector<16xi32>
      %add3A_889 = arith.addi %broadcast_in_dim3A_886, %add3A_888 : vector<16xi32>
      %gather3A_890 = tpu.vector_load_idx %arg11[%add3A_889, %add3A_10, %add3A_849] : memref<4x64x128xf32, #tpu.memory_space<vmem>>[vector<16xi32>, vector<16xi32>, vector<16xi32>], vector<16xf32>,
      %add3A_891 = arith.addi %add3A_859, %add3A_10 : vector<16xi32>
      %gather3A_892 = tpu.vector_load_idx %arg13[%add3A_891] : memref<4096xf32, #tpu.memory_space<vmem>>[vector<16xi32>], vector<16xf32>,
      %select_n3A_893 = arith.select %ge3A_866, %gather3A_892, %gather3A_890 : vector<16xi1>, vector<16xf32>
      %broadcast_in_dim3A_894 = arith.constant 0 : i32
      %broadcast_in_dim3A_895 = vector.broadcast %broadcast_in_dim3A_894 : i32 to vector<16xi32>
      %add3A_896 = arith.constant 3 : i32
      %add3A_897 = vector.broadcast %add3A_896 : i32 to vector<16xi32>
      %add3A_898 = arith.addi %broadcast_in_dim3A_895, %add3A_897 : vector<16xi32>
      %gather3A_899 = tpu.vector_load_idx %arg11[%add3A_898, %add3A_13, %add3A_849] : memref<4x64x128xf32, #tpu.memory_space<vmem>>[vector<16xi32>, vector<16xi32>, vector<16xi32>], vector<16xf32>,
      %add3A_900 = arith.addi %add3A_859, %add3A_13 : vector<16xi32>
      %gather3A_901 = tpu.vector_load_idx %arg13[%add3A_900] : memref<4096xf32, #tpu.memory_space<vmem>>[vector<16xi32>], vector<16xf32>,
      %select_n3A_902 = arith.select %ge3A_866, %gather3A_901, %gather3A_899 : vector<16xi1>, vector<16xf32>
      %slice3A_903 = vector.extract_strided_slice %get3A_199 {offsets = [3], sizes = [1], strides = [1]} : vector<16xi32> to vector<1xi32>
      %squeeze3A_904 = vector.extract %slice3A_903[0] : i32 from vector<1xi32>
      %and3A_905 = arith.constant 127 : i32
      %and3A_906 = arith.andi %squeeze3A_904, %and3A_905 : i32
      %broadcast_in_dim3A_907 = arith.constant 0 : i32
      %broadcast_in_dim3A_908 = vector.broadcast %broadcast_in_dim3A_907 : i32 to vector<16xi32>
      %add3A_909 = vector.broadcast %and3A_906 : i32 to vector<16xi32>
      %add3A_910 = arith.addi %broadcast_in_dim3A_908, %add3A_909 : vector<16xi32>
      %sub3A_911 = arith.constant 999936 : i32
      %sub3A_912 = arith.subi %squeeze3A_904, %sub3A_911 : i32
      %max3A_913 = arith.constant 0 : i32
      %max3A_914 = arith.maxsi %sub3A_912, %max3A_913 : i32
      %mul3A_915 = arith.constant 64 : i32
      %mul3A_916 = arith.muli %max3A_914, %mul3A_915 : i32
      %broadcast_in_dim3A_917 = arith.constant 0 : i32
      %broadcast_in_dim3A_918 = vector.broadcast %broadcast_in_dim3A_917 : i32 to vector<16xi32>
      %add3A_919 = vector.broadcast %mul3A_916 : i32 to vector<16xi32>
      %add3A_920 = arith.addi %broadcast_in_dim3A_918, %add3A_919 : vector<16xi32>
      %broadcast_in_dim3A_921 = arith.constant 0 : i32
      %broadcast_in_dim3A_922 = vector.broadcast %broadcast_in_dim3A_921 : i32 to vector<16xi32>
      %add3A_923 = vector.broadcast %squeeze3A_904 : i32 to vector<16xi32>
      %add3A_924 = arith.addi %broadcast_in_dim3A_922, %add3A_923 : vector<16xi32>
      %ge3A_925 = arith.constant 999936 : i32
      %ge3A_926 = vector.broadcast %ge3A_925 : i32 to vector<16xi32>
      %ge3A_927 = arith.cmpi sge, %add3A_924, %ge3A_926 : vector<16xi32>
      %broadcast_in_dim3A_928 = arith.constant 0 : i32
      %broadcast_in_dim3A_929 = vector.broadcast %broadcast_in_dim3A_928 : i32 to vector<16xi32>
      %add3A_930 = arith.constant 3 : i32
      %add3A_931 = vector.broadcast %add3A_930 : i32 to vector<16xi32>
      %add3A_932 = arith.addi %broadcast_in_dim3A_929, %add3A_931 : vector<16xi32>
      %gather3A_933 = tpu.vector_load_idx %arg12[%add3A_932, %add3A_4, %add3A_910] : memref<4x64x128xf32, #tpu.memory_space<vmem>>[vector<16xi32>, vector<16xi32>, vector<16xi32>], vector<16xf32>,
      %add3A_934 = arith.addi %add3A_920, %add3A_4 : vector<16xi32>
      %gather3A_935 = tpu.vector_load_idx %arg14[%add3A_934] : memref<4096xf32, #tpu.memory_space<vmem>>[vector<16xi32>], vector<16xf32>,
      %select_n3A_936 = arith.select %ge3A_927, %gather3A_935, %gather3A_933 : vector<16xi1>, vector<16xf32>
      %broadcast_in_dim3A_937 = arith.constant 0 : i32
      %broadcast_in_dim3A_938 = vector.broadcast %broadcast_in_dim3A_937 : i32 to vector<16xi32>
      %add3A_939 = arith.constant 3 : i32
      %add3A_940 = vector.broadcast %add3A_939 : i32 to vector<16xi32>
      %add3A_941 = arith.addi %broadcast_in_dim3A_938, %add3A_940 : vector<16xi32>
      %gather3A_942 = tpu.vector_load_idx %arg12[%add3A_941, %add3A_7, %add3A_910] : memref<4x64x128xf32, #tpu.memory_space<vmem>>[vector<16xi32>, vector<16xi32>, vector<16xi32>], vector<16xf32>,
      %add3A_943 = arith.addi %add3A_920, %add3A_7 : vector<16xi32>
      %gather3A_944 = tpu.vector_load_idx %arg14[%add3A_943] : memref<4096xf32, #tpu.memory_space<vmem>>[vector<16xi32>], vector<16xf32>,
      %select_n3A_945 = arith.select %ge3A_927, %gather3A_944, %gather3A_942 : vector<16xi1>, vector<16xf32>
      %broadcast_in_dim3A_946 = arith.constant 0 : i32
      %broadcast_in_dim3A_947 = vector.broadcast %broadcast_in_dim3A_946 : i32 to vector<16xi32>
      %add3A_948 = arith.constant 3 : i32
      %add3A_949 = vector.broadcast %add3A_948 : i32 to vector<16xi32>
      %add3A_950 = arith.addi %broadcast_in_dim3A_947, %add3A_949 : vector<16xi32>
      %gather3A_951 = tpu.vector_load_idx %arg12[%add3A_950, %add3A_10, %add3A_910] : memref<4x64x128xf32, #tpu.memory_space<vmem>>[vector<16xi32>, vector<16xi32>, vector<16xi32>], vector<16xf32>,
      %add3A_952 = arith.addi %add3A_920, %add3A_10 : vector<16xi32>
      %gather3A_953 = tpu.vector_load_idx %arg14[%add3A_952] : memref<4096xf32, #tpu.memory_space<vmem>>[vector<16xi32>], vector<16xf32>,
      %select_n3A_954 = arith.select %ge3A_927, %gather3A_953, %gather3A_951 : vector<16xi1>, vector<16xf32>
      %broadcast_in_dim3A_955 = arith.constant 0 : i32
      %broadcast_in_dim3A_956 = vector.broadcast %broadcast_in_dim3A_955 : i32 to vector<16xi32>
      %add3A_957 = arith.constant 3 : i32
      %add3A_958 = vector.broadcast %add3A_957 : i32 to vector<16xi32>
      %add3A_959 = arith.addi %broadcast_in_dim3A_956, %add3A_958 : vector<16xi32>
      %gather3A_960 = tpu.vector_load_idx %arg12[%add3A_959, %add3A_13, %add3A_910] : memref<4x64x128xf32, #tpu.memory_space<vmem>>[vector<16xi32>, vector<16xi32>, vector<16xi32>], vector<16xf32>,
      %add3A_961 = arith.addi %add3A_920, %add3A_13 : vector<16xi32>
      %gather3A_962 = tpu.vector_load_idx %arg14[%add3A_961] : memref<4096xf32, #tpu.memory_space<vmem>>[vector<16xi32>], vector<16xf32>,
      %select_n3A_963 = arith.select %ge3A_927, %gather3A_962, %gather3A_960 : vector<16xi1>, vector<16xf32>
      %mul3A_964 = arith.mulf %select_n3A_875, %select_n3A_936 : vector<16xf32>
      %mul3A_965 = arith.mulf %select_n3A_884, %select_n3A_945 : vector<16xf32>
      %add3A_966 = arith.addf %mul3A_964, %mul3A_965 : vector<16xf32>
      %mul3A_967 = arith.mulf %select_n3A_893, %select_n3A_954 : vector<16xf32>
      %add3A_968 = arith.addf %add3A_966, %mul3A_967 : vector<16xf32>
      %mul3A_969 = arith.mulf %select_n3A_902, %select_n3A_963 : vector<16xf32>
      %add3A_970 = arith.addf %add3A_968, %mul3A_969 : vector<16xf32>
      %slice3A_971 = vector.extract_strided_slice %get3A_195 {offsets = [7], sizes = [1], strides = [1]} : vector<16xi32> to vector<1xi32>
      %squeeze3A_972 = vector.extract %slice3A_971[0] : i32 from vector<1xi32>
      %shift_right_arithmetic3A_973 = arith.constant 7 : i32
      %shift_right_arithmetic3A_974 = arith.shrsi %squeeze3A_972, %shift_right_arithmetic3A_973 : i32
      %min3A_975 = arith.constant 7811 : i32
      %min3A_976 = arith.minsi %shift_right_arithmetic3A_974, %min3A_975 : i32
      %mul3A_977 = arith.constant 128 : i32
      %mul3A_978 = arith.muli %min3A_976, %mul3A_977 : i32
      %multiple_of3A_979 = tpu.assume_multiple %mul3A_978, 128 : i32
      %dma_start3A_980 = arith.constant 3 : i32
      %dma_start3A_981 = arith.constant 0 : i32
      %dma_start3A_982 = arith.constant 0 : i32
      %dma_start3A_983 = tpu.memref_slice %arg11[%dma_start3A_980, %dma_start3A_981, %dma_start3A_982] : memref<4x64x128xf32, #tpu.memory_space<vmem>> -> memref<1x64x128xf32, #tpu.memory_space<vmem>>
      %dma_start3A_984 = tpu.memref_squeeze %dma_start3A_983 : memref<1x64x128xf32, #tpu.memory_space<vmem>> -> memref<64x128xf32, #tpu.memory_space<vmem>>
      %dma_start3A_985 = arith.constant 0 : i32
      %dma_start3A_986 = tpu.memref_slice %arg4[%dma_start3A_985, %multiple_of3A_979] : memref<64x1000000xf32, #tpu.memory_space<hbm>> -> memref<64x128xf32, #tpu.memory_space<hbm>>
      %dma_start3A_987 = arith.constant 0 : i32
      %dma_start3A_988 = arith.constant 0 : i32
      %dma_start3A_989 = tpu.memref_slice %arg11[%dma_start3A_980, %dma_start3A_987, %dma_start3A_988] : memref<4x64x128xf32, #tpu.memory_space<vmem>> -> memref<1x64x128xf32, #tpu.memory_space<vmem>>
      %dma_start3A_990 = tpu.memref_squeeze %dma_start3A_989 : memref<1x64x128xf32, #tpu.memory_space<vmem>> -> memref<64x128xf32, #tpu.memory_space<vmem>>
      %dma_start3A_991 = arith.constant 0 : i32
      %dma_start3A_992 = tpu.memref_slice %arg4[%dma_start3A_991, %multiple_of3A_979] : memref<64x1000000xf32, #tpu.memory_space<hbm>> -> memref<64x128xf32, #tpu.memory_space<hbm>>
      tpu.enqueue_dma source(%dma_start3A_992 : memref<64x128xf32, #tpu.memory_space<hbm>>) target(%dma_start3A_990 : memref<64x128xf32, #tpu.memory_space<vmem>>) target_semaphore(%arg16 : memref<!tpu.dma_semaphore, #tpu.memory_space<semaphore_mem>>)
      %slice3A_993 = vector.extract_strided_slice %get3A_199 {offsets = [7], sizes = [1], strides = [1]} : vector<16xi32> to vector<1xi32>
      %squeeze3A_994 = vector.extract %slice3A_993[0] : i32 from vector<1xi32>
      %shift_right_arithmetic3A_995 = arith.constant 7 : i32
      %shift_right_arithmetic3A_996 = arith.shrsi %squeeze3A_994, %shift_right_arithmetic3A_995 : i32
      %min3A_997 = arith.constant 7811 : i32
      %min3A_998 = arith.minsi %shift_right_arithmetic3A_996, %min3A_997 : i32
      %mul3A_999 = arith.constant 128 : i32
      %mul3A_1000 = arith.muli %min3A_998, %mul3A_999 : i32
      %multiple_of3A_1001 = tpu.assume_multiple %mul3A_1000, 128 : i32
      %dma_start3A_1002 = arith.constant 3 : i32
      %dma_start3A_1003 = arith.constant 0 : i32
      %dma_start3A_1004 = arith.constant 0 : i32
      %dma_start3A_1005 = tpu.memref_slice %arg12[%dma_start3A_1002, %dma_start3A_1003, %dma_start3A_1004] : memref<4x64x128xf32, #tpu.memory_space<vmem>> -> memref<1x64x128xf32, #tpu.memory_space<vmem>>
      %dma_start3A_1006 = tpu.memref_squeeze %dma_start3A_1005 : memref<1x64x128xf32, #tpu.memory_space<vmem>> -> memref<64x128xf32, #tpu.memory_space<vmem>>
      %dma_start3A_1007 = arith.constant 0 : i32
      %dma_start3A_1008 = tpu.memref_slice %arg5[%dma_start3A_1007, %multiple_of3A_1001] : memref<64x1000000xf32, #tpu.memory_space<hbm>> -> memref<64x128xf32, #tpu.memory_space<hbm>>
      %dma_start3A_1009 = arith.constant 0 : i32
      %dma_start3A_1010 = arith.constant 0 : i32
      %dma_start3A_1011 = tpu.memref_slice %arg12[%dma_start3A_1002, %dma_start3A_1009, %dma_start3A_1010] : memref<4x64x128xf32, #tpu.memory_space<vmem>> -> memref<1x64x128xf32, #tpu.memory_space<vmem>>
      %dma_start3A_1012 = tpu.memref_squeeze %dma_start3A_1011 : memref<1x64x128xf32, #tpu.memory_space<vmem>> -> memref<64x128xf32, #tpu.memory_space<vmem>>
      %dma_start3A_1013 = arith.constant 0 : i32
      %dma_start3A_1014 = tpu.memref_slice %arg5[%dma_start3A_1013, %multiple_of3A_1001] : memref<64x1000000xf32, #tpu.memory_space<hbm>> -> memref<64x128xf32, #tpu.memory_space<hbm>>
      tpu.enqueue_dma source(%dma_start3A_1014 : memref<64x128xf32, #tpu.memory_space<hbm>>) target(%dma_start3A_1012 : memref<64x128xf32, #tpu.memory_space<vmem>>) target_semaphore(%arg16 : memref<!tpu.dma_semaphore, #tpu.memory_space<semaphore_mem>>)
      %dma_wait3A_1015 = arith.constant 0 : i32
      %dma_wait3A_1016 = arith.constant 0 : i32
      %dma_wait3A_1017 = arith.constant 0 : i32
      %dma_wait3A_1018 = tpu.memref_slice %arg11[%dma_wait3A_1015, %dma_wait3A_1016, %dma_wait3A_1017] : memref<4x64x128xf32, #tpu.memory_space<vmem>> -> memref<1x64x128xf32, #tpu.memory_space<vmem>>
      %dma_wait3A_1019 = tpu.memref_squeeze %dma_wait3A_1018 : memref<1x64x128xf32, #tpu.memory_space<vmem>> -> memref<64x128xf32, #tpu.memory_space<vmem>>
      %dma_wait3A_1020 = arith.constant 0 : i32
      %dma_wait3A_1021 = arith.constant 0 : i32
      %dma_wait3A_1022 = tpu.memref_slice %arg4[%dma_wait3A_1020, %dma_wait3A_1021] : memref<64x1000000xf32, #tpu.memory_space<hbm>> -> memref<64x128xf32, #tpu.memory_space<hbm>>
      %dma_wait3A_1023 = arith.constant 0 : i32
      %dma_wait3A_1024 = arith.constant 0 : i32
      %dma_wait3A_1025 = tpu.memref_slice %arg11[%dma_wait3A_1015, %dma_wait3A_1023, %dma_wait3A_1024] : memref<4x64x128xf32, #tpu.memory_space<vmem>> -> memref<1x64x128xf32, #tpu.memory_space<vmem>>
      %dma_wait3A_1026 = tpu.memref_squeeze %dma_wait3A_1025 : memref<1x64x128xf32, #tpu.memory_space<vmem>> -> memref<64x128xf32, #tpu.memory_space<vmem>>
      %dma_wait3A_1027 = arith.constant 0 : i32
      %dma_wait3A_1028 = arith.constant 0 : i32
      %dma_wait3A_1029 = tpu.memref_slice %arg4[%dma_wait3A_1027, %dma_wait3A_1028] : memref<64x1000000xf32, #tpu.memory_space<hbm>> -> memref<64x128xf32, #tpu.memory_space<hbm>>
      tpu.wait_dma2 semaphore(%arg16 : memref<!tpu.dma_semaphore, #tpu.memory_space<semaphore_mem>>) src(%dma_wait3A_1029 : memref<64x128xf32, #tpu.memory_space<hbm>>) dst(%dma_wait3A_1026 : memref<64x128xf32, #tpu.memory_space<vmem>>)
      %dma_wait3A_1030 = arith.constant 0 : i32
      %dma_wait3A_1031 = arith.constant 0 : i32
      %dma_wait3A_1032 = arith.constant 0 : i32
      %dma_wait3A_1033 = tpu.memref_slice %arg12[%dma_wait3A_1030, %dma_wait3A_1031, %dma_wait3A_1032] : memref<4x64x128xf32, #tpu.memory_space<vmem>> -> memref<1x64x128xf32, #tpu.memory_space<vmem>>
      %dma_wait3A_1034 = tpu.memref_squeeze %dma_wait3A_1033 : memref<1x64x128xf32, #tpu.memory_space<vmem>> -> memref<64x128xf32, #tpu.memory_space<vmem>>
      %dma_wait3A_1035 = arith.constant 0 : i32
      %dma_wait3A_1036 = arith.constant 0 : i32
      %dma_wait3A_1037 = tpu.memref_slice %arg5[%dma_wait3A_1035, %dma_wait3A_1036] : memref<64x1000000xf32, #tpu.memory_space<hbm>> -> memref<64x128xf32, #tpu.memory_space<hbm>>
      %dma_wait3A_1038 = arith.constant 0 : i32
      %dma_wait3A_1039 = arith.constant 0 : i32
      %dma_wait3A_1040 = tpu.memref_slice %arg12[%dma_wait3A_1030, %dma_wait3A_1038, %dma_wait3A_1039] : memref<4x64x128xf32, #tpu.memory_space<vmem>> -> memref<1x64x128xf32, #tpu.memory_space<vmem>>
      %dma_wait3A_1041 = tpu.memref_squeeze %dma_wait3A_1040 : memref<1x64x128xf32, #tpu.memory_space<vmem>> -> memref<64x128xf32, #tpu.memory_space<vmem>>
      %dma_wait3A_1042 = arith.constant 0 : i32
      %dma_wait3A_1043 = arith.constant 0 : i32
      %dma_wait3A_1044 = tpu.memref_slice %arg5[%dma_wait3A_1042, %dma_wait3A_1043] : memref<64x1000000xf32, #tpu.memory_space<hbm>> -> memref<64x128xf32, #tpu.memory_space<hbm>>
      tpu.wait_dma2 semaphore(%arg16 : memref<!tpu.dma_semaphore, #tpu.memory_space<semaphore_mem>>) src(%dma_wait3A_1044 : memref<64x128xf32, #tpu.memory_space<hbm>>) dst(%dma_wait3A_1041 : memref<64x128xf32, #tpu.memory_space<vmem>>)
      %slice3A_1045 = vector.extract_strided_slice %get3A_195 {offsets = [4], sizes = [1], strides = [1]} : vector<16xi32> to vector<1xi32>
      %squeeze3A_1046 = vector.extract %slice3A_1045[0] : i32 from vector<1xi32>
      %and3A_1047 = arith.constant 127 : i32
      %and3A_1048 = arith.andi %squeeze3A_1046, %and3A_1047 : i32
      %broadcast_in_dim3A_1049 = arith.constant 0 : i32
      %broadcast_in_dim3A_1050 = vector.broadcast %broadcast_in_dim3A_1049 : i32 to vector<16xi32>
      %add3A_1051 = vector.broadcast %and3A_1048 : i32 to vector<16xi32>
      %add3A_1052 = arith.addi %broadcast_in_dim3A_1050, %add3A_1051 : vector<16xi32>
      %sub3A_1053 = arith.constant 999936 : i32
      %sub3A_1054 = arith.subi %squeeze3A_1046, %sub3A_1053 : i32
      %max3A_1055 = arith.constant 0 : i32
      %max3A_1056 = arith.maxsi %sub3A_1054, %max3A_1055 : i32
      %mul3A_1057 = arith.constant 64 : i32
      %mul3A_1058 = arith.muli %max3A_1056, %mul3A_1057 : i32
      %broadcast_in_dim3A_1059 = arith.constant 0 : i32
      %broadcast_in_dim3A_1060 = vector.broadcast %broadcast_in_dim3A_1059 : i32 to vector<16xi32>
      %add3A_1061 = vector.broadcast %mul3A_1058 : i32 to vector<16xi32>
      %add3A_1062 = arith.addi %broadcast_in_dim3A_1060, %add3A_1061 : vector<16xi32>
      %broadcast_in_dim3A_1063 = arith.constant 0 : i32
      %broadcast_in_dim3A_1064 = vector.broadcast %broadcast_in_dim3A_1063 : i32 to vector<16xi32>
      %add3A_1065 = vector.broadcast %squeeze3A_1046 : i32 to vector<16xi32>
      %add3A_1066 = arith.addi %broadcast_in_dim3A_1064, %add3A_1065 : vector<16xi32>
      %ge3A_1067 = arith.constant 999936 : i32
      %ge3A_1068 = vector.broadcast %ge3A_1067 : i32 to vector<16xi32>
      %ge3A_1069 = arith.cmpi sge, %add3A_1066, %ge3A_1068 : vector<16xi32>
      %broadcast_in_dim3A_1070 = arith.constant 0 : i32
      %broadcast_in_dim3A_1071 = vector.broadcast %broadcast_in_dim3A_1070 : i32 to vector<16xi32>
      %add3A_1072 = arith.constant 0 : i32
      %add3A_1073 = vector.broadcast %add3A_1072 : i32 to vector<16xi32>
      %add3A_1074 = arith.addi %broadcast_in_dim3A_1071, %add3A_1073 : vector<16xi32>
      %gather3A_1075 = tpu.vector_load_idx %arg11[%add3A_1074, %add3A_4, %add3A_1052] : memref<4x64x128xf32, #tpu.memory_space<vmem>>[vector<16xi32>, vector<16xi32>, vector<16xi32>], vector<16xf32>,
      %add3A_1076 = arith.addi %add3A_1062, %add3A_4 : vector<16xi32>
      %gather3A_1077 = tpu.vector_load_idx %arg13[%add3A_1076] : memref<4096xf32, #tpu.memory_space<vmem>>[vector<16xi32>], vector<16xf32>,
      %select_n3A_1078 = arith.select %ge3A_1069, %gather3A_1077, %gather3A_1075 : vector<16xi1>, vector<16xf32>
      %broadcast_in_dim3A_1079 = arith.constant 0 : i32
      %broadcast_in_dim3A_1080 = vector.broadcast %broadcast_in_dim3A_1079 : i32 to vector<16xi32>
      %add3A_1081 = arith.constant 0 : i32
      %add3A_1082 = vector.broadcast %add3A_1081 : i32 to vector<16xi32>
      %add3A_1083 = arith.addi %broadcast_in_dim3A_1080, %add3A_1082 : vector<16xi32>
      %gather3A_1084 = tpu.vector_load_idx %arg11[%add3A_1083, %add3A_7, %add3A_1052] : memref<4x64x128xf32, #tpu.memory_space<vmem>>[vector<16xi32>, vector<16xi32>, vector<16xi32>], vector<16xf32>,
      %add3A_1085 = arith.addi %add3A_1062, %add3A_7 : vector<16xi32>
      %gather3A_1086 = tpu.vector_load_idx %arg13[%add3A_1085] : memref<4096xf32, #tpu.memory_space<vmem>>[vector<16xi32>], vector<16xf32>,
      %select_n3A_1087 = arith.select %ge3A_1069, %gather3A_1086, %gather3A_1084 : vector<16xi1>, vector<16xf32>
      %broadcast_in_dim3A_1088 = arith.constant 0 : i32
      %broadcast_in_dim3A_1089 = vector.broadcast %broadcast_in_dim3A_1088 : i32 to vector<16xi32>
      %add3A_1090 = arith.constant 0 : i32
      %add3A_1091 = vector.broadcast %add3A_1090 : i32 to vector<16xi32>
      %add3A_1092 = arith.addi %broadcast_in_dim3A_1089, %add3A_1091 : vector<16xi32>
      %gather3A_1093 = tpu.vector_load_idx %arg11[%add3A_1092, %add3A_10, %add3A_1052] : memref<4x64x128xf32, #tpu.memory_space<vmem>>[vector<16xi32>, vector<16xi32>, vector<16xi32>], vector<16xf32>,
      %add3A_1094 = arith.addi %add3A_1062, %add3A_10 : vector<16xi32>
      %gather3A_1095 = tpu.vector_load_idx %arg13[%add3A_1094] : memref<4096xf32, #tpu.memory_space<vmem>>[vector<16xi32>], vector<16xf32>,
      %select_n3A_1096 = arith.select %ge3A_1069, %gather3A_1095, %gather3A_1093 : vector<16xi1>, vector<16xf32>
      %broadcast_in_dim3A_1097 = arith.constant 0 : i32
      %broadcast_in_dim3A_1098 = vector.broadcast %broadcast_in_dim3A_1097 : i32 to vector<16xi32>
      %add3A_1099 = arith.constant 0 : i32
      %add3A_1100 = vector.broadcast %add3A_1099 : i32 to vector<16xi32>
      %add3A_1101 = arith.addi %broadcast_in_dim3A_1098, %add3A_1100 : vector<16xi32>
      %gather3A_1102 = tpu.vector_load_idx %arg11[%add3A_1101, %add3A_13, %add3A_1052] : memref<4x64x128xf32, #tpu.memory_space<vmem>>[vector<16xi32>, vector<16xi32>, vector<16xi32>], vector<16xf32>,
      %add3A_1103 = arith.addi %add3A_1062, %add3A_13 : vector<16xi32>
      %gather3A_1104 = tpu.vector_load_idx %arg13[%add3A_1103] : memref<4096xf32, #tpu.memory_space<vmem>>[vector<16xi32>], vector<16xf32>,
      %select_n3A_1105 = arith.select %ge3A_1069, %gather3A_1104, %gather3A_1102 : vector<16xi1>, vector<16xf32>
      %slice3A_1106 = vector.extract_strided_slice %get3A_199 {offsets = [4], sizes = [1], strides = [1]} : vector<16xi32> to vector<1xi32>
      %squeeze3A_1107 = vector.extract %slice3A_1106[0] : i32 from vector<1xi32>
      %and3A_1108 = arith.constant 127 : i32
      %and3A_1109 = arith.andi %squeeze3A_1107, %and3A_1108 : i32
      %broadcast_in_dim3A_1110 = arith.constant 0 : i32
      %broadcast_in_dim3A_1111 = vector.broadcast %broadcast_in_dim3A_1110 : i32 to vector<16xi32>
      %add3A_1112 = vector.broadcast %and3A_1109 : i32 to vector<16xi32>
      %add3A_1113 = arith.addi %broadcast_in_dim3A_1111, %add3A_1112 : vector<16xi32>
      %sub3A_1114 = arith.constant 999936 : i32
      %sub3A_1115 = arith.subi %squeeze3A_1107, %sub3A_1114 : i32
      %max3A_1116 = arith.constant 0 : i32
      %max3A_1117 = arith.maxsi %sub3A_1115, %max3A_1116 : i32
      %mul3A_1118 = arith.constant 64 : i32
      %mul3A_1119 = arith.muli %max3A_1117, %mul3A_1118 : i32
      %broadcast_in_dim3A_1120 = arith.constant 0 : i32
      %broadcast_in_dim3A_1121 = vector.broadcast %broadcast_in_dim3A_1120 : i32 to vector<16xi32>
      %add3A_1122 = vector.broadcast %mul3A_1119 : i32 to vector<16xi32>
      %add3A_1123 = arith.addi %broadcast_in_dim3A_1121, %add3A_1122 : vector<16xi32>
      %broadcast_in_dim3A_1124 = arith.constant 0 : i32
      %broadcast_in_dim3A_1125 = vector.broadcast %broadcast_in_dim3A_1124 : i32 to vector<16xi32>
      %add3A_1126 = vector.broadcast %squeeze3A_1107 : i32 to vector<16xi32>
      %add3A_1127 = arith.addi %broadcast_in_dim3A_1125, %add3A_1126 : vector<16xi32>
      %ge3A_1128 = arith.constant 999936 : i32
      %ge3A_1129 = vector.broadcast %ge3A_1128 : i32 to vector<16xi32>
      %ge3A_1130 = arith.cmpi sge, %add3A_1127, %ge3A_1129 : vector<16xi32>
      %broadcast_in_dim3A_1131 = arith.constant 0 : i32
      %broadcast_in_dim3A_1132 = vector.broadcast %broadcast_in_dim3A_1131 : i32 to vector<16xi32>
      %add3A_1133 = arith.constant 0 : i32
      %add3A_1134 = vector.broadcast %add3A_1133 : i32 to vector<16xi32>
      %add3A_1135 = arith.addi %broadcast_in_dim3A_1132, %add3A_1134 : vector<16xi32>
      %gather3A_1136 = tpu.vector_load_idx %arg12[%add3A_1135, %add3A_4, %add3A_1113] : memref<4x64x128xf32, #tpu.memory_space<vmem>>[vector<16xi32>, vector<16xi32>, vector<16xi32>], vector<16xf32>,
      %add3A_1137 = arith.addi %add3A_1123, %add3A_4 : vector<16xi32>
      %gather3A_1138 = tpu.vector_load_idx %arg14[%add3A_1137] : memref<4096xf32, #tpu.memory_space<vmem>>[vector<16xi32>], vector<16xf32>,
      %select_n3A_1139 = arith.select %ge3A_1130, %gather3A_1138, %gather3A_1136 : vector<16xi1>, vector<16xf32>
      %broadcast_in_dim3A_1140 = arith.constant 0 : i32
      %broadcast_in_dim3A_1141 = vector.broadcast %broadcast_in_dim3A_1140 : i32 to vector<16xi32>
      %add3A_1142 = arith.constant 0 : i32
      %add3A_1143 = vector.broadcast %add3A_1142 : i32 to vector<16xi32>
      %add3A_1144 = arith.addi %broadcast_in_dim3A_1141, %add3A_1143 : vector<16xi32>
      %gather3A_1145 = tpu.vector_load_idx %arg12[%add3A_1144, %add3A_7, %add3A_1113] : memref<4x64x128xf32, #tpu.memory_space<vmem>>[vector<16xi32>, vector<16xi32>, vector<16xi32>], vector<16xf32>,
      %add3A_1146 = arith.addi %add3A_1123, %add3A_7 : vector<16xi32>
      %gather3A_1147 = tpu.vector_load_idx %arg14[%add3A_1146] : memref<4096xf32, #tpu.memory_space<vmem>>[vector<16xi32>], vector<16xf32>,
      %select_n3A_1148 = arith.select %ge3A_1130, %gather3A_1147, %gather3A_1145 : vector<16xi1>, vector<16xf32>
      %broadcast_in_dim3A_1149 = arith.constant 0 : i32
      %broadcast_in_dim3A_1150 = vector.broadcast %broadcast_in_dim3A_1149 : i32 to vector<16xi32>
      %add3A_1151 = arith.constant 0 : i32
      %add3A_1152 = vector.broadcast %add3A_1151 : i32 to vector<16xi32>
      %add3A_1153 = arith.addi %broadcast_in_dim3A_1150, %add3A_1152 : vector<16xi32>
      %gather3A_1154 = tpu.vector_load_idx %arg12[%add3A_1153, %add3A_10, %add3A_1113] : memref<4x64x128xf32, #tpu.memory_space<vmem>>[vector<16xi32>, vector<16xi32>, vector<16xi32>], vector<16xf32>,
      %add3A_1155 = arith.addi %add3A_1123, %add3A_10 : vector<16xi32>
      %gather3A_1156 = tpu.vector_load_idx %arg14[%add3A_1155] : memref<4096xf32, #tpu.memory_space<vmem>>[vector<16xi32>], vector<16xf32>,
      %select_n3A_1157 = arith.select %ge3A_1130, %gather3A_1156, %gather3A_1154 : vector<16xi1>, vector<16xf32>
      %broadcast_in_dim3A_1158 = arith.constant 0 : i32
      %broadcast_in_dim3A_1159 = vector.broadcast %broadcast_in_dim3A_1158 : i32 to vector<16xi32>
      %add3A_1160 = arith.constant 0 : i32
      %add3A_1161 = vector.broadcast %add3A_1160 : i32 to vector<16xi32>
      %add3A_1162 = arith.addi %broadcast_in_dim3A_1159, %add3A_1161 : vector<16xi32>
      %gather3A_1163 = tpu.vector_load_idx %arg12[%add3A_1162, %add3A_13, %add3A_1113] : memref<4x64x128xf32, #tpu.memory_space<vmem>>[vector<16xi32>, vector<16xi32>, vector<16xi32>], vector<16xf32>,
      %add3A_1164 = arith.addi %add3A_1123, %add3A_13 : vector<16xi32>
      %gather3A_1165 = tpu.vector_load_idx %arg14[%add3A_1164] : memref<4096xf32, #tpu.memory_space<vmem>>[vector<16xi32>], vector<16xf32>,
      %select_n3A_1166 = arith.select %ge3A_1130, %gather3A_1165, %gather3A_1163 : vector<16xi1>, vector<16xf32>
      %mul3A_1167 = arith.mulf %select_n3A_1078, %select_n3A_1139 : vector<16xf32>
      %mul3A_1168 = arith.mulf %select_n3A_1087, %select_n3A_1148 : vector<16xf32>
      %add3A_1169 = arith.addf %mul3A_1167, %mul3A_1168 : vector<16xf32>
      %mul3A_1170 = arith.mulf %select_n3A_1096, %select_n3A_1157 : vector<16xf32>
      %add3A_1171 = arith.addf %add3A_1169, %mul3A_1170 : vector<16xf32>
      %mul3A_1172 = arith.mulf %select_n3A_1105, %select_n3A_1166 : vector<16xf32>
      %add3A_1173 = arith.addf %add3A_1171, %mul3A_1172 : vector<16xf32>
      %slice3A_1174 = vector.extract_strided_slice %get3A_195 {offsets = [8], sizes = [1], strides = [1]} : vector<16xi32> to vector<1xi32>
      %squeeze3A_1175 = vector.extract %slice3A_1174[0] : i32 from vector<1xi32>
      %shift_right_arithmetic3A_1176 = arith.constant 7 : i32
      %shift_right_arithmetic3A_1177 = arith.shrsi %squeeze3A_1175, %shift_right_arithmetic3A_1176 : i32
      %min3A_1178 = arith.constant 7811 : i32
      %min3A_1179 = arith.minsi %shift_right_arithmetic3A_1177, %min3A_1178 : i32
      %mul3A_1180 = arith.constant 128 : i32
      %mul3A_1181 = arith.muli %min3A_1179, %mul3A_1180 : i32
      %multiple_of3A_1182 = tpu.assume_multiple %mul3A_1181, 128 : i32
      %dma_start3A_1183 = arith.constant 0 : i32
      %dma_start3A_1184 = arith.constant 0 : i32
      %dma_start3A_1185 = arith.constant 0 : i32
      %dma_start3A_1186 = tpu.memref_slice %arg11[%dma_start3A_1183, %dma_start3A_1184, %dma_start3A_1185] : memref<4x64x128xf32, #tpu.memory_space<vmem>> -> memref<1x64x128xf32, #tpu.memory_space<vmem>>
      %dma_start3A_1187 = tpu.memref_squeeze %dma_start3A_1186 : memref<1x64x128xf32, #tpu.memory_space<vmem>> -> memref<64x128xf32, #tpu.memory_space<vmem>>
      %dma_start3A_1188 = arith.constant 0 : i32
      %dma_start3A_1189 = tpu.memref_slice %arg4[%dma_start3A_1188, %multiple_of3A_1182] : memref<64x1000000xf32, #tpu.memory_space<hbm>> -> memref<64x128xf32, #tpu.memory_space<hbm>>
      %dma_start3A_1190 = arith.constant 0 : i32
      %dma_start3A_1191 = arith.constant 0 : i32
      %dma_start3A_1192 = tpu.memref_slice %arg11[%dma_start3A_1183, %dma_start3A_1190, %dma_start3A_1191] : memref<4x64x128xf32, #tpu.memory_space<vmem>> -> memref<1x64x128xf32, #tpu.memory_space<vmem>>
      %dma_start3A_1193 = tpu.memref_squeeze %dma_start3A_1192 : memref<1x64x128xf32, #tpu.memory_space<vmem>> -> memref<64x128xf32, #tpu.memory_space<vmem>>
      %dma_start3A_1194 = arith.constant 0 : i32
      %dma_start3A_1195 = tpu.memref_slice %arg4[%dma_start3A_1194, %multiple_of3A_1182] : memref<64x1000000xf32, #tpu.memory_space<hbm>> -> memref<64x128xf32, #tpu.memory_space<hbm>>
      tpu.enqueue_dma source(%dma_start3A_1195 : memref<64x128xf32, #tpu.memory_space<hbm>>) target(%dma_start3A_1193 : memref<64x128xf32, #tpu.memory_space<vmem>>) target_semaphore(%arg16 : memref<!tpu.dma_semaphore, #tpu.memory_space<semaphore_mem>>)
      %slice3A_1196 = vector.extract_strided_slice %get3A_199 {offsets = [8], sizes = [1], strides = [1]} : vector<16xi32> to vector<1xi32>
      %squeeze3A_1197 = vector.extract %slice3A_1196[0] : i32 from vector<1xi32>
      %shift_right_arithmetic3A_1198 = arith.constant 7 : i32
      %shift_right_arithmetic3A_1199 = arith.shrsi %squeeze3A_1197, %shift_right_arithmetic3A_1198 : i32
      %min3A_1200 = arith.constant 7811 : i32
      %min3A_1201 = arith.minsi %shift_right_arithmetic3A_1199, %min3A_1200 : i32
      %mul3A_1202 = arith.constant 128 : i32
      %mul3A_1203 = arith.muli %min3A_1201, %mul3A_1202 : i32
      %multiple_of3A_1204 = tpu.assume_multiple %mul3A_1203, 128 : i32
      %dma_start3A_1205 = arith.constant 0 : i32
      %dma_start3A_1206 = arith.constant 0 : i32
      %dma_start3A_1207 = arith.constant 0 : i32
      %dma_start3A_1208 = tpu.memref_slice %arg12[%dma_start3A_1205, %dma_start3A_1206, %dma_start3A_1207] : memref<4x64x128xf32, #tpu.memory_space<vmem>> -> memref<1x64x128xf32, #tpu.memory_space<vmem>>
      %dma_start3A_1209 = tpu.memref_squeeze %dma_start3A_1208 : memref<1x64x128xf32, #tpu.memory_space<vmem>> -> memref<64x128xf32, #tpu.memory_space<vmem>>
      %dma_start3A_1210 = arith.constant 0 : i32
      %dma_start3A_1211 = tpu.memref_slice %arg5[%dma_start3A_1210, %multiple_of3A_1204] : memref<64x1000000xf32, #tpu.memory_space<hbm>> -> memref<64x128xf32, #tpu.memory_space<hbm>>
      %dma_start3A_1212 = arith.constant 0 : i32
      %dma_start3A_1213 = arith.constant 0 : i32
      %dma_start3A_1214 = tpu.memref_slice %arg12[%dma_start3A_1205, %dma_start3A_1212, %dma_start3A_1213] : memref<4x64x128xf32, #tpu.memory_space<vmem>> -> memref<1x64x128xf32, #tpu.memory_space<vmem>>
      %dma_start3A_1215 = tpu.memref_squeeze %dma_start3A_1214 : memref<1x64x128xf32, #tpu.memory_space<vmem>> -> memref<64x128xf32, #tpu.memory_space<vmem>>
      %dma_start3A_1216 = arith.constant 0 : i32
      %dma_start3A_1217 = tpu.memref_slice %arg5[%dma_start3A_1216, %multiple_of3A_1204] : memref<64x1000000xf32, #tpu.memory_space<hbm>> -> memref<64x128xf32, #tpu.memory_space<hbm>>
      tpu.enqueue_dma source(%dma_start3A_1217 : memref<64x128xf32, #tpu.memory_space<hbm>>) target(%dma_start3A_1215 : memref<64x128xf32, #tpu.memory_space<vmem>>) target_semaphore(%arg16 : memref<!tpu.dma_semaphore, #tpu.memory_space<semaphore_mem>>)
      %dma_wait3A_1218 = arith.constant 1 : i32
      %dma_wait3A_1219 = arith.constant 0 : i32
      %dma_wait3A_1220 = arith.constant 0 : i32
      %dma_wait3A_1221 = tpu.memref_slice %arg11[%dma_wait3A_1218, %dma_wait3A_1219, %dma_wait3A_1220] : memref<4x64x128xf32, #tpu.memory_space<vmem>> -> memref<1x64x128xf32, #tpu.memory_space<vmem>>
      %dma_wait3A_1222 = tpu.memref_squeeze %dma_wait3A_1221 : memref<1x64x128xf32, #tpu.memory_space<vmem>> -> memref<64x128xf32, #tpu.memory_space<vmem>>
      %dma_wait3A_1223 = arith.constant 0 : i32
      %dma_wait3A_1224 = arith.constant 0 : i32
      %dma_wait3A_1225 = tpu.memref_slice %arg4[%dma_wait3A_1223, %dma_wait3A_1224] : memref<64x1000000xf32, #tpu.memory_space<hbm>> -> memref<64x128xf32, #tpu.memory_space<hbm>>
      %dma_wait3A_1226 = arith.constant 0 : i32
      %dma_wait3A_1227 = arith.constant 0 : i32
      %dma_wait3A_1228 = tpu.memref_slice %arg11[%dma_wait3A_1218, %dma_wait3A_1226, %dma_wait3A_1227] : memref<4x64x128xf32, #tpu.memory_space<vmem>> -> memref<1x64x128xf32, #tpu.memory_space<vmem>>
      %dma_wait3A_1229 = tpu.memref_squeeze %dma_wait3A_1228 : memref<1x64x128xf32, #tpu.memory_space<vmem>> -> memref<64x128xf32, #tpu.memory_space<vmem>>
      %dma_wait3A_1230 = arith.constant 0 : i32
      %dma_wait3A_1231 = arith.constant 0 : i32
      %dma_wait3A_1232 = tpu.memref_slice %arg4[%dma_wait3A_1230, %dma_wait3A_1231] : memref<64x1000000xf32, #tpu.memory_space<hbm>> -> memref<64x128xf32, #tpu.memory_space<hbm>>
      tpu.wait_dma2 semaphore(%arg16 : memref<!tpu.dma_semaphore, #tpu.memory_space<semaphore_mem>>) src(%dma_wait3A_1232 : memref<64x128xf32, #tpu.memory_space<hbm>>) dst(%dma_wait3A_1229 : memref<64x128xf32, #tpu.memory_space<vmem>>)
      %dma_wait3A_1233 = arith.constant 1 : i32
      %dma_wait3A_1234 = arith.constant 0 : i32
      %dma_wait3A_1235 = arith.constant 0 : i32
      %dma_wait3A_1236 = tpu.memref_slice %arg12[%dma_wait3A_1233, %dma_wait3A_1234, %dma_wait3A_1235] : memref<4x64x128xf32, #tpu.memory_space<vmem>> -> memref<1x64x128xf32, #tpu.memory_space<vmem>>
      %dma_wait3A_1237 = tpu.memref_squeeze %dma_wait3A_1236 : memref<1x64x128xf32, #tpu.memory_space<vmem>> -> memref<64x128xf32, #tpu.memory_space<vmem>>
      %dma_wait3A_1238 = arith.constant 0 : i32
      %dma_wait3A_1239 = arith.constant 0 : i32
      %dma_wait3A_1240 = tpu.memref_slice %arg5[%dma_wait3A_1238, %dma_wait3A_1239] : memref<64x1000000xf32, #tpu.memory_space<hbm>> -> memref<64x128xf32, #tpu.memory_space<hbm>>
      %dma_wait3A_1241 = arith.constant 0 : i32
      %dma_wait3A_1242 = arith.constant 0 : i32
      %dma_wait3A_1243 = tpu.memref_slice %arg12[%dma_wait3A_1233, %dma_wait3A_1241, %dma_wait3A_1242] : memref<4x64x128xf32, #tpu.memory_space<vmem>> -> memref<1x64x128xf32, #tpu.memory_space<vmem>>
      %dma_wait3A_1244 = tpu.memref_squeeze %dma_wait3A_1243 : memref<1x64x128xf32, #tpu.memory_space<vmem>> -> memref<64x128xf32, #tpu.memory_space<vmem>>
      %dma_wait3A_1245 = arith.constant 0 : i32
      %dma_wait3A_1246 = arith.constant 0 : i32
      %dma_wait3A_1247 = tpu.memref_slice %arg5[%dma_wait3A_1245, %dma_wait3A_1246] : memref<64x1000000xf32, #tpu.memory_space<hbm>> -> memref<64x128xf32, #tpu.memory_space<hbm>>
      tpu.wait_dma2 semaphore(%arg16 : memref<!tpu.dma_semaphore, #tpu.memory_space<semaphore_mem>>) src(%dma_wait3A_1247 : memref<64x128xf32, #tpu.memory_space<hbm>>) dst(%dma_wait3A_1244 : memref<64x128xf32, #tpu.memory_space<vmem>>)
      %slice3A_1248 = vector.extract_strided_slice %get3A_195 {offsets = [5], sizes = [1], strides = [1]} : vector<16xi32> to vector<1xi32>
      %squeeze3A_1249 = vector.extract %slice3A_1248[0] : i32 from vector<1xi32>
      %and3A_1250 = arith.constant 127 : i32
      %and3A_1251 = arith.andi %squeeze3A_1249, %and3A_1250 : i32
      %broadcast_in_dim3A_1252 = arith.constant 0 : i32
      %broadcast_in_dim3A_1253 = vector.broadcast %broadcast_in_dim3A_1252 : i32 to vector<16xi32>
      %add3A_1254 = vector.broadcast %and3A_1251 : i32 to vector<16xi32>
      %add3A_1255 = arith.addi %broadcast_in_dim3A_1253, %add3A_1254 : vector<16xi32>
      %sub3A_1256 = arith.constant 999936 : i32
      %sub3A_1257 = arith.subi %squeeze3A_1249, %sub3A_1256 : i32
      %max3A_1258 = arith.constant 0 : i32
      %max3A_1259 = arith.maxsi %sub3A_1257, %max3A_1258 : i32
      %mul3A_1260 = arith.constant 64 : i32
      %mul3A_1261 = arith.muli %max3A_1259, %mul3A_1260 : i32
      %broadcast_in_dim3A_1262 = arith.constant 0 : i32
      %broadcast_in_dim3A_1263 = vector.broadcast %broadcast_in_dim3A_1262 : i32 to vector<16xi32>
      %add3A_1264 = vector.broadcast %mul3A_1261 : i32 to vector<16xi32>
      %add3A_1265 = arith.addi %broadcast_in_dim3A_1263, %add3A_1264 : vector<16xi32>
      %broadcast_in_dim3A_1266 = arith.constant 0 : i32
      %broadcast_in_dim3A_1267 = vector.broadcast %broadcast_in_dim3A_1266 : i32 to vector<16xi32>
      %add3A_1268 = vector.broadcast %squeeze3A_1249 : i32 to vector<16xi32>
      %add3A_1269 = arith.addi %broadcast_in_dim3A_1267, %add3A_1268 : vector<16xi32>
      %ge3A_1270 = arith.constant 999936 : i32
      %ge3A_1271 = vector.broadcast %ge3A_1270 : i32 to vector<16xi32>
      %ge3A_1272 = arith.cmpi sge, %add3A_1269, %ge3A_1271 : vector<16xi32>
      %broadcast_in_dim3A_1273 = arith.constant 0 : i32
      %broadcast_in_dim3A_1274 = vector.broadcast %broadcast_in_dim3A_1273 : i32 to vector<16xi32>
      %add3A_1275 = arith.constant 1 : i32
      %add3A_1276 = vector.broadcast %add3A_1275 : i32 to vector<16xi32>
      %add3A_1277 = arith.addi %broadcast_in_dim3A_1274, %add3A_1276 : vector<16xi32>
      %gather3A_1278 = tpu.vector_load_idx %arg11[%add3A_1277, %add3A_4, %add3A_1255] : memref<4x64x128xf32, #tpu.memory_space<vmem>>[vector<16xi32>, vector<16xi32>, vector<16xi32>], vector<16xf32>,
      %add3A_1279 = arith.addi %add3A_1265, %add3A_4 : vector<16xi32>
      %gather3A_1280 = tpu.vector_load_idx %arg13[%add3A_1279] : memref<4096xf32, #tpu.memory_space<vmem>>[vector<16xi32>], vector<16xf32>,
      %select_n3A_1281 = arith.select %ge3A_1272, %gather3A_1280, %gather3A_1278 : vector<16xi1>, vector<16xf32>
      %broadcast_in_dim3A_1282 = arith.constant 0 : i32
      %broadcast_in_dim3A_1283 = vector.broadcast %broadcast_in_dim3A_1282 : i32 to vector<16xi32>
      %add3A_1284 = arith.constant 1 : i32
      %add3A_1285 = vector.broadcast %add3A_1284 : i32 to vector<16xi32>
      %add3A_1286 = arith.addi %broadcast_in_dim3A_1283, %add3A_1285 : vector<16xi32>
      %gather3A_1287 = tpu.vector_load_idx %arg11[%add3A_1286, %add3A_7, %add3A_1255] : memref<4x64x128xf32, #tpu.memory_space<vmem>>[vector<16xi32>, vector<16xi32>, vector<16xi32>], vector<16xf32>,
      %add3A_1288 = arith.addi %add3A_1265, %add3A_7 : vector<16xi32>
      %gather3A_1289 = tpu.vector_load_idx %arg13[%add3A_1288] : memref<4096xf32, #tpu.memory_space<vmem>>[vector<16xi32>], vector<16xf32>,
      %select_n3A_1290 = arith.select %ge3A_1272, %gather3A_1289, %gather3A_1287 : vector<16xi1>, vector<16xf32>
      %broadcast_in_dim3A_1291 = arith.constant 0 : i32
      %broadcast_in_dim3A_1292 = vector.broadcast %broadcast_in_dim3A_1291 : i32 to vector<16xi32>
      %add3A_1293 = arith.constant 1 : i32
      %add3A_1294 = vector.broadcast %add3A_1293 : i32 to vector<16xi32>
      %add3A_1295 = arith.addi %broadcast_in_dim3A_1292, %add3A_1294 : vector<16xi32>
      %gather3A_1296 = tpu.vector_load_idx %arg11[%add3A_1295, %add3A_10, %add3A_1255] : memref<4x64x128xf32, #tpu.memory_space<vmem>>[vector<16xi32>, vector<16xi32>, vector<16xi32>], vector<16xf32>,
      %add3A_1297 = arith.addi %add3A_1265, %add3A_10 : vector<16xi32>
      %gather3A_1298 = tpu.vector_load_idx %arg13[%add3A_1297] : memref<4096xf32, #tpu.memory_space<vmem>>[vector<16xi32>], vector<16xf32>,
      %select_n3A_1299 = arith.select %ge3A_1272, %gather3A_1298, %gather3A_1296 : vector<16xi1>, vector<16xf32>
      %broadcast_in_dim3A_1300 = arith.constant 0 : i32
      %broadcast_in_dim3A_1301 = vector.broadcast %broadcast_in_dim3A_1300 : i32 to vector<16xi32>
      %add3A_1302 = arith.constant 1 : i32
      %add3A_1303 = vector.broadcast %add3A_1302 : i32 to vector<16xi32>
      %add3A_1304 = arith.addi %broadcast_in_dim3A_1301, %add3A_1303 : vector<16xi32>
      %gather3A_1305 = tpu.vector_load_idx %arg11[%add3A_1304, %add3A_13, %add3A_1255] : memref<4x64x128xf32, #tpu.memory_space<vmem>>[vector<16xi32>, vector<16xi32>, vector<16xi32>], vector<16xf32>,
      %add3A_1306 = arith.addi %add3A_1265, %add3A_13 : vector<16xi32>
      %gather3A_1307 = tpu.vector_load_idx %arg13[%add3A_1306] : memref<4096xf32, #tpu.memory_space<vmem>>[vector<16xi32>], vector<16xf32>,
      %select_n3A_1308 = arith.select %ge3A_1272, %gather3A_1307, %gather3A_1305 : vector<16xi1>, vector<16xf32>
      %slice3A_1309 = vector.extract_strided_slice %get3A_199 {offsets = [5], sizes = [1], strides = [1]} : vector<16xi32> to vector<1xi32>
      %squeeze3A_1310 = vector.extract %slice3A_1309[0] : i32 from vector<1xi32>
      %and3A_1311 = arith.constant 127 : i32
      %and3A_1312 = arith.andi %squeeze3A_1310, %and3A_1311 : i32
      %broadcast_in_dim3A_1313 = arith.constant 0 : i32
      %broadcast_in_dim3A_1314 = vector.broadcast %broadcast_in_dim3A_1313 : i32 to vector<16xi32>
      %add3A_1315 = vector.broadcast %and3A_1312 : i32 to vector<16xi32>
      %add3A_1316 = arith.addi %broadcast_in_dim3A_1314, %add3A_1315 : vector<16xi32>
      %sub3A_1317 = arith.constant 999936 : i32
      %sub3A_1318 = arith.subi %squeeze3A_1310, %sub3A_1317 : i32
      %max3A_1319 = arith.constant 0 : i32
      %max3A_1320 = arith.maxsi %sub3A_1318, %max3A_1319 : i32
      %mul3A_1321 = arith.constant 64 : i32
      %mul3A_1322 = arith.muli %max3A_1320, %mul3A_1321 : i32
      %broadcast_in_dim3A_1323 = arith.constant 0 : i32
      %broadcast_in_dim3A_1324 = vector.broadcast %broadcast_in_dim3A_1323 : i32 to vector<16xi32>
      %add3A_1325 = vector.broadcast %mul3A_1322 : i32 to vector<16xi32>
      %add3A_1326 = arith.addi %broadcast_in_dim3A_1324, %add3A_1325 : vector<16xi32>
      %broadcast_in_dim3A_1327 = arith.constant 0 : i32
      %broadcast_in_dim3A_1328 = vector.broadcast %broadcast_in_dim3A_1327 : i32 to vector<16xi32>
      %add3A_1329 = vector.broadcast %squeeze3A_1310 : i32 to vector<16xi32>
      %add3A_1330 = arith.addi %broadcast_in_dim3A_1328, %add3A_1329 : vector<16xi32>
      %ge3A_1331 = arith.constant 999936 : i32
      %ge3A_1332 = vector.broadcast %ge3A_1331 : i32 to vector<16xi32>
      %ge3A_1333 = arith.cmpi sge, %add3A_1330, %ge3A_1332 : vector<16xi32>
      %broadcast_in_dim3A_1334 = arith.constant 0 : i32
      %broadcast_in_dim3A_1335 = vector.broadcast %broadcast_in_dim3A_1334 : i32 to vector<16xi32>
      %add3A_1336 = arith.constant 1 : i32
      %add3A_1337 = vector.broadcast %add3A_1336 : i32 to vector<16xi32>
      %add3A_1338 = arith.addi %broadcast_in_dim3A_1335, %add3A_1337 : vector<16xi32>
      %gather3A_1339 = tpu.vector_load_idx %arg12[%add3A_1338, %add3A_4, %add3A_1316] : memref<4x64x128xf32, #tpu.memory_space<vmem>>[vector<16xi32>, vector<16xi32>, vector<16xi32>], vector<16xf32>,
      %add3A_1340 = arith.addi %add3A_1326, %add3A_4 : vector<16xi32>
      %gather3A_1341 = tpu.vector_load_idx %arg14[%add3A_1340] : memref<4096xf32, #tpu.memory_space<vmem>>[vector<16xi32>], vector<16xf32>,
      %select_n3A_1342 = arith.select %ge3A_1333, %gather3A_1341, %gather3A_1339 : vector<16xi1>, vector<16xf32>
      %broadcast_in_dim3A_1343 = arith.constant 0 : i32
      %broadcast_in_dim3A_1344 = vector.broadcast %broadcast_in_dim3A_1343 : i32 to vector<16xi32>
      %add3A_1345 = arith.constant 1 : i32
      %add3A_1346 = vector.broadcast %add3A_1345 : i32 to vector<16xi32>
      %add3A_1347 = arith.addi %broadcast_in_dim3A_1344, %add3A_1346 : vector<16xi32>
      %gather3A_1348 = tpu.vector_load_idx %arg12[%add3A_1347, %add3A_7, %add3A_1316] : memref<4x64x128xf32, #tpu.memory_space<vmem>>[vector<16xi32>, vector<16xi32>, vector<16xi32>], vector<16xf32>,
      %add3A_1349 = arith.addi %add3A_1326, %add3A_7 : vector<16xi32>
      %gather3A_1350 = tpu.vector_load_idx %arg14[%add3A_1349] : memref<4096xf32, #tpu.memory_space<vmem>>[vector<16xi32>], vector<16xf32>,
      %select_n3A_1351 = arith.select %ge3A_1333, %gather3A_1350, %gather3A_1348 : vector<16xi1>, vector<16xf32>
      %broadcast_in_dim3A_1352 = arith.constant 0 : i32
      %broadcast_in_dim3A_1353 = vector.broadcast %broadcast_in_dim3A_1352 : i32 to vector<16xi32>
      %add3A_1354 = arith.constant 1 : i32
      %add3A_1355 = vector.broadcast %add3A_1354 : i32 to vector<16xi32>
      %add3A_1356 = arith.addi %broadcast_in_dim3A_1353, %add3A_1355 : vector<16xi32>
      %gather3A_1357 = tpu.vector_load_idx %arg12[%add3A_1356, %add3A_10, %add3A_1316] : memref<4x64x128xf32, #tpu.memory_space<vmem>>[vector<16xi32>, vector<16xi32>, vector<16xi32>], vector<16xf32>,
      %add3A_1358 = arith.addi %add3A_1326, %add3A_10 : vector<16xi32>
      %gather3A_1359 = tpu.vector_load_idx %arg14[%add3A_1358] : memref<4096xf32, #tpu.memory_space<vmem>>[vector<16xi32>], vector<16xf32>,
      %select_n3A_1360 = arith.select %ge3A_1333, %gather3A_1359, %gather3A_1357 : vector<16xi1>, vector<16xf32>
      %broadcast_in_dim3A_1361 = arith.constant 0 : i32
      %broadcast_in_dim3A_1362 = vector.broadcast %broadcast_in_dim3A_1361 : i32 to vector<16xi32>
      %add3A_1363 = arith.constant 1 : i32
      %add3A_1364 = vector.broadcast %add3A_1363 : i32 to vector<16xi32>
      %add3A_1365 = arith.addi %broadcast_in_dim3A_1362, %add3A_1364 : vector<16xi32>
      %gather3A_1366 = tpu.vector_load_idx %arg12[%add3A_1365, %add3A_13, %add3A_1316] : memref<4x64x128xf32, #tpu.memory_space<vmem>>[vector<16xi32>, vector<16xi32>, vector<16xi32>], vector<16xf32>,
      %add3A_1367 = arith.addi %add3A_1326, %add3A_13 : vector<16xi32>
      %gather3A_1368 = tpu.vector_load_idx %arg14[%add3A_1367] : memref<4096xf32, #tpu.memory_space<vmem>>[vector<16xi32>], vector<16xf32>,
      %select_n3A_1369 = arith.select %ge3A_1333, %gather3A_1368, %gather3A_1366 : vector<16xi1>, vector<16xf32>
      %mul3A_1370 = arith.mulf %select_n3A_1281, %select_n3A_1342 : vector<16xf32>
      %mul3A_1371 = arith.mulf %select_n3A_1290, %select_n3A_1351 : vector<16xf32>
      %add3A_1372 = arith.addf %mul3A_1370, %mul3A_1371 : vector<16xf32>
      %mul3A_1373 = arith.mulf %select_n3A_1299, %select_n3A_1360 : vector<16xf32>
      %add3A_1374 = arith.addf %add3A_1372, %mul3A_1373 : vector<16xf32>
      %mul3A_1375 = arith.mulf %select_n3A_1308, %select_n3A_1369 : vector<16xf32>
      %add3A_1376 = arith.addf %add3A_1374, %mul3A_1375 : vector<16xf32>
      %slice3A_1377 = vector.extract_strided_slice %get3A_195 {offsets = [9], sizes = [1], strides = [1]} : vector<16xi32> to vector<1xi32>
      %squeeze3A_1378 = vector.extract %slice3A_1377[0] : i32 from vector<1xi32>
      %shift_right_arithmetic3A_1379 = arith.constant 7 : i32
      %shift_right_arithmetic3A_1380 = arith.shrsi %squeeze3A_1378, %shift_right_arithmetic3A_1379 : i32
      %min3A_1381 = arith.constant 7811 : i32
      %min3A_1382 = arith.minsi %shift_right_arithmetic3A_1380, %min3A_1381 : i32
      %mul3A_1383 = arith.constant 128 : i32
      %mul3A_1384 = arith.muli %min3A_1382, %mul3A_1383 : i32
      %multiple_of3A_1385 = tpu.assume_multiple %mul3A_1384, 128 : i32
      %dma_start3A_1386 = arith.constant 1 : i32
      %dma_start3A_1387 = arith.constant 0 : i32
      %dma_start3A_1388 = arith.constant 0 : i32
      %dma_start3A_1389 = tpu.memref_slice %arg11[%dma_start3A_1386, %dma_start3A_1387, %dma_start3A_1388] : memref<4x64x128xf32, #tpu.memory_space<vmem>> -> memref<1x64x128xf32, #tpu.memory_space<vmem>>
      %dma_start3A_1390 = tpu.memref_squeeze %dma_start3A_1389 : memref<1x64x128xf32, #tpu.memory_space<vmem>> -> memref<64x128xf32, #tpu.memory_space<vmem>>
      %dma_start3A_1391 = arith.constant 0 : i32
      %dma_start3A_1392 = tpu.memref_slice %arg4[%dma_start3A_1391, %multiple_of3A_1385] : memref<64x1000000xf32, #tpu.memory_space<hbm>> -> memref<64x128xf32, #tpu.memory_space<hbm>>
      %dma_start3A_1393 = arith.constant 0 : i32
      %dma_start3A_1394 = arith.constant 0 : i32
      %dma_start3A_1395 = tpu.memref_slice %arg11[%dma_start3A_1386, %dma_start3A_1393, %dma_start3A_1394] : memref<4x64x128xf32, #tpu.memory_space<vmem>> -> memref<1x64x128xf32, #tpu.memory_space<vmem>>
      %dma_start3A_1396 = tpu.memref_squeeze %dma_start3A_1395 : memref<1x64x128xf32, #tpu.memory_space<vmem>> -> memref<64x128xf32, #tpu.memory_space<vmem>>
      %dma_start3A_1397 = arith.constant 0 : i32
      %dma_start3A_1398 = tpu.memref_slice %arg4[%dma_start3A_1397, %multiple_of3A_1385] : memref<64x1000000xf32, #tpu.memory_space<hbm>> -> memref<64x128xf32, #tpu.memory_space<hbm>>
      tpu.enqueue_dma source(%dma_start3A_1398 : memref<64x128xf32, #tpu.memory_space<hbm>>) target(%dma_start3A_1396 : memref<64x128xf32, #tpu.memory_space<vmem>>) target_semaphore(%arg16 : memref<!tpu.dma_semaphore, #tpu.memory_space<semaphore_mem>>)
      %slice3A_1399 = vector.extract_strided_slice %get3A_199 {offsets = [9], sizes = [1], strides = [1]} : vector<16xi32> to vector<1xi32>
      %squeeze3A_1400 = vector.extract %slice3A_1399[0] : i32 from vector<1xi32>
      %shift_right_arithmetic3A_1401 = arith.constant 7 : i32
      %shift_right_arithmetic3A_1402 = arith.shrsi %squeeze3A_1400, %shift_right_arithmetic3A_1401 : i32
      %min3A_1403 = arith.constant 7811 : i32
      %min3A_1404 = arith.minsi %shift_right_arithmetic3A_1402, %min3A_1403 : i32
      %mul3A_1405 = arith.constant 128 : i32
      %mul3A_1406 = arith.muli %min3A_1404, %mul3A_1405 : i32
      %multiple_of3A_1407 = tpu.assume_multiple %mul3A_1406, 128 : i32
      %dma_start3A_1408 = arith.constant 1 : i32
      %dma_start3A_1409 = arith.constant 0 : i32
      %dma_start3A_1410 = arith.constant 0 : i32
      %dma_start3A_1411 = tpu.memref_slice %arg12[%dma_start3A_1408, %dma_start3A_1409, %dma_start3A_1410] : memref<4x64x128xf32, #tpu.memory_space<vmem>> -> memref<1x64x128xf32, #tpu.memory_space<vmem>>
      %dma_start3A_1412 = tpu.memref_squeeze %dma_start3A_1411 : memref<1x64x128xf32, #tpu.memory_space<vmem>> -> memref<64x128xf32, #tpu.memory_space<vmem>>
      %dma_start3A_1413 = arith.constant 0 : i32
      %dma_start3A_1414 = tpu.memref_slice %arg5[%dma_start3A_1413, %multiple_of3A_1407] : memref<64x1000000xf32, #tpu.memory_space<hbm>> -> memref<64x128xf32, #tpu.memory_space<hbm>>
      %dma_start3A_1415 = arith.constant 0 : i32
      %dma_start3A_1416 = arith.constant 0 : i32
      %dma_start3A_1417 = tpu.memref_slice %arg12[%dma_start3A_1408, %dma_start3A_1415, %dma_start3A_1416] : memref<4x64x128xf32, #tpu.memory_space<vmem>> -> memref<1x64x128xf32, #tpu.memory_space<vmem>>
      %dma_start3A_1418 = tpu.memref_squeeze %dma_start3A_1417 : memref<1x64x128xf32, #tpu.memory_space<vmem>> -> memref<64x128xf32, #tpu.memory_space<vmem>>
      %dma_start3A_1419 = arith.constant 0 : i32
      %dma_start3A_1420 = tpu.memref_slice %arg5[%dma_start3A_1419, %multiple_of3A_1407] : memref<64x1000000xf32, #tpu.memory_space<hbm>> -> memref<64x128xf32, #tpu.memory_space<hbm>>
      tpu.enqueue_dma source(%dma_start3A_1420 : memref<64x128xf32, #tpu.memory_space<hbm>>) target(%dma_start3A_1418 : memref<64x128xf32, #tpu.memory_space<vmem>>) target_semaphore(%arg16 : memref<!tpu.dma_semaphore, #tpu.memory_space<semaphore_mem>>)
      %dma_wait3A_1421 = arith.constant 2 : i32
      %dma_wait3A_1422 = arith.constant 0 : i32
      %dma_wait3A_1423 = arith.constant 0 : i32
      %dma_wait3A_1424 = tpu.memref_slice %arg11[%dma_wait3A_1421, %dma_wait3A_1422, %dma_wait3A_1423] : memref<4x64x128xf32, #tpu.memory_space<vmem>> -> memref<1x64x128xf32, #tpu.memory_space<vmem>>
      %dma_wait3A_1425 = tpu.memref_squeeze %dma_wait3A_1424 : memref<1x64x128xf32, #tpu.memory_space<vmem>> -> memref<64x128xf32, #tpu.memory_space<vmem>>
      %dma_wait3A_1426 = arith.constant 0 : i32
      %dma_wait3A_1427 = arith.constant 0 : i32
      %dma_wait3A_1428 = tpu.memref_slice %arg4[%dma_wait3A_1426, %dma_wait3A_1427] : memref<64x1000000xf32, #tpu.memory_space<hbm>> -> memref<64x128xf32, #tpu.memory_space<hbm>>
      %dma_wait3A_1429 = arith.constant 0 : i32
      %dma_wait3A_1430 = arith.constant 0 : i32
      %dma_wait3A_1431 = tpu.memref_slice %arg11[%dma_wait3A_1421, %dma_wait3A_1429, %dma_wait3A_1430] : memref<4x64x128xf32, #tpu.memory_space<vmem>> -> memref<1x64x128xf32, #tpu.memory_space<vmem>>
      %dma_wait3A_1432 = tpu.memref_squeeze %dma_wait3A_1431 : memref<1x64x128xf32, #tpu.memory_space<vmem>> -> memref<64x128xf32, #tpu.memory_space<vmem>>
      %dma_wait3A_1433 = arith.constant 0 : i32
      %dma_wait3A_1434 = arith.constant 0 : i32
      %dma_wait3A_1435 = tpu.memref_slice %arg4[%dma_wait3A_1433, %dma_wait3A_1434] : memref<64x1000000xf32, #tpu.memory_space<hbm>> -> memref<64x128xf32, #tpu.memory_space<hbm>>
      tpu.wait_dma2 semaphore(%arg16 : memref<!tpu.dma_semaphore, #tpu.memory_space<semaphore_mem>>) src(%dma_wait3A_1435 : memref<64x128xf32, #tpu.memory_space<hbm>>) dst(%dma_wait3A_1432 : memref<64x128xf32, #tpu.memory_space<vmem>>)
      %dma_wait3A_1436 = arith.constant 2 : i32
      %dma_wait3A_1437 = arith.constant 0 : i32
      %dma_wait3A_1438 = arith.constant 0 : i32
      %dma_wait3A_1439 = tpu.memref_slice %arg12[%dma_wait3A_1436, %dma_wait3A_1437, %dma_wait3A_1438] : memref<4x64x128xf32, #tpu.memory_space<vmem>> -> memref<1x64x128xf32, #tpu.memory_space<vmem>>
      %dma_wait3A_1440 = tpu.memref_squeeze %dma_wait3A_1439 : memref<1x64x128xf32, #tpu.memory_space<vmem>> -> memref<64x128xf32, #tpu.memory_space<vmem>>
      %dma_wait3A_1441 = arith.constant 0 : i32
      %dma_wait3A_1442 = arith.constant 0 : i32
      %dma_wait3A_1443 = tpu.memref_slice %arg5[%dma_wait3A_1441, %dma_wait3A_1442] : memref<64x1000000xf32, #tpu.memory_space<hbm>> -> memref<64x128xf32, #tpu.memory_space<hbm>>
      %dma_wait3A_1444 = arith.constant 0 : i32
      %dma_wait3A_1445 = arith.constant 0 : i32
      %dma_wait3A_1446 = tpu.memref_slice %arg12[%dma_wait3A_1436, %dma_wait3A_1444, %dma_wait3A_1445] : memref<4x64x128xf32, #tpu.memory_space<vmem>> -> memref<1x64x128xf32, #tpu.memory_space<vmem>>
      %dma_wait3A_1447 = tpu.memref_squeeze %dma_wait3A_1446 : memref<1x64x128xf32, #tpu.memory_space<vmem>> -> memref<64x128xf32, #tpu.memory_space<vmem>>
      %dma_wait3A_1448 = arith.constant 0 : i32
      %dma_wait3A_1449 = arith.constant 0 : i32
      %dma_wait3A_1450 = tpu.memref_slice %arg5[%dma_wait3A_1448, %dma_wait3A_1449] : memref<64x1000000xf32, #tpu.memory_space<hbm>> -> memref<64x128xf32, #tpu.memory_space<hbm>>
      tpu.wait_dma2 semaphore(%arg16 : memref<!tpu.dma_semaphore, #tpu.memory_space<semaphore_mem>>) src(%dma_wait3A_1450 : memref<64x128xf32, #tpu.memory_space<hbm>>) dst(%dma_wait3A_1447 : memref<64x128xf32, #tpu.memory_space<vmem>>)
      %slice3A_1451 = vector.extract_strided_slice %get3A_195 {offsets = [6], sizes = [1], strides = [1]} : vector<16xi32> to vector<1xi32>
      %squeeze3A_1452 = vector.extract %slice3A_1451[0] : i32 from vector<1xi32>
      %and3A_1453 = arith.constant 127 : i32
      %and3A_1454 = arith.andi %squeeze3A_1452, %and3A_1453 : i32
      %broadcast_in_dim3A_1455 = arith.constant 0 : i32
      %broadcast_in_dim3A_1456 = vector.broadcast %broadcast_in_dim3A_1455 : i32 to vector<16xi32>
      %add3A_1457 = vector.broadcast %and3A_1454 : i32 to vector<16xi32>
      %add3A_1458 = arith.addi %broadcast_in_dim3A_1456, %add3A_1457 : vector<16xi32>
      %sub3A_1459 = arith.constant 999936 : i32
      %sub3A_1460 = arith.subi %squeeze3A_1452, %sub3A_1459 : i32
      %max3A_1461 = arith.constant 0 : i32
      %max3A_1462 = arith.maxsi %sub3A_1460, %max3A_1461 : i32
      %mul3A_1463 = arith.constant 64 : i32
      %mul3A_1464 = arith.muli %max3A_1462, %mul3A_1463 : i32
      %broadcast_in_dim3A_1465 = arith.constant 0 : i32
      %broadcast_in_dim3A_1466 = vector.broadcast %broadcast_in_dim3A_1465 : i32 to vector<16xi32>
      %add3A_1467 = vector.broadcast %mul3A_1464 : i32 to vector<16xi32>
      %add3A_1468 = arith.addi %broadcast_in_dim3A_1466, %add3A_1467 : vector<16xi32>
      %broadcast_in_dim3A_1469 = arith.constant 0 : i32
      %broadcast_in_dim3A_1470 = vector.broadcast %broadcast_in_dim3A_1469 : i32 to vector<16xi32>
      %add3A_1471 = vector.broadcast %squeeze3A_1452 : i32 to vector<16xi32>
      %add3A_1472 = arith.addi %broadcast_in_dim3A_1470, %add3A_1471 : vector<16xi32>
      %ge3A_1473 = arith.constant 999936 : i32
      %ge3A_1474 = vector.broadcast %ge3A_1473 : i32 to vector<16xi32>
      %ge3A_1475 = arith.cmpi sge, %add3A_1472, %ge3A_1474 : vector<16xi32>
      %broadcast_in_dim3A_1476 = arith.constant 0 : i32
      %broadcast_in_dim3A_1477 = vector.broadcast %broadcast_in_dim3A_1476 : i32 to vector<16xi32>
      %add3A_1478 = arith.constant 2 : i32
      %add3A_1479 = vector.broadcast %add3A_1478 : i32 to vector<16xi32>
      %add3A_1480 = arith.addi %broadcast_in_dim3A_1477, %add3A_1479 : vector<16xi32>
      %gather3A_1481 = tpu.vector_load_idx %arg11[%add3A_1480, %add3A_4, %add3A_1458] : memref<4x64x128xf32, #tpu.memory_space<vmem>>[vector<16xi32>, vector<16xi32>, vector<16xi32>], vector<16xf32>,
      %add3A_1482 = arith.addi %add3A_1468, %add3A_4 : vector<16xi32>
      %gather3A_1483 = tpu.vector_load_idx %arg13[%add3A_1482] : memref<4096xf32, #tpu.memory_space<vmem>>[vector<16xi32>], vector<16xf32>,
      %select_n3A_1484 = arith.select %ge3A_1475, %gather3A_1483, %gather3A_1481 : vector<16xi1>, vector<16xf32>
      %broadcast_in_dim3A_1485 = arith.constant 0 : i32
      %broadcast_in_dim3A_1486 = vector.broadcast %broadcast_in_dim3A_1485 : i32 to vector<16xi32>
      %add3A_1487 = arith.constant 2 : i32
      %add3A_1488 = vector.broadcast %add3A_1487 : i32 to vector<16xi32>
      %add3A_1489 = arith.addi %broadcast_in_dim3A_1486, %add3A_1488 : vector<16xi32>
      %gather3A_1490 = tpu.vector_load_idx %arg11[%add3A_1489, %add3A_7, %add3A_1458] : memref<4x64x128xf32, #tpu.memory_space<vmem>>[vector<16xi32>, vector<16xi32>, vector<16xi32>], vector<16xf32>,
      %add3A_1491 = arith.addi %add3A_1468, %add3A_7 : vector<16xi32>
      %gather3A_1492 = tpu.vector_load_idx %arg13[%add3A_1491] : memref<4096xf32, #tpu.memory_space<vmem>>[vector<16xi32>], vector<16xf32>,
      %select_n3A_1493 = arith.select %ge3A_1475, %gather3A_1492, %gather3A_1490 : vector<16xi1>, vector<16xf32>
      %broadcast_in_dim3A_1494 = arith.constant 0 : i32
      %broadcast_in_dim3A_1495 = vector.broadcast %broadcast_in_dim3A_1494 : i32 to vector<16xi32>
      %add3A_1496 = arith.constant 2 : i32
      %add3A_1497 = vector.broadcast %add3A_1496 : i32 to vector<16xi32>
      %add3A_1498 = arith.addi %broadcast_in_dim3A_1495, %add3A_1497 : vector<16xi32>
      %gather3A_1499 = tpu.vector_load_idx %arg11[%add3A_1498, %add3A_10, %add3A_1458] : memref<4x64x128xf32, #tpu.memory_space<vmem>>[vector<16xi32>, vector<16xi32>, vector<16xi32>], vector<16xf32>,
      %add3A_1500 = arith.addi %add3A_1468, %add3A_10 : vector<16xi32>
      %gather3A_1501 = tpu.vector_load_idx %arg13[%add3A_1500] : memref<4096xf32, #tpu.memory_space<vmem>>[vector<16xi32>], vector<16xf32>,
      %select_n3A_1502 = arith.select %ge3A_1475, %gather3A_1501, %gather3A_1499 : vector<16xi1>, vector<16xf32>
      %broadcast_in_dim3A_1503 = arith.constant 0 : i32
      %broadcast_in_dim3A_1504 = vector.broadcast %broadcast_in_dim3A_1503 : i32 to vector<16xi32>
      %add3A_1505 = arith.constant 2 : i32
      %add3A_1506 = vector.broadcast %add3A_1505 : i32 to vector<16xi32>
      %add3A_1507 = arith.addi %broadcast_in_dim3A_1504, %add3A_1506 : vector<16xi32>
      %gather3A_1508 = tpu.vector_load_idx %arg11[%add3A_1507, %add3A_13, %add3A_1458] : memref<4x64x128xf32, #tpu.memory_space<vmem>>[vector<16xi32>, vector<16xi32>, vector<16xi32>], vector<16xf32>,
      %add3A_1509 = arith.addi %add3A_1468, %add3A_13 : vector<16xi32>
      %gather3A_1510 = tpu.vector_load_idx %arg13[%add3A_1509] : memref<4096xf32, #tpu.memory_space<vmem>>[vector<16xi32>], vector<16xf32>,
      %select_n3A_1511 = arith.select %ge3A_1475, %gather3A_1510, %gather3A_1508 : vector<16xi1>, vector<16xf32>
      %slice3A_1512 = vector.extract_strided_slice %get3A_199 {offsets = [6], sizes = [1], strides = [1]} : vector<16xi32> to vector<1xi32>
      %squeeze3A_1513 = vector.extract %slice3A_1512[0] : i32 from vector<1xi32>
      %and3A_1514 = arith.constant 127 : i32
      %and3A_1515 = arith.andi %squeeze3A_1513, %and3A_1514 : i32
      %broadcast_in_dim3A_1516 = arith.constant 0 : i32
      %broadcast_in_dim3A_1517 = vector.broadcast %broadcast_in_dim3A_1516 : i32 to vector<16xi32>
      %add3A_1518 = vector.broadcast %and3A_1515 : i32 to vector<16xi32>
      %add3A_1519 = arith.addi %broadcast_in_dim3A_1517, %add3A_1518 : vector<16xi32>
      %sub3A_1520 = arith.constant 999936 : i32
      %sub3A_1521 = arith.subi %squeeze3A_1513, %sub3A_1520 : i32
      %max3A_1522 = arith.constant 0 : i32
      %max3A_1523 = arith.maxsi %sub3A_1521, %max3A_1522 : i32
      %mul3A_1524 = arith.constant 64 : i32
      %mul3A_1525 = arith.muli %max3A_1523, %mul3A_1524 : i32
      %broadcast_in_dim3A_1526 = arith.constant 0 : i32
      %broadcast_in_dim3A_1527 = vector.broadcast %broadcast_in_dim3A_1526 : i32 to vector<16xi32>
      %add3A_1528 = vector.broadcast %mul3A_1525 : i32 to vector<16xi32>
      %add3A_1529 = arith.addi %broadcast_in_dim3A_1527, %add3A_1528 : vector<16xi32>
      %broadcast_in_dim3A_1530 = arith.constant 0 : i32
      %broadcast_in_dim3A_1531 = vector.broadcast %broadcast_in_dim3A_1530 : i32 to vector<16xi32>
      %add3A_1532 = vector.broadcast %squeeze3A_1513 : i32 to vector<16xi32>
      %add3A_1533 = arith.addi %broadcast_in_dim3A_1531, %add3A_1532 : vector<16xi32>
      %ge3A_1534 = arith.constant 999936 : i32
      %ge3A_1535 = vector.broadcast %ge3A_1534 : i32 to vector<16xi32>
      %ge3A_1536 = arith.cmpi sge, %add3A_1533, %ge3A_1535 : vector<16xi32>
      %broadcast_in_dim3A_1537 = arith.constant 0 : i32
      %broadcast_in_dim3A_1538 = vector.broadcast %broadcast_in_dim3A_1537 : i32 to vector<16xi32>
      %add3A_1539 = arith.constant 2 : i32
      %add3A_1540 = vector.broadcast %add3A_1539 : i32 to vector<16xi32>
      %add3A_1541 = arith.addi %broadcast_in_dim3A_1538, %add3A_1540 : vector<16xi32>
      %gather3A_1542 = tpu.vector_load_idx %arg12[%add3A_1541, %add3A_4, %add3A_1519] : memref<4x64x128xf32, #tpu.memory_space<vmem>>[vector<16xi32>, vector<16xi32>, vector<16xi32>], vector<16xf32>,
      %add3A_1543 = arith.addi %add3A_1529, %add3A_4 : vector<16xi32>
      %gather3A_1544 = tpu.vector_load_idx %arg14[%add3A_1543] : memref<4096xf32, #tpu.memory_space<vmem>>[vector<16xi32>], vector<16xf32>,
      %select_n3A_1545 = arith.select %ge3A_1536, %gather3A_1544, %gather3A_1542 : vector<16xi1>, vector<16xf32>
      %broadcast_in_dim3A_1546 = arith.constant 0 : i32
      %broadcast_in_dim3A_1547 = vector.broadcast %broadcast_in_dim3A_1546 : i32 to vector<16xi32>
      %add3A_1548 = arith.constant 2 : i32
      %add3A_1549 = vector.broadcast %add3A_1548 : i32 to vector<16xi32>
      %add3A_1550 = arith.addi %broadcast_in_dim3A_1547, %add3A_1549 : vector<16xi32>
      %gather3A_1551 = tpu.vector_load_idx %arg12[%add3A_1550, %add3A_7, %add3A_1519] : memref<4x64x128xf32, #tpu.memory_space<vmem>>[vector<16xi32>, vector<16xi32>, vector<16xi32>], vector<16xf32>,
      %add3A_1552 = arith.addi %add3A_1529, %add3A_7 : vector<16xi32>
      %gather3A_1553 = tpu.vector_load_idx %arg14[%add3A_1552] : memref<4096xf32, #tpu.memory_space<vmem>>[vector<16xi32>], vector<16xf32>,
      %select_n3A_1554 = arith.select %ge3A_1536, %gather3A_1553, %gather3A_1551 : vector<16xi1>, vector<16xf32>
      %broadcast_in_dim3A_1555 = arith.constant 0 : i32
      %broadcast_in_dim3A_1556 = vector.broadcast %broadcast_in_dim3A_1555 : i32 to vector<16xi32>
      %add3A_1557 = arith.constant 2 : i32
      %add3A_1558 = vector.broadcast %add3A_1557 : i32 to vector<16xi32>
      %add3A_1559 = arith.addi %broadcast_in_dim3A_1556, %add3A_1558 : vector<16xi32>
      %gather3A_1560 = tpu.vector_load_idx %arg12[%add3A_1559, %add3A_10, %add3A_1519] : memref<4x64x128xf32, #tpu.memory_space<vmem>>[vector<16xi32>, vector<16xi32>, vector<16xi32>], vector<16xf32>,
      %add3A_1561 = arith.addi %add3A_1529, %add3A_10 : vector<16xi32>
      %gather3A_1562 = tpu.vector_load_idx %arg14[%add3A_1561] : memref<4096xf32, #tpu.memory_space<vmem>>[vector<16xi32>], vector<16xf32>,
      %select_n3A_1563 = arith.select %ge3A_1536, %gather3A_1562, %gather3A_1560 : vector<16xi1>, vector<16xf32>
      %broadcast_in_dim3A_1564 = arith.constant 0 : i32
      %broadcast_in_dim3A_1565 = vector.broadcast %broadcast_in_dim3A_1564 : i32 to vector<16xi32>
      %add3A_1566 = arith.constant 2 : i32
      %add3A_1567 = vector.broadcast %add3A_1566 : i32 to vector<16xi32>
      %add3A_1568 = arith.addi %broadcast_in_dim3A_1565, %add3A_1567 : vector<16xi32>
      %gather3A_1569 = tpu.vector_load_idx %arg12[%add3A_1568, %add3A_13, %add3A_1519] : memref<4x64x128xf32, #tpu.memory_space<vmem>>[vector<16xi32>, vector<16xi32>, vector<16xi32>], vector<16xf32>,
      %add3A_1570 = arith.addi %add3A_1529, %add3A_13 : vector<16xi32>
      %gather3A_1571 = tpu.vector_load_idx %arg14[%add3A_1570] : memref<4096xf32, #tpu.memory_space<vmem>>[vector<16xi32>], vector<16xf32>,
      %select_n3A_1572 = arith.select %ge3A_1536, %gather3A_1571, %gather3A_1569 : vector<16xi1>, vector<16xf32>
      %mul3A_1573 = arith.mulf %select_n3A_1484, %select_n3A_1545 : vector<16xf32>
      %mul3A_1574 = arith.mulf %select_n3A_1493, %select_n3A_1554 : vector<16xf32>
      %add3A_1575 = arith.addf %mul3A_1573, %mul3A_1574 : vector<16xf32>
      %mul3A_1576 = arith.mulf %select_n3A_1502, %select_n3A_1563 : vector<16xf32>
      %add3A_1577 = arith.addf %add3A_1575, %mul3A_1576 : vector<16xf32>
      %mul3A_1578 = arith.mulf %select_n3A_1511, %select_n3A_1572 : vector<16xf32>
      %add3A_1579 = arith.addf %add3A_1577, %mul3A_1578 : vector<16xf32>
      %slice3A_1580 = vector.extract_strided_slice %get3A_195 {offsets = [10], sizes = [1], strides = [1]} : vector<16xi32> to vector<1xi32>
      %squeeze3A_1581 = vector.extract %slice3A_1580[0] : i32 from vector<1xi32>
      %shift_right_arithmetic3A_1582 = arith.constant 7 : i32
      %shift_right_arithmetic3A_1583 = arith.shrsi %squeeze3A_1581, %shift_right_arithmetic3A_1582 : i32
      %min3A_1584 = arith.constant 7811 : i32
      %min3A_1585 = arith.minsi %shift_right_arithmetic3A_1583, %min3A_1584 : i32
      %mul3A_1586 = arith.constant 128 : i32
      %mul3A_1587 = arith.muli %min3A_1585, %mul3A_1586 : i32
      %multiple_of3A_1588 = tpu.assume_multiple %mul3A_1587, 128 : i32
      %dma_start3A_1589 = arith.constant 2 : i32
      %dma_start3A_1590 = arith.constant 0 : i32
      %dma_start3A_1591 = arith.constant 0 : i32
      %dma_start3A_1592 = tpu.memref_slice %arg11[%dma_start3A_1589, %dma_start3A_1590, %dma_start3A_1591] : memref<4x64x128xf32, #tpu.memory_space<vmem>> -> memref<1x64x128xf32, #tpu.memory_space<vmem>>
      %dma_start3A_1593 = tpu.memref_squeeze %dma_start3A_1592 : memref<1x64x128xf32, #tpu.memory_space<vmem>> -> memref<64x128xf32, #tpu.memory_space<vmem>>
      %dma_start3A_1594 = arith.constant 0 : i32
      %dma_start3A_1595 = tpu.memref_slice %arg4[%dma_start3A_1594, %multiple_of3A_1588] : memref<64x1000000xf32, #tpu.memory_space<hbm>> -> memref<64x128xf32, #tpu.memory_space<hbm>>
      %dma_start3A_1596 = arith.constant 0 : i32
      %dma_start3A_1597 = arith.constant 0 : i32
      %dma_start3A_1598 = tpu.memref_slice %arg11[%dma_start3A_1589, %dma_start3A_1596, %dma_start3A_1597] : memref<4x64x128xf32, #tpu.memory_space<vmem>> -> memref<1x64x128xf32, #tpu.memory_space<vmem>>
      %dma_start3A_1599 = tpu.memref_squeeze %dma_start3A_1598 : memref<1x64x128xf32, #tpu.memory_space<vmem>> -> memref<64x128xf32, #tpu.memory_space<vmem>>
      %dma_start3A_1600 = arith.constant 0 : i32
      %dma_start3A_1601 = tpu.memref_slice %arg4[%dma_start3A_1600, %multiple_of3A_1588] : memref<64x1000000xf32, #tpu.memory_space<hbm>> -> memref<64x128xf32, #tpu.memory_space<hbm>>
      tpu.enqueue_dma source(%dma_start3A_1601 : memref<64x128xf32, #tpu.memory_space<hbm>>) target(%dma_start3A_1599 : memref<64x128xf32, #tpu.memory_space<vmem>>) target_semaphore(%arg16 : memref<!tpu.dma_semaphore, #tpu.memory_space<semaphore_mem>>)
      %slice3A_1602 = vector.extract_strided_slice %get3A_199 {offsets = [10], sizes = [1], strides = [1]} : vector<16xi32> to vector<1xi32>
      %squeeze3A_1603 = vector.extract %slice3A_1602[0] : i32 from vector<1xi32>
      %shift_right_arithmetic3A_1604 = arith.constant 7 : i32
      %shift_right_arithmetic3A_1605 = arith.shrsi %squeeze3A_1603, %shift_right_arithmetic3A_1604 : i32
      %min3A_1606 = arith.constant 7811 : i32
      %min3A_1607 = arith.minsi %shift_right_arithmetic3A_1605, %min3A_1606 : i32
      %mul3A_1608 = arith.constant 128 : i32
      %mul3A_1609 = arith.muli %min3A_1607, %mul3A_1608 : i32
      %multiple_of3A_1610 = tpu.assume_multiple %mul3A_1609, 128 : i32
      %dma_start3A_1611 = arith.constant 2 : i32
      %dma_start3A_1612 = arith.constant 0 : i32
      %dma_start3A_1613 = arith.constant 0 : i32
      %dma_start3A_1614 = tpu.memref_slice %arg12[%dma_start3A_1611, %dma_start3A_1612, %dma_start3A_1613] : memref<4x64x128xf32, #tpu.memory_space<vmem>> -> memref<1x64x128xf32, #tpu.memory_space<vmem>>
      %dma_start3A_1615 = tpu.memref_squeeze %dma_start3A_1614 : memref<1x64x128xf32, #tpu.memory_space<vmem>> -> memref<64x128xf32, #tpu.memory_space<vmem>>
      %dma_start3A_1616 = arith.constant 0 : i32
      %dma_start3A_1617 = tpu.memref_slice %arg5[%dma_start3A_1616, %multiple_of3A_1610] : memref<64x1000000xf32, #tpu.memory_space<hbm>> -> memref<64x128xf32, #tpu.memory_space<hbm>>
      %dma_start3A_1618 = arith.constant 0 : i32
      %dma_start3A_1619 = arith.constant 0 : i32
      %dma_start3A_1620 = tpu.memref_slice %arg12[%dma_start3A_1611, %dma_start3A_1618, %dma_start3A_1619] : memref<4x64x128xf32, #tpu.memory_space<vmem>> -> memref<1x64x128xf32, #tpu.memory_space<vmem>>
      %dma_start3A_1621 = tpu.memref_squeeze %dma_start3A_1620 : memref<1x64x128xf32, #tpu.memory_space<vmem>> -> memref<64x128xf32, #tpu.memory_space<vmem>>
      %dma_start3A_1622 = arith.constant 0 : i32
      %dma_start3A_1623 = tpu.memref_slice %arg5[%dma_start3A_1622, %multiple_of3A_1610] : memref<64x1000000xf32, #tpu.memory_space<hbm>> -> memref<64x128xf32, #tpu.memory_space<hbm>>
      tpu.enqueue_dma source(%dma_start3A_1623 : memref<64x128xf32, #tpu.memory_space<hbm>>) target(%dma_start3A_1621 : memref<64x128xf32, #tpu.memory_space<vmem>>) target_semaphore(%arg16 : memref<!tpu.dma_semaphore, #tpu.memory_space<semaphore_mem>>)
      %dma_wait3A_1624 = arith.constant 3 : i32
      %dma_wait3A_1625 = arith.constant 0 : i32
      %dma_wait3A_1626 = arith.constant 0 : i32
      %dma_wait3A_1627 = tpu.memref_slice %arg11[%dma_wait3A_1624, %dma_wait3A_1625, %dma_wait3A_1626] : memref<4x64x128xf32, #tpu.memory_space<vmem>> -> memref<1x64x128xf32, #tpu.memory_space<vmem>>
      %dma_wait3A_1628 = tpu.memref_squeeze %dma_wait3A_1627 : memref<1x64x128xf32, #tpu.memory_space<vmem>> -> memref<64x128xf32, #tpu.memory_space<vmem>>
      %dma_wait3A_1629 = arith.constant 0 : i32
      %dma_wait3A_1630 = arith.constant 0 : i32
      %dma_wait3A_1631 = tpu.memref_slice %arg4[%dma_wait3A_1629, %dma_wait3A_1630] : memref<64x1000000xf32, #tpu.memory_space<hbm>> -> memref<64x128xf32, #tpu.memory_space<hbm>>
      %dma_wait3A_1632 = arith.constant 0 : i32
      %dma_wait3A_1633 = arith.constant 0 : i32
      %dma_wait3A_1634 = tpu.memref_slice %arg11[%dma_wait3A_1624, %dma_wait3A_1632, %dma_wait3A_1633] : memref<4x64x128xf32, #tpu.memory_space<vmem>> -> memref<1x64x128xf32, #tpu.memory_space<vmem>>
      %dma_wait3A_1635 = tpu.memref_squeeze %dma_wait3A_1634 : memref<1x64x128xf32, #tpu.memory_space<vmem>> -> memref<64x128xf32, #tpu.memory_space<vmem>>
      %dma_wait3A_1636 = arith.constant 0 : i32
      %dma_wait3A_1637 = arith.constant 0 : i32
      %dma_wait3A_1638 = tpu.memref_slice %arg4[%dma_wait3A_1636, %dma_wait3A_1637] : memref<64x1000000xf32, #tpu.memory_space<hbm>> -> memref<64x128xf32, #tpu.memory_space<hbm>>
      tpu.wait_dma2 semaphore(%arg16 : memref<!tpu.dma_semaphore, #tpu.memory_space<semaphore_mem>>) src(%dma_wait3A_1638 : memref<64x128xf32, #tpu.memory_space<hbm>>) dst(%dma_wait3A_1635 : memref<64x128xf32, #tpu.memory_space<vmem>>)
      %dma_wait3A_1639 = arith.constant 3 : i32
      %dma_wait3A_1640 = arith.constant 0 : i32
      %dma_wait3A_1641 = arith.constant 0 : i32
      %dma_wait3A_1642 = tpu.memref_slice %arg12[%dma_wait3A_1639, %dma_wait3A_1640, %dma_wait3A_1641] : memref<4x64x128xf32, #tpu.memory_space<vmem>> -> memref<1x64x128xf32, #tpu.memory_space<vmem>>
      %dma_wait3A_1643 = tpu.memref_squeeze %dma_wait3A_1642 : memref<1x64x128xf32, #tpu.memory_space<vmem>> -> memref<64x128xf32, #tpu.memory_space<vmem>>
      %dma_wait3A_1644 = arith.constant 0 : i32
      %dma_wait3A_1645 = arith.constant 0 : i32
      %dma_wait3A_1646 = tpu.memref_slice %arg5[%dma_wait3A_1644, %dma_wait3A_1645] : memref<64x1000000xf32, #tpu.memory_space<hbm>> -> memref<64x128xf32, #tpu.memory_space<hbm>>
      %dma_wait3A_1647 = arith.constant 0 : i32
      %dma_wait3A_1648 = arith.constant 0 : i32
      %dma_wait3A_1649 = tpu.memref_slice %arg12[%dma_wait3A_1639, %dma_wait3A_1647, %dma_wait3A_1648] : memref<4x64x128xf32, #tpu.memory_space<vmem>> -> memref<1x64x128xf32, #tpu.memory_space<vmem>>
      %dma_wait3A_1650 = tpu.memref_squeeze %dma_wait3A_1649 : memref<1x64x128xf32, #tpu.memory_space<vmem>> -> memref<64x128xf32, #tpu.memory_space<vmem>>
      %dma_wait3A_1651 = arith.constant 0 : i32
      %dma_wait3A_1652 = arith.constant 0 : i32
      %dma_wait3A_1653 = tpu.memref_slice %arg5[%dma_wait3A_1651, %dma_wait3A_1652] : memref<64x1000000xf32, #tpu.memory_space<hbm>> -> memref<64x128xf32, #tpu.memory_space<hbm>>
      tpu.wait_dma2 semaphore(%arg16 : memref<!tpu.dma_semaphore, #tpu.memory_space<semaphore_mem>>) src(%dma_wait3A_1653 : memref<64x128xf32, #tpu.memory_space<hbm>>) dst(%dma_wait3A_1650 : memref<64x128xf32, #tpu.memory_space<vmem>>)
      %slice3A_1654 = vector.extract_strided_slice %get3A_195 {offsets = [7], sizes = [1], strides = [1]} : vector<16xi32> to vector<1xi32>
      %squeeze3A_1655 = vector.extract %slice3A_1654[0] : i32 from vector<1xi32>
      %and3A_1656 = arith.constant 127 : i32
      %and3A_1657 = arith.andi %squeeze3A_1655, %and3A_1656 : i32
      %broadcast_in_dim3A_1658 = arith.constant 0 : i32
      %broadcast_in_dim3A_1659 = vector.broadcast %broadcast_in_dim3A_1658 : i32 to vector<16xi32>
      %add3A_1660 = vector.broadcast %and3A_1657 : i32 to vector<16xi32>
      %add3A_1661 = arith.addi %broadcast_in_dim3A_1659, %add3A_1660 : vector<16xi32>
      %sub3A_1662 = arith.constant 999936 : i32
      %sub3A_1663 = arith.subi %squeeze3A_1655, %sub3A_1662 : i32
      %max3A_1664 = arith.constant 0 : i32
      %max3A_1665 = arith.maxsi %sub3A_1663, %max3A_1664 : i32
      %mul3A_1666 = arith.constant 64 : i32
      %mul3A_1667 = arith.muli %max3A_1665, %mul3A_1666 : i32
      %broadcast_in_dim3A_1668 = arith.constant 0 : i32
      %broadcast_in_dim3A_1669 = vector.broadcast %broadcast_in_dim3A_1668 : i32 to vector<16xi32>
      %add3A_1670 = vector.broadcast %mul3A_1667 : i32 to vector<16xi32>
      %add3A_1671 = arith.addi %broadcast_in_dim3A_1669, %add3A_1670 : vector<16xi32>
      %broadcast_in_dim3A_1672 = arith.constant 0 : i32
      %broadcast_in_dim3A_1673 = vector.broadcast %broadcast_in_dim3A_1672 : i32 to vector<16xi32>
      %add3A_1674 = vector.broadcast %squeeze3A_1655 : i32 to vector<16xi32>
      %add3A_1675 = arith.addi %broadcast_in_dim3A_1673, %add3A_1674 : vector<16xi32>
      %ge3A_1676 = arith.constant 999936 : i32
      %ge3A_1677 = vector.broadcast %ge3A_1676 : i32 to vector<16xi32>
      %ge3A_1678 = arith.cmpi sge, %add3A_1675, %ge3A_1677 : vector<16xi32>
      %broadcast_in_dim3A_1679 = arith.constant 0 : i32
      %broadcast_in_dim3A_1680 = vector.broadcast %broadcast_in_dim3A_1679 : i32 to vector<16xi32>
      %add3A_1681 = arith.constant 3 : i32
      %add3A_1682 = vector.broadcast %add3A_1681 : i32 to vector<16xi32>
      %add3A_1683 = arith.addi %broadcast_in_dim3A_1680, %add3A_1682 : vector<16xi32>
      %gather3A_1684 = tpu.vector_load_idx %arg11[%add3A_1683, %add3A_4, %add3A_1661] : memref<4x64x128xf32, #tpu.memory_space<vmem>>[vector<16xi32>, vector<16xi32>, vector<16xi32>], vector<16xf32>,
      %add3A_1685 = arith.addi %add3A_1671, %add3A_4 : vector<16xi32>
      %gather3A_1686 = tpu.vector_load_idx %arg13[%add3A_1685] : memref<4096xf32, #tpu.memory_space<vmem>>[vector<16xi32>], vector<16xf32>,
      %select_n3A_1687 = arith.select %ge3A_1678, %gather3A_1686, %gather3A_1684 : vector<16xi1>, vector<16xf32>
      %broadcast_in_dim3A_1688 = arith.constant 0 : i32
      %broadcast_in_dim3A_1689 = vector.broadcast %broadcast_in_dim3A_1688 : i32 to vector<16xi32>
      %add3A_1690 = arith.constant 3 : i32
      %add3A_1691 = vector.broadcast %add3A_1690 : i32 to vector<16xi32>
      %add3A_1692 = arith.addi %broadcast_in_dim3A_1689, %add3A_1691 : vector<16xi32>
      %gather3A_1693 = tpu.vector_load_idx %arg11[%add3A_1692, %add3A_7, %add3A_1661] : memref<4x64x128xf32, #tpu.memory_space<vmem>>[vector<16xi32>, vector<16xi32>, vector<16xi32>], vector<16xf32>,
      %add3A_1694 = arith.addi %add3A_1671, %add3A_7 : vector<16xi32>
      %gather3A_1695 = tpu.vector_load_idx %arg13[%add3A_1694] : memref<4096xf32, #tpu.memory_space<vmem>>[vector<16xi32>], vector<16xf32>,
      %select_n3A_1696 = arith.select %ge3A_1678, %gather3A_1695, %gather3A_1693 : vector<16xi1>, vector<16xf32>
      %broadcast_in_dim3A_1697 = arith.constant 0 : i32
      %broadcast_in_dim3A_1698 = vector.broadcast %broadcast_in_dim3A_1697 : i32 to vector<16xi32>
      %add3A_1699 = arith.constant 3 : i32
      %add3A_1700 = vector.broadcast %add3A_1699 : i32 to vector<16xi32>
      %add3A_1701 = arith.addi %broadcast_in_dim3A_1698, %add3A_1700 : vector<16xi32>
      %gather3A_1702 = tpu.vector_load_idx %arg11[%add3A_1701, %add3A_10, %add3A_1661] : memref<4x64x128xf32, #tpu.memory_space<vmem>>[vector<16xi32>, vector<16xi32>, vector<16xi32>], vector<16xf32>,
      %add3A_1703 = arith.addi %add3A_1671, %add3A_10 : vector<16xi32>
      %gather3A_1704 = tpu.vector_load_idx %arg13[%add3A_1703] : memref<4096xf32, #tpu.memory_space<vmem>>[vector<16xi32>], vector<16xf32>,
      %select_n3A_1705 = arith.select %ge3A_1678, %gather3A_1704, %gather3A_1702 : vector<16xi1>, vector<16xf32>
      %broadcast_in_dim3A_1706 = arith.constant 0 : i32
      %broadcast_in_dim3A_1707 = vector.broadcast %broadcast_in_dim3A_1706 : i32 to vector<16xi32>
      %add3A_1708 = arith.constant 3 : i32
      %add3A_1709 = vector.broadcast %add3A_1708 : i32 to vector<16xi32>
      %add3A_1710 = arith.addi %broadcast_in_dim3A_1707, %add3A_1709 : vector<16xi32>
      %gather3A_1711 = tpu.vector_load_idx %arg11[%add3A_1710, %add3A_13, %add3A_1661] : memref<4x64x128xf32, #tpu.memory_space<vmem>>[vector<16xi32>, vector<16xi32>, vector<16xi32>], vector<16xf32>,
      %add3A_1712 = arith.addi %add3A_1671, %add3A_13 : vector<16xi32>
      %gather3A_1713 = tpu.vector_load_idx %arg13[%add3A_1712] : memref<4096xf32, #tpu.memory_space<vmem>>[vector<16xi32>], vector<16xf32>,
      %select_n3A_1714 = arith.select %ge3A_1678, %gather3A_1713, %gather3A_1711 : vector<16xi1>, vector<16xf32>
      %slice3A_1715 = vector.extract_strided_slice %get3A_199 {offsets = [7], sizes = [1], strides = [1]} : vector<16xi32> to vector<1xi32>
      %squeeze3A_1716 = vector.extract %slice3A_1715[0] : i32 from vector<1xi32>
      %and3A_1717 = arith.constant 127 : i32
      %and3A_1718 = arith.andi %squeeze3A_1716, %and3A_1717 : i32
      %broadcast_in_dim3A_1719 = arith.constant 0 : i32
      %broadcast_in_dim3A_1720 = vector.broadcast %broadcast_in_dim3A_1719 : i32 to vector<16xi32>
      %add3A_1721 = vector.broadcast %and3A_1718 : i32 to vector<16xi32>
      %add3A_1722 = arith.addi %broadcast_in_dim3A_1720, %add3A_1721 : vector<16xi32>
      %sub3A_1723 = arith.constant 999936 : i32
      %sub3A_1724 = arith.subi %squeeze3A_1716, %sub3A_1723 : i32
      %max3A_1725 = arith.constant 0 : i32
      %max3A_1726 = arith.maxsi %sub3A_1724, %max3A_1725 : i32
      %mul3A_1727 = arith.constant 64 : i32
      %mul3A_1728 = arith.muli %max3A_1726, %mul3A_1727 : i32
      %broadcast_in_dim3A_1729 = arith.constant 0 : i32
      %broadcast_in_dim3A_1730 = vector.broadcast %broadcast_in_dim3A_1729 : i32 to vector<16xi32>
      %add3A_1731 = vector.broadcast %mul3A_1728 : i32 to vector<16xi32>
      %add3A_1732 = arith.addi %broadcast_in_dim3A_1730, %add3A_1731 : vector<16xi32>
      %broadcast_in_dim3A_1733 = arith.constant 0 : i32
      %broadcast_in_dim3A_1734 = vector.broadcast %broadcast_in_dim3A_1733 : i32 to vector<16xi32>
      %add3A_1735 = vector.broadcast %squeeze3A_1716 : i32 to vector<16xi32>
      %add3A_1736 = arith.addi %broadcast_in_dim3A_1734, %add3A_1735 : vector<16xi32>
      %ge3A_1737 = arith.constant 999936 : i32
      %ge3A_1738 = vector.broadcast %ge3A_1737 : i32 to vector<16xi32>
      %ge3A_1739 = arith.cmpi sge, %add3A_1736, %ge3A_1738 : vector<16xi32>
      %broadcast_in_dim3A_1740 = arith.constant 0 : i32
      %broadcast_in_dim3A_1741 = vector.broadcast %broadcast_in_dim3A_1740 : i32 to vector<16xi32>
      %add3A_1742 = arith.constant 3 : i32
      %add3A_1743 = vector.broadcast %add3A_1742 : i32 to vector<16xi32>
      %add3A_1744 = arith.addi %broadcast_in_dim3A_1741, %add3A_1743 : vector<16xi32>
      %gather3A_1745 = tpu.vector_load_idx %arg12[%add3A_1744, %add3A_4, %add3A_1722] : memref<4x64x128xf32, #tpu.memory_space<vmem>>[vector<16xi32>, vector<16xi32>, vector<16xi32>], vector<16xf32>,
      %add3A_1746 = arith.addi %add3A_1732, %add3A_4 : vector<16xi32>
      %gather3A_1747 = tpu.vector_load_idx %arg14[%add3A_1746] : memref<4096xf32, #tpu.memory_space<vmem>>[vector<16xi32>], vector<16xf32>,
      %select_n3A_1748 = arith.select %ge3A_1739, %gather3A_1747, %gather3A_1745 : vector<16xi1>, vector<16xf32>
      %broadcast_in_dim3A_1749 = arith.constant 0 : i32
      %broadcast_in_dim3A_1750 = vector.broadcast %broadcast_in_dim3A_1749 : i32 to vector<16xi32>
      %add3A_1751 = arith.constant 3 : i32
      %add3A_1752 = vector.broadcast %add3A_1751 : i32 to vector<16xi32>
      %add3A_1753 = arith.addi %broadcast_in_dim3A_1750, %add3A_1752 : vector<16xi32>
      %gather3A_1754 = tpu.vector_load_idx %arg12[%add3A_1753, %add3A_7, %add3A_1722] : memref<4x64x128xf32, #tpu.memory_space<vmem>>[vector<16xi32>, vector<16xi32>, vector<16xi32>], vector<16xf32>,
      %add3A_1755 = arith.addi %add3A_1732, %add3A_7 : vector<16xi32>
      %gather3A_1756 = tpu.vector_load_idx %arg14[%add3A_1755] : memref<4096xf32, #tpu.memory_space<vmem>>[vector<16xi32>], vector<16xf32>,
      %select_n3A_1757 = arith.select %ge3A_1739, %gather3A_1756, %gather3A_1754 : vector<16xi1>, vector<16xf32>
      %broadcast_in_dim3A_1758 = arith.constant 0 : i32
      %broadcast_in_dim3A_1759 = vector.broadcast %broadcast_in_dim3A_1758 : i32 to vector<16xi32>
      %add3A_1760 = arith.constant 3 : i32
      %add3A_1761 = vector.broadcast %add3A_1760 : i32 to vector<16xi32>
      %add3A_1762 = arith.addi %broadcast_in_dim3A_1759, %add3A_1761 : vector<16xi32>
      %gather3A_1763 = tpu.vector_load_idx %arg12[%add3A_1762, %add3A_10, %add3A_1722] : memref<4x64x128xf32, #tpu.memory_space<vmem>>[vector<16xi32>, vector<16xi32>, vector<16xi32>], vector<16xf32>,
      %add3A_1764 = arith.addi %add3A_1732, %add3A_10 : vector<16xi32>
      %gather3A_1765 = tpu.vector_load_idx %arg14[%add3A_1764] : memref<4096xf32, #tpu.memory_space<vmem>>[vector<16xi32>], vector<16xf32>,
      %select_n3A_1766 = arith.select %ge3A_1739, %gather3A_1765, %gather3A_1763 : vector<16xi1>, vector<16xf32>
      %broadcast_in_dim3A_1767 = arith.constant 0 : i32
      %broadcast_in_dim3A_1768 = vector.broadcast %broadcast_in_dim3A_1767 : i32 to vector<16xi32>
      %add3A_1769 = arith.constant 3 : i32
      %add3A_1770 = vector.broadcast %add3A_1769 : i32 to vector<16xi32>
      %add3A_1771 = arith.addi %broadcast_in_dim3A_1768, %add3A_1770 : vector<16xi32>
      %gather3A_1772 = tpu.vector_load_idx %arg12[%add3A_1771, %add3A_13, %add3A_1722] : memref<4x64x128xf32, #tpu.memory_space<vmem>>[vector<16xi32>, vector<16xi32>, vector<16xi32>], vector<16xf32>,
      %add3A_1773 = arith.addi %add3A_1732, %add3A_13 : vector<16xi32>
      %gather3A_1774 = tpu.vector_load_idx %arg14[%add3A_1773] : memref<4096xf32, #tpu.memory_space<vmem>>[vector<16xi32>], vector<16xf32>,
      %select_n3A_1775 = arith.select %ge3A_1739, %gather3A_1774, %gather3A_1772 : vector<16xi1>, vector<16xf32>
      %mul3A_1776 = arith.mulf %select_n3A_1687, %select_n3A_1748 : vector<16xf32>
      %mul3A_1777 = arith.mulf %select_n3A_1696, %select_n3A_1757 : vector<16xf32>
      %add3A_1778 = arith.addf %mul3A_1776, %mul3A_1777 : vector<16xf32>
      %mul3A_1779 = arith.mulf %select_n3A_1705, %select_n3A_1766 : vector<16xf32>
      %add3A_1780 = arith.addf %add3A_1778, %mul3A_1779 : vector<16xf32>
      %mul3A_1781 = arith.mulf %select_n3A_1714, %select_n3A_1775 : vector<16xf32>
      %add3A_1782 = arith.addf %add3A_1780, %mul3A_1781 : vector<16xf32>
      %slice3A_1783 = vector.extract_strided_slice %get3A_195 {offsets = [11], sizes = [1], strides = [1]} : vector<16xi32> to vector<1xi32>
      %squeeze3A_1784 = vector.extract %slice3A_1783[0] : i32 from vector<1xi32>
      %shift_right_arithmetic3A_1785 = arith.constant 7 : i32
      %shift_right_arithmetic3A_1786 = arith.shrsi %squeeze3A_1784, %shift_right_arithmetic3A_1785 : i32
      %min3A_1787 = arith.constant 7811 : i32
      %min3A_1788 = arith.minsi %shift_right_arithmetic3A_1786, %min3A_1787 : i32
      %mul3A_1789 = arith.constant 128 : i32
      %mul3A_1790 = arith.muli %min3A_1788, %mul3A_1789 : i32
      %multiple_of3A_1791 = tpu.assume_multiple %mul3A_1790, 128 : i32
      %dma_start3A_1792 = arith.constant 3 : i32
      %dma_start3A_1793 = arith.constant 0 : i32
      %dma_start3A_1794 = arith.constant 0 : i32
      %dma_start3A_1795 = tpu.memref_slice %arg11[%dma_start3A_1792, %dma_start3A_1793, %dma_start3A_1794] : memref<4x64x128xf32, #tpu.memory_space<vmem>> -> memref<1x64x128xf32, #tpu.memory_space<vmem>>
      %dma_start3A_1796 = tpu.memref_squeeze %dma_start3A_1795 : memref<1x64x128xf32, #tpu.memory_space<vmem>> -> memref<64x128xf32, #tpu.memory_space<vmem>>
      %dma_start3A_1797 = arith.constant 0 : i32
      %dma_start3A_1798 = tpu.memref_slice %arg4[%dma_start3A_1797, %multiple_of3A_1791] : memref<64x1000000xf32, #tpu.memory_space<hbm>> -> memref<64x128xf32, #tpu.memory_space<hbm>>
      %dma_start3A_1799 = arith.constant 0 : i32
      %dma_start3A_1800 = arith.constant 0 : i32
      %dma_start3A_1801 = tpu.memref_slice %arg11[%dma_start3A_1792, %dma_start3A_1799, %dma_start3A_1800] : memref<4x64x128xf32, #tpu.memory_space<vmem>> -> memref<1x64x128xf32, #tpu.memory_space<vmem>>
      %dma_start3A_1802 = tpu.memref_squeeze %dma_start3A_1801 : memref<1x64x128xf32, #tpu.memory_space<vmem>> -> memref<64x128xf32, #tpu.memory_space<vmem>>
      %dma_start3A_1803 = arith.constant 0 : i32
      %dma_start3A_1804 = tpu.memref_slice %arg4[%dma_start3A_1803, %multiple_of3A_1791] : memref<64x1000000xf32, #tpu.memory_space<hbm>> -> memref<64x128xf32, #tpu.memory_space<hbm>>
      tpu.enqueue_dma source(%dma_start3A_1804 : memref<64x128xf32, #tpu.memory_space<hbm>>) target(%dma_start3A_1802 : memref<64x128xf32, #tpu.memory_space<vmem>>) target_semaphore(%arg16 : memref<!tpu.dma_semaphore, #tpu.memory_space<semaphore_mem>>)
      %slice3A_1805 = vector.extract_strided_slice %get3A_199 {offsets = [11], sizes = [1], strides = [1]} : vector<16xi32> to vector<1xi32>
      %squeeze3A_1806 = vector.extract %slice3A_1805[0] : i32 from vector<1xi32>
      %shift_right_arithmetic3A_1807 = arith.constant 7 : i32
      %shift_right_arithmetic3A_1808 = arith.shrsi %squeeze3A_1806, %shift_right_arithmetic3A_1807 : i32
      %min3A_1809 = arith.constant 7811 : i32
      %min3A_1810 = arith.minsi %shift_right_arithmetic3A_1808, %min3A_1809 : i32
      %mul3A_1811 = arith.constant 128 : i32
      %mul3A_1812 = arith.muli %min3A_1810, %mul3A_1811 : i32
      %multiple_of3A_1813 = tpu.assume_multiple %mul3A_1812, 128 : i32
      %dma_start3A_1814 = arith.constant 3 : i32
      %dma_start3A_1815 = arith.constant 0 : i32
      %dma_start3A_1816 = arith.constant 0 : i32
      %dma_start3A_1817 = tpu.memref_slice %arg12[%dma_start3A_1814, %dma_start3A_1815, %dma_start3A_1816] : memref<4x64x128xf32, #tpu.memory_space<vmem>> -> memref<1x64x128xf32, #tpu.memory_space<vmem>>
      %dma_start3A_1818 = tpu.memref_squeeze %dma_start3A_1817 : memref<1x64x128xf32, #tpu.memory_space<vmem>> -> memref<64x128xf32, #tpu.memory_space<vmem>>
      %dma_start3A_1819 = arith.constant 0 : i32
      %dma_start3A_1820 = tpu.memref_slice %arg5[%dma_start3A_1819, %multiple_of3A_1813] : memref<64x1000000xf32, #tpu.memory_space<hbm>> -> memref<64x128xf32, #tpu.memory_space<hbm>>
      %dma_start3A_1821 = arith.constant 0 : i32
      %dma_start3A_1822 = arith.constant 0 : i32
      %dma_start3A_1823 = tpu.memref_slice %arg12[%dma_start3A_1814, %dma_start3A_1821, %dma_start3A_1822] : memref<4x64x128xf32, #tpu.memory_space<vmem>> -> memref<1x64x128xf32, #tpu.memory_space<vmem>>
      %dma_start3A_1824 = tpu.memref_squeeze %dma_start3A_1823 : memref<1x64x128xf32, #tpu.memory_space<vmem>> -> memref<64x128xf32, #tpu.memory_space<vmem>>
      %dma_start3A_1825 = arith.constant 0 : i32
      %dma_start3A_1826 = tpu.memref_slice %arg5[%dma_start3A_1825, %multiple_of3A_1813] : memref<64x1000000xf32, #tpu.memory_space<hbm>> -> memref<64x128xf32, #tpu.memory_space<hbm>>
      tpu.enqueue_dma source(%dma_start3A_1826 : memref<64x128xf32, #tpu.memory_space<hbm>>) target(%dma_start3A_1824 : memref<64x128xf32, #tpu.memory_space<vmem>>) target_semaphore(%arg16 : memref<!tpu.dma_semaphore, #tpu.memory_space<semaphore_mem>>)
      %dma_wait3A_1827 = arith.constant 0 : i32
      %dma_wait3A_1828 = arith.constant 0 : i32
      %dma_wait3A_1829 = arith.constant 0 : i32
      %dma_wait3A_1830 = tpu.memref_slice %arg11[%dma_wait3A_1827, %dma_wait3A_1828, %dma_wait3A_1829] : memref<4x64x128xf32, #tpu.memory_space<vmem>> -> memref<1x64x128xf32, #tpu.memory_space<vmem>>
      %dma_wait3A_1831 = tpu.memref_squeeze %dma_wait3A_1830 : memref<1x64x128xf32, #tpu.memory_space<vmem>> -> memref<64x128xf32, #tpu.memory_space<vmem>>
      %dma_wait3A_1832 = arith.constant 0 : i32
      %dma_wait3A_1833 = arith.constant 0 : i32
      %dma_wait3A_1834 = tpu.memref_slice %arg4[%dma_wait3A_1832, %dma_wait3A_1833] : memref<64x1000000xf32, #tpu.memory_space<hbm>> -> memref<64x128xf32, #tpu.memory_space<hbm>>
      %dma_wait3A_1835 = arith.constant 0 : i32
      %dma_wait3A_1836 = arith.constant 0 : i32
      %dma_wait3A_1837 = tpu.memref_slice %arg11[%dma_wait3A_1827, %dma_wait3A_1835, %dma_wait3A_1836] : memref<4x64x128xf32, #tpu.memory_space<vmem>> -> memref<1x64x128xf32, #tpu.memory_space<vmem>>
      %dma_wait3A_1838 = tpu.memref_squeeze %dma_wait3A_1837 : memref<1x64x128xf32, #tpu.memory_space<vmem>> -> memref<64x128xf32, #tpu.memory_space<vmem>>
      %dma_wait3A_1839 = arith.constant 0 : i32
      %dma_wait3A_1840 = arith.constant 0 : i32
      %dma_wait3A_1841 = tpu.memref_slice %arg4[%dma_wait3A_1839, %dma_wait3A_1840] : memref<64x1000000xf32, #tpu.memory_space<hbm>> -> memref<64x128xf32, #tpu.memory_space<hbm>>
      tpu.wait_dma2 semaphore(%arg16 : memref<!tpu.dma_semaphore, #tpu.memory_space<semaphore_mem>>) src(%dma_wait3A_1841 : memref<64x128xf32, #tpu.memory_space<hbm>>) dst(%dma_wait3A_1838 : memref<64x128xf32, #tpu.memory_space<vmem>>)
      %dma_wait3A_1842 = arith.constant 0 : i32
      %dma_wait3A_1843 = arith.constant 0 : i32
      %dma_wait3A_1844 = arith.constant 0 : i32
      %dma_wait3A_1845 = tpu.memref_slice %arg12[%dma_wait3A_1842, %dma_wait3A_1843, %dma_wait3A_1844] : memref<4x64x128xf32, #tpu.memory_space<vmem>> -> memref<1x64x128xf32, #tpu.memory_space<vmem>>
      %dma_wait3A_1846 = tpu.memref_squeeze %dma_wait3A_1845 : memref<1x64x128xf32, #tpu.memory_space<vmem>> -> memref<64x128xf32, #tpu.memory_space<vmem>>
      %dma_wait3A_1847 = arith.constant 0 : i32
      %dma_wait3A_1848 = arith.constant 0 : i32
      %dma_wait3A_1849 = tpu.memref_slice %arg5[%dma_wait3A_1847, %dma_wait3A_1848] : memref<64x1000000xf32, #tpu.memory_space<hbm>> -> memref<64x128xf32, #tpu.memory_space<hbm>>
      %dma_wait3A_1850 = arith.constant 0 : i32
      %dma_wait3A_1851 = arith.constant 0 : i32
      %dma_wait3A_1852 = tpu.memref_slice %arg12[%dma_wait3A_1842, %dma_wait3A_1850, %dma_wait3A_1851] : memref<4x64x128xf32, #tpu.memory_space<vmem>> -> memref<1x64x128xf32, #tpu.memory_space<vmem>>
      %dma_wait3A_1853 = tpu.memref_squeeze %dma_wait3A_1852 : memref<1x64x128xf32, #tpu.memory_space<vmem>> -> memref<64x128xf32, #tpu.memory_space<vmem>>
      %dma_wait3A_1854 = arith.constant 0 : i32
      %dma_wait3A_1855 = arith.constant 0 : i32
      %dma_wait3A_1856 = tpu.memref_slice %arg5[%dma_wait3A_1854, %dma_wait3A_1855] : memref<64x1000000xf32, #tpu.memory_space<hbm>> -> memref<64x128xf32, #tpu.memory_space<hbm>>
      tpu.wait_dma2 semaphore(%arg16 : memref<!tpu.dma_semaphore, #tpu.memory_space<semaphore_mem>>) src(%dma_wait3A_1856 : memref<64x128xf32, #tpu.memory_space<hbm>>) dst(%dma_wait3A_1853 : memref<64x128xf32, #tpu.memory_space<vmem>>)
      %slice3A_1857 = vector.extract_strided_slice %get3A_195 {offsets = [8], sizes = [1], strides = [1]} : vector<16xi32> to vector<1xi32>
      %squeeze3A_1858 = vector.extract %slice3A_1857[0] : i32 from vector<1xi32>
      %and3A_1859 = arith.constant 127 : i32
      %and3A_1860 = arith.andi %squeeze3A_1858, %and3A_1859 : i32
      %broadcast_in_dim3A_1861 = arith.constant 0 : i32
      %broadcast_in_dim3A_1862 = vector.broadcast %broadcast_in_dim3A_1861 : i32 to vector<16xi32>
      %add3A_1863 = vector.broadcast %and3A_1860 : i32 to vector<16xi32>
      %add3A_1864 = arith.addi %broadcast_in_dim3A_1862, %add3A_1863 : vector<16xi32>
      %sub3A_1865 = arith.constant 999936 : i32
      %sub3A_1866 = arith.subi %squeeze3A_1858, %sub3A_1865 : i32
      %max3A_1867 = arith.constant 0 : i32
      %max3A_1868 = arith.maxsi %sub3A_1866, %max3A_1867 : i32
      %mul3A_1869 = arith.constant 64 : i32
      %mul3A_1870 = arith.muli %max3A_1868, %mul3A_1869 : i32
      %broadcast_in_dim3A_1871 = arith.constant 0 : i32
      %broadcast_in_dim3A_1872 = vector.broadcast %broadcast_in_dim3A_1871 : i32 to vector<16xi32>
      %add3A_1873 = vector.broadcast %mul3A_1870 : i32 to vector<16xi32>
      %add3A_1874 = arith.addi %broadcast_in_dim3A_1872, %add3A_1873 : vector<16xi32>
      %broadcast_in_dim3A_1875 = arith.constant 0 : i32
      %broadcast_in_dim3A_1876 = vector.broadcast %broadcast_in_dim3A_1875 : i32 to vector<16xi32>
      %add3A_1877 = vector.broadcast %squeeze3A_1858 : i32 to vector<16xi32>
      %add3A_1878 = arith.addi %broadcast_in_dim3A_1876, %add3A_1877 : vector<16xi32>
      %ge3A_1879 = arith.constant 999936 : i32
      %ge3A_1880 = vector.broadcast %ge3A_1879 : i32 to vector<16xi32>
      %ge3A_1881 = arith.cmpi sge, %add3A_1878, %ge3A_1880 : vector<16xi32>
      %broadcast_in_dim3A_1882 = arith.constant 0 : i32
      %broadcast_in_dim3A_1883 = vector.broadcast %broadcast_in_dim3A_1882 : i32 to vector<16xi32>
      %add3A_1884 = arith.constant 0 : i32
      %add3A_1885 = vector.broadcast %add3A_1884 : i32 to vector<16xi32>
      %add3A_1886 = arith.addi %broadcast_in_dim3A_1883, %add3A_1885 : vector<16xi32>
      %gather3A_1887 = tpu.vector_load_idx %arg11[%add3A_1886, %add3A_4, %add3A_1864] : memref<4x64x128xf32, #tpu.memory_space<vmem>>[vector<16xi32>, vector<16xi32>, vector<16xi32>], vector<16xf32>,
      %add3A_1888 = arith.addi %add3A_1874, %add3A_4 : vector<16xi32>
      %gather3A_1889 = tpu.vector_load_idx %arg13[%add3A_1888] : memref<4096xf32, #tpu.memory_space<vmem>>[vector<16xi32>], vector<16xf32>,
      %select_n3A_1890 = arith.select %ge3A_1881, %gather3A_1889, %gather3A_1887 : vector<16xi1>, vector<16xf32>
      %broadcast_in_dim3A_1891 = arith.constant 0 : i32
      %broadcast_in_dim3A_1892 = vector.broadcast %broadcast_in_dim3A_1891 : i32 to vector<16xi32>
      %add3A_1893 = arith.constant 0 : i32
      %add3A_1894 = vector.broadcast %add3A_1893 : i32 to vector<16xi32>
      %add3A_1895 = arith.addi %broadcast_in_dim3A_1892, %add3A_1894 : vector<16xi32>
      %gather3A_1896 = tpu.vector_load_idx %arg11[%add3A_1895, %add3A_7, %add3A_1864] : memref<4x64x128xf32, #tpu.memory_space<vmem>>[vector<16xi32>, vector<16xi32>, vector<16xi32>], vector<16xf32>,
      %add3A_1897 = arith.addi %add3A_1874, %add3A_7 : vector<16xi32>
      %gather3A_1898 = tpu.vector_load_idx %arg13[%add3A_1897] : memref<4096xf32, #tpu.memory_space<vmem>>[vector<16xi32>], vector<16xf32>,
      %select_n3A_1899 = arith.select %ge3A_1881, %gather3A_1898, %gather3A_1896 : vector<16xi1>, vector<16xf32>
      %broadcast_in_dim3A_1900 = arith.constant 0 : i32
      %broadcast_in_dim3A_1901 = vector.broadcast %broadcast_in_dim3A_1900 : i32 to vector<16xi32>
      %add3A_1902 = arith.constant 0 : i32
      %add3A_1903 = vector.broadcast %add3A_1902 : i32 to vector<16xi32>
      %add3A_1904 = arith.addi %broadcast_in_dim3A_1901, %add3A_1903 : vector<16xi32>
      %gather3A_1905 = tpu.vector_load_idx %arg11[%add3A_1904, %add3A_10, %add3A_1864] : memref<4x64x128xf32, #tpu.memory_space<vmem>>[vector<16xi32>, vector<16xi32>, vector<16xi32>], vector<16xf32>,
      %add3A_1906 = arith.addi %add3A_1874, %add3A_10 : vector<16xi32>
      %gather3A_1907 = tpu.vector_load_idx %arg13[%add3A_1906] : memref<4096xf32, #tpu.memory_space<vmem>>[vector<16xi32>], vector<16xf32>,
      %select_n3A_1908 = arith.select %ge3A_1881, %gather3A_1907, %gather3A_1905 : vector<16xi1>, vector<16xf32>
      %broadcast_in_dim3A_1909 = arith.constant 0 : i32
      %broadcast_in_dim3A_1910 = vector.broadcast %broadcast_in_dim3A_1909 : i32 to vector<16xi32>
      %add3A_1911 = arith.constant 0 : i32
      %add3A_1912 = vector.broadcast %add3A_1911 : i32 to vector<16xi32>
      %add3A_1913 = arith.addi %broadcast_in_dim3A_1910, %add3A_1912 : vector<16xi32>
      %gather3A_1914 = tpu.vector_load_idx %arg11[%add3A_1913, %add3A_13, %add3A_1864] : memref<4x64x128xf32, #tpu.memory_space<vmem>>[vector<16xi32>, vector<16xi32>, vector<16xi32>], vector<16xf32>,
      %add3A_1915 = arith.addi %add3A_1874, %add3A_13 : vector<16xi32>
      %gather3A_1916 = tpu.vector_load_idx %arg13[%add3A_1915] : memref<4096xf32, #tpu.memory_space<vmem>>[vector<16xi32>], vector<16xf32>,
      %select_n3A_1917 = arith.select %ge3A_1881, %gather3A_1916, %gather3A_1914 : vector<16xi1>, vector<16xf32>
      %slice3A_1918 = vector.extract_strided_slice %get3A_199 {offsets = [8], sizes = [1], strides = [1]} : vector<16xi32> to vector<1xi32>
      %squeeze3A_1919 = vector.extract %slice3A_1918[0] : i32 from vector<1xi32>
      %and3A_1920 = arith.constant 127 : i32
      %and3A_1921 = arith.andi %squeeze3A_1919, %and3A_1920 : i32
      %broadcast_in_dim3A_1922 = arith.constant 0 : i32
      %broadcast_in_dim3A_1923 = vector.broadcast %broadcast_in_dim3A_1922 : i32 to vector<16xi32>
      %add3A_1924 = vector.broadcast %and3A_1921 : i32 to vector<16xi32>
      %add3A_1925 = arith.addi %broadcast_in_dim3A_1923, %add3A_1924 : vector<16xi32>
      %sub3A_1926 = arith.constant 999936 : i32
      %sub3A_1927 = arith.subi %squeeze3A_1919, %sub3A_1926 : i32
      %max3A_1928 = arith.constant 0 : i32
      %max3A_1929 = arith.maxsi %sub3A_1927, %max3A_1928 : i32
      %mul3A_1930 = arith.constant 64 : i32
      %mul3A_1931 = arith.muli %max3A_1929, %mul3A_1930 : i32
      %broadcast_in_dim3A_1932 = arith.constant 0 : i32
      %broadcast_in_dim3A_1933 = vector.broadcast %broadcast_in_dim3A_1932 : i32 to vector<16xi32>
      %add3A_1934 = vector.broadcast %mul3A_1931 : i32 to vector<16xi32>
      %add3A_1935 = arith.addi %broadcast_in_dim3A_1933, %add3A_1934 : vector<16xi32>
      %broadcast_in_dim3A_1936 = arith.constant 0 : i32
      %broadcast_in_dim3A_1937 = vector.broadcast %broadcast_in_dim3A_1936 : i32 to vector<16xi32>
      %add3A_1938 = vector.broadcast %squeeze3A_1919 : i32 to vector<16xi32>
      %add3A_1939 = arith.addi %broadcast_in_dim3A_1937, %add3A_1938 : vector<16xi32>
      %ge3A_1940 = arith.constant 999936 : i32
      %ge3A_1941 = vector.broadcast %ge3A_1940 : i32 to vector<16xi32>
      %ge3A_1942 = arith.cmpi sge, %add3A_1939, %ge3A_1941 : vector<16xi32>
      %broadcast_in_dim3A_1943 = arith.constant 0 : i32
      %broadcast_in_dim3A_1944 = vector.broadcast %broadcast_in_dim3A_1943 : i32 to vector<16xi32>
      %add3A_1945 = arith.constant 0 : i32
      %add3A_1946 = vector.broadcast %add3A_1945 : i32 to vector<16xi32>
      %add3A_1947 = arith.addi %broadcast_in_dim3A_1944, %add3A_1946 : vector<16xi32>
      %gather3A_1948 = tpu.vector_load_idx %arg12[%add3A_1947, %add3A_4, %add3A_1925] : memref<4x64x128xf32, #tpu.memory_space<vmem>>[vector<16xi32>, vector<16xi32>, vector<16xi32>], vector<16xf32>,
      %add3A_1949 = arith.addi %add3A_1935, %add3A_4 : vector<16xi32>
      %gather3A_1950 = tpu.vector_load_idx %arg14[%add3A_1949] : memref<4096xf32, #tpu.memory_space<vmem>>[vector<16xi32>], vector<16xf32>,
      %select_n3A_1951 = arith.select %ge3A_1942, %gather3A_1950, %gather3A_1948 : vector<16xi1>, vector<16xf32>
      %broadcast_in_dim3A_1952 = arith.constant 0 : i32
      %broadcast_in_dim3A_1953 = vector.broadcast %broadcast_in_dim3A_1952 : i32 to vector<16xi32>
      %add3A_1954 = arith.constant 0 : i32
      %add3A_1955 = vector.broadcast %add3A_1954 : i32 to vector<16xi32>
      %add3A_1956 = arith.addi %broadcast_in_dim3A_1953, %add3A_1955 : vector<16xi32>
      %gather3A_1957 = tpu.vector_load_idx %arg12[%add3A_1956, %add3A_7, %add3A_1925] : memref<4x64x128xf32, #tpu.memory_space<vmem>>[vector<16xi32>, vector<16xi32>, vector<16xi32>], vector<16xf32>,
      %add3A_1958 = arith.addi %add3A_1935, %add3A_7 : vector<16xi32>
      %gather3A_1959 = tpu.vector_load_idx %arg14[%add3A_1958] : memref<4096xf32, #tpu.memory_space<vmem>>[vector<16xi32>], vector<16xf32>,
      %select_n3A_1960 = arith.select %ge3A_1942, %gather3A_1959, %gather3A_1957 : vector<16xi1>, vector<16xf32>
      %broadcast_in_dim3A_1961 = arith.constant 0 : i32
      %broadcast_in_dim3A_1962 = vector.broadcast %broadcast_in_dim3A_1961 : i32 to vector<16xi32>
      %add3A_1963 = arith.constant 0 : i32
      %add3A_1964 = vector.broadcast %add3A_1963 : i32 to vector<16xi32>
      %add3A_1965 = arith.addi %broadcast_in_dim3A_1962, %add3A_1964 : vector<16xi32>
      %gather3A_1966 = tpu.vector_load_idx %arg12[%add3A_1965, %add3A_10, %add3A_1925] : memref<4x64x128xf32, #tpu.memory_space<vmem>>[vector<16xi32>, vector<16xi32>, vector<16xi32>], vector<16xf32>,
      %add3A_1967 = arith.addi %add3A_1935, %add3A_10 : vector<16xi32>
      %gather3A_1968 = tpu.vector_load_idx %arg14[%add3A_1967] : memref<4096xf32, #tpu.memory_space<vmem>>[vector<16xi32>], vector<16xf32>,
      %select_n3A_1969 = arith.select %ge3A_1942, %gather3A_1968, %gather3A_1966 : vector<16xi1>, vector<16xf32>
      %broadcast_in_dim3A_1970 = arith.constant 0 : i32
      %broadcast_in_dim3A_1971 = vector.broadcast %broadcast_in_dim3A_1970 : i32 to vector<16xi32>
      %add3A_1972 = arith.constant 0 : i32
      %add3A_1973 = vector.broadcast %add3A_1972 : i32 to vector<16xi32>
      %add3A_1974 = arith.addi %broadcast_in_dim3A_1971, %add3A_1973 : vector<16xi32>
      %gather3A_1975 = tpu.vector_load_idx %arg12[%add3A_1974, %add3A_13, %add3A_1925] : memref<4x64x128xf32, #tpu.memory_space<vmem>>[vector<16xi32>, vector<16xi32>, vector<16xi32>], vector<16xf32>,
      %add3A_1976 = arith.addi %add3A_1935, %add3A_13 : vector<16xi32>
      %gather3A_1977 = tpu.vector_load_idx %arg14[%add3A_1976] : memref<4096xf32, #tpu.memory_space<vmem>>[vector<16xi32>], vector<16xf32>,
      %select_n3A_1978 = arith.select %ge3A_1942, %gather3A_1977, %gather3A_1975 : vector<16xi1>, vector<16xf32>
      %mul3A_1979 = arith.mulf %select_n3A_1890, %select_n3A_1951 : vector<16xf32>
      %mul3A_1980 = arith.mulf %select_n3A_1899, %select_n3A_1960 : vector<16xf32>
      %add3A_1981 = arith.addf %mul3A_1979, %mul3A_1980 : vector<16xf32>
      %mul3A_1982 = arith.mulf %select_n3A_1908, %select_n3A_1969 : vector<16xf32>
      %add3A_1983 = arith.addf %add3A_1981, %mul3A_1982 : vector<16xf32>
      %mul3A_1984 = arith.mulf %select_n3A_1917, %select_n3A_1978 : vector<16xf32>
      %add3A_1985 = arith.addf %add3A_1983, %mul3A_1984 : vector<16xf32>
      %slice3A_1986 = vector.extract_strided_slice %get3A_195 {offsets = [12], sizes = [1], strides = [1]} : vector<16xi32> to vector<1xi32>
      %squeeze3A_1987 = vector.extract %slice3A_1986[0] : i32 from vector<1xi32>
      %shift_right_arithmetic3A_1988 = arith.constant 7 : i32
      %shift_right_arithmetic3A_1989 = arith.shrsi %squeeze3A_1987, %shift_right_arithmetic3A_1988 : i32
      %min3A_1990 = arith.constant 7811 : i32
      %min3A_1991 = arith.minsi %shift_right_arithmetic3A_1989, %min3A_1990 : i32
      %mul3A_1992 = arith.constant 128 : i32
      %mul3A_1993 = arith.muli %min3A_1991, %mul3A_1992 : i32
      %multiple_of3A_1994 = tpu.assume_multiple %mul3A_1993, 128 : i32
      %dma_start3A_1995 = arith.constant 0 : i32
      %dma_start3A_1996 = arith.constant 0 : i32
      %dma_start3A_1997 = arith.constant 0 : i32
      %dma_start3A_1998 = tpu.memref_slice %arg11[%dma_start3A_1995, %dma_start3A_1996, %dma_start3A_1997] : memref<4x64x128xf32, #tpu.memory_space<vmem>> -> memref<1x64x128xf32, #tpu.memory_space<vmem>>
      %dma_start3A_1999 = tpu.memref_squeeze %dma_start3A_1998 : memref<1x64x128xf32, #tpu.memory_space<vmem>> -> memref<64x128xf32, #tpu.memory_space<vmem>>
      %dma_start3A_2000 = arith.constant 0 : i32
      %dma_start3A_2001 = tpu.memref_slice %arg4[%dma_start3A_2000, %multiple_of3A_1994] : memref<64x1000000xf32, #tpu.memory_space<hbm>> -> memref<64x128xf32, #tpu.memory_space<hbm>>
      %dma_start3A_2002 = arith.constant 0 : i32
      %dma_start3A_2003 = arith.constant 0 : i32
      %dma_start3A_2004 = tpu.memref_slice %arg11[%dma_start3A_1995, %dma_start3A_2002, %dma_start3A_2003] : memref<4x64x128xf32, #tpu.memory_space<vmem>> -> memref<1x64x128xf32, #tpu.memory_space<vmem>>
      %dma_start3A_2005 = tpu.memref_squeeze %dma_start3A_2004 : memref<1x64x128xf32, #tpu.memory_space<vmem>> -> memref<64x128xf32, #tpu.memory_space<vmem>>
      %dma_start3A_2006 = arith.constant 0 : i32
      %dma_start3A_2007 = tpu.memref_slice %arg4[%dma_start3A_2006, %multiple_of3A_1994] : memref<64x1000000xf32, #tpu.memory_space<hbm>> -> memref<64x128xf32, #tpu.memory_space<hbm>>
      tpu.enqueue_dma source(%dma_start3A_2007 : memref<64x128xf32, #tpu.memory_space<hbm>>) target(%dma_start3A_2005 : memref<64x128xf32, #tpu.memory_space<vmem>>) target_semaphore(%arg16 : memref<!tpu.dma_semaphore, #tpu.memory_space<semaphore_mem>>)
      %slice3A_2008 = vector.extract_strided_slice %get3A_199 {offsets = [12], sizes = [1], strides = [1]} : vector<16xi32> to vector<1xi32>
      %squeeze3A_2009 = vector.extract %slice3A_2008[0] : i32 from vector<1xi32>
      %shift_right_arithmetic3A_2010 = arith.constant 7 : i32
      %shift_right_arithmetic3A_2011 = arith.shrsi %squeeze3A_2009, %shift_right_arithmetic3A_2010 : i32
      %min3A_2012 = arith.constant 7811 : i32
      %min3A_2013 = arith.minsi %shift_right_arithmetic3A_2011, %min3A_2012 : i32
      %mul3A_2014 = arith.constant 128 : i32
      %mul3A_2015 = arith.muli %min3A_2013, %mul3A_2014 : i32
      %multiple_of3A_2016 = tpu.assume_multiple %mul3A_2015, 128 : i32
      %dma_start3A_2017 = arith.constant 0 : i32
      %dma_start3A_2018 = arith.constant 0 : i32
      %dma_start3A_2019 = arith.constant 0 : i32
      %dma_start3A_2020 = tpu.memref_slice %arg12[%dma_start3A_2017, %dma_start3A_2018, %dma_start3A_2019] : memref<4x64x128xf32, #tpu.memory_space<vmem>> -> memref<1x64x128xf32, #tpu.memory_space<vmem>>
      %dma_start3A_2021 = tpu.memref_squeeze %dma_start3A_2020 : memref<1x64x128xf32, #tpu.memory_space<vmem>> -> memref<64x128xf32, #tpu.memory_space<vmem>>
      %dma_start3A_2022 = arith.constant 0 : i32
      %dma_start3A_2023 = tpu.memref_slice %arg5[%dma_start3A_2022, %multiple_of3A_2016] : memref<64x1000000xf32, #tpu.memory_space<hbm>> -> memref<64x128xf32, #tpu.memory_space<hbm>>
      %dma_start3A_2024 = arith.constant 0 : i32
      %dma_start3A_2025 = arith.constant 0 : i32
      %dma_start3A_2026 = tpu.memref_slice %arg12[%dma_start3A_2017, %dma_start3A_2024, %dma_start3A_2025] : memref<4x64x128xf32, #tpu.memory_space<vmem>> -> memref<1x64x128xf32, #tpu.memory_space<vmem>>
      %dma_start3A_2027 = tpu.memref_squeeze %dma_start3A_2026 : memref<1x64x128xf32, #tpu.memory_space<vmem>> -> memref<64x128xf32, #tpu.memory_space<vmem>>
      %dma_start3A_2028 = arith.constant 0 : i32
      %dma_start3A_2029 = tpu.memref_slice %arg5[%dma_start3A_2028, %multiple_of3A_2016] : memref<64x1000000xf32, #tpu.memory_space<hbm>> -> memref<64x128xf32, #tpu.memory_space<hbm>>
      tpu.enqueue_dma source(%dma_start3A_2029 : memref<64x128xf32, #tpu.memory_space<hbm>>) target(%dma_start3A_2027 : memref<64x128xf32, #tpu.memory_space<vmem>>) target_semaphore(%arg16 : memref<!tpu.dma_semaphore, #tpu.memory_space<semaphore_mem>>)
      %dma_wait3A_2030 = arith.constant 1 : i32
      %dma_wait3A_2031 = arith.constant 0 : i32
      %dma_wait3A_2032 = arith.constant 0 : i32
      %dma_wait3A_2033 = tpu.memref_slice %arg11[%dma_wait3A_2030, %dma_wait3A_2031, %dma_wait3A_2032] : memref<4x64x128xf32, #tpu.memory_space<vmem>> -> memref<1x64x128xf32, #tpu.memory_space<vmem>>
      %dma_wait3A_2034 = tpu.memref_squeeze %dma_wait3A_2033 : memref<1x64x128xf32, #tpu.memory_space<vmem>> -> memref<64x128xf32, #tpu.memory_space<vmem>>
      %dma_wait3A_2035 = arith.constant 0 : i32
      %dma_wait3A_2036 = arith.constant 0 : i32
      %dma_wait3A_2037 = tpu.memref_slice %arg4[%dma_wait3A_2035, %dma_wait3A_2036] : memref<64x1000000xf32, #tpu.memory_space<hbm>> -> memref<64x128xf32, #tpu.memory_space<hbm>>
      %dma_wait3A_2038 = arith.constant 0 : i32
      %dma_wait3A_2039 = arith.constant 0 : i32
      %dma_wait3A_2040 = tpu.memref_slice %arg11[%dma_wait3A_2030, %dma_wait3A_2038, %dma_wait3A_2039] : memref<4x64x128xf32, #tpu.memory_space<vmem>> -> memref<1x64x128xf32, #tpu.memory_space<vmem>>
      %dma_wait3A_2041 = tpu.memref_squeeze %dma_wait3A_2040 : memref<1x64x128xf32, #tpu.memory_space<vmem>> -> memref<64x128xf32, #tpu.memory_space<vmem>>
      %dma_wait3A_2042 = arith.constant 0 : i32
      %dma_wait3A_2043 = arith.constant 0 : i32
      %dma_wait3A_2044 = tpu.memref_slice %arg4[%dma_wait3A_2042, %dma_wait3A_2043] : memref<64x1000000xf32, #tpu.memory_space<hbm>> -> memref<64x128xf32, #tpu.memory_space<hbm>>
      tpu.wait_dma2 semaphore(%arg16 : memref<!tpu.dma_semaphore, #tpu.memory_space<semaphore_mem>>) src(%dma_wait3A_2044 : memref<64x128xf32, #tpu.memory_space<hbm>>) dst(%dma_wait3A_2041 : memref<64x128xf32, #tpu.memory_space<vmem>>)
      %dma_wait3A_2045 = arith.constant 1 : i32
      %dma_wait3A_2046 = arith.constant 0 : i32
      %dma_wait3A_2047 = arith.constant 0 : i32
      %dma_wait3A_2048 = tpu.memref_slice %arg12[%dma_wait3A_2045, %dma_wait3A_2046, %dma_wait3A_2047] : memref<4x64x128xf32, #tpu.memory_space<vmem>> -> memref<1x64x128xf32, #tpu.memory_space<vmem>>
      %dma_wait3A_2049 = tpu.memref_squeeze %dma_wait3A_2048 : memref<1x64x128xf32, #tpu.memory_space<vmem>> -> memref<64x128xf32, #tpu.memory_space<vmem>>
      %dma_wait3A_2050 = arith.constant 0 : i32
      %dma_wait3A_2051 = arith.constant 0 : i32
      %dma_wait3A_2052 = tpu.memref_slice %arg5[%dma_wait3A_2050, %dma_wait3A_2051] : memref<64x1000000xf32, #tpu.memory_space<hbm>> -> memref<64x128xf32, #tpu.memory_space<hbm>>
      %dma_wait3A_2053 = arith.constant 0 : i32
      %dma_wait3A_2054 = arith.constant 0 : i32
      %dma_wait3A_2055 = tpu.memref_slice %arg12[%dma_wait3A_2045, %dma_wait3A_2053, %dma_wait3A_2054] : memref<4x64x128xf32, #tpu.memory_space<vmem>> -> memref<1x64x128xf32, #tpu.memory_space<vmem>>
      %dma_wait3A_2056 = tpu.memref_squeeze %dma_wait3A_2055 : memref<1x64x128xf32, #tpu.memory_space<vmem>> -> memref<64x128xf32, #tpu.memory_space<vmem>>
      %dma_wait3A_2057 = arith.constant 0 : i32
      %dma_wait3A_2058 = arith.constant 0 : i32
      %dma_wait3A_2059 = tpu.memref_slice %arg5[%dma_wait3A_2057, %dma_wait3A_2058] : memref<64x1000000xf32, #tpu.memory_space<hbm>> -> memref<64x128xf32, #tpu.memory_space<hbm>>
      tpu.wait_dma2 semaphore(%arg16 : memref<!tpu.dma_semaphore, #tpu.memory_space<semaphore_mem>>) src(%dma_wait3A_2059 : memref<64x128xf32, #tpu.memory_space<hbm>>) dst(%dma_wait3A_2056 : memref<64x128xf32, #tpu.memory_space<vmem>>)
      %slice3A_2060 = vector.extract_strided_slice %get3A_195 {offsets = [9], sizes = [1], strides = [1]} : vector<16xi32> to vector<1xi32>
      %squeeze3A_2061 = vector.extract %slice3A_2060[0] : i32 from vector<1xi32>
      %and3A_2062 = arith.constant 127 : i32
      %and3A_2063 = arith.andi %squeeze3A_2061, %and3A_2062 : i32
      %broadcast_in_dim3A_2064 = arith.constant 0 : i32
      %broadcast_in_dim3A_2065 = vector.broadcast %broadcast_in_dim3A_2064 : i32 to vector<16xi32>
      %add3A_2066 = vector.broadcast %and3A_2063 : i32 to vector<16xi32>
      %add3A_2067 = arith.addi %broadcast_in_dim3A_2065, %add3A_2066 : vector<16xi32>
      %sub3A_2068 = arith.constant 999936 : i32
      %sub3A_2069 = arith.subi %squeeze3A_2061, %sub3A_2068 : i32
      %max3A_2070 = arith.constant 0 : i32
      %max3A_2071 = arith.maxsi %sub3A_2069, %max3A_2070 : i32
      %mul3A_2072 = arith.constant 64 : i32
      %mul3A_2073 = arith.muli %max3A_2071, %mul3A_2072 : i32
      %broadcast_in_dim3A_2074 = arith.constant 0 : i32
      %broadcast_in_dim3A_2075 = vector.broadcast %broadcast_in_dim3A_2074 : i32 to vector<16xi32>
      %add3A_2076 = vector.broadcast %mul3A_2073 : i32 to vector<16xi32>
      %add3A_2077 = arith.addi %broadcast_in_dim3A_2075, %add3A_2076 : vector<16xi32>
      %broadcast_in_dim3A_2078 = arith.constant 0 : i32
      %broadcast_in_dim3A_2079 = vector.broadcast %broadcast_in_dim3A_2078 : i32 to vector<16xi32>
      %add3A_2080 = vector.broadcast %squeeze3A_2061 : i32 to vector<16xi32>
      %add3A_2081 = arith.addi %broadcast_in_dim3A_2079, %add3A_2080 : vector<16xi32>
      %ge3A_2082 = arith.constant 999936 : i32
      %ge3A_2083 = vector.broadcast %ge3A_2082 : i32 to vector<16xi32>
      %ge3A_2084 = arith.cmpi sge, %add3A_2081, %ge3A_2083 : vector<16xi32>
      %broadcast_in_dim3A_2085 = arith.constant 0 : i32
      %broadcast_in_dim3A_2086 = vector.broadcast %broadcast_in_dim3A_2085 : i32 to vector<16xi32>
      %add3A_2087 = arith.constant 1 : i32
      %add3A_2088 = vector.broadcast %add3A_2087 : i32 to vector<16xi32>
      %add3A_2089 = arith.addi %broadcast_in_dim3A_2086, %add3A_2088 : vector<16xi32>
      %gather3A_2090 = tpu.vector_load_idx %arg11[%add3A_2089, %add3A_4, %add3A_2067] : memref<4x64x128xf32, #tpu.memory_space<vmem>>[vector<16xi32>, vector<16xi32>, vector<16xi32>], vector<16xf32>,
      %add3A_2091 = arith.addi %add3A_2077, %add3A_4 : vector<16xi32>
      %gather3A_2092 = tpu.vector_load_idx %arg13[%add3A_2091] : memref<4096xf32, #tpu.memory_space<vmem>>[vector<16xi32>], vector<16xf32>,
      %select_n3A_2093 = arith.select %ge3A_2084, %gather3A_2092, %gather3A_2090 : vector<16xi1>, vector<16xf32>
      %broadcast_in_dim3A_2094 = arith.constant 0 : i32
      %broadcast_in_dim3A_2095 = vector.broadcast %broadcast_in_dim3A_2094 : i32 to vector<16xi32>
      %add3A_2096 = arith.constant 1 : i32
      %add3A_2097 = vector.broadcast %add3A_2096 : i32 to vector<16xi32>
      %add3A_2098 = arith.addi %broadcast_in_dim3A_2095, %add3A_2097 : vector<16xi32>
      %gather3A_2099 = tpu.vector_load_idx %arg11[%add3A_2098, %add3A_7, %add3A_2067] : memref<4x64x128xf32, #tpu.memory_space<vmem>>[vector<16xi32>, vector<16xi32>, vector<16xi32>], vector<16xf32>,
      %add3A_2100 = arith.addi %add3A_2077, %add3A_7 : vector<16xi32>
      %gather3A_2101 = tpu.vector_load_idx %arg13[%add3A_2100] : memref<4096xf32, #tpu.memory_space<vmem>>[vector<16xi32>], vector<16xf32>,
      %select_n3A_2102 = arith.select %ge3A_2084, %gather3A_2101, %gather3A_2099 : vector<16xi1>, vector<16xf32>
      %broadcast_in_dim3A_2103 = arith.constant 0 : i32
      %broadcast_in_dim3A_2104 = vector.broadcast %broadcast_in_dim3A_2103 : i32 to vector<16xi32>
      %add3A_2105 = arith.constant 1 : i32
      %add3A_2106 = vector.broadcast %add3A_2105 : i32 to vector<16xi32>
      %add3A_2107 = arith.addi %broadcast_in_dim3A_2104, %add3A_2106 : vector<16xi32>
      %gather3A_2108 = tpu.vector_load_idx %arg11[%add3A_2107, %add3A_10, %add3A_2067] : memref<4x64x128xf32, #tpu.memory_space<vmem>>[vector<16xi32>, vector<16xi32>, vector<16xi32>], vector<16xf32>,
      %add3A_2109 = arith.addi %add3A_2077, %add3A_10 : vector<16xi32>
      %gather3A_2110 = tpu.vector_load_idx %arg13[%add3A_2109] : memref<4096xf32, #tpu.memory_space<vmem>>[vector<16xi32>], vector<16xf32>,
      %select_n3A_2111 = arith.select %ge3A_2084, %gather3A_2110, %gather3A_2108 : vector<16xi1>, vector<16xf32>
      %broadcast_in_dim3A_2112 = arith.constant 0 : i32
      %broadcast_in_dim3A_2113 = vector.broadcast %broadcast_in_dim3A_2112 : i32 to vector<16xi32>
      %add3A_2114 = arith.constant 1 : i32
      %add3A_2115 = vector.broadcast %add3A_2114 : i32 to vector<16xi32>
      %add3A_2116 = arith.addi %broadcast_in_dim3A_2113, %add3A_2115 : vector<16xi32>
      %gather3A_2117 = tpu.vector_load_idx %arg11[%add3A_2116, %add3A_13, %add3A_2067] : memref<4x64x128xf32, #tpu.memory_space<vmem>>[vector<16xi32>, vector<16xi32>, vector<16xi32>], vector<16xf32>,
      %add3A_2118 = arith.addi %add3A_2077, %add3A_13 : vector<16xi32>
      %gather3A_2119 = tpu.vector_load_idx %arg13[%add3A_2118] : memref<4096xf32, #tpu.memory_space<vmem>>[vector<16xi32>], vector<16xf32>,
      %select_n3A_2120 = arith.select %ge3A_2084, %gather3A_2119, %gather3A_2117 : vector<16xi1>, vector<16xf32>
      %slice3A_2121 = vector.extract_strided_slice %get3A_199 {offsets = [9], sizes = [1], strides = [1]} : vector<16xi32> to vector<1xi32>
      %squeeze3A_2122 = vector.extract %slice3A_2121[0] : i32 from vector<1xi32>
      %and3A_2123 = arith.constant 127 : i32
      %and3A_2124 = arith.andi %squeeze3A_2122, %and3A_2123 : i32
      %broadcast_in_dim3A_2125 = arith.constant 0 : i32
      %broadcast_in_dim3A_2126 = vector.broadcast %broadcast_in_dim3A_2125 : i32 to vector<16xi32>
      %add3A_2127 = vector.broadcast %and3A_2124 : i32 to vector<16xi32>
      %add3A_2128 = arith.addi %broadcast_in_dim3A_2126, %add3A_2127 : vector<16xi32>
      %sub3A_2129 = arith.constant 999936 : i32
      %sub3A_2130 = arith.subi %squeeze3A_2122, %sub3A_2129 : i32
      %max3A_2131 = arith.constant 0 : i32
      %max3A_2132 = arith.maxsi %sub3A_2130, %max3A_2131 : i32
      %mul3A_2133 = arith.constant 64 : i32
      %mul3A_2134 = arith.muli %max3A_2132, %mul3A_2133 : i32
      %broadcast_in_dim3A_2135 = arith.constant 0 : i32
      %broadcast_in_dim3A_2136 = vector.broadcast %broadcast_in_dim3A_2135 : i32 to vector<16xi32>
      %add3A_2137 = vector.broadcast %mul3A_2134 : i32 to vector<16xi32>
      %add3A_2138 = arith.addi %broadcast_in_dim3A_2136, %add3A_2137 : vector<16xi32>
      %broadcast_in_dim3A_2139 = arith.constant 0 : i32
      %broadcast_in_dim3A_2140 = vector.broadcast %broadcast_in_dim3A_2139 : i32 to vector<16xi32>
      %add3A_2141 = vector.broadcast %squeeze3A_2122 : i32 to vector<16xi32>
      %add3A_2142 = arith.addi %broadcast_in_dim3A_2140, %add3A_2141 : vector<16xi32>
      %ge3A_2143 = arith.constant 999936 : i32
      %ge3A_2144 = vector.broadcast %ge3A_2143 : i32 to vector<16xi32>
      %ge3A_2145 = arith.cmpi sge, %add3A_2142, %ge3A_2144 : vector<16xi32>
      %broadcast_in_dim3A_2146 = arith.constant 0 : i32
      %broadcast_in_dim3A_2147 = vector.broadcast %broadcast_in_dim3A_2146 : i32 to vector<16xi32>
      %add3A_2148 = arith.constant 1 : i32
      %add3A_2149 = vector.broadcast %add3A_2148 : i32 to vector<16xi32>
      %add3A_2150 = arith.addi %broadcast_in_dim3A_2147, %add3A_2149 : vector<16xi32>
      %gather3A_2151 = tpu.vector_load_idx %arg12[%add3A_2150, %add3A_4, %add3A_2128] : memref<4x64x128xf32, #tpu.memory_space<vmem>>[vector<16xi32>, vector<16xi32>, vector<16xi32>], vector<16xf32>,
      %add3A_2152 = arith.addi %add3A_2138, %add3A_4 : vector<16xi32>
      %gather3A_2153 = tpu.vector_load_idx %arg14[%add3A_2152] : memref<4096xf32, #tpu.memory_space<vmem>>[vector<16xi32>], vector<16xf32>,
      %select_n3A_2154 = arith.select %ge3A_2145, %gather3A_2153, %gather3A_2151 : vector<16xi1>, vector<16xf32>
      %broadcast_in_dim3A_2155 = arith.constant 0 : i32
      %broadcast_in_dim3A_2156 = vector.broadcast %broadcast_in_dim3A_2155 : i32 to vector<16xi32>
      %add3A_2157 = arith.constant 1 : i32
      %add3A_2158 = vector.broadcast %add3A_2157 : i32 to vector<16xi32>
      %add3A_2159 = arith.addi %broadcast_in_dim3A_2156, %add3A_2158 : vector<16xi32>
      %gather3A_2160 = tpu.vector_load_idx %arg12[%add3A_2159, %add3A_7, %add3A_2128] : memref<4x64x128xf32, #tpu.memory_space<vmem>>[vector<16xi32>, vector<16xi32>, vector<16xi32>], vector<16xf32>,
      %add3A_2161 = arith.addi %add3A_2138, %add3A_7 : vector<16xi32>
      %gather3A_2162 = tpu.vector_load_idx %arg14[%add3A_2161] : memref<4096xf32, #tpu.memory_space<vmem>>[vector<16xi32>], vector<16xf32>,
      %select_n3A_2163 = arith.select %ge3A_2145, %gather3A_2162, %gather3A_2160 : vector<16xi1>, vector<16xf32>
      %broadcast_in_dim3A_2164 = arith.constant 0 : i32
      %broadcast_in_dim3A_2165 = vector.broadcast %broadcast_in_dim3A_2164 : i32 to vector<16xi32>
      %add3A_2166 = arith.constant 1 : i32
      %add3A_2167 = vector.broadcast %add3A_2166 : i32 to vector<16xi32>
      %add3A_2168 = arith.addi %broadcast_in_dim3A_2165, %add3A_2167 : vector<16xi32>
      %gather3A_2169 = tpu.vector_load_idx %arg12[%add3A_2168, %add3A_10, %add3A_2128] : memref<4x64x128xf32, #tpu.memory_space<vmem>>[vector<16xi32>, vector<16xi32>, vector<16xi32>], vector<16xf32>,
      %add3A_2170 = arith.addi %add3A_2138, %add3A_10 : vector<16xi32>
      %gather3A_2171 = tpu.vector_load_idx %arg14[%add3A_2170] : memref<4096xf32, #tpu.memory_space<vmem>>[vector<16xi32>], vector<16xf32>,
      %select_n3A_2172 = arith.select %ge3A_2145, %gather3A_2171, %gather3A_2169 : vector<16xi1>, vector<16xf32>
      %broadcast_in_dim3A_2173 = arith.constant 0 : i32
      %broadcast_in_dim3A_2174 = vector.broadcast %broadcast_in_dim3A_2173 : i32 to vector<16xi32>
      %add3A_2175 = arith.constant 1 : i32
      %add3A_2176 = vector.broadcast %add3A_2175 : i32 to vector<16xi32>
      %add3A_2177 = arith.addi %broadcast_in_dim3A_2174, %add3A_2176 : vector<16xi32>
      %gather3A_2178 = tpu.vector_load_idx %arg12[%add3A_2177, %add3A_13, %add3A_2128] : memref<4x64x128xf32, #tpu.memory_space<vmem>>[vector<16xi32>, vector<16xi32>, vector<16xi32>], vector<16xf32>,
      %add3A_2179 = arith.addi %add3A_2138, %add3A_13 : vector<16xi32>
      %gather3A_2180 = tpu.vector_load_idx %arg14[%add3A_2179] : memref<4096xf32, #tpu.memory_space<vmem>>[vector<16xi32>], vector<16xf32>,
      %select_n3A_2181 = arith.select %ge3A_2145, %gather3A_2180, %gather3A_2178 : vector<16xi1>, vector<16xf32>
      %mul3A_2182 = arith.mulf %select_n3A_2093, %select_n3A_2154 : vector<16xf32>
      %mul3A_2183 = arith.mulf %select_n3A_2102, %select_n3A_2163 : vector<16xf32>
      %add3A_2184 = arith.addf %mul3A_2182, %mul3A_2183 : vector<16xf32>
      %mul3A_2185 = arith.mulf %select_n3A_2111, %select_n3A_2172 : vector<16xf32>
      %add3A_2186 = arith.addf %add3A_2184, %mul3A_2185 : vector<16xf32>
      %mul3A_2187 = arith.mulf %select_n3A_2120, %select_n3A_2181 : vector<16xf32>
      %add3A_2188 = arith.addf %add3A_2186, %mul3A_2187 : vector<16xf32>
      %slice3A_2189 = vector.extract_strided_slice %get3A_195 {offsets = [13], sizes = [1], strides = [1]} : vector<16xi32> to vector<1xi32>
      %squeeze3A_2190 = vector.extract %slice3A_2189[0] : i32 from vector<1xi32>
      %shift_right_arithmetic3A_2191 = arith.constant 7 : i32
      %shift_right_arithmetic3A_2192 = arith.shrsi %squeeze3A_2190, %shift_right_arithmetic3A_2191 : i32
      %min3A_2193 = arith.constant 7811 : i32
      %min3A_2194 = arith.minsi %shift_right_arithmetic3A_2192, %min3A_2193 : i32
      %mul3A_2195 = arith.constant 128 : i32
      %mul3A_2196 = arith.muli %min3A_2194, %mul3A_2195 : i32
      %multiple_of3A_2197 = tpu.assume_multiple %mul3A_2196, 128 : i32
      %dma_start3A_2198 = arith.constant 1 : i32
      %dma_start3A_2199 = arith.constant 0 : i32
      %dma_start3A_2200 = arith.constant 0 : i32
      %dma_start3A_2201 = tpu.memref_slice %arg11[%dma_start3A_2198, %dma_start3A_2199, %dma_start3A_2200] : memref<4x64x128xf32, #tpu.memory_space<vmem>> -> memref<1x64x128xf32, #tpu.memory_space<vmem>>
      %dma_start3A_2202 = tpu.memref_squeeze %dma_start3A_2201 : memref<1x64x128xf32, #tpu.memory_space<vmem>> -> memref<64x128xf32, #tpu.memory_space<vmem>>
      %dma_start3A_2203 = arith.constant 0 : i32
      %dma_start3A_2204 = tpu.memref_slice %arg4[%dma_start3A_2203, %multiple_of3A_2197] : memref<64x1000000xf32, #tpu.memory_space<hbm>> -> memref<64x128xf32, #tpu.memory_space<hbm>>
      %dma_start3A_2205 = arith.constant 0 : i32
      %dma_start3A_2206 = arith.constant 0 : i32
      %dma_start3A_2207 = tpu.memref_slice %arg11[%dma_start3A_2198, %dma_start3A_2205, %dma_start3A_2206] : memref<4x64x128xf32, #tpu.memory_space<vmem>> -> memref<1x64x128xf32, #tpu.memory_space<vmem>>
      %dma_start3A_2208 = tpu.memref_squeeze %dma_start3A_2207 : memref<1x64x128xf32, #tpu.memory_space<vmem>> -> memref<64x128xf32, #tpu.memory_space<vmem>>
      %dma_start3A_2209 = arith.constant 0 : i32
      %dma_start3A_2210 = tpu.memref_slice %arg4[%dma_start3A_2209, %multiple_of3A_2197] : memref<64x1000000xf32, #tpu.memory_space<hbm>> -> memref<64x128xf32, #tpu.memory_space<hbm>>
      tpu.enqueue_dma source(%dma_start3A_2210 : memref<64x128xf32, #tpu.memory_space<hbm>>) target(%dma_start3A_2208 : memref<64x128xf32, #tpu.memory_space<vmem>>) target_semaphore(%arg16 : memref<!tpu.dma_semaphore, #tpu.memory_space<semaphore_mem>>)
      %slice3A_2211 = vector.extract_strided_slice %get3A_199 {offsets = [13], sizes = [1], strides = [1]} : vector<16xi32> to vector<1xi32>
      %squeeze3A_2212 = vector.extract %slice3A_2211[0] : i32 from vector<1xi32>
      %shift_right_arithmetic3A_2213 = arith.constant 7 : i32
      %shift_right_arithmetic3A_2214 = arith.shrsi %squeeze3A_2212, %shift_right_arithmetic3A_2213 : i32
      %min3A_2215 = arith.constant 7811 : i32
      %min3A_2216 = arith.minsi %shift_right_arithmetic3A_2214, %min3A_2215 : i32
      %mul3A_2217 = arith.constant 128 : i32
      %mul3A_2218 = arith.muli %min3A_2216, %mul3A_2217 : i32
      %multiple_of3A_2219 = tpu.assume_multiple %mul3A_2218, 128 : i32
      %dma_start3A_2220 = arith.constant 1 : i32
      %dma_start3A_2221 = arith.constant 0 : i32
      %dma_start3A_2222 = arith.constant 0 : i32
      %dma_start3A_2223 = tpu.memref_slice %arg12[%dma_start3A_2220, %dma_start3A_2221, %dma_start3A_2222] : memref<4x64x128xf32, #tpu.memory_space<vmem>> -> memref<1x64x128xf32, #tpu.memory_space<vmem>>
      %dma_start3A_2224 = tpu.memref_squeeze %dma_start3A_2223 : memref<1x64x128xf32, #tpu.memory_space<vmem>> -> memref<64x128xf32, #tpu.memory_space<vmem>>
      %dma_start3A_2225 = arith.constant 0 : i32
      %dma_start3A_2226 = tpu.memref_slice %arg5[%dma_start3A_2225, %multiple_of3A_2219] : memref<64x1000000xf32, #tpu.memory_space<hbm>> -> memref<64x128xf32, #tpu.memory_space<hbm>>
      %dma_start3A_2227 = arith.constant 0 : i32
      %dma_start3A_2228 = arith.constant 0 : i32
      %dma_start3A_2229 = tpu.memref_slice %arg12[%dma_start3A_2220, %dma_start3A_2227, %dma_start3A_2228] : memref<4x64x128xf32, #tpu.memory_space<vmem>> -> memref<1x64x128xf32, #tpu.memory_space<vmem>>
      %dma_start3A_2230 = tpu.memref_squeeze %dma_start3A_2229 : memref<1x64x128xf32, #tpu.memory_space<vmem>> -> memref<64x128xf32, #tpu.memory_space<vmem>>
      %dma_start3A_2231 = arith.constant 0 : i32
      %dma_start3A_2232 = tpu.memref_slice %arg5[%dma_start3A_2231, %multiple_of3A_2219] : memref<64x1000000xf32, #tpu.memory_space<hbm>> -> memref<64x128xf32, #tpu.memory_space<hbm>>
      tpu.enqueue_dma source(%dma_start3A_2232 : memref<64x128xf32, #tpu.memory_space<hbm>>) target(%dma_start3A_2230 : memref<64x128xf32, #tpu.memory_space<vmem>>) target_semaphore(%arg16 : memref<!tpu.dma_semaphore, #tpu.memory_space<semaphore_mem>>)
      %dma_wait3A_2233 = arith.constant 2 : i32
      %dma_wait3A_2234 = arith.constant 0 : i32
      %dma_wait3A_2235 = arith.constant 0 : i32
      %dma_wait3A_2236 = tpu.memref_slice %arg11[%dma_wait3A_2233, %dma_wait3A_2234, %dma_wait3A_2235] : memref<4x64x128xf32, #tpu.memory_space<vmem>> -> memref<1x64x128xf32, #tpu.memory_space<vmem>>
      %dma_wait3A_2237 = tpu.memref_squeeze %dma_wait3A_2236 : memref<1x64x128xf32, #tpu.memory_space<vmem>> -> memref<64x128xf32, #tpu.memory_space<vmem>>
      %dma_wait3A_2238 = arith.constant 0 : i32
      %dma_wait3A_2239 = arith.constant 0 : i32
      %dma_wait3A_2240 = tpu.memref_slice %arg4[%dma_wait3A_2238, %dma_wait3A_2239] : memref<64x1000000xf32, #tpu.memory_space<hbm>> -> memref<64x128xf32, #tpu.memory_space<hbm>>
      %dma_wait3A_2241 = arith.constant 0 : i32
      %dma_wait3A_2242 = arith.constant 0 : i32
      %dma_wait3A_2243 = tpu.memref_slice %arg11[%dma_wait3A_2233, %dma_wait3A_2241, %dma_wait3A_2242] : memref<4x64x128xf32, #tpu.memory_space<vmem>> -> memref<1x64x128xf32, #tpu.memory_space<vmem>>
      %dma_wait3A_2244 = tpu.memref_squeeze %dma_wait3A_2243 : memref<1x64x128xf32, #tpu.memory_space<vmem>> -> memref<64x128xf32, #tpu.memory_space<vmem>>
      %dma_wait3A_2245 = arith.constant 0 : i32
      %dma_wait3A_2246 = arith.constant 0 : i32
      %dma_wait3A_2247 = tpu.memref_slice %arg4[%dma_wait3A_2245, %dma_wait3A_2246] : memref<64x1000000xf32, #tpu.memory_space<hbm>> -> memref<64x128xf32, #tpu.memory_space<hbm>>
      tpu.wait_dma2 semaphore(%arg16 : memref<!tpu.dma_semaphore, #tpu.memory_space<semaphore_mem>>) src(%dma_wait3A_2247 : memref<64x128xf32, #tpu.memory_space<hbm>>) dst(%dma_wait3A_2244 : memref<64x128xf32, #tpu.memory_space<vmem>>)
      %dma_wait3A_2248 = arith.constant 2 : i32
      %dma_wait3A_2249 = arith.constant 0 : i32
      %dma_wait3A_2250 = arith.constant 0 : i32
      %dma_wait3A_2251 = tpu.memref_slice %arg12[%dma_wait3A_2248, %dma_wait3A_2249, %dma_wait3A_2250] : memref<4x64x128xf32, #tpu.memory_space<vmem>> -> memref<1x64x128xf32, #tpu.memory_space<vmem>>
      %dma_wait3A_2252 = tpu.memref_squeeze %dma_wait3A_2251 : memref<1x64x128xf32, #tpu.memory_space<vmem>> -> memref<64x128xf32, #tpu.memory_space<vmem>>
      %dma_wait3A_2253 = arith.constant 0 : i32
      %dma_wait3A_2254 = arith.constant 0 : i32
      %dma_wait3A_2255 = tpu.memref_slice %arg5[%dma_wait3A_2253, %dma_wait3A_2254] : memref<64x1000000xf32, #tpu.memory_space<hbm>> -> memref<64x128xf32, #tpu.memory_space<hbm>>
      %dma_wait3A_2256 = arith.constant 0 : i32
      %dma_wait3A_2257 = arith.constant 0 : i32
      %dma_wait3A_2258 = tpu.memref_slice %arg12[%dma_wait3A_2248, %dma_wait3A_2256, %dma_wait3A_2257] : memref<4x64x128xf32, #tpu.memory_space<vmem>> -> memref<1x64x128xf32, #tpu.memory_space<vmem>>
      %dma_wait3A_2259 = tpu.memref_squeeze %dma_wait3A_2258 : memref<1x64x128xf32, #tpu.memory_space<vmem>> -> memref<64x128xf32, #tpu.memory_space<vmem>>
      %dma_wait3A_2260 = arith.constant 0 : i32
      %dma_wait3A_2261 = arith.constant 0 : i32
      %dma_wait3A_2262 = tpu.memref_slice %arg5[%dma_wait3A_2260, %dma_wait3A_2261] : memref<64x1000000xf32, #tpu.memory_space<hbm>> -> memref<64x128xf32, #tpu.memory_space<hbm>>
      tpu.wait_dma2 semaphore(%arg16 : memref<!tpu.dma_semaphore, #tpu.memory_space<semaphore_mem>>) src(%dma_wait3A_2262 : memref<64x128xf32, #tpu.memory_space<hbm>>) dst(%dma_wait3A_2259 : memref<64x128xf32, #tpu.memory_space<vmem>>)
      %slice3A_2263 = vector.extract_strided_slice %get3A_195 {offsets = [10], sizes = [1], strides = [1]} : vector<16xi32> to vector<1xi32>
      %squeeze3A_2264 = vector.extract %slice3A_2263[0] : i32 from vector<1xi32>
      %and3A_2265 = arith.constant 127 : i32
      %and3A_2266 = arith.andi %squeeze3A_2264, %and3A_2265 : i32
      %broadcast_in_dim3A_2267 = arith.constant 0 : i32
      %broadcast_in_dim3A_2268 = vector.broadcast %broadcast_in_dim3A_2267 : i32 to vector<16xi32>
      %add3A_2269 = vector.broadcast %and3A_2266 : i32 to vector<16xi32>
      %add3A_2270 = arith.addi %broadcast_in_dim3A_2268, %add3A_2269 : vector<16xi32>
      %sub3A_2271 = arith.constant 999936 : i32
      %sub3A_2272 = arith.subi %squeeze3A_2264, %sub3A_2271 : i32
      %max3A_2273 = arith.constant 0 : i32
      %max3A_2274 = arith.maxsi %sub3A_2272, %max3A_2273 : i32
      %mul3A_2275 = arith.constant 64 : i32
      %mul3A_2276 = arith.muli %max3A_2274, %mul3A_2275 : i32
      %broadcast_in_dim3A_2277 = arith.constant 0 : i32
      %broadcast_in_dim3A_2278 = vector.broadcast %broadcast_in_dim3A_2277 : i32 to vector<16xi32>
      %add3A_2279 = vector.broadcast %mul3A_2276 : i32 to vector<16xi32>
      %add3A_2280 = arith.addi %broadcast_in_dim3A_2278, %add3A_2279 : vector<16xi32>
      %broadcast_in_dim3A_2281 = arith.constant 0 : i32
      %broadcast_in_dim3A_2282 = vector.broadcast %broadcast_in_dim3A_2281 : i32 to vector<16xi32>
      %add3A_2283 = vector.broadcast %squeeze3A_2264 : i32 to vector<16xi32>
      %add3A_2284 = arith.addi %broadcast_in_dim3A_2282, %add3A_2283 : vector<16xi32>
      %ge3A_2285 = arith.constant 999936 : i32
      %ge3A_2286 = vector.broadcast %ge3A_2285 : i32 to vector<16xi32>
      %ge3A_2287 = arith.cmpi sge, %add3A_2284, %ge3A_2286 : vector<16xi32>
      %broadcast_in_dim3A_2288 = arith.constant 0 : i32
      %broadcast_in_dim3A_2289 = vector.broadcast %broadcast_in_dim3A_2288 : i32 to vector<16xi32>
      %add3A_2290 = arith.constant 2 : i32
      %add3A_2291 = vector.broadcast %add3A_2290 : i32 to vector<16xi32>
      %add3A_2292 = arith.addi %broadcast_in_dim3A_2289, %add3A_2291 : vector<16xi32>
      %gather3A_2293 = tpu.vector_load_idx %arg11[%add3A_2292, %add3A_4, %add3A_2270] : memref<4x64x128xf32, #tpu.memory_space<vmem>>[vector<16xi32>, vector<16xi32>, vector<16xi32>], vector<16xf32>,
      %add3A_2294 = arith.addi %add3A_2280, %add3A_4 : vector<16xi32>
      %gather3A_2295 = tpu.vector_load_idx %arg13[%add3A_2294] : memref<4096xf32, #tpu.memory_space<vmem>>[vector<16xi32>], vector<16xf32>,
      %select_n3A_2296 = arith.select %ge3A_2287, %gather3A_2295, %gather3A_2293 : vector<16xi1>, vector<16xf32>
      %broadcast_in_dim3A_2297 = arith.constant 0 : i32
      %broadcast_in_dim3A_2298 = vector.broadcast %broadcast_in_dim3A_2297 : i32 to vector<16xi32>
      %add3A_2299 = arith.constant 2 : i32
      %add3A_2300 = vector.broadcast %add3A_2299 : i32 to vector<16xi32>
      %add3A_2301 = arith.addi %broadcast_in_dim3A_2298, %add3A_2300 : vector<16xi32>
      %gather3A_2302 = tpu.vector_load_idx %arg11[%add3A_2301, %add3A_7, %add3A_2270] : memref<4x64x128xf32, #tpu.memory_space<vmem>>[vector<16xi32>, vector<16xi32>, vector<16xi32>], vector<16xf32>,
      %add3A_2303 = arith.addi %add3A_2280, %add3A_7 : vector<16xi32>
      %gather3A_2304 = tpu.vector_load_idx %arg13[%add3A_2303] : memref<4096xf32, #tpu.memory_space<vmem>>[vector<16xi32>], vector<16xf32>,
      %select_n3A_2305 = arith.select %ge3A_2287, %gather3A_2304, %gather3A_2302 : vector<16xi1>, vector<16xf32>
      %broadcast_in_dim3A_2306 = arith.constant 0 : i32
      %broadcast_in_dim3A_2307 = vector.broadcast %broadcast_in_dim3A_2306 : i32 to vector<16xi32>
      %add3A_2308 = arith.constant 2 : i32
      %add3A_2309 = vector.broadcast %add3A_2308 : i32 to vector<16xi32>
      %add3A_2310 = arith.addi %broadcast_in_dim3A_2307, %add3A_2309 : vector<16xi32>
      %gather3A_2311 = tpu.vector_load_idx %arg11[%add3A_2310, %add3A_10, %add3A_2270] : memref<4x64x128xf32, #tpu.memory_space<vmem>>[vector<16xi32>, vector<16xi32>, vector<16xi32>], vector<16xf32>,
      %add3A_2312 = arith.addi %add3A_2280, %add3A_10 : vector<16xi32>
      %gather3A_2313 = tpu.vector_load_idx %arg13[%add3A_2312] : memref<4096xf32, #tpu.memory_space<vmem>>[vector<16xi32>], vector<16xf32>,
      %select_n3A_2314 = arith.select %ge3A_2287, %gather3A_2313, %gather3A_2311 : vector<16xi1>, vector<16xf32>
      %broadcast_in_dim3A_2315 = arith.constant 0 : i32
      %broadcast_in_dim3A_2316 = vector.broadcast %broadcast_in_dim3A_2315 : i32 to vector<16xi32>
      %add3A_2317 = arith.constant 2 : i32
      %add3A_2318 = vector.broadcast %add3A_2317 : i32 to vector<16xi32>
      %add3A_2319 = arith.addi %broadcast_in_dim3A_2316, %add3A_2318 : vector<16xi32>
      %gather3A_2320 = tpu.vector_load_idx %arg11[%add3A_2319, %add3A_13, %add3A_2270] : memref<4x64x128xf32, #tpu.memory_space<vmem>>[vector<16xi32>, vector<16xi32>, vector<16xi32>], vector<16xf32>,
      %add3A_2321 = arith.addi %add3A_2280, %add3A_13 : vector<16xi32>
      %gather3A_2322 = tpu.vector_load_idx %arg13[%add3A_2321] : memref<4096xf32, #tpu.memory_space<vmem>>[vector<16xi32>], vector<16xf32>,
      %select_n3A_2323 = arith.select %ge3A_2287, %gather3A_2322, %gather3A_2320 : vector<16xi1>, vector<16xf32>
      %slice3A_2324 = vector.extract_strided_slice %get3A_199 {offsets = [10], sizes = [1], strides = [1]} : vector<16xi32> to vector<1xi32>
      %squeeze3A_2325 = vector.extract %slice3A_2324[0] : i32 from vector<1xi32>
      %and3A_2326 = arith.constant 127 : i32
      %and3A_2327 = arith.andi %squeeze3A_2325, %and3A_2326 : i32
      %broadcast_in_dim3A_2328 = arith.constant 0 : i32
      %broadcast_in_dim3A_2329 = vector.broadcast %broadcast_in_dim3A_2328 : i32 to vector<16xi32>
      %add3A_2330 = vector.broadcast %and3A_2327 : i32 to vector<16xi32>
      %add3A_2331 = arith.addi %broadcast_in_dim3A_2329, %add3A_2330 : vector<16xi32>
      %sub3A_2332 = arith.constant 999936 : i32
      %sub3A_2333 = arith.subi %squeeze3A_2325, %sub3A_2332 : i32
      %max3A_2334 = arith.constant 0 : i32
      %max3A_2335 = arith.maxsi %sub3A_2333, %max3A_2334 : i32
      %mul3A_2336 = arith.constant 64 : i32
      %mul3A_2337 = arith.muli %max3A_2335, %mul3A_2336 : i32
      %broadcast_in_dim3A_2338 = arith.constant 0 : i32
      %broadcast_in_dim3A_2339 = vector.broadcast %broadcast_in_dim3A_2338 : i32 to vector<16xi32>
      %add3A_2340 = vector.broadcast %mul3A_2337 : i32 to vector<16xi32>
      %add3A_2341 = arith.addi %broadcast_in_dim3A_2339, %add3A_2340 : vector<16xi32>
      %broadcast_in_dim3A_2342 = arith.constant 0 : i32
      %broadcast_in_dim3A_2343 = vector.broadcast %broadcast_in_dim3A_2342 : i32 to vector<16xi32>
      %add3A_2344 = vector.broadcast %squeeze3A_2325 : i32 to vector<16xi32>
      %add3A_2345 = arith.addi %broadcast_in_dim3A_2343, %add3A_2344 : vector<16xi32>
      %ge3A_2346 = arith.constant 999936 : i32
      %ge3A_2347 = vector.broadcast %ge3A_2346 : i32 to vector<16xi32>
      %ge3A_2348 = arith.cmpi sge, %add3A_2345, %ge3A_2347 : vector<16xi32>
      %broadcast_in_dim3A_2349 = arith.constant 0 : i32
      %broadcast_in_dim3A_2350 = vector.broadcast %broadcast_in_dim3A_2349 : i32 to vector<16xi32>
      %add3A_2351 = arith.constant 2 : i32
      %add3A_2352 = vector.broadcast %add3A_2351 : i32 to vector<16xi32>
      %add3A_2353 = arith.addi %broadcast_in_dim3A_2350, %add3A_2352 : vector<16xi32>
      %gather3A_2354 = tpu.vector_load_idx %arg12[%add3A_2353, %add3A_4, %add3A_2331] : memref<4x64x128xf32, #tpu.memory_space<vmem>>[vector<16xi32>, vector<16xi32>, vector<16xi32>], vector<16xf32>,
      %add3A_2355 = arith.addi %add3A_2341, %add3A_4 : vector<16xi32>
      %gather3A_2356 = tpu.vector_load_idx %arg14[%add3A_2355] : memref<4096xf32, #tpu.memory_space<vmem>>[vector<16xi32>], vector<16xf32>,
      %select_n3A_2357 = arith.select %ge3A_2348, %gather3A_2356, %gather3A_2354 : vector<16xi1>, vector<16xf32>
      %broadcast_in_dim3A_2358 = arith.constant 0 : i32
      %broadcast_in_dim3A_2359 = vector.broadcast %broadcast_in_dim3A_2358 : i32 to vector<16xi32>
      %add3A_2360 = arith.constant 2 : i32
      %add3A_2361 = vector.broadcast %add3A_2360 : i32 to vector<16xi32>
      %add3A_2362 = arith.addi %broadcast_in_dim3A_2359, %add3A_2361 : vector<16xi32>
      %gather3A_2363 = tpu.vector_load_idx %arg12[%add3A_2362, %add3A_7, %add3A_2331] : memref<4x64x128xf32, #tpu.memory_space<vmem>>[vector<16xi32>, vector<16xi32>, vector<16xi32>], vector<16xf32>,
      %add3A_2364 = arith.addi %add3A_2341, %add3A_7 : vector<16xi32>
      %gather3A_2365 = tpu.vector_load_idx %arg14[%add3A_2364] : memref<4096xf32, #tpu.memory_space<vmem>>[vector<16xi32>], vector<16xf32>,
      %select_n3A_2366 = arith.select %ge3A_2348, %gather3A_2365, %gather3A_2363 : vector<16xi1>, vector<16xf32>
      %broadcast_in_dim3A_2367 = arith.constant 0 : i32
      %broadcast_in_dim3A_2368 = vector.broadcast %broadcast_in_dim3A_2367 : i32 to vector<16xi32>
      %add3A_2369 = arith.constant 2 : i32
      %add3A_2370 = vector.broadcast %add3A_2369 : i32 to vector<16xi32>
      %add3A_2371 = arith.addi %broadcast_in_dim3A_2368, %add3A_2370 : vector<16xi32>
      %gather3A_2372 = tpu.vector_load_idx %arg12[%add3A_2371, %add3A_10, %add3A_2331] : memref<4x64x128xf32, #tpu.memory_space<vmem>>[vector<16xi32>, vector<16xi32>, vector<16xi32>], vector<16xf32>,
      %add3A_2373 = arith.addi %add3A_2341, %add3A_10 : vector<16xi32>
      %gather3A_2374 = tpu.vector_load_idx %arg14[%add3A_2373] : memref<4096xf32, #tpu.memory_space<vmem>>[vector<16xi32>], vector<16xf32>,
      %select_n3A_2375 = arith.select %ge3A_2348, %gather3A_2374, %gather3A_2372 : vector<16xi1>, vector<16xf32>
      %broadcast_in_dim3A_2376 = arith.constant 0 : i32
      %broadcast_in_dim3A_2377 = vector.broadcast %broadcast_in_dim3A_2376 : i32 to vector<16xi32>
      %add3A_2378 = arith.constant 2 : i32
      %add3A_2379 = vector.broadcast %add3A_2378 : i32 to vector<16xi32>
      %add3A_2380 = arith.addi %broadcast_in_dim3A_2377, %add3A_2379 : vector<16xi32>
      %gather3A_2381 = tpu.vector_load_idx %arg12[%add3A_2380, %add3A_13, %add3A_2331] : memref<4x64x128xf32, #tpu.memory_space<vmem>>[vector<16xi32>, vector<16xi32>, vector<16xi32>], vector<16xf32>,
      %add3A_2382 = arith.addi %add3A_2341, %add3A_13 : vector<16xi32>
      %gather3A_2383 = tpu.vector_load_idx %arg14[%add3A_2382] : memref<4096xf32, #tpu.memory_space<vmem>>[vector<16xi32>], vector<16xf32>,
      %select_n3A_2384 = arith.select %ge3A_2348, %gather3A_2383, %gather3A_2381 : vector<16xi1>, vector<16xf32>
      %mul3A_2385 = arith.mulf %select_n3A_2296, %select_n3A_2357 : vector<16xf32>
      %mul3A_2386 = arith.mulf %select_n3A_2305, %select_n3A_2366 : vector<16xf32>
      %add3A_2387 = arith.addf %mul3A_2385, %mul3A_2386 : vector<16xf32>
      %mul3A_2388 = arith.mulf %select_n3A_2314, %select_n3A_2375 : vector<16xf32>
      %add3A_2389 = arith.addf %add3A_2387, %mul3A_2388 : vector<16xf32>
      %mul3A_2390 = arith.mulf %select_n3A_2323, %select_n3A_2384 : vector<16xf32>
      %add3A_2391 = arith.addf %add3A_2389, %mul3A_2390 : vector<16xf32>
      %slice3A_2392 = vector.extract_strided_slice %get3A_195 {offsets = [14], sizes = [1], strides = [1]} : vector<16xi32> to vector<1xi32>
      %squeeze3A_2393 = vector.extract %slice3A_2392[0] : i32 from vector<1xi32>
      %shift_right_arithmetic3A_2394 = arith.constant 7 : i32
      %shift_right_arithmetic3A_2395 = arith.shrsi %squeeze3A_2393, %shift_right_arithmetic3A_2394 : i32
      %min3A_2396 = arith.constant 7811 : i32
      %min3A_2397 = arith.minsi %shift_right_arithmetic3A_2395, %min3A_2396 : i32
      %mul3A_2398 = arith.constant 128 : i32
      %mul3A_2399 = arith.muli %min3A_2397, %mul3A_2398 : i32
      %multiple_of3A_2400 = tpu.assume_multiple %mul3A_2399, 128 : i32
      %dma_start3A_2401 = arith.constant 2 : i32
      %dma_start3A_2402 = arith.constant 0 : i32
      %dma_start3A_2403 = arith.constant 0 : i32
      %dma_start3A_2404 = tpu.memref_slice %arg11[%dma_start3A_2401, %dma_start3A_2402, %dma_start3A_2403] : memref<4x64x128xf32, #tpu.memory_space<vmem>> -> memref<1x64x128xf32, #tpu.memory_space<vmem>>
      %dma_start3A_2405 = tpu.memref_squeeze %dma_start3A_2404 : memref<1x64x128xf32, #tpu.memory_space<vmem>> -> memref<64x128xf32, #tpu.memory_space<vmem>>
      %dma_start3A_2406 = arith.constant 0 : i32
      %dma_start3A_2407 = tpu.memref_slice %arg4[%dma_start3A_2406, %multiple_of3A_2400] : memref<64x1000000xf32, #tpu.memory_space<hbm>> -> memref<64x128xf32, #tpu.memory_space<hbm>>
      %dma_start3A_2408 = arith.constant 0 : i32
      %dma_start3A_2409 = arith.constant 0 : i32
      %dma_start3A_2410 = tpu.memref_slice %arg11[%dma_start3A_2401, %dma_start3A_2408, %dma_start3A_2409] : memref<4x64x128xf32, #tpu.memory_space<vmem>> -> memref<1x64x128xf32, #tpu.memory_space<vmem>>
      %dma_start3A_2411 = tpu.memref_squeeze %dma_start3A_2410 : memref<1x64x128xf32, #tpu.memory_space<vmem>> -> memref<64x128xf32, #tpu.memory_space<vmem>>
      %dma_start3A_2412 = arith.constant 0 : i32
      %dma_start3A_2413 = tpu.memref_slice %arg4[%dma_start3A_2412, %multiple_of3A_2400] : memref<64x1000000xf32, #tpu.memory_space<hbm>> -> memref<64x128xf32, #tpu.memory_space<hbm>>
      tpu.enqueue_dma source(%dma_start3A_2413 : memref<64x128xf32, #tpu.memory_space<hbm>>) target(%dma_start3A_2411 : memref<64x128xf32, #tpu.memory_space<vmem>>) target_semaphore(%arg16 : memref<!tpu.dma_semaphore, #tpu.memory_space<semaphore_mem>>)
      %slice3A_2414 = vector.extract_strided_slice %get3A_199 {offsets = [14], sizes = [1], strides = [1]} : vector<16xi32> to vector<1xi32>
      %squeeze3A_2415 = vector.extract %slice3A_2414[0] : i32 from vector<1xi32>
      %shift_right_arithmetic3A_2416 = arith.constant 7 : i32
      %shift_right_arithmetic3A_2417 = arith.shrsi %squeeze3A_2415, %shift_right_arithmetic3A_2416 : i32
      %min3A_2418 = arith.constant 7811 : i32
      %min3A_2419 = arith.minsi %shift_right_arithmetic3A_2417, %min3A_2418 : i32
      %mul3A_2420 = arith.constant 128 : i32
      %mul3A_2421 = arith.muli %min3A_2419, %mul3A_2420 : i32
      %multiple_of3A_2422 = tpu.assume_multiple %mul3A_2421, 128 : i32
      %dma_start3A_2423 = arith.constant 2 : i32
      %dma_start3A_2424 = arith.constant 0 : i32
      %dma_start3A_2425 = arith.constant 0 : i32
      %dma_start3A_2426 = tpu.memref_slice %arg12[%dma_start3A_2423, %dma_start3A_2424, %dma_start3A_2425] : memref<4x64x128xf32, #tpu.memory_space<vmem>> -> memref<1x64x128xf32, #tpu.memory_space<vmem>>
      %dma_start3A_2427 = tpu.memref_squeeze %dma_start3A_2426 : memref<1x64x128xf32, #tpu.memory_space<vmem>> -> memref<64x128xf32, #tpu.memory_space<vmem>>
      %dma_start3A_2428 = arith.constant 0 : i32
      %dma_start3A_2429 = tpu.memref_slice %arg5[%dma_start3A_2428, %multiple_of3A_2422] : memref<64x1000000xf32, #tpu.memory_space<hbm>> -> memref<64x128xf32, #tpu.memory_space<hbm>>
      %dma_start3A_2430 = arith.constant 0 : i32
      %dma_start3A_2431 = arith.constant 0 : i32
      %dma_start3A_2432 = tpu.memref_slice %arg12[%dma_start3A_2423, %dma_start3A_2430, %dma_start3A_2431] : memref<4x64x128xf32, #tpu.memory_space<vmem>> -> memref<1x64x128xf32, #tpu.memory_space<vmem>>
      %dma_start3A_2433 = tpu.memref_squeeze %dma_start3A_2432 : memref<1x64x128xf32, #tpu.memory_space<vmem>> -> memref<64x128xf32, #tpu.memory_space<vmem>>
      %dma_start3A_2434 = arith.constant 0 : i32
      %dma_start3A_2435 = tpu.memref_slice %arg5[%dma_start3A_2434, %multiple_of3A_2422] : memref<64x1000000xf32, #tpu.memory_space<hbm>> -> memref<64x128xf32, #tpu.memory_space<hbm>>
      tpu.enqueue_dma source(%dma_start3A_2435 : memref<64x128xf32, #tpu.memory_space<hbm>>) target(%dma_start3A_2433 : memref<64x128xf32, #tpu.memory_space<vmem>>) target_semaphore(%arg16 : memref<!tpu.dma_semaphore, #tpu.memory_space<semaphore_mem>>)
      %dma_wait3A_2436 = arith.constant 3 : i32
      %dma_wait3A_2437 = arith.constant 0 : i32
      %dma_wait3A_2438 = arith.constant 0 : i32
      %dma_wait3A_2439 = tpu.memref_slice %arg11[%dma_wait3A_2436, %dma_wait3A_2437, %dma_wait3A_2438] : memref<4x64x128xf32, #tpu.memory_space<vmem>> -> memref<1x64x128xf32, #tpu.memory_space<vmem>>
      %dma_wait3A_2440 = tpu.memref_squeeze %dma_wait3A_2439 : memref<1x64x128xf32, #tpu.memory_space<vmem>> -> memref<64x128xf32, #tpu.memory_space<vmem>>
      %dma_wait3A_2441 = arith.constant 0 : i32
      %dma_wait3A_2442 = arith.constant 0 : i32
      %dma_wait3A_2443 = tpu.memref_slice %arg4[%dma_wait3A_2441, %dma_wait3A_2442] : memref<64x1000000xf32, #tpu.memory_space<hbm>> -> memref<64x128xf32, #tpu.memory_space<hbm>>
      %dma_wait3A_2444 = arith.constant 0 : i32
      %dma_wait3A_2445 = arith.constant 0 : i32
      %dma_wait3A_2446 = tpu.memref_slice %arg11[%dma_wait3A_2436, %dma_wait3A_2444, %dma_wait3A_2445] : memref<4x64x128xf32, #tpu.memory_space<vmem>> -> memref<1x64x128xf32, #tpu.memory_space<vmem>>
      %dma_wait3A_2447 = tpu.memref_squeeze %dma_wait3A_2446 : memref<1x64x128xf32, #tpu.memory_space<vmem>> -> memref<64x128xf32, #tpu.memory_space<vmem>>
      %dma_wait3A_2448 = arith.constant 0 : i32
      %dma_wait3A_2449 = arith.constant 0 : i32
      %dma_wait3A_2450 = tpu.memref_slice %arg4[%dma_wait3A_2448, %dma_wait3A_2449] : memref<64x1000000xf32, #tpu.memory_space<hbm>> -> memref<64x128xf32, #tpu.memory_space<hbm>>
      tpu.wait_dma2 semaphore(%arg16 : memref<!tpu.dma_semaphore, #tpu.memory_space<semaphore_mem>>) src(%dma_wait3A_2450 : memref<64x128xf32, #tpu.memory_space<hbm>>) dst(%dma_wait3A_2447 : memref<64x128xf32, #tpu.memory_space<vmem>>)
      %dma_wait3A_2451 = arith.constant 3 : i32
      %dma_wait3A_2452 = arith.constant 0 : i32
      %dma_wait3A_2453 = arith.constant 0 : i32
      %dma_wait3A_2454 = tpu.memref_slice %arg12[%dma_wait3A_2451, %dma_wait3A_2452, %dma_wait3A_2453] : memref<4x64x128xf32, #tpu.memory_space<vmem>> -> memref<1x64x128xf32, #tpu.memory_space<vmem>>
      %dma_wait3A_2455 = tpu.memref_squeeze %dma_wait3A_2454 : memref<1x64x128xf32, #tpu.memory_space<vmem>> -> memref<64x128xf32, #tpu.memory_space<vmem>>
      %dma_wait3A_2456 = arith.constant 0 : i32
      %dma_wait3A_2457 = arith.constant 0 : i32
      %dma_wait3A_2458 = tpu.memref_slice %arg5[%dma_wait3A_2456, %dma_wait3A_2457] : memref<64x1000000xf32, #tpu.memory_space<hbm>> -> memref<64x128xf32, #tpu.memory_space<hbm>>
      %dma_wait3A_2459 = arith.constant 0 : i32
      %dma_wait3A_2460 = arith.constant 0 : i32
      %dma_wait3A_2461 = tpu.memref_slice %arg12[%dma_wait3A_2451, %dma_wait3A_2459, %dma_wait3A_2460] : memref<4x64x128xf32, #tpu.memory_space<vmem>> -> memref<1x64x128xf32, #tpu.memory_space<vmem>>
      %dma_wait3A_2462 = tpu.memref_squeeze %dma_wait3A_2461 : memref<1x64x128xf32, #tpu.memory_space<vmem>> -> memref<64x128xf32, #tpu.memory_space<vmem>>
      %dma_wait3A_2463 = arith.constant 0 : i32
      %dma_wait3A_2464 = arith.constant 0 : i32
      %dma_wait3A_2465 = tpu.memref_slice %arg5[%dma_wait3A_2463, %dma_wait3A_2464] : memref<64x1000000xf32, #tpu.memory_space<hbm>> -> memref<64x128xf32, #tpu.memory_space<hbm>>
      tpu.wait_dma2 semaphore(%arg16 : memref<!tpu.dma_semaphore, #tpu.memory_space<semaphore_mem>>) src(%dma_wait3A_2465 : memref<64x128xf32, #tpu.memory_space<hbm>>) dst(%dma_wait3A_2462 : memref<64x128xf32, #tpu.memory_space<vmem>>)
      %slice3A_2466 = vector.extract_strided_slice %get3A_195 {offsets = [11], sizes = [1], strides = [1]} : vector<16xi32> to vector<1xi32>
      %squeeze3A_2467 = vector.extract %slice3A_2466[0] : i32 from vector<1xi32>
      %and3A_2468 = arith.constant 127 : i32
      %and3A_2469 = arith.andi %squeeze3A_2467, %and3A_2468 : i32
      %broadcast_in_dim3A_2470 = arith.constant 0 : i32
      %broadcast_in_dim3A_2471 = vector.broadcast %broadcast_in_dim3A_2470 : i32 to vector<16xi32>
      %add3A_2472 = vector.broadcast %and3A_2469 : i32 to vector<16xi32>
      %add3A_2473 = arith.addi %broadcast_in_dim3A_2471, %add3A_2472 : vector<16xi32>
      %sub3A_2474 = arith.constant 999936 : i32
      %sub3A_2475 = arith.subi %squeeze3A_2467, %sub3A_2474 : i32
      %max3A_2476 = arith.constant 0 : i32
      %max3A_2477 = arith.maxsi %sub3A_2475, %max3A_2476 : i32
      %mul3A_2478 = arith.constant 64 : i32
      %mul3A_2479 = arith.muli %max3A_2477, %mul3A_2478 : i32
      %broadcast_in_dim3A_2480 = arith.constant 0 : i32
      %broadcast_in_dim3A_2481 = vector.broadcast %broadcast_in_dim3A_2480 : i32 to vector<16xi32>
      %add3A_2482 = vector.broadcast %mul3A_2479 : i32 to vector<16xi32>
      %add3A_2483 = arith.addi %broadcast_in_dim3A_2481, %add3A_2482 : vector<16xi32>
      %broadcast_in_dim3A_2484 = arith.constant 0 : i32
      %broadcast_in_dim3A_2485 = vector.broadcast %broadcast_in_dim3A_2484 : i32 to vector<16xi32>
      %add3A_2486 = vector.broadcast %squeeze3A_2467 : i32 to vector<16xi32>
      %add3A_2487 = arith.addi %broadcast_in_dim3A_2485, %add3A_2486 : vector<16xi32>
      %ge3A_2488 = arith.constant 999936 : i32
      %ge3A_2489 = vector.broadcast %ge3A_2488 : i32 to vector<16xi32>
      %ge3A_2490 = arith.cmpi sge, %add3A_2487, %ge3A_2489 : vector<16xi32>
      %broadcast_in_dim3A_2491 = arith.constant 0 : i32
      %broadcast_in_dim3A_2492 = vector.broadcast %broadcast_in_dim3A_2491 : i32 to vector<16xi32>
      %add3A_2493 = arith.constant 3 : i32
      %add3A_2494 = vector.broadcast %add3A_2493 : i32 to vector<16xi32>
      %add3A_2495 = arith.addi %broadcast_in_dim3A_2492, %add3A_2494 : vector<16xi32>
      %gather3A_2496 = tpu.vector_load_idx %arg11[%add3A_2495, %add3A_4, %add3A_2473] : memref<4x64x128xf32, #tpu.memory_space<vmem>>[vector<16xi32>, vector<16xi32>, vector<16xi32>], vector<16xf32>,
      %add3A_2497 = arith.addi %add3A_2483, %add3A_4 : vector<16xi32>
      %gather3A_2498 = tpu.vector_load_idx %arg13[%add3A_2497] : memref<4096xf32, #tpu.memory_space<vmem>>[vector<16xi32>], vector<16xf32>,
      %select_n3A_2499 = arith.select %ge3A_2490, %gather3A_2498, %gather3A_2496 : vector<16xi1>, vector<16xf32>
      %broadcast_in_dim3A_2500 = arith.constant 0 : i32
      %broadcast_in_dim3A_2501 = vector.broadcast %broadcast_in_dim3A_2500 : i32 to vector<16xi32>
      %add3A_2502 = arith.constant 3 : i32
      %add3A_2503 = vector.broadcast %add3A_2502 : i32 to vector<16xi32>
      %add3A_2504 = arith.addi %broadcast_in_dim3A_2501, %add3A_2503 : vector<16xi32>
      %gather3A_2505 = tpu.vector_load_idx %arg11[%add3A_2504, %add3A_7, %add3A_2473] : memref<4x64x128xf32, #tpu.memory_space<vmem>>[vector<16xi32>, vector<16xi32>, vector<16xi32>], vector<16xf32>,
      %add3A_2506 = arith.addi %add3A_2483, %add3A_7 : vector<16xi32>
      %gather3A_2507 = tpu.vector_load_idx %arg13[%add3A_2506] : memref<4096xf32, #tpu.memory_space<vmem>>[vector<16xi32>], vector<16xf32>,
      %select_n3A_2508 = arith.select %ge3A_2490, %gather3A_2507, %gather3A_2505 : vector<16xi1>, vector<16xf32>
      %broadcast_in_dim3A_2509 = arith.constant 0 : i32
      %broadcast_in_dim3A_2510 = vector.broadcast %broadcast_in_dim3A_2509 : i32 to vector<16xi32>
      %add3A_2511 = arith.constant 3 : i32
      %add3A_2512 = vector.broadcast %add3A_2511 : i32 to vector<16xi32>
      %add3A_2513 = arith.addi %broadcast_in_dim3A_2510, %add3A_2512 : vector<16xi32>
      %gather3A_2514 = tpu.vector_load_idx %arg11[%add3A_2513, %add3A_10, %add3A_2473] : memref<4x64x128xf32, #tpu.memory_space<vmem>>[vector<16xi32>, vector<16xi32>, vector<16xi32>], vector<16xf32>,
      %add3A_2515 = arith.addi %add3A_2483, %add3A_10 : vector<16xi32>
      %gather3A_2516 = tpu.vector_load_idx %arg13[%add3A_2515] : memref<4096xf32, #tpu.memory_space<vmem>>[vector<16xi32>], vector<16xf32>,
      %select_n3A_2517 = arith.select %ge3A_2490, %gather3A_2516, %gather3A_2514 : vector<16xi1>, vector<16xf32>
      %broadcast_in_dim3A_2518 = arith.constant 0 : i32
      %broadcast_in_dim3A_2519 = vector.broadcast %broadcast_in_dim3A_2518 : i32 to vector<16xi32>
      %add3A_2520 = arith.constant 3 : i32
      %add3A_2521 = vector.broadcast %add3A_2520 : i32 to vector<16xi32>
      %add3A_2522 = arith.addi %broadcast_in_dim3A_2519, %add3A_2521 : vector<16xi32>
      %gather3A_2523 = tpu.vector_load_idx %arg11[%add3A_2522, %add3A_13, %add3A_2473] : memref<4x64x128xf32, #tpu.memory_space<vmem>>[vector<16xi32>, vector<16xi32>, vector<16xi32>], vector<16xf32>,
      %add3A_2524 = arith.addi %add3A_2483, %add3A_13 : vector<16xi32>
      %gather3A_2525 = tpu.vector_load_idx %arg13[%add3A_2524] : memref<4096xf32, #tpu.memory_space<vmem>>[vector<16xi32>], vector<16xf32>,
      %select_n3A_2526 = arith.select %ge3A_2490, %gather3A_2525, %gather3A_2523 : vector<16xi1>, vector<16xf32>
      %slice3A_2527 = vector.extract_strided_slice %get3A_199 {offsets = [11], sizes = [1], strides = [1]} : vector<16xi32> to vector<1xi32>
      %squeeze3A_2528 = vector.extract %slice3A_2527[0] : i32 from vector<1xi32>
      %and3A_2529 = arith.constant 127 : i32
      %and3A_2530 = arith.andi %squeeze3A_2528, %and3A_2529 : i32
      %broadcast_in_dim3A_2531 = arith.constant 0 : i32
      %broadcast_in_dim3A_2532 = vector.broadcast %broadcast_in_dim3A_2531 : i32 to vector<16xi32>
      %add3A_2533 = vector.broadcast %and3A_2530 : i32 to vector<16xi32>
      %add3A_2534 = arith.addi %broadcast_in_dim3A_2532, %add3A_2533 : vector<16xi32>
      %sub3A_2535 = arith.constant 999936 : i32
      %sub3A_2536 = arith.subi %squeeze3A_2528, %sub3A_2535 : i32
      %max3A_2537 = arith.constant 0 : i32
      %max3A_2538 = arith.maxsi %sub3A_2536, %max3A_2537 : i32
      %mul3A_2539 = arith.constant 64 : i32
      %mul3A_2540 = arith.muli %max3A_2538, %mul3A_2539 : i32
      %broadcast_in_dim3A_2541 = arith.constant 0 : i32
      %broadcast_in_dim3A_2542 = vector.broadcast %broadcast_in_dim3A_2541 : i32 to vector<16xi32>
      %add3A_2543 = vector.broadcast %mul3A_2540 : i32 to vector<16xi32>
      %add3A_2544 = arith.addi %broadcast_in_dim3A_2542, %add3A_2543 : vector<16xi32>
      %broadcast_in_dim3A_2545 = arith.constant 0 : i32
      %broadcast_in_dim3A_2546 = vector.broadcast %broadcast_in_dim3A_2545 : i32 to vector<16xi32>
      %add3A_2547 = vector.broadcast %squeeze3A_2528 : i32 to vector<16xi32>
      %add3A_2548 = arith.addi %broadcast_in_dim3A_2546, %add3A_2547 : vector<16xi32>
      %ge3A_2549 = arith.constant 999936 : i32
      %ge3A_2550 = vector.broadcast %ge3A_2549 : i32 to vector<16xi32>
      %ge3A_2551 = arith.cmpi sge, %add3A_2548, %ge3A_2550 : vector<16xi32>
      %broadcast_in_dim3A_2552 = arith.constant 0 : i32
      %broadcast_in_dim3A_2553 = vector.broadcast %broadcast_in_dim3A_2552 : i32 to vector<16xi32>
      %add3A_2554 = arith.constant 3 : i32
      %add3A_2555 = vector.broadcast %add3A_2554 : i32 to vector<16xi32>
      %add3A_2556 = arith.addi %broadcast_in_dim3A_2553, %add3A_2555 : vector<16xi32>
      %gather3A_2557 = tpu.vector_load_idx %arg12[%add3A_2556, %add3A_4, %add3A_2534] : memref<4x64x128xf32, #tpu.memory_space<vmem>>[vector<16xi32>, vector<16xi32>, vector<16xi32>], vector<16xf32>,
      %add3A_2558 = arith.addi %add3A_2544, %add3A_4 : vector<16xi32>
      %gather3A_2559 = tpu.vector_load_idx %arg14[%add3A_2558] : memref<4096xf32, #tpu.memory_space<vmem>>[vector<16xi32>], vector<16xf32>,
      %select_n3A_2560 = arith.select %ge3A_2551, %gather3A_2559, %gather3A_2557 : vector<16xi1>, vector<16xf32>
      %broadcast_in_dim3A_2561 = arith.constant 0 : i32
      %broadcast_in_dim3A_2562 = vector.broadcast %broadcast_in_dim3A_2561 : i32 to vector<16xi32>
      %add3A_2563 = arith.constant 3 : i32
      %add3A_2564 = vector.broadcast %add3A_2563 : i32 to vector<16xi32>
      %add3A_2565 = arith.addi %broadcast_in_dim3A_2562, %add3A_2564 : vector<16xi32>
      %gather3A_2566 = tpu.vector_load_idx %arg12[%add3A_2565, %add3A_7, %add3A_2534] : memref<4x64x128xf32, #tpu.memory_space<vmem>>[vector<16xi32>, vector<16xi32>, vector<16xi32>], vector<16xf32>,
      %add3A_2567 = arith.addi %add3A_2544, %add3A_7 : vector<16xi32>
      %gather3A_2568 = tpu.vector_load_idx %arg14[%add3A_2567] : memref<4096xf32, #tpu.memory_space<vmem>>[vector<16xi32>], vector<16xf32>,
      %select_n3A_2569 = arith.select %ge3A_2551, %gather3A_2568, %gather3A_2566 : vector<16xi1>, vector<16xf32>
      %broadcast_in_dim3A_2570 = arith.constant 0 : i32
      %broadcast_in_dim3A_2571 = vector.broadcast %broadcast_in_dim3A_2570 : i32 to vector<16xi32>
      %add3A_2572 = arith.constant 3 : i32
      %add3A_2573 = vector.broadcast %add3A_2572 : i32 to vector<16xi32>
      %add3A_2574 = arith.addi %broadcast_in_dim3A_2571, %add3A_2573 : vector<16xi32>
      %gather3A_2575 = tpu.vector_load_idx %arg12[%add3A_2574, %add3A_10, %add3A_2534] : memref<4x64x128xf32, #tpu.memory_space<vmem>>[vector<16xi32>, vector<16xi32>, vector<16xi32>], vector<16xf32>,
      %add3A_2576 = arith.addi %add3A_2544, %add3A_10 : vector<16xi32>
      %gather3A_2577 = tpu.vector_load_idx %arg14[%add3A_2576] : memref<4096xf32, #tpu.memory_space<vmem>>[vector<16xi32>], vector<16xf32>,
      %select_n3A_2578 = arith.select %ge3A_2551, %gather3A_2577, %gather3A_2575 : vector<16xi1>, vector<16xf32>
      %broadcast_in_dim3A_2579 = arith.constant 0 : i32
      %broadcast_in_dim3A_2580 = vector.broadcast %broadcast_in_dim3A_2579 : i32 to vector<16xi32>
      %add3A_2581 = arith.constant 3 : i32
      %add3A_2582 = vector.broadcast %add3A_2581 : i32 to vector<16xi32>
      %add3A_2583 = arith.addi %broadcast_in_dim3A_2580, %add3A_2582 : vector<16xi32>
      %gather3A_2584 = tpu.vector_load_idx %arg12[%add3A_2583, %add3A_13, %add3A_2534] : memref<4x64x128xf32, #tpu.memory_space<vmem>>[vector<16xi32>, vector<16xi32>, vector<16xi32>], vector<16xf32>,
      %add3A_2585 = arith.addi %add3A_2544, %add3A_13 : vector<16xi32>
      %gather3A_2586 = tpu.vector_load_idx %arg14[%add3A_2585] : memref<4096xf32, #tpu.memory_space<vmem>>[vector<16xi32>], vector<16xf32>,
      %select_n3A_2587 = arith.select %ge3A_2551, %gather3A_2586, %gather3A_2584 : vector<16xi1>, vector<16xf32>
      %mul3A_2588 = arith.mulf %select_n3A_2499, %select_n3A_2560 : vector<16xf32>
      %mul3A_2589 = arith.mulf %select_n3A_2508, %select_n3A_2569 : vector<16xf32>
      %add3A_2590 = arith.addf %mul3A_2588, %mul3A_2589 : vector<16xf32>
      %mul3A_2591 = arith.mulf %select_n3A_2517, %select_n3A_2578 : vector<16xf32>
      %add3A_2592 = arith.addf %add3A_2590, %mul3A_2591 : vector<16xf32>
      %mul3A_2593 = arith.mulf %select_n3A_2526, %select_n3A_2587 : vector<16xf32>
      %add3A_2594 = arith.addf %add3A_2592, %mul3A_2593 : vector<16xf32>
      %slice3A_2595 = vector.extract_strided_slice %get3A_195 {offsets = [15], sizes = [1], strides = [1]} : vector<16xi32> to vector<1xi32>
      %squeeze3A_2596 = vector.extract %slice3A_2595[0] : i32 from vector<1xi32>
      %shift_right_arithmetic3A_2597 = arith.constant 7 : i32
      %shift_right_arithmetic3A_2598 = arith.shrsi %squeeze3A_2596, %shift_right_arithmetic3A_2597 : i32
      %min3A_2599 = arith.constant 7811 : i32
      %min3A_2600 = arith.minsi %shift_right_arithmetic3A_2598, %min3A_2599 : i32
      %mul3A_2601 = arith.constant 128 : i32
      %mul3A_2602 = arith.muli %min3A_2600, %mul3A_2601 : i32
      %multiple_of3A_2603 = tpu.assume_multiple %mul3A_2602, 128 : i32
      %dma_start3A_2604 = arith.constant 3 : i32
      %dma_start3A_2605 = arith.constant 0 : i32
      %dma_start3A_2606 = arith.constant 0 : i32
      %dma_start3A_2607 = tpu.memref_slice %arg11[%dma_start3A_2604, %dma_start3A_2605, %dma_start3A_2606] : memref<4x64x128xf32, #tpu.memory_space<vmem>> -> memref<1x64x128xf32, #tpu.memory_space<vmem>>
      %dma_start3A_2608 = tpu.memref_squeeze %dma_start3A_2607 : memref<1x64x128xf32, #tpu.memory_space<vmem>> -> memref<64x128xf32, #tpu.memory_space<vmem>>
      %dma_start3A_2609 = arith.constant 0 : i32
      %dma_start3A_2610 = tpu.memref_slice %arg4[%dma_start3A_2609, %multiple_of3A_2603] : memref<64x1000000xf32, #tpu.memory_space<hbm>> -> memref<64x128xf32, #tpu.memory_space<hbm>>
      %dma_start3A_2611 = arith.constant 0 : i32
      %dma_start3A_2612 = arith.constant 0 : i32
      %dma_start3A_2613 = tpu.memref_slice %arg11[%dma_start3A_2604, %dma_start3A_2611, %dma_start3A_2612] : memref<4x64x128xf32, #tpu.memory_space<vmem>> -> memref<1x64x128xf32, #tpu.memory_space<vmem>>
      %dma_start3A_2614 = tpu.memref_squeeze %dma_start3A_2613 : memref<1x64x128xf32, #tpu.memory_space<vmem>> -> memref<64x128xf32, #tpu.memory_space<vmem>>
      %dma_start3A_2615 = arith.constant 0 : i32
      %dma_start3A_2616 = tpu.memref_slice %arg4[%dma_start3A_2615, %multiple_of3A_2603] : memref<64x1000000xf32, #tpu.memory_space<hbm>> -> memref<64x128xf32, #tpu.memory_space<hbm>>
      tpu.enqueue_dma source(%dma_start3A_2616 : memref<64x128xf32, #tpu.memory_space<hbm>>) target(%dma_start3A_2614 : memref<64x128xf32, #tpu.memory_space<vmem>>) target_semaphore(%arg16 : memref<!tpu.dma_semaphore, #tpu.memory_space<semaphore_mem>>)
      %slice3A_2617 = vector.extract_strided_slice %get3A_199 {offsets = [15], sizes = [1], strides = [1]} : vector<16xi32> to vector<1xi32>
      %squeeze3A_2618 = vector.extract %slice3A_2617[0] : i32 from vector<1xi32>
      %shift_right_arithmetic3A_2619 = arith.constant 7 : i32
      %shift_right_arithmetic3A_2620 = arith.shrsi %squeeze3A_2618, %shift_right_arithmetic3A_2619 : i32
      %min3A_2621 = arith.constant 7811 : i32
      %min3A_2622 = arith.minsi %shift_right_arithmetic3A_2620, %min3A_2621 : i32
      %mul3A_2623 = arith.constant 128 : i32
      %mul3A_2624 = arith.muli %min3A_2622, %mul3A_2623 : i32
      %multiple_of3A_2625 = tpu.assume_multiple %mul3A_2624, 128 : i32
      %dma_start3A_2626 = arith.constant 3 : i32
      %dma_start3A_2627 = arith.constant 0 : i32
      %dma_start3A_2628 = arith.constant 0 : i32
      %dma_start3A_2629 = tpu.memref_slice %arg12[%dma_start3A_2626, %dma_start3A_2627, %dma_start3A_2628] : memref<4x64x128xf32, #tpu.memory_space<vmem>> -> memref<1x64x128xf32, #tpu.memory_space<vmem>>
      %dma_start3A_2630 = tpu.memref_squeeze %dma_start3A_2629 : memref<1x64x128xf32, #tpu.memory_space<vmem>> -> memref<64x128xf32, #tpu.memory_space<vmem>>
      %dma_start3A_2631 = arith.constant 0 : i32
      %dma_start3A_2632 = tpu.memref_slice %arg5[%dma_start3A_2631, %multiple_of3A_2625] : memref<64x1000000xf32, #tpu.memory_space<hbm>> -> memref<64x128xf32, #tpu.memory_space<hbm>>
      %dma_start3A_2633 = arith.constant 0 : i32
      %dma_start3A_2634 = arith.constant 0 : i32
      %dma_start3A_2635 = tpu.memref_slice %arg12[%dma_start3A_2626, %dma_start3A_2633, %dma_start3A_2634] : memref<4x64x128xf32, #tpu.memory_space<vmem>> -> memref<1x64x128xf32, #tpu.memory_space<vmem>>
      %dma_start3A_2636 = tpu.memref_squeeze %dma_start3A_2635 : memref<1x64x128xf32, #tpu.memory_space<vmem>> -> memref<64x128xf32, #tpu.memory_space<vmem>>
      %dma_start3A_2637 = arith.constant 0 : i32
      %dma_start3A_2638 = tpu.memref_slice %arg5[%dma_start3A_2637, %multiple_of3A_2625] : memref<64x1000000xf32, #tpu.memory_space<hbm>> -> memref<64x128xf32, #tpu.memory_space<hbm>>
      tpu.enqueue_dma source(%dma_start3A_2638 : memref<64x128xf32, #tpu.memory_space<hbm>>) target(%dma_start3A_2636 : memref<64x128xf32, #tpu.memory_space<vmem>>) target_semaphore(%arg16 : memref<!tpu.dma_semaphore, #tpu.memory_space<semaphore_mem>>)
      %dma_wait3A_2639 = arith.constant 0 : i32
      %dma_wait3A_2640 = arith.constant 0 : i32
      %dma_wait3A_2641 = arith.constant 0 : i32
      %dma_wait3A_2642 = tpu.memref_slice %arg11[%dma_wait3A_2639, %dma_wait3A_2640, %dma_wait3A_2641] : memref<4x64x128xf32, #tpu.memory_space<vmem>> -> memref<1x64x128xf32, #tpu.memory_space<vmem>>
      %dma_wait3A_2643 = tpu.memref_squeeze %dma_wait3A_2642 : memref<1x64x128xf32, #tpu.memory_space<vmem>> -> memref<64x128xf32, #tpu.memory_space<vmem>>
      %dma_wait3A_2644 = arith.constant 0 : i32
      %dma_wait3A_2645 = arith.constant 0 : i32
      %dma_wait3A_2646 = tpu.memref_slice %arg4[%dma_wait3A_2644, %dma_wait3A_2645] : memref<64x1000000xf32, #tpu.memory_space<hbm>> -> memref<64x128xf32, #tpu.memory_space<hbm>>
      %dma_wait3A_2647 = arith.constant 0 : i32
      %dma_wait3A_2648 = arith.constant 0 : i32
      %dma_wait3A_2649 = tpu.memref_slice %arg11[%dma_wait3A_2639, %dma_wait3A_2647, %dma_wait3A_2648] : memref<4x64x128xf32, #tpu.memory_space<vmem>> -> memref<1x64x128xf32, #tpu.memory_space<vmem>>
      %dma_wait3A_2650 = tpu.memref_squeeze %dma_wait3A_2649 : memref<1x64x128xf32, #tpu.memory_space<vmem>> -> memref<64x128xf32, #tpu.memory_space<vmem>>
      %dma_wait3A_2651 = arith.constant 0 : i32
      %dma_wait3A_2652 = arith.constant 0 : i32
      %dma_wait3A_2653 = tpu.memref_slice %arg4[%dma_wait3A_2651, %dma_wait3A_2652] : memref<64x1000000xf32, #tpu.memory_space<hbm>> -> memref<64x128xf32, #tpu.memory_space<hbm>>
      tpu.wait_dma2 semaphore(%arg16 : memref<!tpu.dma_semaphore, #tpu.memory_space<semaphore_mem>>) src(%dma_wait3A_2653 : memref<64x128xf32, #tpu.memory_space<hbm>>) dst(%dma_wait3A_2650 : memref<64x128xf32, #tpu.memory_space<vmem>>)
      %dma_wait3A_2654 = arith.constant 0 : i32
      %dma_wait3A_2655 = arith.constant 0 : i32
      %dma_wait3A_2656 = arith.constant 0 : i32
      %dma_wait3A_2657 = tpu.memref_slice %arg12[%dma_wait3A_2654, %dma_wait3A_2655, %dma_wait3A_2656] : memref<4x64x128xf32, #tpu.memory_space<vmem>> -> memref<1x64x128xf32, #tpu.memory_space<vmem>>
      %dma_wait3A_2658 = tpu.memref_squeeze %dma_wait3A_2657 : memref<1x64x128xf32, #tpu.memory_space<vmem>> -> memref<64x128xf32, #tpu.memory_space<vmem>>
      %dma_wait3A_2659 = arith.constant 0 : i32
      %dma_wait3A_2660 = arith.constant 0 : i32
      %dma_wait3A_2661 = tpu.memref_slice %arg5[%dma_wait3A_2659, %dma_wait3A_2660] : memref<64x1000000xf32, #tpu.memory_space<hbm>> -> memref<64x128xf32, #tpu.memory_space<hbm>>
      %dma_wait3A_2662 = arith.constant 0 : i32
      %dma_wait3A_2663 = arith.constant 0 : i32
      %dma_wait3A_2664 = tpu.memref_slice %arg12[%dma_wait3A_2654, %dma_wait3A_2662, %dma_wait3A_2663] : memref<4x64x128xf32, #tpu.memory_space<vmem>> -> memref<1x64x128xf32, #tpu.memory_space<vmem>>
      %dma_wait3A_2665 = tpu.memref_squeeze %dma_wait3A_2664 : memref<1x64x128xf32, #tpu.memory_space<vmem>> -> memref<64x128xf32, #tpu.memory_space<vmem>>
      %dma_wait3A_2666 = arith.constant 0 : i32
      %dma_wait3A_2667 = arith.constant 0 : i32
      %dma_wait3A_2668 = tpu.memref_slice %arg5[%dma_wait3A_2666, %dma_wait3A_2667] : memref<64x1000000xf32, #tpu.memory_space<hbm>> -> memref<64x128xf32, #tpu.memory_space<hbm>>
      tpu.wait_dma2 semaphore(%arg16 : memref<!tpu.dma_semaphore, #tpu.memory_space<semaphore_mem>>) src(%dma_wait3A_2668 : memref<64x128xf32, #tpu.memory_space<hbm>>) dst(%dma_wait3A_2665 : memref<64x128xf32, #tpu.memory_space<vmem>>)
      %slice3A_2669 = vector.extract_strided_slice %get3A_195 {offsets = [12], sizes = [1], strides = [1]} : vector<16xi32> to vector<1xi32>
      %squeeze3A_2670 = vector.extract %slice3A_2669[0] : i32 from vector<1xi32>
      %and3A_2671 = arith.constant 127 : i32
      %and3A_2672 = arith.andi %squeeze3A_2670, %and3A_2671 : i32
      %broadcast_in_dim3A_2673 = arith.constant 0 : i32
      %broadcast_in_dim3A_2674 = vector.broadcast %broadcast_in_dim3A_2673 : i32 to vector<16xi32>
      %add3A_2675 = vector.broadcast %and3A_2672 : i32 to vector<16xi32>
      %add3A_2676 = arith.addi %broadcast_in_dim3A_2674, %add3A_2675 : vector<16xi32>
      %sub3A_2677 = arith.constant 999936 : i32
      %sub3A_2678 = arith.subi %squeeze3A_2670, %sub3A_2677 : i32
      %max3A_2679 = arith.constant 0 : i32
      %max3A_2680 = arith.maxsi %sub3A_2678, %max3A_2679 : i32
      %mul3A_2681 = arith.constant 64 : i32
      %mul3A_2682 = arith.muli %max3A_2680, %mul3A_2681 : i32
      %broadcast_in_dim3A_2683 = arith.constant 0 : i32
      %broadcast_in_dim3A_2684 = vector.broadcast %broadcast_in_dim3A_2683 : i32 to vector<16xi32>
      %add3A_2685 = vector.broadcast %mul3A_2682 : i32 to vector<16xi32>
      %add3A_2686 = arith.addi %broadcast_in_dim3A_2684, %add3A_2685 : vector<16xi32>
      %broadcast_in_dim3A_2687 = arith.constant 0 : i32
      %broadcast_in_dim3A_2688 = vector.broadcast %broadcast_in_dim3A_2687 : i32 to vector<16xi32>
      %add3A_2689 = vector.broadcast %squeeze3A_2670 : i32 to vector<16xi32>
      %add3A_2690 = arith.addi %broadcast_in_dim3A_2688, %add3A_2689 : vector<16xi32>
      %ge3A_2691 = arith.constant 999936 : i32
      %ge3A_2692 = vector.broadcast %ge3A_2691 : i32 to vector<16xi32>
      %ge3A_2693 = arith.cmpi sge, %add3A_2690, %ge3A_2692 : vector<16xi32>
      %broadcast_in_dim3A_2694 = arith.constant 0 : i32
      %broadcast_in_dim3A_2695 = vector.broadcast %broadcast_in_dim3A_2694 : i32 to vector<16xi32>
      %add3A_2696 = arith.constant 0 : i32
      %add3A_2697 = vector.broadcast %add3A_2696 : i32 to vector<16xi32>
      %add3A_2698 = arith.addi %broadcast_in_dim3A_2695, %add3A_2697 : vector<16xi32>
      %gather3A_2699 = tpu.vector_load_idx %arg11[%add3A_2698, %add3A_4, %add3A_2676] : memref<4x64x128xf32, #tpu.memory_space<vmem>>[vector<16xi32>, vector<16xi32>, vector<16xi32>], vector<16xf32>,
      %add3A_2700 = arith.addi %add3A_2686, %add3A_4 : vector<16xi32>
      %gather3A_2701 = tpu.vector_load_idx %arg13[%add3A_2700] : memref<4096xf32, #tpu.memory_space<vmem>>[vector<16xi32>], vector<16xf32>,
      %select_n3A_2702 = arith.select %ge3A_2693, %gather3A_2701, %gather3A_2699 : vector<16xi1>, vector<16xf32>
      %broadcast_in_dim3A_2703 = arith.constant 0 : i32
      %broadcast_in_dim3A_2704 = vector.broadcast %broadcast_in_dim3A_2703 : i32 to vector<16xi32>
      %add3A_2705 = arith.constant 0 : i32
      %add3A_2706 = vector.broadcast %add3A_2705 : i32 to vector<16xi32>
      %add3A_2707 = arith.addi %broadcast_in_dim3A_2704, %add3A_2706 : vector<16xi32>
      %gather3A_2708 = tpu.vector_load_idx %arg11[%add3A_2707, %add3A_7, %add3A_2676] : memref<4x64x128xf32, #tpu.memory_space<vmem>>[vector<16xi32>, vector<16xi32>, vector<16xi32>], vector<16xf32>,
      %add3A_2709 = arith.addi %add3A_2686, %add3A_7 : vector<16xi32>
      %gather3A_2710 = tpu.vector_load_idx %arg13[%add3A_2709] : memref<4096xf32, #tpu.memory_space<vmem>>[vector<16xi32>], vector<16xf32>,
      %select_n3A_2711 = arith.select %ge3A_2693, %gather3A_2710, %gather3A_2708 : vector<16xi1>, vector<16xf32>
      %broadcast_in_dim3A_2712 = arith.constant 0 : i32
      %broadcast_in_dim3A_2713 = vector.broadcast %broadcast_in_dim3A_2712 : i32 to vector<16xi32>
      %add3A_2714 = arith.constant 0 : i32
      %add3A_2715 = vector.broadcast %add3A_2714 : i32 to vector<16xi32>
      %add3A_2716 = arith.addi %broadcast_in_dim3A_2713, %add3A_2715 : vector<16xi32>
      %gather3A_2717 = tpu.vector_load_idx %arg11[%add3A_2716, %add3A_10, %add3A_2676] : memref<4x64x128xf32, #tpu.memory_space<vmem>>[vector<16xi32>, vector<16xi32>, vector<16xi32>], vector<16xf32>,
      %add3A_2718 = arith.addi %add3A_2686, %add3A_10 : vector<16xi32>
      %gather3A_2719 = tpu.vector_load_idx %arg13[%add3A_2718] : memref<4096xf32, #tpu.memory_space<vmem>>[vector<16xi32>], vector<16xf32>,
      %select_n3A_2720 = arith.select %ge3A_2693, %gather3A_2719, %gather3A_2717 : vector<16xi1>, vector<16xf32>
      %broadcast_in_dim3A_2721 = arith.constant 0 : i32
      %broadcast_in_dim3A_2722 = vector.broadcast %broadcast_in_dim3A_2721 : i32 to vector<16xi32>
      %add3A_2723 = arith.constant 0 : i32
      %add3A_2724 = vector.broadcast %add3A_2723 : i32 to vector<16xi32>
      %add3A_2725 = arith.addi %broadcast_in_dim3A_2722, %add3A_2724 : vector<16xi32>
      %gather3A_2726 = tpu.vector_load_idx %arg11[%add3A_2725, %add3A_13, %add3A_2676] : memref<4x64x128xf32, #tpu.memory_space<vmem>>[vector<16xi32>, vector<16xi32>, vector<16xi32>], vector<16xf32>,
      %add3A_2727 = arith.addi %add3A_2686, %add3A_13 : vector<16xi32>
      %gather3A_2728 = tpu.vector_load_idx %arg13[%add3A_2727] : memref<4096xf32, #tpu.memory_space<vmem>>[vector<16xi32>], vector<16xf32>,
      %select_n3A_2729 = arith.select %ge3A_2693, %gather3A_2728, %gather3A_2726 : vector<16xi1>, vector<16xf32>
      %slice3A_2730 = vector.extract_strided_slice %get3A_199 {offsets = [12], sizes = [1], strides = [1]} : vector<16xi32> to vector<1xi32>
      %squeeze3A_2731 = vector.extract %slice3A_2730[0] : i32 from vector<1xi32>
      %and3A_2732 = arith.constant 127 : i32
      %and3A_2733 = arith.andi %squeeze3A_2731, %and3A_2732 : i32
      %broadcast_in_dim3A_2734 = arith.constant 0 : i32
      %broadcast_in_dim3A_2735 = vector.broadcast %broadcast_in_dim3A_2734 : i32 to vector<16xi32>
      %add3A_2736 = vector.broadcast %and3A_2733 : i32 to vector<16xi32>
      %add3A_2737 = arith.addi %broadcast_in_dim3A_2735, %add3A_2736 : vector<16xi32>
      %sub3A_2738 = arith.constant 999936 : i32
      %sub3A_2739 = arith.subi %squeeze3A_2731, %sub3A_2738 : i32
      %max3A_2740 = arith.constant 0 : i32
      %max3A_2741 = arith.maxsi %sub3A_2739, %max3A_2740 : i32
      %mul3A_2742 = arith.constant 64 : i32
      %mul3A_2743 = arith.muli %max3A_2741, %mul3A_2742 : i32
      %broadcast_in_dim3A_2744 = arith.constant 0 : i32
      %broadcast_in_dim3A_2745 = vector.broadcast %broadcast_in_dim3A_2744 : i32 to vector<16xi32>
      %add3A_2746 = vector.broadcast %mul3A_2743 : i32 to vector<16xi32>
      %add3A_2747 = arith.addi %broadcast_in_dim3A_2745, %add3A_2746 : vector<16xi32>
      %broadcast_in_dim3A_2748 = arith.constant 0 : i32
      %broadcast_in_dim3A_2749 = vector.broadcast %broadcast_in_dim3A_2748 : i32 to vector<16xi32>
      %add3A_2750 = vector.broadcast %squeeze3A_2731 : i32 to vector<16xi32>
      %add3A_2751 = arith.addi %broadcast_in_dim3A_2749, %add3A_2750 : vector<16xi32>
      %ge3A_2752 = arith.constant 999936 : i32
      %ge3A_2753 = vector.broadcast %ge3A_2752 : i32 to vector<16xi32>
      %ge3A_2754 = arith.cmpi sge, %add3A_2751, %ge3A_2753 : vector<16xi32>
      %broadcast_in_dim3A_2755 = arith.constant 0 : i32
      %broadcast_in_dim3A_2756 = vector.broadcast %broadcast_in_dim3A_2755 : i32 to vector<16xi32>
      %add3A_2757 = arith.constant 0 : i32
      %add3A_2758 = vector.broadcast %add3A_2757 : i32 to vector<16xi32>
      %add3A_2759 = arith.addi %broadcast_in_dim3A_2756, %add3A_2758 : vector<16xi32>
      %gather3A_2760 = tpu.vector_load_idx %arg12[%add3A_2759, %add3A_4, %add3A_2737] : memref<4x64x128xf32, #tpu.memory_space<vmem>>[vector<16xi32>, vector<16xi32>, vector<16xi32>], vector<16xf32>,
      %add3A_2761 = arith.addi %add3A_2747, %add3A_4 : vector<16xi32>
      %gather3A_2762 = tpu.vector_load_idx %arg14[%add3A_2761] : memref<4096xf32, #tpu.memory_space<vmem>>[vector<16xi32>], vector<16xf32>,
      %select_n3A_2763 = arith.select %ge3A_2754, %gather3A_2762, %gather3A_2760 : vector<16xi1>, vector<16xf32>
      %broadcast_in_dim3A_2764 = arith.constant 0 : i32
      %broadcast_in_dim3A_2765 = vector.broadcast %broadcast_in_dim3A_2764 : i32 to vector<16xi32>
      %add3A_2766 = arith.constant 0 : i32
      %add3A_2767 = vector.broadcast %add3A_2766 : i32 to vector<16xi32>
      %add3A_2768 = arith.addi %broadcast_in_dim3A_2765, %add3A_2767 : vector<16xi32>
      %gather3A_2769 = tpu.vector_load_idx %arg12[%add3A_2768, %add3A_7, %add3A_2737] : memref<4x64x128xf32, #tpu.memory_space<vmem>>[vector<16xi32>, vector<16xi32>, vector<16xi32>], vector<16xf32>,
      %add3A_2770 = arith.addi %add3A_2747, %add3A_7 : vector<16xi32>
      %gather3A_2771 = tpu.vector_load_idx %arg14[%add3A_2770] : memref<4096xf32, #tpu.memory_space<vmem>>[vector<16xi32>], vector<16xf32>,
      %select_n3A_2772 = arith.select %ge3A_2754, %gather3A_2771, %gather3A_2769 : vector<16xi1>, vector<16xf32>
      %broadcast_in_dim3A_2773 = arith.constant 0 : i32
      %broadcast_in_dim3A_2774 = vector.broadcast %broadcast_in_dim3A_2773 : i32 to vector<16xi32>
      %add3A_2775 = arith.constant 0 : i32
      %add3A_2776 = vector.broadcast %add3A_2775 : i32 to vector<16xi32>
      %add3A_2777 = arith.addi %broadcast_in_dim3A_2774, %add3A_2776 : vector<16xi32>
      %gather3A_2778 = tpu.vector_load_idx %arg12[%add3A_2777, %add3A_10, %add3A_2737] : memref<4x64x128xf32, #tpu.memory_space<vmem>>[vector<16xi32>, vector<16xi32>, vector<16xi32>], vector<16xf32>,
      %add3A_2779 = arith.addi %add3A_2747, %add3A_10 : vector<16xi32>
      %gather3A_2780 = tpu.vector_load_idx %arg14[%add3A_2779] : memref<4096xf32, #tpu.memory_space<vmem>>[vector<16xi32>], vector<16xf32>,
      %select_n3A_2781 = arith.select %ge3A_2754, %gather3A_2780, %gather3A_2778 : vector<16xi1>, vector<16xf32>
      %broadcast_in_dim3A_2782 = arith.constant 0 : i32
      %broadcast_in_dim3A_2783 = vector.broadcast %broadcast_in_dim3A_2782 : i32 to vector<16xi32>
      %add3A_2784 = arith.constant 0 : i32
      %add3A_2785 = vector.broadcast %add3A_2784 : i32 to vector<16xi32>
      %add3A_2786 = arith.addi %broadcast_in_dim3A_2783, %add3A_2785 : vector<16xi32>
      %gather3A_2787 = tpu.vector_load_idx %arg12[%add3A_2786, %add3A_13, %add3A_2737] : memref<4x64x128xf32, #tpu.memory_space<vmem>>[vector<16xi32>, vector<16xi32>, vector<16xi32>], vector<16xf32>,
      %add3A_2788 = arith.addi %add3A_2747, %add3A_13 : vector<16xi32>
      %gather3A_2789 = tpu.vector_load_idx %arg14[%add3A_2788] : memref<4096xf32, #tpu.memory_space<vmem>>[vector<16xi32>], vector<16xf32>,
      %select_n3A_2790 = arith.select %ge3A_2754, %gather3A_2789, %gather3A_2787 : vector<16xi1>, vector<16xf32>
      %mul3A_2791 = arith.mulf %select_n3A_2702, %select_n3A_2763 : vector<16xf32>
      %mul3A_2792 = arith.mulf %select_n3A_2711, %select_n3A_2772 : vector<16xf32>
      %add3A_2793 = arith.addf %mul3A_2791, %mul3A_2792 : vector<16xf32>
      %mul3A_2794 = arith.mulf %select_n3A_2720, %select_n3A_2781 : vector<16xf32>
      %add3A_2795 = arith.addf %add3A_2793, %mul3A_2794 : vector<16xf32>
      %mul3A_2796 = arith.mulf %select_n3A_2729, %select_n3A_2790 : vector<16xf32>
      %add3A_2797 = arith.addf %add3A_2795, %mul3A_2796 : vector<16xf32>
      %lt3A = arith.constant 31 : i32
      %lt3A_2798 = arith.cmpi slt, %scan3A_191, %lt3A : i32
      %convert_element_type3A = arith.extui %lt3A_2798 : i1 to i32
      %cond3A = arith.constant 0 : i32
      %cond3A_2799 = arith.cmpi ne, %convert_element_type3A, %cond3A : i32
      scf.if %cond3A_2799 {
        %slice3A_3752 = vector.extract_strided_slice %get3A_207 {offsets = [0], sizes = [1], strides = [1]} : vector<16xi32> to vector<1xi32>
        %squeeze3A_3753 = vector.extract %slice3A_3752[0] : i32 from vector<1xi32>
        %shift_right_arithmetic3A_3754 = arith.constant 7 : i32
        %shift_right_arithmetic3A_3755 = arith.shrsi %squeeze3A_3753, %shift_right_arithmetic3A_3754 : i32
        %min3A_3756 = arith.constant 7811 : i32
        %min3A_3757 = arith.minsi %shift_right_arithmetic3A_3755, %min3A_3756 : i32
        %mul3A_3758 = arith.constant 128 : i32
        %mul3A_3759 = arith.muli %min3A_3757, %mul3A_3758 : i32
        %multiple_of3A_3760 = tpu.assume_multiple %mul3A_3759, 128 : i32
        %dma_start3A_3761 = arith.constant 0 : i32
        %dma_start3A_3762 = arith.constant 0 : i32
        %dma_start3A_3763 = arith.constant 0 : i32
        %dma_start3A_3764 = tpu.memref_slice %arg11[%dma_start3A_3761, %dma_start3A_3762, %dma_start3A_3763] : memref<4x64x128xf32, #tpu.memory_space<vmem>> -> memref<1x64x128xf32, #tpu.memory_space<vmem>>
        %dma_start3A_3765 = tpu.memref_squeeze %dma_start3A_3764 : memref<1x64x128xf32, #tpu.memory_space<vmem>> -> memref<64x128xf32, #tpu.memory_space<vmem>>
        %dma_start3A_3766 = arith.constant 0 : i32
        %dma_start3A_3767 = tpu.memref_slice %arg4[%dma_start3A_3766, %multiple_of3A_3760] : memref<64x1000000xf32, #tpu.memory_space<hbm>> -> memref<64x128xf32, #tpu.memory_space<hbm>>
        %dma_start3A_3768 = arith.constant 0 : i32
        %dma_start3A_3769 = arith.constant 0 : i32
        %dma_start3A_3770 = tpu.memref_slice %arg11[%dma_start3A_3761, %dma_start3A_3768, %dma_start3A_3769] : memref<4x64x128xf32, #tpu.memory_space<vmem>> -> memref<1x64x128xf32, #tpu.memory_space<vmem>>
        %dma_start3A_3771 = tpu.memref_squeeze %dma_start3A_3770 : memref<1x64x128xf32, #tpu.memory_space<vmem>> -> memref<64x128xf32, #tpu.memory_space<vmem>>
        %dma_start3A_3772 = arith.constant 0 : i32
        %dma_start3A_3773 = tpu.memref_slice %arg4[%dma_start3A_3772, %multiple_of3A_3760] : memref<64x1000000xf32, #tpu.memory_space<hbm>> -> memref<64x128xf32, #tpu.memory_space<hbm>>
        tpu.enqueue_dma source(%dma_start3A_3773 : memref<64x128xf32, #tpu.memory_space<hbm>>) target(%dma_start3A_3771 : memref<64x128xf32, #tpu.memory_space<vmem>>) target_semaphore(%arg16 : memref<!tpu.dma_semaphore, #tpu.memory_space<semaphore_mem>>)
        %slice3A_3774 = vector.extract_strided_slice %get3A_209 {offsets = [0], sizes = [1], strides = [1]} : vector<16xi32> to vector<1xi32>
        %squeeze3A_3775 = vector.extract %slice3A_3774[0] : i32 from vector<1xi32>
        %shift_right_arithmetic3A_3776 = arith.constant 7 : i32
        %shift_right_arithmetic3A_3777 = arith.shrsi %squeeze3A_3775, %shift_right_arithmetic3A_3776 : i32
        %min3A_3778 = arith.constant 7811 : i32
        %min3A_3779 = arith.minsi %shift_right_arithmetic3A_3777, %min3A_3778 : i32
        %mul3A_3780 = arith.constant 128 : i32
        %mul3A_3781 = arith.muli %min3A_3779, %mul3A_3780 : i32
        %multiple_of3A_3782 = tpu.assume_multiple %mul3A_3781, 128 : i32
        %dma_start3A_3783 = arith.constant 0 : i32
        %dma_start3A_3784 = arith.constant 0 : i32
        %dma_start3A_3785 = arith.constant 0 : i32
        %dma_start3A_3786 = tpu.memref_slice %arg12[%dma_start3A_3783, %dma_start3A_3784, %dma_start3A_3785] : memref<4x64x128xf32, #tpu.memory_space<vmem>> -> memref<1x64x128xf32, #tpu.memory_space<vmem>>
        %dma_start3A_3787 = tpu.memref_squeeze %dma_start3A_3786 : memref<1x64x128xf32, #tpu.memory_space<vmem>> -> memref<64x128xf32, #tpu.memory_space<vmem>>
        %dma_start3A_3788 = arith.constant 0 : i32
        %dma_start3A_3789 = tpu.memref_slice %arg5[%dma_start3A_3788, %multiple_of3A_3782] : memref<64x1000000xf32, #tpu.memory_space<hbm>> -> memref<64x128xf32, #tpu.memory_space<hbm>>
        %dma_start3A_3790 = arith.constant 0 : i32
        %dma_start3A_3791 = arith.constant 0 : i32
        %dma_start3A_3792 = tpu.memref_slice %arg12[%dma_start3A_3783, %dma_start3A_3790, %dma_start3A_3791] : memref<4x64x128xf32, #tpu.memory_space<vmem>> -> memref<1x64x128xf32, #tpu.memory_space<vmem>>
        %dma_start3A_3793 = tpu.memref_squeeze %dma_start3A_3792 : memref<1x64x128xf32, #tpu.memory_space<vmem>> -> memref<64x128xf32, #tpu.memory_space<vmem>>
        %dma_start3A_3794 = arith.constant 0 : i32
        %dma_start3A_3795 = tpu.memref_slice %arg5[%dma_start3A_3794, %multiple_of3A_3782] : memref<64x1000000xf32, #tpu.memory_space<hbm>> -> memref<64x128xf32, #tpu.memory_space<hbm>>
        tpu.enqueue_dma source(%dma_start3A_3795 : memref<64x128xf32, #tpu.memory_space<hbm>>) target(%dma_start3A_3793 : memref<64x128xf32, #tpu.memory_space<vmem>>) target_semaphore(%arg16 : memref<!tpu.dma_semaphore, #tpu.memory_space<semaphore_mem>>)
      } else {
      }
      %dma_wait3A_2800 = arith.constant 1 : i32
      %dma_wait3A_2801 = arith.constant 0 : i32
      %dma_wait3A_2802 = arith.constant 0 : i32
      %dma_wait3A_2803 = tpu.memref_slice %arg11[%dma_wait3A_2800, %dma_wait3A_2801, %dma_wait3A_2802] : memref<4x64x128xf32, #tpu.memory_space<vmem>> -> memref<1x64x128xf32, #tpu.memory_space<vmem>>
      %dma_wait3A_2804 = tpu.memref_squeeze %dma_wait3A_2803 : memref<1x64x128xf32, #tpu.memory_space<vmem>> -> memref<64x128xf32, #tpu.memory_space<vmem>>
      %dma_wait3A_2805 = arith.constant 0 : i32
      %dma_wait3A_2806 = arith.constant 0 : i32
      %dma_wait3A_2807 = tpu.memref_slice %arg4[%dma_wait3A_2805, %dma_wait3A_2806] : memref<64x1000000xf32, #tpu.memory_space<hbm>> -> memref<64x128xf32, #tpu.memory_space<hbm>>
      %dma_wait3A_2808 = arith.constant 0 : i32
      %dma_wait3A_2809 = arith.constant 0 : i32
      %dma_wait3A_2810 = tpu.memref_slice %arg11[%dma_wait3A_2800, %dma_wait3A_2808, %dma_wait3A_2809] : memref<4x64x128xf32, #tpu.memory_space<vmem>> -> memref<1x64x128xf32, #tpu.memory_space<vmem>>
      %dma_wait3A_2811 = tpu.memref_squeeze %dma_wait3A_2810 : memref<1x64x128xf32, #tpu.memory_space<vmem>> -> memref<64x128xf32, #tpu.memory_space<vmem>>
      %dma_wait3A_2812 = arith.constant 0 : i32
      %dma_wait3A_2813 = arith.constant 0 : i32
      %dma_wait3A_2814 = tpu.memref_slice %arg4[%dma_wait3A_2812, %dma_wait3A_2813] : memref<64x1000000xf32, #tpu.memory_space<hbm>> -> memref<64x128xf32, #tpu.memory_space<hbm>>
      tpu.wait_dma2 semaphore(%arg16 : memref<!tpu.dma_semaphore, #tpu.memory_space<semaphore_mem>>) src(%dma_wait3A_2814 : memref<64x128xf32, #tpu.memory_space<hbm>>) dst(%dma_wait3A_2811 : memref<64x128xf32, #tpu.memory_space<vmem>>)
      %dma_wait3A_2815 = arith.constant 1 : i32
      %dma_wait3A_2816 = arith.constant 0 : i32
      %dma_wait3A_2817 = arith.constant 0 : i32
      %dma_wait3A_2818 = tpu.memref_slice %arg12[%dma_wait3A_2815, %dma_wait3A_2816, %dma_wait3A_2817] : memref<4x64x128xf32, #tpu.memory_space<vmem>> -> memref<1x64x128xf32, #tpu.memory_space<vmem>>
      %dma_wait3A_2819 = tpu.memref_squeeze %dma_wait3A_2818 : memref<1x64x128xf32, #tpu.memory_space<vmem>> -> memref<64x128xf32, #tpu.memory_space<vmem>>
      %dma_wait3A_2820 = arith.constant 0 : i32
      %dma_wait3A_2821 = arith.constant 0 : i32
      %dma_wait3A_2822 = tpu.memref_slice %arg5[%dma_wait3A_2820, %dma_wait3A_2821] : memref<64x1000000xf32, #tpu.memory_space<hbm>> -> memref<64x128xf32, #tpu.memory_space<hbm>>
      %dma_wait3A_2823 = arith.constant 0 : i32
      %dma_wait3A_2824 = arith.constant 0 : i32
      %dma_wait3A_2825 = tpu.memref_slice %arg12[%dma_wait3A_2815, %dma_wait3A_2823, %dma_wait3A_2824] : memref<4x64x128xf32, #tpu.memory_space<vmem>> -> memref<1x64x128xf32, #tpu.memory_space<vmem>>
      %dma_wait3A_2826 = tpu.memref_squeeze %dma_wait3A_2825 : memref<1x64x128xf32, #tpu.memory_space<vmem>> -> memref<64x128xf32, #tpu.memory_space<vmem>>
      %dma_wait3A_2827 = arith.constant 0 : i32
      %dma_wait3A_2828 = arith.constant 0 : i32
      %dma_wait3A_2829 = tpu.memref_slice %arg5[%dma_wait3A_2827, %dma_wait3A_2828] : memref<64x1000000xf32, #tpu.memory_space<hbm>> -> memref<64x128xf32, #tpu.memory_space<hbm>>
      tpu.wait_dma2 semaphore(%arg16 : memref<!tpu.dma_semaphore, #tpu.memory_space<semaphore_mem>>) src(%dma_wait3A_2829 : memref<64x128xf32, #tpu.memory_space<hbm>>) dst(%dma_wait3A_2826 : memref<64x128xf32, #tpu.memory_space<vmem>>)
      %slice3A_2830 = vector.extract_strided_slice %get3A_195 {offsets = [13], sizes = [1], strides = [1]} : vector<16xi32> to vector<1xi32>
      %squeeze3A_2831 = vector.extract %slice3A_2830[0] : i32 from vector<1xi32>
      %and3A_2832 = arith.constant 127 : i32
      %and3A_2833 = arith.andi %squeeze3A_2831, %and3A_2832 : i32
      %broadcast_in_dim3A_2834 = arith.constant 0 : i32
      %broadcast_in_dim3A_2835 = vector.broadcast %broadcast_in_dim3A_2834 : i32 to vector<16xi32>
      %add3A_2836 = vector.broadcast %and3A_2833 : i32 to vector<16xi32>
      %add3A_2837 = arith.addi %broadcast_in_dim3A_2835, %add3A_2836 : vector<16xi32>
      %sub3A_2838 = arith.constant 999936 : i32
      %sub3A_2839 = arith.subi %squeeze3A_2831, %sub3A_2838 : i32
      %max3A_2840 = arith.constant 0 : i32
      %max3A_2841 = arith.maxsi %sub3A_2839, %max3A_2840 : i32
      %mul3A_2842 = arith.constant 64 : i32
      %mul3A_2843 = arith.muli %max3A_2841, %mul3A_2842 : i32
      %broadcast_in_dim3A_2844 = arith.constant 0 : i32
      %broadcast_in_dim3A_2845 = vector.broadcast %broadcast_in_dim3A_2844 : i32 to vector<16xi32>
      %add3A_2846 = vector.broadcast %mul3A_2843 : i32 to vector<16xi32>
      %add3A_2847 = arith.addi %broadcast_in_dim3A_2845, %add3A_2846 : vector<16xi32>
      %broadcast_in_dim3A_2848 = arith.constant 0 : i32
      %broadcast_in_dim3A_2849 = vector.broadcast %broadcast_in_dim3A_2848 : i32 to vector<16xi32>
      %add3A_2850 = vector.broadcast %squeeze3A_2831 : i32 to vector<16xi32>
      %add3A_2851 = arith.addi %broadcast_in_dim3A_2849, %add3A_2850 : vector<16xi32>
      %ge3A_2852 = arith.constant 999936 : i32
      %ge3A_2853 = vector.broadcast %ge3A_2852 : i32 to vector<16xi32>
      %ge3A_2854 = arith.cmpi sge, %add3A_2851, %ge3A_2853 : vector<16xi32>
      %broadcast_in_dim3A_2855 = arith.constant 0 : i32
      %broadcast_in_dim3A_2856 = vector.broadcast %broadcast_in_dim3A_2855 : i32 to vector<16xi32>
      %add3A_2857 = arith.constant 1 : i32
      %add3A_2858 = vector.broadcast %add3A_2857 : i32 to vector<16xi32>
      %add3A_2859 = arith.addi %broadcast_in_dim3A_2856, %add3A_2858 : vector<16xi32>
      %gather3A_2860 = tpu.vector_load_idx %arg11[%add3A_2859, %add3A_4, %add3A_2837] : memref<4x64x128xf32, #tpu.memory_space<vmem>>[vector<16xi32>, vector<16xi32>, vector<16xi32>], vector<16xf32>,
      %add3A_2861 = arith.addi %add3A_2847, %add3A_4 : vector<16xi32>
      %gather3A_2862 = tpu.vector_load_idx %arg13[%add3A_2861] : memref<4096xf32, #tpu.memory_space<vmem>>[vector<16xi32>], vector<16xf32>,
      %select_n3A_2863 = arith.select %ge3A_2854, %gather3A_2862, %gather3A_2860 : vector<16xi1>, vector<16xf32>
      %broadcast_in_dim3A_2864 = arith.constant 0 : i32
      %broadcast_in_dim3A_2865 = vector.broadcast %broadcast_in_dim3A_2864 : i32 to vector<16xi32>
      %add3A_2866 = arith.constant 1 : i32
      %add3A_2867 = vector.broadcast %add3A_2866 : i32 to vector<16xi32>
      %add3A_2868 = arith.addi %broadcast_in_dim3A_2865, %add3A_2867 : vector<16xi32>
      %gather3A_2869 = tpu.vector_load_idx %arg11[%add3A_2868, %add3A_7, %add3A_2837] : memref<4x64x128xf32, #tpu.memory_space<vmem>>[vector<16xi32>, vector<16xi32>, vector<16xi32>], vector<16xf32>,
      %add3A_2870 = arith.addi %add3A_2847, %add3A_7 : vector<16xi32>
      %gather3A_2871 = tpu.vector_load_idx %arg13[%add3A_2870] : memref<4096xf32, #tpu.memory_space<vmem>>[vector<16xi32>], vector<16xf32>,
      %select_n3A_2872 = arith.select %ge3A_2854, %gather3A_2871, %gather3A_2869 : vector<16xi1>, vector<16xf32>
      %broadcast_in_dim3A_2873 = arith.constant 0 : i32
      %broadcast_in_dim3A_2874 = vector.broadcast %broadcast_in_dim3A_2873 : i32 to vector<16xi32>
      %add3A_2875 = arith.constant 1 : i32
      %add3A_2876 = vector.broadcast %add3A_2875 : i32 to vector<16xi32>
      %add3A_2877 = arith.addi %broadcast_in_dim3A_2874, %add3A_2876 : vector<16xi32>
      %gather3A_2878 = tpu.vector_load_idx %arg11[%add3A_2877, %add3A_10, %add3A_2837] : memref<4x64x128xf32, #tpu.memory_space<vmem>>[vector<16xi32>, vector<16xi32>, vector<16xi32>], vector<16xf32>,
      %add3A_2879 = arith.addi %add3A_2847, %add3A_10 : vector<16xi32>
      %gather3A_2880 = tpu.vector_load_idx %arg13[%add3A_2879] : memref<4096xf32, #tpu.memory_space<vmem>>[vector<16xi32>], vector<16xf32>,
      %select_n3A_2881 = arith.select %ge3A_2854, %gather3A_2880, %gather3A_2878 : vector<16xi1>, vector<16xf32>
      %broadcast_in_dim3A_2882 = arith.constant 0 : i32
      %broadcast_in_dim3A_2883 = vector.broadcast %broadcast_in_dim3A_2882 : i32 to vector<16xi32>
      %add3A_2884 = arith.constant 1 : i32
      %add3A_2885 = vector.broadcast %add3A_2884 : i32 to vector<16xi32>
      %add3A_2886 = arith.addi %broadcast_in_dim3A_2883, %add3A_2885 : vector<16xi32>
      %gather3A_2887 = tpu.vector_load_idx %arg11[%add3A_2886, %add3A_13, %add3A_2837] : memref<4x64x128xf32, #tpu.memory_space<vmem>>[vector<16xi32>, vector<16xi32>, vector<16xi32>], vector<16xf32>,
      %add3A_2888 = arith.addi %add3A_2847, %add3A_13 : vector<16xi32>
      %gather3A_2889 = tpu.vector_load_idx %arg13[%add3A_2888] : memref<4096xf32, #tpu.memory_space<vmem>>[vector<16xi32>], vector<16xf32>,
      %select_n3A_2890 = arith.select %ge3A_2854, %gather3A_2889, %gather3A_2887 : vector<16xi1>, vector<16xf32>
      %slice3A_2891 = vector.extract_strided_slice %get3A_199 {offsets = [13], sizes = [1], strides = [1]} : vector<16xi32> to vector<1xi32>
      %squeeze3A_2892 = vector.extract %slice3A_2891[0] : i32 from vector<1xi32>
      %and3A_2893 = arith.constant 127 : i32
      %and3A_2894 = arith.andi %squeeze3A_2892, %and3A_2893 : i32
      %broadcast_in_dim3A_2895 = arith.constant 0 : i32
      %broadcast_in_dim3A_2896 = vector.broadcast %broadcast_in_dim3A_2895 : i32 to vector<16xi32>
      %add3A_2897 = vector.broadcast %and3A_2894 : i32 to vector<16xi32>
      %add3A_2898 = arith.addi %broadcast_in_dim3A_2896, %add3A_2897 : vector<16xi32>
      %sub3A_2899 = arith.constant 999936 : i32
      %sub3A_2900 = arith.subi %squeeze3A_2892, %sub3A_2899 : i32
      %max3A_2901 = arith.constant 0 : i32
      %max3A_2902 = arith.maxsi %sub3A_2900, %max3A_2901 : i32
      %mul3A_2903 = arith.constant 64 : i32
      %mul3A_2904 = arith.muli %max3A_2902, %mul3A_2903 : i32
      %broadcast_in_dim3A_2905 = arith.constant 0 : i32
      %broadcast_in_dim3A_2906 = vector.broadcast %broadcast_in_dim3A_2905 : i32 to vector<16xi32>
      %add3A_2907 = vector.broadcast %mul3A_2904 : i32 to vector<16xi32>
      %add3A_2908 = arith.addi %broadcast_in_dim3A_2906, %add3A_2907 : vector<16xi32>
      %broadcast_in_dim3A_2909 = arith.constant 0 : i32
      %broadcast_in_dim3A_2910 = vector.broadcast %broadcast_in_dim3A_2909 : i32 to vector<16xi32>
      %add3A_2911 = vector.broadcast %squeeze3A_2892 : i32 to vector<16xi32>
      %add3A_2912 = arith.addi %broadcast_in_dim3A_2910, %add3A_2911 : vector<16xi32>
      %ge3A_2913 = arith.constant 999936 : i32
      %ge3A_2914 = vector.broadcast %ge3A_2913 : i32 to vector<16xi32>
      %ge3A_2915 = arith.cmpi sge, %add3A_2912, %ge3A_2914 : vector<16xi32>
      %broadcast_in_dim3A_2916 = arith.constant 0 : i32
      %broadcast_in_dim3A_2917 = vector.broadcast %broadcast_in_dim3A_2916 : i32 to vector<16xi32>
      %add3A_2918 = arith.constant 1 : i32
      %add3A_2919 = vector.broadcast %add3A_2918 : i32 to vector<16xi32>
      %add3A_2920 = arith.addi %broadcast_in_dim3A_2917, %add3A_2919 : vector<16xi32>
      %gather3A_2921 = tpu.vector_load_idx %arg12[%add3A_2920, %add3A_4, %add3A_2898] : memref<4x64x128xf32, #tpu.memory_space<vmem>>[vector<16xi32>, vector<16xi32>, vector<16xi32>], vector<16xf32>,
      %add3A_2922 = arith.addi %add3A_2908, %add3A_4 : vector<16xi32>
      %gather3A_2923 = tpu.vector_load_idx %arg14[%add3A_2922] : memref<4096xf32, #tpu.memory_space<vmem>>[vector<16xi32>], vector<16xf32>,
      %select_n3A_2924 = arith.select %ge3A_2915, %gather3A_2923, %gather3A_2921 : vector<16xi1>, vector<16xf32>
      %broadcast_in_dim3A_2925 = arith.constant 0 : i32
      %broadcast_in_dim3A_2926 = vector.broadcast %broadcast_in_dim3A_2925 : i32 to vector<16xi32>
      %add3A_2927 = arith.constant 1 : i32
      %add3A_2928 = vector.broadcast %add3A_2927 : i32 to vector<16xi32>
      %add3A_2929 = arith.addi %broadcast_in_dim3A_2926, %add3A_2928 : vector<16xi32>
      %gather3A_2930 = tpu.vector_load_idx %arg12[%add3A_2929, %add3A_7, %add3A_2898] : memref<4x64x128xf32, #tpu.memory_space<vmem>>[vector<16xi32>, vector<16xi32>, vector<16xi32>], vector<16xf32>,
      %add3A_2931 = arith.addi %add3A_2908, %add3A_7 : vector<16xi32>
      %gather3A_2932 = tpu.vector_load_idx %arg14[%add3A_2931] : memref<4096xf32, #tpu.memory_space<vmem>>[vector<16xi32>], vector<16xf32>,
      %select_n3A_2933 = arith.select %ge3A_2915, %gather3A_2932, %gather3A_2930 : vector<16xi1>, vector<16xf32>
      %broadcast_in_dim3A_2934 = arith.constant 0 : i32
      %broadcast_in_dim3A_2935 = vector.broadcast %broadcast_in_dim3A_2934 : i32 to vector<16xi32>
      %add3A_2936 = arith.constant 1 : i32
      %add3A_2937 = vector.broadcast %add3A_2936 : i32 to vector<16xi32>
      %add3A_2938 = arith.addi %broadcast_in_dim3A_2935, %add3A_2937 : vector<16xi32>
      %gather3A_2939 = tpu.vector_load_idx %arg12[%add3A_2938, %add3A_10, %add3A_2898] : memref<4x64x128xf32, #tpu.memory_space<vmem>>[vector<16xi32>, vector<16xi32>, vector<16xi32>], vector<16xf32>,
      %add3A_2940 = arith.addi %add3A_2908, %add3A_10 : vector<16xi32>
      %gather3A_2941 = tpu.vector_load_idx %arg14[%add3A_2940] : memref<4096xf32, #tpu.memory_space<vmem>>[vector<16xi32>], vector<16xf32>,
      %select_n3A_2942 = arith.select %ge3A_2915, %gather3A_2941, %gather3A_2939 : vector<16xi1>, vector<16xf32>
      %broadcast_in_dim3A_2943 = arith.constant 0 : i32
      %broadcast_in_dim3A_2944 = vector.broadcast %broadcast_in_dim3A_2943 : i32 to vector<16xi32>
      %add3A_2945 = arith.constant 1 : i32
      %add3A_2946 = vector.broadcast %add3A_2945 : i32 to vector<16xi32>
      %add3A_2947 = arith.addi %broadcast_in_dim3A_2944, %add3A_2946 : vector<16xi32>
      %gather3A_2948 = tpu.vector_load_idx %arg12[%add3A_2947, %add3A_13, %add3A_2898] : memref<4x64x128xf32, #tpu.memory_space<vmem>>[vector<16xi32>, vector<16xi32>, vector<16xi32>], vector<16xf32>,
      %add3A_2949 = arith.addi %add3A_2908, %add3A_13 : vector<16xi32>
      %gather3A_2950 = tpu.vector_load_idx %arg14[%add3A_2949] : memref<4096xf32, #tpu.memory_space<vmem>>[vector<16xi32>], vector<16xf32>,
      %select_n3A_2951 = arith.select %ge3A_2915, %gather3A_2950, %gather3A_2948 : vector<16xi1>, vector<16xf32>
      %mul3A_2952 = arith.mulf %select_n3A_2863, %select_n3A_2924 : vector<16xf32>
      %mul3A_2953 = arith.mulf %select_n3A_2872, %select_n3A_2933 : vector<16xf32>
      %add3A_2954 = arith.addf %mul3A_2952, %mul3A_2953 : vector<16xf32>
      %mul3A_2955 = arith.mulf %select_n3A_2881, %select_n3A_2942 : vector<16xf32>
      %add3A_2956 = arith.addf %add3A_2954, %mul3A_2955 : vector<16xf32>
      %mul3A_2957 = arith.mulf %select_n3A_2890, %select_n3A_2951 : vector<16xf32>
      %add3A_2958 = arith.addf %add3A_2956, %mul3A_2957 : vector<16xf32>
      %lt3A_2959 = arith.constant 31 : i32
      %lt3A_2960 = arith.cmpi slt, %scan3A_191, %lt3A_2959 : i32
      %convert_element_type3A_2961 = arith.extui %lt3A_2960 : i1 to i32
      %cond3A_2962 = arith.constant 0 : i32
      %cond3A_2963 = arith.cmpi ne, %convert_element_type3A_2961, %cond3A_2962 : i32
      scf.if %cond3A_2963 {
        %slice3A_3752 = vector.extract_strided_slice %get3A_207 {offsets = [1], sizes = [1], strides = [1]} : vector<16xi32> to vector<1xi32>
        %squeeze3A_3753 = vector.extract %slice3A_3752[0] : i32 from vector<1xi32>
        %shift_right_arithmetic3A_3754 = arith.constant 7 : i32
        %shift_right_arithmetic3A_3755 = arith.shrsi %squeeze3A_3753, %shift_right_arithmetic3A_3754 : i32
        %min3A_3756 = arith.constant 7811 : i32
        %min3A_3757 = arith.minsi %shift_right_arithmetic3A_3755, %min3A_3756 : i32
        %mul3A_3758 = arith.constant 128 : i32
        %mul3A_3759 = arith.muli %min3A_3757, %mul3A_3758 : i32
        %multiple_of3A_3760 = tpu.assume_multiple %mul3A_3759, 128 : i32
        %dma_start3A_3761 = arith.constant 1 : i32
        %dma_start3A_3762 = arith.constant 0 : i32
        %dma_start3A_3763 = arith.constant 0 : i32
        %dma_start3A_3764 = tpu.memref_slice %arg11[%dma_start3A_3761, %dma_start3A_3762, %dma_start3A_3763] : memref<4x64x128xf32, #tpu.memory_space<vmem>> -> memref<1x64x128xf32, #tpu.memory_space<vmem>>
        %dma_start3A_3765 = tpu.memref_squeeze %dma_start3A_3764 : memref<1x64x128xf32, #tpu.memory_space<vmem>> -> memref<64x128xf32, #tpu.memory_space<vmem>>
        %dma_start3A_3766 = arith.constant 0 : i32
        %dma_start3A_3767 = tpu.memref_slice %arg4[%dma_start3A_3766, %multiple_of3A_3760] : memref<64x1000000xf32, #tpu.memory_space<hbm>> -> memref<64x128xf32, #tpu.memory_space<hbm>>
        %dma_start3A_3768 = arith.constant 0 : i32
        %dma_start3A_3769 = arith.constant 0 : i32
        %dma_start3A_3770 = tpu.memref_slice %arg11[%dma_start3A_3761, %dma_start3A_3768, %dma_start3A_3769] : memref<4x64x128xf32, #tpu.memory_space<vmem>> -> memref<1x64x128xf32, #tpu.memory_space<vmem>>
        %dma_start3A_3771 = tpu.memref_squeeze %dma_start3A_3770 : memref<1x64x128xf32, #tpu.memory_space<vmem>> -> memref<64x128xf32, #tpu.memory_space<vmem>>
        %dma_start3A_3772 = arith.constant 0 : i32
        %dma_start3A_3773 = tpu.memref_slice %arg4[%dma_start3A_3772, %multiple_of3A_3760] : memref<64x1000000xf32, #tpu.memory_space<hbm>> -> memref<64x128xf32, #tpu.memory_space<hbm>>
        tpu.enqueue_dma source(%dma_start3A_3773 : memref<64x128xf32, #tpu.memory_space<hbm>>) target(%dma_start3A_3771 : memref<64x128xf32, #tpu.memory_space<vmem>>) target_semaphore(%arg16 : memref<!tpu.dma_semaphore, #tpu.memory_space<semaphore_mem>>)
        %slice3A_3774 = vector.extract_strided_slice %get3A_209 {offsets = [1], sizes = [1], strides = [1]} : vector<16xi32> to vector<1xi32>
        %squeeze3A_3775 = vector.extract %slice3A_3774[0] : i32 from vector<1xi32>
        %shift_right_arithmetic3A_3776 = arith.constant 7 : i32
        %shift_right_arithmetic3A_3777 = arith.shrsi %squeeze3A_3775, %shift_right_arithmetic3A_3776 : i32
        %min3A_3778 = arith.constant 7811 : i32
        %min3A_3779 = arith.minsi %shift_right_arithmetic3A_3777, %min3A_3778 : i32
        %mul3A_3780 = arith.constant 128 : i32
        %mul3A_3781 = arith.muli %min3A_3779, %mul3A_3780 : i32
        %multiple_of3A_3782 = tpu.assume_multiple %mul3A_3781, 128 : i32
        %dma_start3A_3783 = arith.constant 1 : i32
        %dma_start3A_3784 = arith.constant 0 : i32
        %dma_start3A_3785 = arith.constant 0 : i32
        %dma_start3A_3786 = tpu.memref_slice %arg12[%dma_start3A_3783, %dma_start3A_3784, %dma_start3A_3785] : memref<4x64x128xf32, #tpu.memory_space<vmem>> -> memref<1x64x128xf32, #tpu.memory_space<vmem>>
        %dma_start3A_3787 = tpu.memref_squeeze %dma_start3A_3786 : memref<1x64x128xf32, #tpu.memory_space<vmem>> -> memref<64x128xf32, #tpu.memory_space<vmem>>
        %dma_start3A_3788 = arith.constant 0 : i32
        %dma_start3A_3789 = tpu.memref_slice %arg5[%dma_start3A_3788, %multiple_of3A_3782] : memref<64x1000000xf32, #tpu.memory_space<hbm>> -> memref<64x128xf32, #tpu.memory_space<hbm>>
        %dma_start3A_3790 = arith.constant 0 : i32
        %dma_start3A_3791 = arith.constant 0 : i32
        %dma_start3A_3792 = tpu.memref_slice %arg12[%dma_start3A_3783, %dma_start3A_3790, %dma_start3A_3791] : memref<4x64x128xf32, #tpu.memory_space<vmem>> -> memref<1x64x128xf32, #tpu.memory_space<vmem>>
        %dma_start3A_3793 = tpu.memref_squeeze %dma_start3A_3792 : memref<1x64x128xf32, #tpu.memory_space<vmem>> -> memref<64x128xf32, #tpu.memory_space<vmem>>
        %dma_start3A_3794 = arith.constant 0 : i32
        %dma_start3A_3795 = tpu.memref_slice %arg5[%dma_start3A_3794, %multiple_of3A_3782] : memref<64x1000000xf32, #tpu.memory_space<hbm>> -> memref<64x128xf32, #tpu.memory_space<hbm>>
        tpu.enqueue_dma source(%dma_start3A_3795 : memref<64x128xf32, #tpu.memory_space<hbm>>) target(%dma_start3A_3793 : memref<64x128xf32, #tpu.memory_space<vmem>>) target_semaphore(%arg16 : memref<!tpu.dma_semaphore, #tpu.memory_space<semaphore_mem>>)
      } else {
      }
      %dma_wait3A_2964 = arith.constant 2 : i32
      %dma_wait3A_2965 = arith.constant 0 : i32
      %dma_wait3A_2966 = arith.constant 0 : i32
      %dma_wait3A_2967 = tpu.memref_slice %arg11[%dma_wait3A_2964, %dma_wait3A_2965, %dma_wait3A_2966] : memref<4x64x128xf32, #tpu.memory_space<vmem>> -> memref<1x64x128xf32, #tpu.memory_space<vmem>>
      %dma_wait3A_2968 = tpu.memref_squeeze %dma_wait3A_2967 : memref<1x64x128xf32, #tpu.memory_space<vmem>> -> memref<64x128xf32, #tpu.memory_space<vmem>>
      %dma_wait3A_2969 = arith.constant 0 : i32
      %dma_wait3A_2970 = arith.constant 0 : i32
      %dma_wait3A_2971 = tpu.memref_slice %arg4[%dma_wait3A_2969, %dma_wait3A_2970] : memref<64x1000000xf32, #tpu.memory_space<hbm>> -> memref<64x128xf32, #tpu.memory_space<hbm>>
      %dma_wait3A_2972 = arith.constant 0 : i32
      %dma_wait3A_2973 = arith.constant 0 : i32
      %dma_wait3A_2974 = tpu.memref_slice %arg11[%dma_wait3A_2964, %dma_wait3A_2972, %dma_wait3A_2973] : memref<4x64x128xf32, #tpu.memory_space<vmem>> -> memref<1x64x128xf32, #tpu.memory_space<vmem>>
      %dma_wait3A_2975 = tpu.memref_squeeze %dma_wait3A_2974 : memref<1x64x128xf32, #tpu.memory_space<vmem>> -> memref<64x128xf32, #tpu.memory_space<vmem>>
      %dma_wait3A_2976 = arith.constant 0 : i32
      %dma_wait3A_2977 = arith.constant 0 : i32
      %dma_wait3A_2978 = tpu.memref_slice %arg4[%dma_wait3A_2976, %dma_wait3A_2977] : memref<64x1000000xf32, #tpu.memory_space<hbm>> -> memref<64x128xf32, #tpu.memory_space<hbm>>
      tpu.wait_dma2 semaphore(%arg16 : memref<!tpu.dma_semaphore, #tpu.memory_space<semaphore_mem>>) src(%dma_wait3A_2978 : memref<64x128xf32, #tpu.memory_space<hbm>>) dst(%dma_wait3A_2975 : memref<64x128xf32, #tpu.memory_space<vmem>>)
      %dma_wait3A_2979 = arith.constant 2 : i32
      %dma_wait3A_2980 = arith.constant 0 : i32
      %dma_wait3A_2981 = arith.constant 0 : i32
      %dma_wait3A_2982 = tpu.memref_slice %arg12[%dma_wait3A_2979, %dma_wait3A_2980, %dma_wait3A_2981] : memref<4x64x128xf32, #tpu.memory_space<vmem>> -> memref<1x64x128xf32, #tpu.memory_space<vmem>>
      %dma_wait3A_2983 = tpu.memref_squeeze %dma_wait3A_2982 : memref<1x64x128xf32, #tpu.memory_space<vmem>> -> memref<64x128xf32, #tpu.memory_space<vmem>>
      %dma_wait3A_2984 = arith.constant 0 : i32
      %dma_wait3A_2985 = arith.constant 0 : i32
      %dma_wait3A_2986 = tpu.memref_slice %arg5[%dma_wait3A_2984, %dma_wait3A_2985] : memref<64x1000000xf32, #tpu.memory_space<hbm>> -> memref<64x128xf32, #tpu.memory_space<hbm>>
      %dma_wait3A_2987 = arith.constant 0 : i32
      %dma_wait3A_2988 = arith.constant 0 : i32
      %dma_wait3A_2989 = tpu.memref_slice %arg12[%dma_wait3A_2979, %dma_wait3A_2987, %dma_wait3A_2988] : memref<4x64x128xf32, #tpu.memory_space<vmem>> -> memref<1x64x128xf32, #tpu.memory_space<vmem>>
      %dma_wait3A_2990 = tpu.memref_squeeze %dma_wait3A_2989 : memref<1x64x128xf32, #tpu.memory_space<vmem>> -> memref<64x128xf32, #tpu.memory_space<vmem>>
      %dma_wait3A_2991 = arith.constant 0 : i32
      %dma_wait3A_2992 = arith.constant 0 : i32
      %dma_wait3A_2993 = tpu.memref_slice %arg5[%dma_wait3A_2991, %dma_wait3A_2992] : memref<64x1000000xf32, #tpu.memory_space<hbm>> -> memref<64x128xf32, #tpu.memory_space<hbm>>
      tpu.wait_dma2 semaphore(%arg16 : memref<!tpu.dma_semaphore, #tpu.memory_space<semaphore_mem>>) src(%dma_wait3A_2993 : memref<64x128xf32, #tpu.memory_space<hbm>>) dst(%dma_wait3A_2990 : memref<64x128xf32, #tpu.memory_space<vmem>>)
      %slice3A_2994 = vector.extract_strided_slice %get3A_195 {offsets = [14], sizes = [1], strides = [1]} : vector<16xi32> to vector<1xi32>
      %squeeze3A_2995 = vector.extract %slice3A_2994[0] : i32 from vector<1xi32>
      %and3A_2996 = arith.constant 127 : i32
      %and3A_2997 = arith.andi %squeeze3A_2995, %and3A_2996 : i32
      %broadcast_in_dim3A_2998 = arith.constant 0 : i32
      %broadcast_in_dim3A_2999 = vector.broadcast %broadcast_in_dim3A_2998 : i32 to vector<16xi32>
      %add3A_3000 = vector.broadcast %and3A_2997 : i32 to vector<16xi32>
      %add3A_3001 = arith.addi %broadcast_in_dim3A_2999, %add3A_3000 : vector<16xi32>
      %sub3A_3002 = arith.constant 999936 : i32
      %sub3A_3003 = arith.subi %squeeze3A_2995, %sub3A_3002 : i32
      %max3A_3004 = arith.constant 0 : i32
      %max3A_3005 = arith.maxsi %sub3A_3003, %max3A_3004 : i32
      %mul3A_3006 = arith.constant 64 : i32
      %mul3A_3007 = arith.muli %max3A_3005, %mul3A_3006 : i32
      %broadcast_in_dim3A_3008 = arith.constant 0 : i32
      %broadcast_in_dim3A_3009 = vector.broadcast %broadcast_in_dim3A_3008 : i32 to vector<16xi32>
      %add3A_3010 = vector.broadcast %mul3A_3007 : i32 to vector<16xi32>
      %add3A_3011 = arith.addi %broadcast_in_dim3A_3009, %add3A_3010 : vector<16xi32>
      %broadcast_in_dim3A_3012 = arith.constant 0 : i32
      %broadcast_in_dim3A_3013 = vector.broadcast %broadcast_in_dim3A_3012 : i32 to vector<16xi32>
      %add3A_3014 = vector.broadcast %squeeze3A_2995 : i32 to vector<16xi32>
      %add3A_3015 = arith.addi %broadcast_in_dim3A_3013, %add3A_3014 : vector<16xi32>
      %ge3A_3016 = arith.constant 999936 : i32
      %ge3A_3017 = vector.broadcast %ge3A_3016 : i32 to vector<16xi32>
      %ge3A_3018 = arith.cmpi sge, %add3A_3015, %ge3A_3017 : vector<16xi32>
      %broadcast_in_dim3A_3019 = arith.constant 0 : i32
      %broadcast_in_dim3A_3020 = vector.broadcast %broadcast_in_dim3A_3019 : i32 to vector<16xi32>
      %add3A_3021 = arith.constant 2 : i32
      %add3A_3022 = vector.broadcast %add3A_3021 : i32 to vector<16xi32>
      %add3A_3023 = arith.addi %broadcast_in_dim3A_3020, %add3A_3022 : vector<16xi32>
      %gather3A_3024 = tpu.vector_load_idx %arg11[%add3A_3023, %add3A_4, %add3A_3001] : memref<4x64x128xf32, #tpu.memory_space<vmem>>[vector<16xi32>, vector<16xi32>, vector<16xi32>], vector<16xf32>,
      %add3A_3025 = arith.addi %add3A_3011, %add3A_4 : vector<16xi32>
      %gather3A_3026 = tpu.vector_load_idx %arg13[%add3A_3025] : memref<4096xf32, #tpu.memory_space<vmem>>[vector<16xi32>], vector<16xf32>,
      %select_n3A_3027 = arith.select %ge3A_3018, %gather3A_3026, %gather3A_3024 : vector<16xi1>, vector<16xf32>
      %broadcast_in_dim3A_3028 = arith.constant 0 : i32
      %broadcast_in_dim3A_3029 = vector.broadcast %broadcast_in_dim3A_3028 : i32 to vector<16xi32>
      %add3A_3030 = arith.constant 2 : i32
      %add3A_3031 = vector.broadcast %add3A_3030 : i32 to vector<16xi32>
      %add3A_3032 = arith.addi %broadcast_in_dim3A_3029, %add3A_3031 : vector<16xi32>
      %gather3A_3033 = tpu.vector_load_idx %arg11[%add3A_3032, %add3A_7, %add3A_3001] : memref<4x64x128xf32, #tpu.memory_space<vmem>>[vector<16xi32>, vector<16xi32>, vector<16xi32>], vector<16xf32>,
      %add3A_3034 = arith.addi %add3A_3011, %add3A_7 : vector<16xi32>
      %gather3A_3035 = tpu.vector_load_idx %arg13[%add3A_3034] : memref<4096xf32, #tpu.memory_space<vmem>>[vector<16xi32>], vector<16xf32>,
      %select_n3A_3036 = arith.select %ge3A_3018, %gather3A_3035, %gather3A_3033 : vector<16xi1>, vector<16xf32>
      %broadcast_in_dim3A_3037 = arith.constant 0 : i32
      %broadcast_in_dim3A_3038 = vector.broadcast %broadcast_in_dim3A_3037 : i32 to vector<16xi32>
      %add3A_3039 = arith.constant 2 : i32
      %add3A_3040 = vector.broadcast %add3A_3039 : i32 to vector<16xi32>
      %add3A_3041 = arith.addi %broadcast_in_dim3A_3038, %add3A_3040 : vector<16xi32>
      %gather3A_3042 = tpu.vector_load_idx %arg11[%add3A_3041, %add3A_10, %add3A_3001] : memref<4x64x128xf32, #tpu.memory_space<vmem>>[vector<16xi32>, vector<16xi32>, vector<16xi32>], vector<16xf32>,
      %add3A_3043 = arith.addi %add3A_3011, %add3A_10 : vector<16xi32>
      %gather3A_3044 = tpu.vector_load_idx %arg13[%add3A_3043] : memref<4096xf32, #tpu.memory_space<vmem>>[vector<16xi32>], vector<16xf32>,
      %select_n3A_3045 = arith.select %ge3A_3018, %gather3A_3044, %gather3A_3042 : vector<16xi1>, vector<16xf32>
      %broadcast_in_dim3A_3046 = arith.constant 0 : i32
      %broadcast_in_dim3A_3047 = vector.broadcast %broadcast_in_dim3A_3046 : i32 to vector<16xi32>
      %add3A_3048 = arith.constant 2 : i32
      %add3A_3049 = vector.broadcast %add3A_3048 : i32 to vector<16xi32>
      %add3A_3050 = arith.addi %broadcast_in_dim3A_3047, %add3A_3049 : vector<16xi32>
      %gather3A_3051 = tpu.vector_load_idx %arg11[%add3A_3050, %add3A_13, %add3A_3001] : memref<4x64x128xf32, #tpu.memory_space<vmem>>[vector<16xi32>, vector<16xi32>, vector<16xi32>], vector<16xf32>,
      %add3A_3052 = arith.addi %add3A_3011, %add3A_13 : vector<16xi32>
      %gather3A_3053 = tpu.vector_load_idx %arg13[%add3A_3052] : memref<4096xf32, #tpu.memory_space<vmem>>[vector<16xi32>], vector<16xf32>,
      %select_n3A_3054 = arith.select %ge3A_3018, %gather3A_3053, %gather3A_3051 : vector<16xi1>, vector<16xf32>
      %slice3A_3055 = vector.extract_strided_slice %get3A_199 {offsets = [14], sizes = [1], strides = [1]} : vector<16xi32> to vector<1xi32>
      %squeeze3A_3056 = vector.extract %slice3A_3055[0] : i32 from vector<1xi32>
      %and3A_3057 = arith.constant 127 : i32
      %and3A_3058 = arith.andi %squeeze3A_3056, %and3A_3057 : i32
      %broadcast_in_dim3A_3059 = arith.constant 0 : i32
      %broadcast_in_dim3A_3060 = vector.broadcast %broadcast_in_dim3A_3059 : i32 to vector<16xi32>
      %add3A_3061 = vector.broadcast %and3A_3058 : i32 to vector<16xi32>
      %add3A_3062 = arith.addi %broadcast_in_dim3A_3060, %add3A_3061 : vector<16xi32>
      %sub3A_3063 = arith.constant 999936 : i32
      %sub3A_3064 = arith.subi %squeeze3A_3056, %sub3A_3063 : i32
      %max3A_3065 = arith.constant 0 : i32
      %max3A_3066 = arith.maxsi %sub3A_3064, %max3A_3065 : i32
      %mul3A_3067 = arith.constant 64 : i32
      %mul3A_3068 = arith.muli %max3A_3066, %mul3A_3067 : i32
      %broadcast_in_dim3A_3069 = arith.constant 0 : i32
      %broadcast_in_dim3A_3070 = vector.broadcast %broadcast_in_dim3A_3069 : i32 to vector<16xi32>
      %add3A_3071 = vector.broadcast %mul3A_3068 : i32 to vector<16xi32>
      %add3A_3072 = arith.addi %broadcast_in_dim3A_3070, %add3A_3071 : vector<16xi32>
      %broadcast_in_dim3A_3073 = arith.constant 0 : i32
      %broadcast_in_dim3A_3074 = vector.broadcast %broadcast_in_dim3A_3073 : i32 to vector<16xi32>
      %add3A_3075 = vector.broadcast %squeeze3A_3056 : i32 to vector<16xi32>
      %add3A_3076 = arith.addi %broadcast_in_dim3A_3074, %add3A_3075 : vector<16xi32>
      %ge3A_3077 = arith.constant 999936 : i32
      %ge3A_3078 = vector.broadcast %ge3A_3077 : i32 to vector<16xi32>
      %ge3A_3079 = arith.cmpi sge, %add3A_3076, %ge3A_3078 : vector<16xi32>
      %broadcast_in_dim3A_3080 = arith.constant 0 : i32
      %broadcast_in_dim3A_3081 = vector.broadcast %broadcast_in_dim3A_3080 : i32 to vector<16xi32>
      %add3A_3082 = arith.constant 2 : i32
      %add3A_3083 = vector.broadcast %add3A_3082 : i32 to vector<16xi32>
      %add3A_3084 = arith.addi %broadcast_in_dim3A_3081, %add3A_3083 : vector<16xi32>
      %gather3A_3085 = tpu.vector_load_idx %arg12[%add3A_3084, %add3A_4, %add3A_3062] : memref<4x64x128xf32, #tpu.memory_space<vmem>>[vector<16xi32>, vector<16xi32>, vector<16xi32>], vector<16xf32>,
      %add3A_3086 = arith.addi %add3A_3072, %add3A_4 : vector<16xi32>
      %gather3A_3087 = tpu.vector_load_idx %arg14[%add3A_3086] : memref<4096xf32, #tpu.memory_space<vmem>>[vector<16xi32>], vector<16xf32>,
      %select_n3A_3088 = arith.select %ge3A_3079, %gather3A_3087, %gather3A_3085 : vector<16xi1>, vector<16xf32>
      %broadcast_in_dim3A_3089 = arith.constant 0 : i32
      %broadcast_in_dim3A_3090 = vector.broadcast %broadcast_in_dim3A_3089 : i32 to vector<16xi32>
      %add3A_3091 = arith.constant 2 : i32
      %add3A_3092 = vector.broadcast %add3A_3091 : i32 to vector<16xi32>
      %add3A_3093 = arith.addi %broadcast_in_dim3A_3090, %add3A_3092 : vector<16xi32>
      %gather3A_3094 = tpu.vector_load_idx %arg12[%add3A_3093, %add3A_7, %add3A_3062] : memref<4x64x128xf32, #tpu.memory_space<vmem>>[vector<16xi32>, vector<16xi32>, vector<16xi32>], vector<16xf32>,
      %add3A_3095 = arith.addi %add3A_3072, %add3A_7 : vector<16xi32>
      %gather3A_3096 = tpu.vector_load_idx %arg14[%add3A_3095] : memref<4096xf32, #tpu.memory_space<vmem>>[vector<16xi32>], vector<16xf32>,
      %select_n3A_3097 = arith.select %ge3A_3079, %gather3A_3096, %gather3A_3094 : vector<16xi1>, vector<16xf32>
      %broadcast_in_dim3A_3098 = arith.constant 0 : i32
      %broadcast_in_dim3A_3099 = vector.broadcast %broadcast_in_dim3A_3098 : i32 to vector<16xi32>
      %add3A_3100 = arith.constant 2 : i32
      %add3A_3101 = vector.broadcast %add3A_3100 : i32 to vector<16xi32>
      %add3A_3102 = arith.addi %broadcast_in_dim3A_3099, %add3A_3101 : vector<16xi32>
      %gather3A_3103 = tpu.vector_load_idx %arg12[%add3A_3102, %add3A_10, %add3A_3062] : memref<4x64x128xf32, #tpu.memory_space<vmem>>[vector<16xi32>, vector<16xi32>, vector<16xi32>], vector<16xf32>,
      %add3A_3104 = arith.addi %add3A_3072, %add3A_10 : vector<16xi32>
      %gather3A_3105 = tpu.vector_load_idx %arg14[%add3A_3104] : memref<4096xf32, #tpu.memory_space<vmem>>[vector<16xi32>], vector<16xf32>,
      %select_n3A_3106 = arith.select %ge3A_3079, %gather3A_3105, %gather3A_3103 : vector<16xi1>, vector<16xf32>
      %broadcast_in_dim3A_3107 = arith.constant 0 : i32
      %broadcast_in_dim3A_3108 = vector.broadcast %broadcast_in_dim3A_3107 : i32 to vector<16xi32>
      %add3A_3109 = arith.constant 2 : i32
      %add3A_3110 = vector.broadcast %add3A_3109 : i32 to vector<16xi32>
      %add3A_3111 = arith.addi %broadcast_in_dim3A_3108, %add3A_3110 : vector<16xi32>
      %gather3A_3112 = tpu.vector_load_idx %arg12[%add3A_3111, %add3A_13, %add3A_3062] : memref<4x64x128xf32, #tpu.memory_space<vmem>>[vector<16xi32>, vector<16xi32>, vector<16xi32>], vector<16xf32>,
      %add3A_3113 = arith.addi %add3A_3072, %add3A_13 : vector<16xi32>
      %gather3A_3114 = tpu.vector_load_idx %arg14[%add3A_3113] : memref<4096xf32, #tpu.memory_space<vmem>>[vector<16xi32>], vector<16xf32>,
      %select_n3A_3115 = arith.select %ge3A_3079, %gather3A_3114, %gather3A_3112 : vector<16xi1>, vector<16xf32>
      %mul3A_3116 = arith.mulf %select_n3A_3027, %select_n3A_3088 : vector<16xf32>
      %mul3A_3117 = arith.mulf %select_n3A_3036, %select_n3A_3097 : vector<16xf32>
      %add3A_3118 = arith.addf %mul3A_3116, %mul3A_3117 : vector<16xf32>
      %mul3A_3119 = arith.mulf %select_n3A_3045, %select_n3A_3106 : vector<16xf32>
      %add3A_3120 = arith.addf %add3A_3118, %mul3A_3119 : vector<16xf32>
      %mul3A_3121 = arith.mulf %select_n3A_3054, %select_n3A_3115 : vector<16xf32>
      %add3A_3122 = arith.addf %add3A_3120, %mul3A_3121 : vector<16xf32>
      %lt3A_3123 = arith.constant 31 : i32
      %lt3A_3124 = arith.cmpi slt, %scan3A_191, %lt3A_3123 : i32
      %convert_element_type3A_3125 = arith.extui %lt3A_3124 : i1 to i32
      %cond3A_3126 = arith.constant 0 : i32
      %cond3A_3127 = arith.cmpi ne, %convert_element_type3A_3125, %cond3A_3126 : i32
      scf.if %cond3A_3127 {
        %slice3A_3752 = vector.extract_strided_slice %get3A_207 {offsets = [2], sizes = [1], strides = [1]} : vector<16xi32> to vector<1xi32>
        %squeeze3A_3753 = vector.extract %slice3A_3752[0] : i32 from vector<1xi32>
        %shift_right_arithmetic3A_3754 = arith.constant 7 : i32
        %shift_right_arithmetic3A_3755 = arith.shrsi %squeeze3A_3753, %shift_right_arithmetic3A_3754 : i32
        %min3A_3756 = arith.constant 7811 : i32
        %min3A_3757 = arith.minsi %shift_right_arithmetic3A_3755, %min3A_3756 : i32
        %mul3A_3758 = arith.constant 128 : i32
        %mul3A_3759 = arith.muli %min3A_3757, %mul3A_3758 : i32
        %multiple_of3A_3760 = tpu.assume_multiple %mul3A_3759, 128 : i32
        %dma_start3A_3761 = arith.constant 2 : i32
        %dma_start3A_3762 = arith.constant 0 : i32
        %dma_start3A_3763 = arith.constant 0 : i32
        %dma_start3A_3764 = tpu.memref_slice %arg11[%dma_start3A_3761, %dma_start3A_3762, %dma_start3A_3763] : memref<4x64x128xf32, #tpu.memory_space<vmem>> -> memref<1x64x128xf32, #tpu.memory_space<vmem>>
        %dma_start3A_3765 = tpu.memref_squeeze %dma_start3A_3764 : memref<1x64x128xf32, #tpu.memory_space<vmem>> -> memref<64x128xf32, #tpu.memory_space<vmem>>
        %dma_start3A_3766 = arith.constant 0 : i32
        %dma_start3A_3767 = tpu.memref_slice %arg4[%dma_start3A_3766, %multiple_of3A_3760] : memref<64x1000000xf32, #tpu.memory_space<hbm>> -> memref<64x128xf32, #tpu.memory_space<hbm>>
        %dma_start3A_3768 = arith.constant 0 : i32
        %dma_start3A_3769 = arith.constant 0 : i32
        %dma_start3A_3770 = tpu.memref_slice %arg11[%dma_start3A_3761, %dma_start3A_3768, %dma_start3A_3769] : memref<4x64x128xf32, #tpu.memory_space<vmem>> -> memref<1x64x128xf32, #tpu.memory_space<vmem>>
        %dma_start3A_3771 = tpu.memref_squeeze %dma_start3A_3770 : memref<1x64x128xf32, #tpu.memory_space<vmem>> -> memref<64x128xf32, #tpu.memory_space<vmem>>
        %dma_start3A_3772 = arith.constant 0 : i32
        %dma_start3A_3773 = tpu.memref_slice %arg4[%dma_start3A_3772, %multiple_of3A_3760] : memref<64x1000000xf32, #tpu.memory_space<hbm>> -> memref<64x128xf32, #tpu.memory_space<hbm>>
        tpu.enqueue_dma source(%dma_start3A_3773 : memref<64x128xf32, #tpu.memory_space<hbm>>) target(%dma_start3A_3771 : memref<64x128xf32, #tpu.memory_space<vmem>>) target_semaphore(%arg16 : memref<!tpu.dma_semaphore, #tpu.memory_space<semaphore_mem>>)
        %slice3A_3774 = vector.extract_strided_slice %get3A_209 {offsets = [2], sizes = [1], strides = [1]} : vector<16xi32> to vector<1xi32>
        %squeeze3A_3775 = vector.extract %slice3A_3774[0] : i32 from vector<1xi32>
        %shift_right_arithmetic3A_3776 = arith.constant 7 : i32
        %shift_right_arithmetic3A_3777 = arith.shrsi %squeeze3A_3775, %shift_right_arithmetic3A_3776 : i32
        %min3A_3778 = arith.constant 7811 : i32
        %min3A_3779 = arith.minsi %shift_right_arithmetic3A_3777, %min3A_3778 : i32
        %mul3A_3780 = arith.constant 128 : i32
        %mul3A_3781 = arith.muli %min3A_3779, %mul3A_3780 : i32
        %multiple_of3A_3782 = tpu.assume_multiple %mul3A_3781, 128 : i32
        %dma_start3A_3783 = arith.constant 2 : i32
        %dma_start3A_3784 = arith.constant 0 : i32
        %dma_start3A_3785 = arith.constant 0 : i32
        %dma_start3A_3786 = tpu.memref_slice %arg12[%dma_start3A_3783, %dma_start3A_3784, %dma_start3A_3785] : memref<4x64x128xf32, #tpu.memory_space<vmem>> -> memref<1x64x128xf32, #tpu.memory_space<vmem>>
        %dma_start3A_3787 = tpu.memref_squeeze %dma_start3A_3786 : memref<1x64x128xf32, #tpu.memory_space<vmem>> -> memref<64x128xf32, #tpu.memory_space<vmem>>
        %dma_start3A_3788 = arith.constant 0 : i32
        %dma_start3A_3789 = tpu.memref_slice %arg5[%dma_start3A_3788, %multiple_of3A_3782] : memref<64x1000000xf32, #tpu.memory_space<hbm>> -> memref<64x128xf32, #tpu.memory_space<hbm>>
        %dma_start3A_3790 = arith.constant 0 : i32
        %dma_start3A_3791 = arith.constant 0 : i32
        %dma_start3A_3792 = tpu.memref_slice %arg12[%dma_start3A_3783, %dma_start3A_3790, %dma_start3A_3791] : memref<4x64x128xf32, #tpu.memory_space<vmem>> -> memref<1x64x128xf32, #tpu.memory_space<vmem>>
        %dma_start3A_3793 = tpu.memref_squeeze %dma_start3A_3792 : memref<1x64x128xf32, #tpu.memory_space<vmem>> -> memref<64x128xf32, #tpu.memory_space<vmem>>
        %dma_start3A_3794 = arith.constant 0 : i32
        %dma_start3A_3795 = tpu.memref_slice %arg5[%dma_start3A_3794, %multiple_of3A_3782] : memref<64x1000000xf32, #tpu.memory_space<hbm>> -> memref<64x128xf32, #tpu.memory_space<hbm>>
        tpu.enqueue_dma source(%dma_start3A_3795 : memref<64x128xf32, #tpu.memory_space<hbm>>) target(%dma_start3A_3793 : memref<64x128xf32, #tpu.memory_space<vmem>>) target_semaphore(%arg16 : memref<!tpu.dma_semaphore, #tpu.memory_space<semaphore_mem>>)
      } else {
      }
      %dma_wait3A_3128 = arith.constant 3 : i32
      %dma_wait3A_3129 = arith.constant 0 : i32
      %dma_wait3A_3130 = arith.constant 0 : i32
      %dma_wait3A_3131 = tpu.memref_slice %arg11[%dma_wait3A_3128, %dma_wait3A_3129, %dma_wait3A_3130] : memref<4x64x128xf32, #tpu.memory_space<vmem>> -> memref<1x64x128xf32, #tpu.memory_space<vmem>>
      %dma_wait3A_3132 = tpu.memref_squeeze %dma_wait3A_3131 : memref<1x64x128xf32, #tpu.memory_space<vmem>> -> memref<64x128xf32, #tpu.memory_space<vmem>>
      %dma_wait3A_3133 = arith.constant 0 : i32
      %dma_wait3A_3134 = arith.constant 0 : i32
      %dma_wait3A_3135 = tpu.memref_slice %arg4[%dma_wait3A_3133, %dma_wait3A_3134] : memref<64x1000000xf32, #tpu.memory_space<hbm>> -> memref<64x128xf32, #tpu.memory_space<hbm>>
      %dma_wait3A_3136 = arith.constant 0 : i32
      %dma_wait3A_3137 = arith.constant 0 : i32
      %dma_wait3A_3138 = tpu.memref_slice %arg11[%dma_wait3A_3128, %dma_wait3A_3136, %dma_wait3A_3137] : memref<4x64x128xf32, #tpu.memory_space<vmem>> -> memref<1x64x128xf32, #tpu.memory_space<vmem>>
      %dma_wait3A_3139 = tpu.memref_squeeze %dma_wait3A_3138 : memref<1x64x128xf32, #tpu.memory_space<vmem>> -> memref<64x128xf32, #tpu.memory_space<vmem>>
      %dma_wait3A_3140 = arith.constant 0 : i32
      %dma_wait3A_3141 = arith.constant 0 : i32
      %dma_wait3A_3142 = tpu.memref_slice %arg4[%dma_wait3A_3140, %dma_wait3A_3141] : memref<64x1000000xf32, #tpu.memory_space<hbm>> -> memref<64x128xf32, #tpu.memory_space<hbm>>
      tpu.wait_dma2 semaphore(%arg16 : memref<!tpu.dma_semaphore, #tpu.memory_space<semaphore_mem>>) src(%dma_wait3A_3142 : memref<64x128xf32, #tpu.memory_space<hbm>>) dst(%dma_wait3A_3139 : memref<64x128xf32, #tpu.memory_space<vmem>>)
      %dma_wait3A_3143 = arith.constant 3 : i32
      %dma_wait3A_3144 = arith.constant 0 : i32
      %dma_wait3A_3145 = arith.constant 0 : i32
      %dma_wait3A_3146 = tpu.memref_slice %arg12[%dma_wait3A_3143, %dma_wait3A_3144, %dma_wait3A_3145] : memref<4x64x128xf32, #tpu.memory_space<vmem>> -> memref<1x64x128xf32, #tpu.memory_space<vmem>>
      %dma_wait3A_3147 = tpu.memref_squeeze %dma_wait3A_3146 : memref<1x64x128xf32, #tpu.memory_space<vmem>> -> memref<64x128xf32, #tpu.memory_space<vmem>>
      %dma_wait3A_3148 = arith.constant 0 : i32
      %dma_wait3A_3149 = arith.constant 0 : i32
      %dma_wait3A_3150 = tpu.memref_slice %arg5[%dma_wait3A_3148, %dma_wait3A_3149] : memref<64x1000000xf32, #tpu.memory_space<hbm>> -> memref<64x128xf32, #tpu.memory_space<hbm>>
      %dma_wait3A_3151 = arith.constant 0 : i32
      %dma_wait3A_3152 = arith.constant 0 : i32
      %dma_wait3A_3153 = tpu.memref_slice %arg12[%dma_wait3A_3143, %dma_wait3A_3151, %dma_wait3A_3152] : memref<4x64x128xf32, #tpu.memory_space<vmem>> -> memref<1x64x128xf32, #tpu.memory_space<vmem>>
      %dma_wait3A_3154 = tpu.memref_squeeze %dma_wait3A_3153 : memref<1x64x128xf32, #tpu.memory_space<vmem>> -> memref<64x128xf32, #tpu.memory_space<vmem>>
      %dma_wait3A_3155 = arith.constant 0 : i32
      %dma_wait3A_3156 = arith.constant 0 : i32
      %dma_wait3A_3157 = tpu.memref_slice %arg5[%dma_wait3A_3155, %dma_wait3A_3156] : memref<64x1000000xf32, #tpu.memory_space<hbm>> -> memref<64x128xf32, #tpu.memory_space<hbm>>
      tpu.wait_dma2 semaphore(%arg16 : memref<!tpu.dma_semaphore, #tpu.memory_space<semaphore_mem>>) src(%dma_wait3A_3157 : memref<64x128xf32, #tpu.memory_space<hbm>>) dst(%dma_wait3A_3154 : memref<64x128xf32, #tpu.memory_space<vmem>>)
      %slice3A_3158 = vector.extract_strided_slice %get3A_195 {offsets = [15], sizes = [1], strides = [1]} : vector<16xi32> to vector<1xi32>
      %squeeze3A_3159 = vector.extract %slice3A_3158[0] : i32 from vector<1xi32>
      %and3A_3160 = arith.constant 127 : i32
      %and3A_3161 = arith.andi %squeeze3A_3159, %and3A_3160 : i32
      %broadcast_in_dim3A_3162 = arith.constant 0 : i32
      %broadcast_in_dim3A_3163 = vector.broadcast %broadcast_in_dim3A_3162 : i32 to vector<16xi32>
      %add3A_3164 = vector.broadcast %and3A_3161 : i32 to vector<16xi32>
      %add3A_3165 = arith.addi %broadcast_in_dim3A_3163, %add3A_3164 : vector<16xi32>
      %sub3A_3166 = arith.constant 999936 : i32
      %sub3A_3167 = arith.subi %squeeze3A_3159, %sub3A_3166 : i32
      %max3A_3168 = arith.constant 0 : i32
      %max3A_3169 = arith.maxsi %sub3A_3167, %max3A_3168 : i32
      %mul3A_3170 = arith.constant 64 : i32
      %mul3A_3171 = arith.muli %max3A_3169, %mul3A_3170 : i32
      %broadcast_in_dim3A_3172 = arith.constant 0 : i32
      %broadcast_in_dim3A_3173 = vector.broadcast %broadcast_in_dim3A_3172 : i32 to vector<16xi32>
      %add3A_3174 = vector.broadcast %mul3A_3171 : i32 to vector<16xi32>
      %add3A_3175 = arith.addi %broadcast_in_dim3A_3173, %add3A_3174 : vector<16xi32>
      %broadcast_in_dim3A_3176 = arith.constant 0 : i32
      %broadcast_in_dim3A_3177 = vector.broadcast %broadcast_in_dim3A_3176 : i32 to vector<16xi32>
      %add3A_3178 = vector.broadcast %squeeze3A_3159 : i32 to vector<16xi32>
      %add3A_3179 = arith.addi %broadcast_in_dim3A_3177, %add3A_3178 : vector<16xi32>
      %ge3A_3180 = arith.constant 999936 : i32
      %ge3A_3181 = vector.broadcast %ge3A_3180 : i32 to vector<16xi32>
      %ge3A_3182 = arith.cmpi sge, %add3A_3179, %ge3A_3181 : vector<16xi32>
      %broadcast_in_dim3A_3183 = arith.constant 0 : i32
      %broadcast_in_dim3A_3184 = vector.broadcast %broadcast_in_dim3A_3183 : i32 to vector<16xi32>
      %add3A_3185 = arith.constant 3 : i32
      %add3A_3186 = vector.broadcast %add3A_3185 : i32 to vector<16xi32>
      %add3A_3187 = arith.addi %broadcast_in_dim3A_3184, %add3A_3186 : vector<16xi32>
      %gather3A_3188 = tpu.vector_load_idx %arg11[%add3A_3187, %add3A_4, %add3A_3165] : memref<4x64x128xf32, #tpu.memory_space<vmem>>[vector<16xi32>, vector<16xi32>, vector<16xi32>], vector<16xf32>,
      %add3A_3189 = arith.addi %add3A_3175, %add3A_4 : vector<16xi32>
      %gather3A_3190 = tpu.vector_load_idx %arg13[%add3A_3189] : memref<4096xf32, #tpu.memory_space<vmem>>[vector<16xi32>], vector<16xf32>,
      %select_n3A_3191 = arith.select %ge3A_3182, %gather3A_3190, %gather3A_3188 : vector<16xi1>, vector<16xf32>
      %broadcast_in_dim3A_3192 = arith.constant 0 : i32
      %broadcast_in_dim3A_3193 = vector.broadcast %broadcast_in_dim3A_3192 : i32 to vector<16xi32>
      %add3A_3194 = arith.constant 3 : i32
      %add3A_3195 = vector.broadcast %add3A_3194 : i32 to vector<16xi32>
      %add3A_3196 = arith.addi %broadcast_in_dim3A_3193, %add3A_3195 : vector<16xi32>
      %gather3A_3197 = tpu.vector_load_idx %arg11[%add3A_3196, %add3A_7, %add3A_3165] : memref<4x64x128xf32, #tpu.memory_space<vmem>>[vector<16xi32>, vector<16xi32>, vector<16xi32>], vector<16xf32>,
      %add3A_3198 = arith.addi %add3A_3175, %add3A_7 : vector<16xi32>
      %gather3A_3199 = tpu.vector_load_idx %arg13[%add3A_3198] : memref<4096xf32, #tpu.memory_space<vmem>>[vector<16xi32>], vector<16xf32>,
      %select_n3A_3200 = arith.select %ge3A_3182, %gather3A_3199, %gather3A_3197 : vector<16xi1>, vector<16xf32>
      %broadcast_in_dim3A_3201 = arith.constant 0 : i32
      %broadcast_in_dim3A_3202 = vector.broadcast %broadcast_in_dim3A_3201 : i32 to vector<16xi32>
      %add3A_3203 = arith.constant 3 : i32
      %add3A_3204 = vector.broadcast %add3A_3203 : i32 to vector<16xi32>
      %add3A_3205 = arith.addi %broadcast_in_dim3A_3202, %add3A_3204 : vector<16xi32>
      %gather3A_3206 = tpu.vector_load_idx %arg11[%add3A_3205, %add3A_10, %add3A_3165] : memref<4x64x128xf32, #tpu.memory_space<vmem>>[vector<16xi32>, vector<16xi32>, vector<16xi32>], vector<16xf32>,
      %add3A_3207 = arith.addi %add3A_3175, %add3A_10 : vector<16xi32>
      %gather3A_3208 = tpu.vector_load_idx %arg13[%add3A_3207] : memref<4096xf32, #tpu.memory_space<vmem>>[vector<16xi32>], vector<16xf32>,
      %select_n3A_3209 = arith.select %ge3A_3182, %gather3A_3208, %gather3A_3206 : vector<16xi1>, vector<16xf32>
      %broadcast_in_dim3A_3210 = arith.constant 0 : i32
      %broadcast_in_dim3A_3211 = vector.broadcast %broadcast_in_dim3A_3210 : i32 to vector<16xi32>
      %add3A_3212 = arith.constant 3 : i32
      %add3A_3213 = vector.broadcast %add3A_3212 : i32 to vector<16xi32>
      %add3A_3214 = arith.addi %broadcast_in_dim3A_3211, %add3A_3213 : vector<16xi32>
      %gather3A_3215 = tpu.vector_load_idx %arg11[%add3A_3214, %add3A_13, %add3A_3165] : memref<4x64x128xf32, #tpu.memory_space<vmem>>[vector<16xi32>, vector<16xi32>, vector<16xi32>], vector<16xf32>,
      %add3A_3216 = arith.addi %add3A_3175, %add3A_13 : vector<16xi32>
      %gather3A_3217 = tpu.vector_load_idx %arg13[%add3A_3216] : memref<4096xf32, #tpu.memory_space<vmem>>[vector<16xi32>], vector<16xf32>,
      %select_n3A_3218 = arith.select %ge3A_3182, %gather3A_3217, %gather3A_3215 : vector<16xi1>, vector<16xf32>
      %slice3A_3219 = vector.extract_strided_slice %get3A_199 {offsets = [15], sizes = [1], strides = [1]} : vector<16xi32> to vector<1xi32>
      %squeeze3A_3220 = vector.extract %slice3A_3219[0] : i32 from vector<1xi32>
      %and3A_3221 = arith.constant 127 : i32
      %and3A_3222 = arith.andi %squeeze3A_3220, %and3A_3221 : i32
      %broadcast_in_dim3A_3223 = arith.constant 0 : i32
      %broadcast_in_dim3A_3224 = vector.broadcast %broadcast_in_dim3A_3223 : i32 to vector<16xi32>
      %add3A_3225 = vector.broadcast %and3A_3222 : i32 to vector<16xi32>
      %add3A_3226 = arith.addi %broadcast_in_dim3A_3224, %add3A_3225 : vector<16xi32>
      %sub3A_3227 = arith.constant 999936 : i32
      %sub3A_3228 = arith.subi %squeeze3A_3220, %sub3A_3227 : i32
      %max3A_3229 = arith.constant 0 : i32
      %max3A_3230 = arith.maxsi %sub3A_3228, %max3A_3229 : i32
      %mul3A_3231 = arith.constant 64 : i32
      %mul3A_3232 = arith.muli %max3A_3230, %mul3A_3231 : i32
      %broadcast_in_dim3A_3233 = arith.constant 0 : i32
      %broadcast_in_dim3A_3234 = vector.broadcast %broadcast_in_dim3A_3233 : i32 to vector<16xi32>
      %add3A_3235 = vector.broadcast %mul3A_3232 : i32 to vector<16xi32>
      %add3A_3236 = arith.addi %broadcast_in_dim3A_3234, %add3A_3235 : vector<16xi32>
      %broadcast_in_dim3A_3237 = arith.constant 0 : i32
      %broadcast_in_dim3A_3238 = vector.broadcast %broadcast_in_dim3A_3237 : i32 to vector<16xi32>
      %add3A_3239 = vector.broadcast %squeeze3A_3220 : i32 to vector<16xi32>
      %add3A_3240 = arith.addi %broadcast_in_dim3A_3238, %add3A_3239 : vector<16xi32>
      %ge3A_3241 = arith.constant 999936 : i32
      %ge3A_3242 = vector.broadcast %ge3A_3241 : i32 to vector<16xi32>
      %ge3A_3243 = arith.cmpi sge, %add3A_3240, %ge3A_3242 : vector<16xi32>
      %broadcast_in_dim3A_3244 = arith.constant 0 : i32
      %broadcast_in_dim3A_3245 = vector.broadcast %broadcast_in_dim3A_3244 : i32 to vector<16xi32>
      %add3A_3246 = arith.constant 3 : i32
      %add3A_3247 = vector.broadcast %add3A_3246 : i32 to vector<16xi32>
      %add3A_3248 = arith.addi %broadcast_in_dim3A_3245, %add3A_3247 : vector<16xi32>
      %gather3A_3249 = tpu.vector_load_idx %arg12[%add3A_3248, %add3A_4, %add3A_3226] : memref<4x64x128xf32, #tpu.memory_space<vmem>>[vector<16xi32>, vector<16xi32>, vector<16xi32>], vector<16xf32>,
      %add3A_3250 = arith.addi %add3A_3236, %add3A_4 : vector<16xi32>
      %gather3A_3251 = tpu.vector_load_idx %arg14[%add3A_3250] : memref<4096xf32, #tpu.memory_space<vmem>>[vector<16xi32>], vector<16xf32>,
      %select_n3A_3252 = arith.select %ge3A_3243, %gather3A_3251, %gather3A_3249 : vector<16xi1>, vector<16xf32>
      %broadcast_in_dim3A_3253 = arith.constant 0 : i32
      %broadcast_in_dim3A_3254 = vector.broadcast %broadcast_in_dim3A_3253 : i32 to vector<16xi32>
      %add3A_3255 = arith.constant 3 : i32
      %add3A_3256 = vector.broadcast %add3A_3255 : i32 to vector<16xi32>
      %add3A_3257 = arith.addi %broadcast_in_dim3A_3254, %add3A_3256 : vector<16xi32>
      %gather3A_3258 = tpu.vector_load_idx %arg12[%add3A_3257, %add3A_7, %add3A_3226] : memref<4x64x128xf32, #tpu.memory_space<vmem>>[vector<16xi32>, vector<16xi32>, vector<16xi32>], vector<16xf32>,
      %add3A_3259 = arith.addi %add3A_3236, %add3A_7 : vector<16xi32>
      %gather3A_3260 = tpu.vector_load_idx %arg14[%add3A_3259] : memref<4096xf32, #tpu.memory_space<vmem>>[vector<16xi32>], vector<16xf32>,
      %select_n3A_3261 = arith.select %ge3A_3243, %gather3A_3260, %gather3A_3258 : vector<16xi1>, vector<16xf32>
      %broadcast_in_dim3A_3262 = arith.constant 0 : i32
      %broadcast_in_dim3A_3263 = vector.broadcast %broadcast_in_dim3A_3262 : i32 to vector<16xi32>
      %add3A_3264 = arith.constant 3 : i32
      %add3A_3265 = vector.broadcast %add3A_3264 : i32 to vector<16xi32>
      %add3A_3266 = arith.addi %broadcast_in_dim3A_3263, %add3A_3265 : vector<16xi32>
      %gather3A_3267 = tpu.vector_load_idx %arg12[%add3A_3266, %add3A_10, %add3A_3226] : memref<4x64x128xf32, #tpu.memory_space<vmem>>[vector<16xi32>, vector<16xi32>, vector<16xi32>], vector<16xf32>,
      %add3A_3268 = arith.addi %add3A_3236, %add3A_10 : vector<16xi32>
      %gather3A_3269 = tpu.vector_load_idx %arg14[%add3A_3268] : memref<4096xf32, #tpu.memory_space<vmem>>[vector<16xi32>], vector<16xf32>,
      %select_n3A_3270 = arith.select %ge3A_3243, %gather3A_3269, %gather3A_3267 : vector<16xi1>, vector<16xf32>
      %broadcast_in_dim3A_3271 = arith.constant 0 : i32
      %broadcast_in_dim3A_3272 = vector.broadcast %broadcast_in_dim3A_3271 : i32 to vector<16xi32>
      %add3A_3273 = arith.constant 3 : i32
      %add3A_3274 = vector.broadcast %add3A_3273 : i32 to vector<16xi32>
      %add3A_3275 = arith.addi %broadcast_in_dim3A_3272, %add3A_3274 : vector<16xi32>
      %gather3A_3276 = tpu.vector_load_idx %arg12[%add3A_3275, %add3A_13, %add3A_3226] : memref<4x64x128xf32, #tpu.memory_space<vmem>>[vector<16xi32>, vector<16xi32>, vector<16xi32>], vector<16xf32>,
      %add3A_3277 = arith.addi %add3A_3236, %add3A_13 : vector<16xi32>
      %gather3A_3278 = tpu.vector_load_idx %arg14[%add3A_3277] : memref<4096xf32, #tpu.memory_space<vmem>>[vector<16xi32>], vector<16xf32>,
      %select_n3A_3279 = arith.select %ge3A_3243, %gather3A_3278, %gather3A_3276 : vector<16xi1>, vector<16xf32>
      %mul3A_3280 = arith.mulf %select_n3A_3191, %select_n3A_3252 : vector<16xf32>
      %mul3A_3281 = arith.mulf %select_n3A_3200, %select_n3A_3261 : vector<16xf32>
      %add3A_3282 = arith.addf %mul3A_3280, %mul3A_3281 : vector<16xf32>
      %mul3A_3283 = arith.mulf %select_n3A_3209, %select_n3A_3270 : vector<16xf32>
      %add3A_3284 = arith.addf %add3A_3282, %mul3A_3283 : vector<16xf32>
      %mul3A_3285 = arith.mulf %select_n3A_3218, %select_n3A_3279 : vector<16xf32>
      %add3A_3286 = arith.addf %add3A_3284, %mul3A_3285 : vector<16xf32>
      %lt3A_3287 = arith.constant 31 : i32
      %lt3A_3288 = arith.cmpi slt, %scan3A_191, %lt3A_3287 : i32
      %convert_element_type3A_3289 = arith.extui %lt3A_3288 : i1 to i32
      %cond3A_3290 = arith.constant 0 : i32
      %cond3A_3291 = arith.cmpi ne, %convert_element_type3A_3289, %cond3A_3290 : i32
      scf.if %cond3A_3291 {
        %slice3A_3752 = vector.extract_strided_slice %get3A_207 {offsets = [3], sizes = [1], strides = [1]} : vector<16xi32> to vector<1xi32>
        %squeeze3A_3753 = vector.extract %slice3A_3752[0] : i32 from vector<1xi32>
        %shift_right_arithmetic3A_3754 = arith.constant 7 : i32
        %shift_right_arithmetic3A_3755 = arith.shrsi %squeeze3A_3753, %shift_right_arithmetic3A_3754 : i32
        %min3A_3756 = arith.constant 7811 : i32
        %min3A_3757 = arith.minsi %shift_right_arithmetic3A_3755, %min3A_3756 : i32
        %mul3A_3758 = arith.constant 128 : i32
        %mul3A_3759 = arith.muli %min3A_3757, %mul3A_3758 : i32
        %multiple_of3A_3760 = tpu.assume_multiple %mul3A_3759, 128 : i32
        %dma_start3A_3761 = arith.constant 3 : i32
        %dma_start3A_3762 = arith.constant 0 : i32
        %dma_start3A_3763 = arith.constant 0 : i32
        %dma_start3A_3764 = tpu.memref_slice %arg11[%dma_start3A_3761, %dma_start3A_3762, %dma_start3A_3763] : memref<4x64x128xf32, #tpu.memory_space<vmem>> -> memref<1x64x128xf32, #tpu.memory_space<vmem>>
        %dma_start3A_3765 = tpu.memref_squeeze %dma_start3A_3764 : memref<1x64x128xf32, #tpu.memory_space<vmem>> -> memref<64x128xf32, #tpu.memory_space<vmem>>
        %dma_start3A_3766 = arith.constant 0 : i32
        %dma_start3A_3767 = tpu.memref_slice %arg4[%dma_start3A_3766, %multiple_of3A_3760] : memref<64x1000000xf32, #tpu.memory_space<hbm>> -> memref<64x128xf32, #tpu.memory_space<hbm>>
        %dma_start3A_3768 = arith.constant 0 : i32
        %dma_start3A_3769 = arith.constant 0 : i32
        %dma_start3A_3770 = tpu.memref_slice %arg11[%dma_start3A_3761, %dma_start3A_3768, %dma_start3A_3769] : memref<4x64x128xf32, #tpu.memory_space<vmem>> -> memref<1x64x128xf32, #tpu.memory_space<vmem>>
        %dma_start3A_3771 = tpu.memref_squeeze %dma_start3A_3770 : memref<1x64x128xf32, #tpu.memory_space<vmem>> -> memref<64x128xf32, #tpu.memory_space<vmem>>
        %dma_start3A_3772 = arith.constant 0 : i32
        %dma_start3A_3773 = tpu.memref_slice %arg4[%dma_start3A_3772, %multiple_of3A_3760] : memref<64x1000000xf32, #tpu.memory_space<hbm>> -> memref<64x128xf32, #tpu.memory_space<hbm>>
        tpu.enqueue_dma source(%dma_start3A_3773 : memref<64x128xf32, #tpu.memory_space<hbm>>) target(%dma_start3A_3771 : memref<64x128xf32, #tpu.memory_space<vmem>>) target_semaphore(%arg16 : memref<!tpu.dma_semaphore, #tpu.memory_space<semaphore_mem>>)
        %slice3A_3774 = vector.extract_strided_slice %get3A_209 {offsets = [3], sizes = [1], strides = [1]} : vector<16xi32> to vector<1xi32>
        %squeeze3A_3775 = vector.extract %slice3A_3774[0] : i32 from vector<1xi32>
        %shift_right_arithmetic3A_3776 = arith.constant 7 : i32
        %shift_right_arithmetic3A_3777 = arith.shrsi %squeeze3A_3775, %shift_right_arithmetic3A_3776 : i32
        %min3A_3778 = arith.constant 7811 : i32
        %min3A_3779 = arith.minsi %shift_right_arithmetic3A_3777, %min3A_3778 : i32
        %mul3A_3780 = arith.constant 128 : i32
        %mul3A_3781 = arith.muli %min3A_3779, %mul3A_3780 : i32
        %multiple_of3A_3782 = tpu.assume_multiple %mul3A_3781, 128 : i32
        %dma_start3A_3783 = arith.constant 3 : i32
        %dma_start3A_3784 = arith.constant 0 : i32
        %dma_start3A_3785 = arith.constant 0 : i32
        %dma_start3A_3786 = tpu.memref_slice %arg12[%dma_start3A_3783, %dma_start3A_3784, %dma_start3A_3785] : memref<4x64x128xf32, #tpu.memory_space<vmem>> -> memref<1x64x128xf32, #tpu.memory_space<vmem>>
        %dma_start3A_3787 = tpu.memref_squeeze %dma_start3A_3786 : memref<1x64x128xf32, #tpu.memory_space<vmem>> -> memref<64x128xf32, #tpu.memory_space<vmem>>
        %dma_start3A_3788 = arith.constant 0 : i32
        %dma_start3A_3789 = tpu.memref_slice %arg5[%dma_start3A_3788, %multiple_of3A_3782] : memref<64x1000000xf32, #tpu.memory_space<hbm>> -> memref<64x128xf32, #tpu.memory_space<hbm>>
        %dma_start3A_3790 = arith.constant 0 : i32
        %dma_start3A_3791 = arith.constant 0 : i32
        %dma_start3A_3792 = tpu.memref_slice %arg12[%dma_start3A_3783, %dma_start3A_3790, %dma_start3A_3791] : memref<4x64x128xf32, #tpu.memory_space<vmem>> -> memref<1x64x128xf32, #tpu.memory_space<vmem>>
        %dma_start3A_3793 = tpu.memref_squeeze %dma_start3A_3792 : memref<1x64x128xf32, #tpu.memory_space<vmem>> -> memref<64x128xf32, #tpu.memory_space<vmem>>
        %dma_start3A_3794 = arith.constant 0 : i32
        %dma_start3A_3795 = tpu.memref_slice %arg5[%dma_start3A_3794, %multiple_of3A_3782] : memref<64x1000000xf32, #tpu.memory_space<hbm>> -> memref<64x128xf32, #tpu.memory_space<hbm>>
        tpu.enqueue_dma source(%dma_start3A_3795 : memref<64x128xf32, #tpu.memory_space<hbm>>) target(%dma_start3A_3793 : memref<64x128xf32, #tpu.memory_space<vmem>>) target_semaphore(%arg16 : memref<!tpu.dma_semaphore, #tpu.memory_space<semaphore_mem>>)
      } else {
      }
      %and3A_3292 = arith.constant 1 : i32
      %and3A_3293 = vector.broadcast %and3A_3292 : i32 to vector<16xi32>
      %and3A_3294 = arith.andi %iota3A, %and3A_3293 : vector<16xi32>
      %ne3A = arith.constant 0 : i32
      %ne3A_3295 = vector.broadcast %ne3A : i32 to vector<16xi32>
      %ne3A_3296 = arith.cmpi ne, %and3A_3294, %ne3A_3295 : vector<16xi32>
      %xor3A = arith.constant 1 : i32
      %xor3A_3297 = vector.broadcast %xor3A : i32 to vector<16xi32>
      %xor3A_3298 = arith.xori %iota3A, %xor3A_3297 : vector<16xi32>
      %lt3A_3299 = arith.constant 0 : i32
      %lt3A_3300 = vector.broadcast %lt3A_3299 : i32 to vector<16xi32>
      %lt3A_3301 = arith.cmpi slt, %xor3A_3298, %lt3A_3300 : vector<16xi32>
      %add3A_3302 = arith.constant 16 : i32
      %add3A_3303 = vector.broadcast %add3A_3302 : i32 to vector<16xi32>
      %add3A_3304 = arith.addi %xor3A_3298, %add3A_3303 : vector<16xi32>
      %select_n3A_3305 = arith.select %lt3A_3301, %add3A_3304, %xor3A_3298 : vector<16xi1>, vector<16xi32>
      %broadcast_in_dim3A_3306 = vector.shape_cast %select_n3A_3305 : vector<16xi32> to vector<16x1xi32>
      %gather3A_3307 = vector.shape_cast %broadcast_in_dim3A_3306 : vector<16x1xi32> to vector<16xi32>
      %gather3A_3308 = tpu.dynamic_gather %add3A_564[%gather3A_3307] in [0] : vector<16xf32>, vector<16xi32> -> vector<16xf32>
      %add3A_3309 = arith.addf %add3A_564, %gather3A_3308 : vector<16xf32>
      %xor3A_3310 = arith.constant 1 : i32
      %xor3A_3311 = vector.broadcast %xor3A_3310 : i32 to vector<16xi32>
      %xor3A_3312 = arith.xori %iota3A, %xor3A_3311 : vector<16xi32>
      %lt3A_3313 = arith.constant 0 : i32
      %lt3A_3314 = vector.broadcast %lt3A_3313 : i32 to vector<16xi32>
      %lt3A_3315 = arith.cmpi slt, %xor3A_3312, %lt3A_3314 : vector<16xi32>
      %add3A_3316 = arith.constant 16 : i32
      %add3A_3317 = vector.broadcast %add3A_3316 : i32 to vector<16xi32>
      %add3A_3318 = arith.addi %xor3A_3312, %add3A_3317 : vector<16xi32>
      %select_n3A_3319 = arith.select %lt3A_3315, %add3A_3318, %xor3A_3312 : vector<16xi1>, vector<16xi32>
      %broadcast_in_dim3A_3320 = vector.shape_cast %select_n3A_3319 : vector<16xi32> to vector<16x1xi32>
      %gather3A_3321 = vector.shape_cast %broadcast_in_dim3A_3320 : vector<16x1xi32> to vector<16xi32>
      %gather3A_3322 = tpu.dynamic_gather %add3A_361[%gather3A_3321] in [0] : vector<16xf32>, vector<16xi32> -> vector<16xf32>
      %add3A_3323 = arith.addf %add3A_361, %gather3A_3322 : vector<16xf32>
      %select_n3A_3324 = arith.select %ne3A_3296, %add3A_3309, %add3A_3323 : vector<16xi1>, vector<16xf32>
      %xor3A_3325 = arith.constant 1 : i32
      %xor3A_3326 = vector.broadcast %xor3A_3325 : i32 to vector<16xi32>
      %xor3A_3327 = arith.xori %iota3A, %xor3A_3326 : vector<16xi32>
      %lt3A_3328 = arith.constant 0 : i32
      %lt3A_3329 = vector.broadcast %lt3A_3328 : i32 to vector<16xi32>
      %lt3A_3330 = arith.cmpi slt, %xor3A_3327, %lt3A_3329 : vector<16xi32>
      %add3A_3331 = arith.constant 16 : i32
      %add3A_3332 = vector.broadcast %add3A_3331 : i32 to vector<16xi32>
      %add3A_3333 = arith.addi %xor3A_3327, %add3A_3332 : vector<16xi32>
      %select_n3A_3334 = arith.select %lt3A_3330, %add3A_3333, %xor3A_3327 : vector<16xi1>, vector<16xi32>
      %broadcast_in_dim3A_3335 = vector.shape_cast %select_n3A_3334 : vector<16xi32> to vector<16x1xi32>
      %gather3A_3336 = vector.shape_cast %broadcast_in_dim3A_3335 : vector<16x1xi32> to vector<16xi32>
      %gather3A_3337 = tpu.dynamic_gather %add3A_970[%gather3A_3336] in [0] : vector<16xf32>, vector<16xi32> -> vector<16xf32>
      %add3A_3338 = arith.addf %add3A_970, %gather3A_3337 : vector<16xf32>
      %xor3A_3339 = arith.constant 1 : i32
      %xor3A_3340 = vector.broadcast %xor3A_3339 : i32 to vector<16xi32>
      %xor3A_3341 = arith.xori %iota3A, %xor3A_3340 : vector<16xi32>
      %lt3A_3342 = arith.constant 0 : i32
      %lt3A_3343 = vector.broadcast %lt3A_3342 : i32 to vector<16xi32>
      %lt3A_3344 = arith.cmpi slt, %xor3A_3341, %lt3A_3343 : vector<16xi32>
      %add3A_3345 = arith.constant 16 : i32
      %add3A_3346 = vector.broadcast %add3A_3345 : i32 to vector<16xi32>
      %add3A_3347 = arith.addi %xor3A_3341, %add3A_3346 : vector<16xi32>
      %select_n3A_3348 = arith.select %lt3A_3344, %add3A_3347, %xor3A_3341 : vector<16xi1>, vector<16xi32>
      %broadcast_in_dim3A_3349 = vector.shape_cast %select_n3A_3348 : vector<16xi32> to vector<16x1xi32>
      %gather3A_3350 = vector.shape_cast %broadcast_in_dim3A_3349 : vector<16x1xi32> to vector<16xi32>
      %gather3A_3351 = tpu.dynamic_gather %add3A_767[%gather3A_3350] in [0] : vector<16xf32>, vector<16xi32> -> vector<16xf32>
      %add3A_3352 = arith.addf %add3A_767, %gather3A_3351 : vector<16xf32>
      %select_n3A_3353 = arith.select %ne3A_3296, %add3A_3338, %add3A_3352 : vector<16xi1>, vector<16xf32>
      %xor3A_3354 = arith.constant 1 : i32
      %xor3A_3355 = vector.broadcast %xor3A_3354 : i32 to vector<16xi32>
      %xor3A_3356 = arith.xori %iota3A, %xor3A_3355 : vector<16xi32>
      %lt3A_3357 = arith.constant 0 : i32
      %lt3A_3358 = vector.broadcast %lt3A_3357 : i32 to vector<16xi32>
      %lt3A_3359 = arith.cmpi slt, %xor3A_3356, %lt3A_3358 : vector<16xi32>
      %add3A_3360 = arith.constant 16 : i32
      %add3A_3361 = vector.broadcast %add3A_3360 : i32 to vector<16xi32>
      %add3A_3362 = arith.addi %xor3A_3356, %add3A_3361 : vector<16xi32>
      %select_n3A_3363 = arith.select %lt3A_3359, %add3A_3362, %xor3A_3356 : vector<16xi1>, vector<16xi32>
      %broadcast_in_dim3A_3364 = vector.shape_cast %select_n3A_3363 : vector<16xi32> to vector<16x1xi32>
      %gather3A_3365 = vector.shape_cast %broadcast_in_dim3A_3364 : vector<16x1xi32> to vector<16xi32>
      %gather3A_3366 = tpu.dynamic_gather %add3A_1376[%gather3A_3365] in [0] : vector<16xf32>, vector<16xi32> -> vector<16xf32>
      %add3A_3367 = arith.addf %add3A_1376, %gather3A_3366 : vector<16xf32>
      %xor3A_3368 = arith.constant 1 : i32
      %xor3A_3369 = vector.broadcast %xor3A_3368 : i32 to vector<16xi32>
      %xor3A_3370 = arith.xori %iota3A, %xor3A_3369 : vector<16xi32>
      %lt3A_3371 = arith.constant 0 : i32
      %lt3A_3372 = vector.broadcast %lt3A_3371 : i32 to vector<16xi32>
      %lt3A_3373 = arith.cmpi slt, %xor3A_3370, %lt3A_3372 : vector<16xi32>
      %add3A_3374 = arith.constant 16 : i32
      %add3A_3375 = vector.broadcast %add3A_3374 : i32 to vector<16xi32>
      %add3A_3376 = arith.addi %xor3A_3370, %add3A_3375 : vector<16xi32>
      %select_n3A_3377 = arith.select %lt3A_3373, %add3A_3376, %xor3A_3370 : vector<16xi1>, vector<16xi32>
      %broadcast_in_dim3A_3378 = vector.shape_cast %select_n3A_3377 : vector<16xi32> to vector<16x1xi32>
      %gather3A_3379 = vector.shape_cast %broadcast_in_dim3A_3378 : vector<16x1xi32> to vector<16xi32>
      %gather3A_3380 = tpu.dynamic_gather %add3A_1173[%gather3A_3379] in [0] : vector<16xf32>, vector<16xi32> -> vector<16xf32>
      %add3A_3381 = arith.addf %add3A_1173, %gather3A_3380 : vector<16xf32>
      %select_n3A_3382 = arith.select %ne3A_3296, %add3A_3367, %add3A_3381 : vector<16xi1>, vector<16xf32>
      %xor3A_3383 = arith.constant 1 : i32
      %xor3A_3384 = vector.broadcast %xor3A_3383 : i32 to vector<16xi32>
      %xor3A_3385 = arith.xori %iota3A, %xor3A_3384 : vector<16xi32>
      %lt3A_3386 = arith.constant 0 : i32
      %lt3A_3387 = vector.broadcast %lt3A_3386 : i32 to vector<16xi32>
      %lt3A_3388 = arith.cmpi slt, %xor3A_3385, %lt3A_3387 : vector<16xi32>
      %add3A_3389 = arith.constant 16 : i32
      %add3A_3390 = vector.broadcast %add3A_3389 : i32 to vector<16xi32>
      %add3A_3391 = arith.addi %xor3A_3385, %add3A_3390 : vector<16xi32>
      %select_n3A_3392 = arith.select %lt3A_3388, %add3A_3391, %xor3A_3385 : vector<16xi1>, vector<16xi32>
      %broadcast_in_dim3A_3393 = vector.shape_cast %select_n3A_3392 : vector<16xi32> to vector<16x1xi32>
      %gather3A_3394 = vector.shape_cast %broadcast_in_dim3A_3393 : vector<16x1xi32> to vector<16xi32>
      %gather3A_3395 = tpu.dynamic_gather %add3A_1782[%gather3A_3394] in [0] : vector<16xf32>, vector<16xi32> -> vector<16xf32>
      %add3A_3396 = arith.addf %add3A_1782, %gather3A_3395 : vector<16xf32>
      %xor3A_3397 = arith.constant 1 : i32
      %xor3A_3398 = vector.broadcast %xor3A_3397 : i32 to vector<16xi32>
      %xor3A_3399 = arith.xori %iota3A, %xor3A_3398 : vector<16xi32>
      %lt3A_3400 = arith.constant 0 : i32
      %lt3A_3401 = vector.broadcast %lt3A_3400 : i32 to vector<16xi32>
      %lt3A_3402 = arith.cmpi slt, %xor3A_3399, %lt3A_3401 : vector<16xi32>
      %add3A_3403 = arith.constant 16 : i32
      %add3A_3404 = vector.broadcast %add3A_3403 : i32 to vector<16xi32>
      %add3A_3405 = arith.addi %xor3A_3399, %add3A_3404 : vector<16xi32>
      %select_n3A_3406 = arith.select %lt3A_3402, %add3A_3405, %xor3A_3399 : vector<16xi1>, vector<16xi32>
      %broadcast_in_dim3A_3407 = vector.shape_cast %select_n3A_3406 : vector<16xi32> to vector<16x1xi32>
      %gather3A_3408 = vector.shape_cast %broadcast_in_dim3A_3407 : vector<16x1xi32> to vector<16xi32>
      %gather3A_3409 = tpu.dynamic_gather %add3A_1579[%gather3A_3408] in [0] : vector<16xf32>, vector<16xi32> -> vector<16xf32>
      %add3A_3410 = arith.addf %add3A_1579, %gather3A_3409 : vector<16xf32>
      %select_n3A_3411 = arith.select %ne3A_3296, %add3A_3396, %add3A_3410 : vector<16xi1>, vector<16xf32>
      %xor3A_3412 = arith.constant 1 : i32
      %xor3A_3413 = vector.broadcast %xor3A_3412 : i32 to vector<16xi32>
      %xor3A_3414 = arith.xori %iota3A, %xor3A_3413 : vector<16xi32>
      %lt3A_3415 = arith.constant 0 : i32
      %lt3A_3416 = vector.broadcast %lt3A_3415 : i32 to vector<16xi32>
      %lt3A_3417 = arith.cmpi slt, %xor3A_3414, %lt3A_3416 : vector<16xi32>
      %add3A_3418 = arith.constant 16 : i32
      %add3A_3419 = vector.broadcast %add3A_3418 : i32 to vector<16xi32>
      %add3A_3420 = arith.addi %xor3A_3414, %add3A_3419 : vector<16xi32>
      %select_n3A_3421 = arith.select %lt3A_3417, %add3A_3420, %xor3A_3414 : vector<16xi1>, vector<16xi32>
      %broadcast_in_dim3A_3422 = vector.shape_cast %select_n3A_3421 : vector<16xi32> to vector<16x1xi32>
      %gather3A_3423 = vector.shape_cast %broadcast_in_dim3A_3422 : vector<16x1xi32> to vector<16xi32>
      %gather3A_3424 = tpu.dynamic_gather %add3A_2188[%gather3A_3423] in [0] : vector<16xf32>, vector<16xi32> -> vector<16xf32>
      %add3A_3425 = arith.addf %add3A_2188, %gather3A_3424 : vector<16xf32>
      %xor3A_3426 = arith.constant 1 : i32
      %xor3A_3427 = vector.broadcast %xor3A_3426 : i32 to vector<16xi32>
      %xor3A_3428 = arith.xori %iota3A, %xor3A_3427 : vector<16xi32>
      %lt3A_3429 = arith.constant 0 : i32
      %lt3A_3430 = vector.broadcast %lt3A_3429 : i32 to vector<16xi32>
      %lt3A_3431 = arith.cmpi slt, %xor3A_3428, %lt3A_3430 : vector<16xi32>
      %add3A_3432 = arith.constant 16 : i32
      %add3A_3433 = vector.broadcast %add3A_3432 : i32 to vector<16xi32>
      %add3A_3434 = arith.addi %xor3A_3428, %add3A_3433 : vector<16xi32>
      %select_n3A_3435 = arith.select %lt3A_3431, %add3A_3434, %xor3A_3428 : vector<16xi1>, vector<16xi32>
      %broadcast_in_dim3A_3436 = vector.shape_cast %select_n3A_3435 : vector<16xi32> to vector<16x1xi32>
      %gather3A_3437 = vector.shape_cast %broadcast_in_dim3A_3436 : vector<16x1xi32> to vector<16xi32>
      %gather3A_3438 = tpu.dynamic_gather %add3A_1985[%gather3A_3437] in [0] : vector<16xf32>, vector<16xi32> -> vector<16xf32>
      %add3A_3439 = arith.addf %add3A_1985, %gather3A_3438 : vector<16xf32>
      %select_n3A_3440 = arith.select %ne3A_3296, %add3A_3425, %add3A_3439 : vector<16xi1>, vector<16xf32>
      %xor3A_3441 = arith.constant 1 : i32
      %xor3A_3442 = vector.broadcast %xor3A_3441 : i32 to vector<16xi32>
      %xor3A_3443 = arith.xori %iota3A, %xor3A_3442 : vector<16xi32>
      %lt3A_3444 = arith.constant 0 : i32
      %lt3A_3445 = vector.broadcast %lt3A_3444 : i32 to vector<16xi32>
      %lt3A_3446 = arith.cmpi slt, %xor3A_3443, %lt3A_3445 : vector<16xi32>
      %add3A_3447 = arith.constant 16 : i32
      %add3A_3448 = vector.broadcast %add3A_3447 : i32 to vector<16xi32>
      %add3A_3449 = arith.addi %xor3A_3443, %add3A_3448 : vector<16xi32>
      %select_n3A_3450 = arith.select %lt3A_3446, %add3A_3449, %xor3A_3443 : vector<16xi1>, vector<16xi32>
      %broadcast_in_dim3A_3451 = vector.shape_cast %select_n3A_3450 : vector<16xi32> to vector<16x1xi32>
      %gather3A_3452 = vector.shape_cast %broadcast_in_dim3A_3451 : vector<16x1xi32> to vector<16xi32>
      %gather3A_3453 = tpu.dynamic_gather %add3A_2594[%gather3A_3452] in [0] : vector<16xf32>, vector<16xi32> -> vector<16xf32>
      %add3A_3454 = arith.addf %add3A_2594, %gather3A_3453 : vector<16xf32>
      %xor3A_3455 = arith.constant 1 : i32
      %xor3A_3456 = vector.broadcast %xor3A_3455 : i32 to vector<16xi32>
      %xor3A_3457 = arith.xori %iota3A, %xor3A_3456 : vector<16xi32>
      %lt3A_3458 = arith.constant 0 : i32
      %lt3A_3459 = vector.broadcast %lt3A_3458 : i32 to vector<16xi32>
      %lt3A_3460 = arith.cmpi slt, %xor3A_3457, %lt3A_3459 : vector<16xi32>
      %add3A_3461 = arith.constant 16 : i32
      %add3A_3462 = vector.broadcast %add3A_3461 : i32 to vector<16xi32>
      %add3A_3463 = arith.addi %xor3A_3457, %add3A_3462 : vector<16xi32>
      %select_n3A_3464 = arith.select %lt3A_3460, %add3A_3463, %xor3A_3457 : vector<16xi1>, vector<16xi32>
      %broadcast_in_dim3A_3465 = vector.shape_cast %select_n3A_3464 : vector<16xi32> to vector<16x1xi32>
      %gather3A_3466 = vector.shape_cast %broadcast_in_dim3A_3465 : vector<16x1xi32> to vector<16xi32>
      %gather3A_3467 = tpu.dynamic_gather %add3A_2391[%gather3A_3466] in [0] : vector<16xf32>, vector<16xi32> -> vector<16xf32>
      %add3A_3468 = arith.addf %add3A_2391, %gather3A_3467 : vector<16xf32>
      %select_n3A_3469 = arith.select %ne3A_3296, %add3A_3454, %add3A_3468 : vector<16xi1>, vector<16xf32>
      %xor3A_3470 = arith.constant 1 : i32
      %xor3A_3471 = vector.broadcast %xor3A_3470 : i32 to vector<16xi32>
      %xor3A_3472 = arith.xori %iota3A, %xor3A_3471 : vector<16xi32>
      %lt3A_3473 = arith.constant 0 : i32
      %lt3A_3474 = vector.broadcast %lt3A_3473 : i32 to vector<16xi32>
      %lt3A_3475 = arith.cmpi slt, %xor3A_3472, %lt3A_3474 : vector<16xi32>
      %add3A_3476 = arith.constant 16 : i32
      %add3A_3477 = vector.broadcast %add3A_3476 : i32 to vector<16xi32>
      %add3A_3478 = arith.addi %xor3A_3472, %add3A_3477 : vector<16xi32>
      %select_n3A_3479 = arith.select %lt3A_3475, %add3A_3478, %xor3A_3472 : vector<16xi1>, vector<16xi32>
      %broadcast_in_dim3A_3480 = vector.shape_cast %select_n3A_3479 : vector<16xi32> to vector<16x1xi32>
      %gather3A_3481 = vector.shape_cast %broadcast_in_dim3A_3480 : vector<16x1xi32> to vector<16xi32>
      %gather3A_3482 = tpu.dynamic_gather %add3A_2958[%gather3A_3481] in [0] : vector<16xf32>, vector<16xi32> -> vector<16xf32>
      %add3A_3483 = arith.addf %add3A_2958, %gather3A_3482 : vector<16xf32>
      %xor3A_3484 = arith.constant 1 : i32
      %xor3A_3485 = vector.broadcast %xor3A_3484 : i32 to vector<16xi32>
      %xor3A_3486 = arith.xori %iota3A, %xor3A_3485 : vector<16xi32>
      %lt3A_3487 = arith.constant 0 : i32
      %lt3A_3488 = vector.broadcast %lt3A_3487 : i32 to vector<16xi32>
      %lt3A_3489 = arith.cmpi slt, %xor3A_3486, %lt3A_3488 : vector<16xi32>
      %add3A_3490 = arith.constant 16 : i32
      %add3A_3491 = vector.broadcast %add3A_3490 : i32 to vector<16xi32>
      %add3A_3492 = arith.addi %xor3A_3486, %add3A_3491 : vector<16xi32>
      %select_n3A_3493 = arith.select %lt3A_3489, %add3A_3492, %xor3A_3486 : vector<16xi1>, vector<16xi32>
      %broadcast_in_dim3A_3494 = vector.shape_cast %select_n3A_3493 : vector<16xi32> to vector<16x1xi32>
      %gather3A_3495 = vector.shape_cast %broadcast_in_dim3A_3494 : vector<16x1xi32> to vector<16xi32>
      %gather3A_3496 = tpu.dynamic_gather %add3A_2797[%gather3A_3495] in [0] : vector<16xf32>, vector<16xi32> -> vector<16xf32>
      %add3A_3497 = arith.addf %add3A_2797, %gather3A_3496 : vector<16xf32>
      %select_n3A_3498 = arith.select %ne3A_3296, %add3A_3483, %add3A_3497 : vector<16xi1>, vector<16xf32>
      %xor3A_3499 = arith.constant 1 : i32
      %xor3A_3500 = vector.broadcast %xor3A_3499 : i32 to vector<16xi32>
      %xor3A_3501 = arith.xori %iota3A, %xor3A_3500 : vector<16xi32>
      %lt3A_3502 = arith.constant 0 : i32
      %lt3A_3503 = vector.broadcast %lt3A_3502 : i32 to vector<16xi32>
      %lt3A_3504 = arith.cmpi slt, %xor3A_3501, %lt3A_3503 : vector<16xi32>
      %add3A_3505 = arith.constant 16 : i32
      %add3A_3506 = vector.broadcast %add3A_3505 : i32 to vector<16xi32>
      %add3A_3507 = arith.addi %xor3A_3501, %add3A_3506 : vector<16xi32>
      %select_n3A_3508 = arith.select %lt3A_3504, %add3A_3507, %xor3A_3501 : vector<16xi1>, vector<16xi32>
      %broadcast_in_dim3A_3509 = vector.shape_cast %select_n3A_3508 : vector<16xi32> to vector<16x1xi32>
      %gather3A_3510 = vector.shape_cast %broadcast_in_dim3A_3509 : vector<16x1xi32> to vector<16xi32>
      %gather3A_3511 = tpu.dynamic_gather %add3A_3286[%gather3A_3510] in [0] : vector<16xf32>, vector<16xi32> -> vector<16xf32>
      %add3A_3512 = arith.addf %add3A_3286, %gather3A_3511 : vector<16xf32>
      %xor3A_3513 = arith.constant 1 : i32
      %xor3A_3514 = vector.broadcast %xor3A_3513 : i32 to vector<16xi32>
      %xor3A_3515 = arith.xori %iota3A, %xor3A_3514 : vector<16xi32>
      %lt3A_3516 = arith.constant 0 : i32
      %lt3A_3517 = vector.broadcast %lt3A_3516 : i32 to vector<16xi32>
      %lt3A_3518 = arith.cmpi slt, %xor3A_3515, %lt3A_3517 : vector<16xi32>
      %add3A_3519 = arith.constant 16 : i32
      %add3A_3520 = vector.broadcast %add3A_3519 : i32 to vector<16xi32>
      %add3A_3521 = arith.addi %xor3A_3515, %add3A_3520 : vector<16xi32>
      %select_n3A_3522 = arith.select %lt3A_3518, %add3A_3521, %xor3A_3515 : vector<16xi1>, vector<16xi32>
      %broadcast_in_dim3A_3523 = vector.shape_cast %select_n3A_3522 : vector<16xi32> to vector<16x1xi32>
      %gather3A_3524 = vector.shape_cast %broadcast_in_dim3A_3523 : vector<16x1xi32> to vector<16xi32>
      %gather3A_3525 = tpu.dynamic_gather %add3A_3122[%gather3A_3524] in [0] : vector<16xf32>, vector<16xi32> -> vector<16xf32>
      %add3A_3526 = arith.addf %add3A_3122, %gather3A_3525 : vector<16xf32>
      %select_n3A_3527 = arith.select %ne3A_3296, %add3A_3512, %add3A_3526 : vector<16xi1>, vector<16xf32>
      %and3A_3528 = arith.constant 2 : i32
      %and3A_3529 = vector.broadcast %and3A_3528 : i32 to vector<16xi32>
      %and3A_3530 = arith.andi %iota3A, %and3A_3529 : vector<16xi32>
      %ne3A_3531 = arith.constant 0 : i32
      %ne3A_3532 = vector.broadcast %ne3A_3531 : i32 to vector<16xi32>
      %ne3A_3533 = arith.cmpi ne, %and3A_3530, %ne3A_3532 : vector<16xi32>
      %xor3A_3534 = arith.constant 2 : i32
      %xor3A_3535 = vector.broadcast %xor3A_3534 : i32 to vector<16xi32>
      %xor3A_3536 = arith.xori %iota3A, %xor3A_3535 : vector<16xi32>
      %lt3A_3537 = arith.constant 0 : i32
      %lt3A_3538 = vector.broadcast %lt3A_3537 : i32 to vector<16xi32>
      %lt3A_3539 = arith.cmpi slt, %xor3A_3536, %lt3A_3538 : vector<16xi32>
      %add3A_3540 = arith.constant 16 : i32
      %add3A_3541 = vector.broadcast %add3A_3540 : i32 to vector<16xi32>
      %add3A_3542 = arith.addi %xor3A_3536, %add3A_3541 : vector<16xi32>
      %select_n3A_3543 = arith.select %lt3A_3539, %add3A_3542, %xor3A_3536 : vector<16xi1>, vector<16xi32>
      %broadcast_in_dim3A_3544 = vector.shape_cast %select_n3A_3543 : vector<16xi32> to vector<16x1xi32>
      %gather3A_3545 = vector.shape_cast %broadcast_in_dim3A_3544 : vector<16x1xi32> to vector<16xi32>
      %gather3A_3546 = tpu.dynamic_gather %select_n3A_3353[%gather3A_3545] in [0] : vector<16xf32>, vector<16xi32> -> vector<16xf32>
      %add3A_3547 = arith.addf %select_n3A_3353, %gather3A_3546 : vector<16xf32>
      %xor3A_3548 = arith.constant 2 : i32
      %xor3A_3549 = vector.broadcast %xor3A_3548 : i32 to vector<16xi32>
      %xor3A_3550 = arith.xori %iota3A, %xor3A_3549 : vector<16xi32>
      %lt3A_3551 = arith.constant 0 : i32
      %lt3A_3552 = vector.broadcast %lt3A_3551 : i32 to vector<16xi32>
      %lt3A_3553 = arith.cmpi slt, %xor3A_3550, %lt3A_3552 : vector<16xi32>
      %add3A_3554 = arith.constant 16 : i32
      %add3A_3555 = vector.broadcast %add3A_3554 : i32 to vector<16xi32>
      %add3A_3556 = arith.addi %xor3A_3550, %add3A_3555 : vector<16xi32>
      %select_n3A_3557 = arith.select %lt3A_3553, %add3A_3556, %xor3A_3550 : vector<16xi1>, vector<16xi32>
      %broadcast_in_dim3A_3558 = vector.shape_cast %select_n3A_3557 : vector<16xi32> to vector<16x1xi32>
      %gather3A_3559 = vector.shape_cast %broadcast_in_dim3A_3558 : vector<16x1xi32> to vector<16xi32>
      %gather3A_3560 = tpu.dynamic_gather %select_n3A_3324[%gather3A_3559] in [0] : vector<16xf32>, vector<16xi32> -> vector<16xf32>
      %add3A_3561 = arith.addf %select_n3A_3324, %gather3A_3560 : vector<16xf32>
      %select_n3A_3562 = arith.select %ne3A_3533, %add3A_3547, %add3A_3561 : vector<16xi1>, vector<16xf32>
      %xor3A_3563 = arith.constant 2 : i32
      %xor3A_3564 = vector.broadcast %xor3A_3563 : i32 to vector<16xi32>
      %xor3A_3565 = arith.xori %iota3A, %xor3A_3564 : vector<16xi32>
      %lt3A_3566 = arith.constant 0 : i32
      %lt3A_3567 = vector.broadcast %lt3A_3566 : i32 to vector<16xi32>
      %lt3A_3568 = arith.cmpi slt, %xor3A_3565, %lt3A_3567 : vector<16xi32>
      %add3A_3569 = arith.constant 16 : i32
      %add3A_3570 = vector.broadcast %add3A_3569 : i32 to vector<16xi32>
      %add3A_3571 = arith.addi %xor3A_3565, %add3A_3570 : vector<16xi32>
      %select_n3A_3572 = arith.select %lt3A_3568, %add3A_3571, %xor3A_3565 : vector<16xi1>, vector<16xi32>
      %broadcast_in_dim3A_3573 = vector.shape_cast %select_n3A_3572 : vector<16xi32> to vector<16x1xi32>
      %gather3A_3574 = vector.shape_cast %broadcast_in_dim3A_3573 : vector<16x1xi32> to vector<16xi32>
      %gather3A_3575 = tpu.dynamic_gather %select_n3A_3411[%gather3A_3574] in [0] : vector<16xf32>, vector<16xi32> -> vector<16xf32>
      %add3A_3576 = arith.addf %select_n3A_3411, %gather3A_3575 : vector<16xf32>
      %xor3A_3577 = arith.constant 2 : i32
      %xor3A_3578 = vector.broadcast %xor3A_3577 : i32 to vector<16xi32>
      %xor3A_3579 = arith.xori %iota3A, %xor3A_3578 : vector<16xi32>
      %lt3A_3580 = arith.constant 0 : i32
      %lt3A_3581 = vector.broadcast %lt3A_3580 : i32 to vector<16xi32>
      %lt3A_3582 = arith.cmpi slt, %xor3A_3579, %lt3A_3581 : vector<16xi32>
      %add3A_3583 = arith.constant 16 : i32
      %add3A_3584 = vector.broadcast %add3A_3583 : i32 to vector<16xi32>
      %add3A_3585 = arith.addi %xor3A_3579, %add3A_3584 : vector<16xi32>
      %select_n3A_3586 = arith.select %lt3A_3582, %add3A_3585, %xor3A_3579 : vector<16xi1>, vector<16xi32>
      %broadcast_in_dim3A_3587 = vector.shape_cast %select_n3A_3586 : vector<16xi32> to vector<16x1xi32>
      %gather3A_3588 = vector.shape_cast %broadcast_in_dim3A_3587 : vector<16x1xi32> to vector<16xi32>
      %gather3A_3589 = tpu.dynamic_gather %select_n3A_3382[%gather3A_3588] in [0] : vector<16xf32>, vector<16xi32> -> vector<16xf32>
      %add3A_3590 = arith.addf %select_n3A_3382, %gather3A_3589 : vector<16xf32>
      %select_n3A_3591 = arith.select %ne3A_3533, %add3A_3576, %add3A_3590 : vector<16xi1>, vector<16xf32>
      %xor3A_3592 = arith.constant 2 : i32
      %xor3A_3593 = vector.broadcast %xor3A_3592 : i32 to vector<16xi32>
      %xor3A_3594 = arith.xori %iota3A, %xor3A_3593 : vector<16xi32>
      %lt3A_3595 = arith.constant 0 : i32
      %lt3A_3596 = vector.broadcast %lt3A_3595 : i32 to vector<16xi32>
      %lt3A_3597 = arith.cmpi slt, %xor3A_3594, %lt3A_3596 : vector<16xi32>
      %add3A_3598 = arith.constant 16 : i32
      %add3A_3599 = vector.broadcast %add3A_3598 : i32 to vector<16xi32>
      %add3A_3600 = arith.addi %xor3A_3594, %add3A_3599 : vector<16xi32>
      %select_n3A_3601 = arith.select %lt3A_3597, %add3A_3600, %xor3A_3594 : vector<16xi1>, vector<16xi32>
      %broadcast_in_dim3A_3602 = vector.shape_cast %select_n3A_3601 : vector<16xi32> to vector<16x1xi32>
      %gather3A_3603 = vector.shape_cast %broadcast_in_dim3A_3602 : vector<16x1xi32> to vector<16xi32>
      %gather3A_3604 = tpu.dynamic_gather %select_n3A_3469[%gather3A_3603] in [0] : vector<16xf32>, vector<16xi32> -> vector<16xf32>
      %add3A_3605 = arith.addf %select_n3A_3469, %gather3A_3604 : vector<16xf32>
      %xor3A_3606 = arith.constant 2 : i32
      %xor3A_3607 = vector.broadcast %xor3A_3606 : i32 to vector<16xi32>
      %xor3A_3608 = arith.xori %iota3A, %xor3A_3607 : vector<16xi32>
      %lt3A_3609 = arith.constant 0 : i32
      %lt3A_3610 = vector.broadcast %lt3A_3609 : i32 to vector<16xi32>
      %lt3A_3611 = arith.cmpi slt, %xor3A_3608, %lt3A_3610 : vector<16xi32>
      %add3A_3612 = arith.constant 16 : i32
      %add3A_3613 = vector.broadcast %add3A_3612 : i32 to vector<16xi32>
      %add3A_3614 = arith.addi %xor3A_3608, %add3A_3613 : vector<16xi32>
      %select_n3A_3615 = arith.select %lt3A_3611, %add3A_3614, %xor3A_3608 : vector<16xi1>, vector<16xi32>
      %broadcast_in_dim3A_3616 = vector.shape_cast %select_n3A_3615 : vector<16xi32> to vector<16x1xi32>
      %gather3A_3617 = vector.shape_cast %broadcast_in_dim3A_3616 : vector<16x1xi32> to vector<16xi32>
      %gather3A_3618 = tpu.dynamic_gather %select_n3A_3440[%gather3A_3617] in [0] : vector<16xf32>, vector<16xi32> -> vector<16xf32>
      %add3A_3619 = arith.addf %select_n3A_3440, %gather3A_3618 : vector<16xf32>
      %select_n3A_3620 = arith.select %ne3A_3533, %add3A_3605, %add3A_3619 : vector<16xi1>, vector<16xf32>
      %xor3A_3621 = arith.constant 2 : i32
      %xor3A_3622 = vector.broadcast %xor3A_3621 : i32 to vector<16xi32>
      %xor3A_3623 = arith.xori %iota3A, %xor3A_3622 : vector<16xi32>
      %lt3A_3624 = arith.constant 0 : i32
      %lt3A_3625 = vector.broadcast %lt3A_3624 : i32 to vector<16xi32>
      %lt3A_3626 = arith.cmpi slt, %xor3A_3623, %lt3A_3625 : vector<16xi32>
      %add3A_3627 = arith.constant 16 : i32
      %add3A_3628 = vector.broadcast %add3A_3627 : i32 to vector<16xi32>
      %add3A_3629 = arith.addi %xor3A_3623, %add3A_3628 : vector<16xi32>
      %select_n3A_3630 = arith.select %lt3A_3626, %add3A_3629, %xor3A_3623 : vector<16xi1>, vector<16xi32>
      %broadcast_in_dim3A_3631 = vector.shape_cast %select_n3A_3630 : vector<16xi32> to vector<16x1xi32>
      %gather3A_3632 = vector.shape_cast %broadcast_in_dim3A_3631 : vector<16x1xi32> to vector<16xi32>
      %gather3A_3633 = tpu.dynamic_gather %select_n3A_3527[%gather3A_3632] in [0] : vector<16xf32>, vector<16xi32> -> vector<16xf32>
      %add3A_3634 = arith.addf %select_n3A_3527, %gather3A_3633 : vector<16xf32>
      %xor3A_3635 = arith.constant 2 : i32
      %xor3A_3636 = vector.broadcast %xor3A_3635 : i32 to vector<16xi32>
      %xor3A_3637 = arith.xori %iota3A, %xor3A_3636 : vector<16xi32>
      %lt3A_3638 = arith.constant 0 : i32
      %lt3A_3639 = vector.broadcast %lt3A_3638 : i32 to vector<16xi32>
      %lt3A_3640 = arith.cmpi slt, %xor3A_3637, %lt3A_3639 : vector<16xi32>
      %add3A_3641 = arith.constant 16 : i32
      %add3A_3642 = vector.broadcast %add3A_3641 : i32 to vector<16xi32>
      %add3A_3643 = arith.addi %xor3A_3637, %add3A_3642 : vector<16xi32>
      %select_n3A_3644 = arith.select %lt3A_3640, %add3A_3643, %xor3A_3637 : vector<16xi1>, vector<16xi32>
      %broadcast_in_dim3A_3645 = vector.shape_cast %select_n3A_3644 : vector<16xi32> to vector<16x1xi32>
      %gather3A_3646 = vector.shape_cast %broadcast_in_dim3A_3645 : vector<16x1xi32> to vector<16xi32>
      %gather3A_3647 = tpu.dynamic_gather %select_n3A_3498[%gather3A_3646] in [0] : vector<16xf32>, vector<16xi32> -> vector<16xf32>
      %add3A_3648 = arith.addf %select_n3A_3498, %gather3A_3647 : vector<16xf32>
      %select_n3A_3649 = arith.select %ne3A_3533, %add3A_3634, %add3A_3648 : vector<16xi1>, vector<16xf32>
      %and3A_3650 = arith.constant 4 : i32
      %and3A_3651 = vector.broadcast %and3A_3650 : i32 to vector<16xi32>
      %and3A_3652 = arith.andi %iota3A, %and3A_3651 : vector<16xi32>
      %ne3A_3653 = arith.constant 0 : i32
      %ne3A_3654 = vector.broadcast %ne3A_3653 : i32 to vector<16xi32>
      %ne3A_3655 = arith.cmpi ne, %and3A_3652, %ne3A_3654 : vector<16xi32>
      %xor3A_3656 = arith.constant 4 : i32
      %xor3A_3657 = vector.broadcast %xor3A_3656 : i32 to vector<16xi32>
      %xor3A_3658 = arith.xori %iota3A, %xor3A_3657 : vector<16xi32>
      %lt3A_3659 = arith.constant 0 : i32
      %lt3A_3660 = vector.broadcast %lt3A_3659 : i32 to vector<16xi32>
      %lt3A_3661 = arith.cmpi slt, %xor3A_3658, %lt3A_3660 : vector<16xi32>
      %add3A_3662 = arith.constant 16 : i32
      %add3A_3663 = vector.broadcast %add3A_3662 : i32 to vector<16xi32>
      %add3A_3664 = arith.addi %xor3A_3658, %add3A_3663 : vector<16xi32>
      %select_n3A_3665 = arith.select %lt3A_3661, %add3A_3664, %xor3A_3658 : vector<16xi1>, vector<16xi32>
      %broadcast_in_dim3A_3666 = vector.shape_cast %select_n3A_3665 : vector<16xi32> to vector<16x1xi32>
      %gather3A_3667 = vector.shape_cast %broadcast_in_dim3A_3666 : vector<16x1xi32> to vector<16xi32>
      %gather3A_3668 = tpu.dynamic_gather %select_n3A_3591[%gather3A_3667] in [0] : vector<16xf32>, vector<16xi32> -> vector<16xf32>
      %add3A_3669 = arith.addf %select_n3A_3591, %gather3A_3668 : vector<16xf32>
      %xor3A_3670 = arith.constant 4 : i32
      %xor3A_3671 = vector.broadcast %xor3A_3670 : i32 to vector<16xi32>
      %xor3A_3672 = arith.xori %iota3A, %xor3A_3671 : vector<16xi32>
      %lt3A_3673 = arith.constant 0 : i32
      %lt3A_3674 = vector.broadcast %lt3A_3673 : i32 to vector<16xi32>
      %lt3A_3675 = arith.cmpi slt, %xor3A_3672, %lt3A_3674 : vector<16xi32>
      %add3A_3676 = arith.constant 16 : i32
      %add3A_3677 = vector.broadcast %add3A_3676 : i32 to vector<16xi32>
      %add3A_3678 = arith.addi %xor3A_3672, %add3A_3677 : vector<16xi32>
      %select_n3A_3679 = arith.select %lt3A_3675, %add3A_3678, %xor3A_3672 : vector<16xi1>, vector<16xi32>
      %broadcast_in_dim3A_3680 = vector.shape_cast %select_n3A_3679 : vector<16xi32> to vector<16x1xi32>
      %gather3A_3681 = vector.shape_cast %broadcast_in_dim3A_3680 : vector<16x1xi32> to vector<16xi32>
      %gather3A_3682 = tpu.dynamic_gather %select_n3A_3562[%gather3A_3681] in [0] : vector<16xf32>, vector<16xi32> -> vector<16xf32>
      %add3A_3683 = arith.addf %select_n3A_3562, %gather3A_3682 : vector<16xf32>
      %select_n3A_3684 = arith.select %ne3A_3655, %add3A_3669, %add3A_3683 : vector<16xi1>, vector<16xf32>
      %xor3A_3685 = arith.constant 4 : i32
      %xor3A_3686 = vector.broadcast %xor3A_3685 : i32 to vector<16xi32>
      %xor3A_3687 = arith.xori %iota3A, %xor3A_3686 : vector<16xi32>
      %lt3A_3688 = arith.constant 0 : i32
      %lt3A_3689 = vector.broadcast %lt3A_3688 : i32 to vector<16xi32>
      %lt3A_3690 = arith.cmpi slt, %xor3A_3687, %lt3A_3689 : vector<16xi32>
      %add3A_3691 = arith.constant 16 : i32
      %add3A_3692 = vector.broadcast %add3A_3691 : i32 to vector<16xi32>
      %add3A_3693 = arith.addi %xor3A_3687, %add3A_3692 : vector<16xi32>
      %select_n3A_3694 = arith.select %lt3A_3690, %add3A_3693, %xor3A_3687 : vector<16xi1>, vector<16xi32>
      %broadcast_in_dim3A_3695 = vector.shape_cast %select_n3A_3694 : vector<16xi32> to vector<16x1xi32>
      %gather3A_3696 = vector.shape_cast %broadcast_in_dim3A_3695 : vector<16x1xi32> to vector<16xi32>
      %gather3A_3697 = tpu.dynamic_gather %select_n3A_3649[%gather3A_3696] in [0] : vector<16xf32>, vector<16xi32> -> vector<16xf32>
      %add3A_3698 = arith.addf %select_n3A_3649, %gather3A_3697 : vector<16xf32>
      %xor3A_3699 = arith.constant 4 : i32
      %xor3A_3700 = vector.broadcast %xor3A_3699 : i32 to vector<16xi32>
      %xor3A_3701 = arith.xori %iota3A, %xor3A_3700 : vector<16xi32>
      %lt3A_3702 = arith.constant 0 : i32
      %lt3A_3703 = vector.broadcast %lt3A_3702 : i32 to vector<16xi32>
      %lt3A_3704 = arith.cmpi slt, %xor3A_3701, %lt3A_3703 : vector<16xi32>
      %add3A_3705 = arith.constant 16 : i32
      %add3A_3706 = vector.broadcast %add3A_3705 : i32 to vector<16xi32>
      %add3A_3707 = arith.addi %xor3A_3701, %add3A_3706 : vector<16xi32>
      %select_n3A_3708 = arith.select %lt3A_3704, %add3A_3707, %xor3A_3701 : vector<16xi1>, vector<16xi32>
      %broadcast_in_dim3A_3709 = vector.shape_cast %select_n3A_3708 : vector<16xi32> to vector<16x1xi32>
      %gather3A_3710 = vector.shape_cast %broadcast_in_dim3A_3709 : vector<16x1xi32> to vector<16xi32>
      %gather3A_3711 = tpu.dynamic_gather %select_n3A_3620[%gather3A_3710] in [0] : vector<16xf32>, vector<16xi32> -> vector<16xf32>
      %add3A_3712 = arith.addf %select_n3A_3620, %gather3A_3711 : vector<16xf32>
      %select_n3A_3713 = arith.select %ne3A_3655, %add3A_3698, %add3A_3712 : vector<16xi1>, vector<16xf32>
      %and3A_3714 = arith.constant 8 : i32
      %and3A_3715 = vector.broadcast %and3A_3714 : i32 to vector<16xi32>
      %and3A_3716 = arith.andi %iota3A, %and3A_3715 : vector<16xi32>
      %ne3A_3717 = arith.constant 0 : i32
      %ne3A_3718 = vector.broadcast %ne3A_3717 : i32 to vector<16xi32>
      %ne3A_3719 = arith.cmpi ne, %and3A_3716, %ne3A_3718 : vector<16xi32>
      %xor3A_3720 = arith.constant 8 : i32
      %xor3A_3721 = vector.broadcast %xor3A_3720 : i32 to vector<16xi32>
      %xor3A_3722 = arith.xori %iota3A, %xor3A_3721 : vector<16xi32>
      %lt3A_3723 = arith.constant 0 : i32
      %lt3A_3724 = vector.broadcast %lt3A_3723 : i32 to vector<16xi32>
      %lt3A_3725 = arith.cmpi slt, %xor3A_3722, %lt3A_3724 : vector<16xi32>
      %add3A_3726 = arith.constant 16 : i32
      %add3A_3727 = vector.broadcast %add3A_3726 : i32 to vector<16xi32>
      %add3A_3728 = arith.addi %xor3A_3722, %add3A_3727 : vector<16xi32>
      %select_n3A_3729 = arith.select %lt3A_3725, %add3A_3728, %xor3A_3722 : vector<16xi1>, vector<16xi32>
      %broadcast_in_dim3A_3730 = vector.shape_cast %select_n3A_3729 : vector<16xi32> to vector<16x1xi32>
      %gather3A_3731 = vector.shape_cast %broadcast_in_dim3A_3730 : vector<16x1xi32> to vector<16xi32>
      %gather3A_3732 = tpu.dynamic_gather %select_n3A_3713[%gather3A_3731] in [0] : vector<16xf32>, vector<16xi32> -> vector<16xf32>
      %add3A_3733 = arith.addf %select_n3A_3713, %gather3A_3732 : vector<16xf32>
      %xor3A_3734 = arith.constant 8 : i32
      %xor3A_3735 = vector.broadcast %xor3A_3734 : i32 to vector<16xi32>
      %xor3A_3736 = arith.xori %iota3A, %xor3A_3735 : vector<16xi32>
      %lt3A_3737 = arith.constant 0 : i32
      %lt3A_3738 = vector.broadcast %lt3A_3737 : i32 to vector<16xi32>
      %lt3A_3739 = arith.cmpi slt, %xor3A_3736, %lt3A_3738 : vector<16xi32>
      %add3A_3740 = arith.constant 16 : i32
      %add3A_3741 = vector.broadcast %add3A_3740 : i32 to vector<16xi32>
      %add3A_3742 = arith.addi %xor3A_3736, %add3A_3741 : vector<16xi32>
      %select_n3A_3743 = arith.select %lt3A_3739, %add3A_3742, %xor3A_3736 : vector<16xi1>, vector<16xi32>
      %broadcast_in_dim3A_3744 = vector.shape_cast %select_n3A_3743 : vector<16xi32> to vector<16x1xi32>
      %gather3A_3745 = vector.shape_cast %broadcast_in_dim3A_3744 : vector<16x1xi32> to vector<16xi32>
      %gather3A_3746 = tpu.dynamic_gather %select_n3A_3684[%gather3A_3745] in [0] : vector<16xf32>, vector<16xi32> -> vector<16xf32>
      %add3A_3747 = arith.addf %select_n3A_3684, %gather3A_3746 : vector<16xf32>
      %select_n3A_3748 = arith.select %ne3A_3719, %add3A_3733, %add3A_3747 : vector<16xi1>, vector<16xf32>
      %mul3A_3749 = arith.constant 16 : i32
      %mul3A_3750 = arith.muli %scan3A_191, %mul3A_3749 : i32
      %swap3A = arith.index_cast %mul3A_3750 : i32 to index
      %swap3A_3751 = tpu.vector_load %arg15[%swap3A] {strides = array<i32>} : memref<512xf32, #tpu.memory_space<vmem>>, vector<16xf32>,
      tpu.vector_store %arg15[%swap3A], %select_n3A_3748 {strides = array<i32>} : memref<512xf32, #tpu.memory_space<vmem>>, vector<16xf32>,
    }
    %scan3A_190 = arith.constant 32 : i32
    "tpu.region"() ({
      %run_scoped3A = tpu.sem_alloc : memref<!tpu.dma_semaphore, #tpu.memory_space<semaphore_mem>>
      %dma_start3A_191 = tpu.memref_slice %arg8[%mul3A_2] : memref<16384xf32, #tpu.memory_space<hbm>> -> memref<512xf32, #tpu.memory_space<hbm>>
      %dma_start3A_192 = tpu.memref_slice %arg8[%mul3A_2] : memref<16384xf32, #tpu.memory_space<hbm>> -> memref<512xf32, #tpu.memory_space<hbm>>
      tpu.enqueue_dma source(%arg15 : memref<512xf32, #tpu.memory_space<vmem>>) target(%dma_start3A_192 : memref<512xf32, #tpu.memory_space<hbm>>) target_semaphore(%run_scoped3A : memref<!tpu.dma_semaphore, #tpu.memory_space<semaphore_mem>>)
      %dma_wait3A = tpu.memref_slice %arg8[%mul3A_2] : memref<16384xf32, #tpu.memory_space<hbm>> -> memref<512xf32, #tpu.memory_space<hbm>>
      %dma_wait3A_193 = tpu.memref_slice %arg8[%mul3A_2] : memref<16384xf32, #tpu.memory_space<hbm>> -> memref<512xf32, #tpu.memory_space<hbm>>
      tpu.wait_dma2 semaphore(%run_scoped3A : memref<!tpu.dma_semaphore, #tpu.memory_space<semaphore_mem>>) src(%arg15 : memref<512xf32, #tpu.memory_space<vmem>>) dst(%dma_wait3A_193 : memref<512xf32, #tpu.memory_space<hbm>>)
      tpu.yield
    }) : () -> ()
    return
  }
}

</mosaic_0001>

<sc_bundles>
// kernel: _scores.3.cloned.1.call-start
scs
__scs_entry_jumppad:
0x0: {  	(pc) =	sbr.rel $0x88, $3  }
0x1: {  	(tag) =	ssettag $0x0;
	lr =	simm.s32 $0x1  }
0x2: {  	[smem:$0x3F9B] =	sst lr;
	_ =	strace $0xD0000000  }
0x3: {  	_ = 	snop  }
0x4: {  	_ = 	snop  }
0x5: {  	_ = 	snop  }
0x6: {  	_ = 	snop  }
0x7: {  	_ = 	snop  }
__scs_overlays_trampoline_lowered:
0x8: {  	[smem:$0x3FAA] =	sst s0  }
0x9: {  	[smem:$0x3FAB] =	sst s1  }
0xa: {  	[smem:$0x3FAC] =	sst s2  }
0xb: {  	[smem:$0x3FAD] =	sst s3  }
0xc: {  	[smem:$0x3FAE] =	sst s4  }
0xd: {  	[smem:$0x3FAF] =	sst s5  }
0xe: {  	[smem:$0x3FB0] =	sst s6  }
0xf: {  	[smem:$0x3FB1] =	sst s7  }
0x10: {  	[smem:$0x3FB2] =	sst s8  }
0x11: {  	[smem:$0x3FB3] =	sst s9;
	s0 =	simm.s32 @!p0 $0x0  }
0x12: {  	s1 =	sld [smem:$0x3F99];
	s0 =	simm.s32 @p0 $0x1  }
0x13: {  	[smem:$0x3FB4] =	sst s0;
	s0 =	simm.s32 @!p1 $0x0  }
0x14: {  	s2 =	sld [smem:$0x3F98];
	s0 =	simm.s32 @p1 $0x1  }
0x15: {  	[smem:$0x3FB5] =	sst s0;
	s0 =	simm.s32 @!p2 $0x0  }
0x16: {  	s3 =	sld [smem:$0x3FDB];
	s0 =	simm.s32 @p2 $0x1  }
0x17: {  	s4 =	simm.s32 $0x1BF5;
	[smem:$0x3FB7] =	sst s0  }
0x18: {  	s0 =	sld [smem:$0x3F9A];
	_ =	swait.ge [sflag:s4], $0x0  }
0x19: {  	s7 =	sld [smem:$0x3F9B]  }
0x1a: {  	s8 =	sadd.s32 $0xFFFFE003, lr  }
0x1b: {  	s9 =	sadd.s32 $0xFFFFFEF7, lr;
	s5 =	simm.s32 $0xFFFFFFFF;
	p2 =	slt.u32 s8, $0xFFFFF086  }
0x1c: {  	p1 =	slt.u32 s9, $0xF7A;
	s5 =	simm.s32 @!p2 $0x0  }
0x1d: {  	s5 =	simm.s32 @p1 $0x1;
	p0 =	seq.s32 s7, s2  }
0x1e: {  	s7 =	smul.u32 @!p0 $0xF7A, s2;
	p2 =	seq.s32 @!p0 s5, $0x0  }
0x1f: {  	s9 =	smul.u32 $0xF7A, s1;
	s8 =	simm.s32 @!p0 $0x1BF5;
	p2 =	por !p2, p0  }
0x20: {  	[sflag:s8] =	ssyncset.s32 @!p0 $0xFFFFF086;
	s6 =	sadd.s32 @!p0 s3, s7;
	s7 =	simm.s32 @!p0 $0x108  }
0x21: {  	s3 =	sadd.s32 s3, s9;
	s6 =	sadd.s32 @!p0 $0x88, s6;
	s7 =	simm.s32 @p2 $0x1082  }
0x22: {  	[simem:s7], [sflag:s8] =	dma.local @!p0 [hbm:s6], $0xF7A  }
0x23: {  	s9 =	sor.u32 $0xD0000000, s2;
	s6 =	simm.s32 $0x108;
	_ =	swait.ge @!p0 [sflag:s8], $0x0  }
0x24: {  	s3 =	sadd.s32 $0x88, s3;
	s6 =	simm.s32 @!p1 $0x1082;
	[sflag:s4] =	ssyncset.s32 $0xFFFFF086  }
0x25: {  	[simem:s6], [sflag:s4] =	dma.local [hbm:s3], $0xF7A  }
0x26: {  	[smem:$0x3F9B] =	sst s1;
	(tag) =	ssettag s2;
	_ =	strace s9  }
0x27: {  	s1 =	sld [smem:$0x3FAB]  }
0x28: {  	s2 =	sld [smem:$0x3FAC]  }
0x29: {  	s4 =	sld [smem:$0x3FAE]  }
0x2a: {  	p0 =	seq.s32 s5, $0x0;
	s5 =	sld [smem:$0x3FAF]  }
0x2b: {  	s6 =	sld [smem:$0x3FB0]  }
0x2c: {  	s7 =	sld [smem:$0x3FB1]  }
0x2d: {  	s3 =	simm.s32 $0x108;
	s8 =	sld [smem:$0x3FB2]  }
0x2e: {  	s3 =	simm.s32 @!p0 $0x1082;
	s9 =	sld [smem:$0x3FB3]  }
0x2f: {  	lr =	sadd.s32 s0, s3;
	s0 =	sld [smem:$0x3FAA]  }
0x30: {  	s3 =	sld [smem:$0x3FAD]  }
0x31: {  	[smem:$0x3FB6] =	sst s10  }
0x32: {  	s10 =	sld [smem:$0x3FB4];
	_ =	sdelay $0x3  }
0x33: {  	p0 =	seq.s32 s10, $0x1;
	s10 =	sld [smem:$0x3FB6];
	_ =	sdelay $0x3  }
0x34: {  	[smem:$0x3FB6] =	sst s10  }
0x35: {  	s10 =	sld [smem:$0x3FB5];
	_ =	sdelay $0x3  }
0x36: {  	p1 =	seq.s32 s10, $0x1;
	s10 =	sld [smem:$0x3FB6];
	_ =	sdelay $0x3  }
0x37: {  	[smem:$0x3FB6] =	sst s10  }
0x38: {  	s10 =	sld [smem:$0x3FB7]  }
0x39: {  	_ = 	snop;
	(pc) =	sbr.ind lr, $3  }
0x3a: {  	_ = 	snop  }
0x3b: {  	_ = 	snop  }
0x3c: {  	p2 =	seq.s32 s10, $0x1;
	s10 =	sld [smem:$0x3FB6]  }
0x3d: {  	_ =	shalt  }
0x3e: {  	_ =	shalt  }
0x3f: {  	_ =	shalt  }
0x40: {  	_ =	shalt  }
0x41: {  	_ =	shalt  }
0x42: {  	_ =	shalt  }
0x43: {  	_ =	shalt  }
0x44: {  	_ =	shalt  }
0x45: {  	_ =	shalt  }
0x46: {  	_ =	shalt  }
0x47: {  	_ =	shalt  }
0x48: {  	_ =	shalt  }
0x49: {  	_ =	shalt  }
0x4a: {  	_ =	shalt  }
0x4b: {  	_ =	shalt  }
0x4c: {  	_ =	shalt  }
0x4d: {  	_ =	shalt  }
0x4e: {  	_ =	shalt  }
0x4f: {  	_ =	shalt  }
0x50: {  	_ =	shalt  }
0x51: {  	_ =	shalt  }
0x52: {  	_ =	shalt  }
0x53: {  	_ =	shalt  }
0x54: {  	_ =	shalt  }
0x55: {  	_ =	shalt  }
0x56: {  	_ =	shalt  }
0x57: {  	_ =	shalt  }
0x58: {  	_ =	shalt  }
0x59: {  	_ =	shalt  }
0x5a: {  	_ =	shalt  }
0x5b: {  	_ =	shalt  }
0x5c: {  	_ =	shalt  }
0x5d: {  	_ =	shalt  }
0x5e: {  	_ =	shalt  }
0x5f: {  	_ =	shalt  }
0x60: {  	_ =	shalt  }
0x61: {  	_ =	shalt  }
0x62: {  	_ =	shalt  }
0x63: {  	_ =	shalt  }
0x64: {  	_ =	shalt  }
0x65: {  	_ =	shalt  }
0x66: {  	_ =	shalt  }
0x67: {  	_ =	shalt  }
0x68: {  	_ =	shalt  }
0x69: {  	_ =	shalt  }
0x6a: {  	_ =	shalt  }
0x6b: {  	_ =	shalt  }
0x6c: {  	_ =	shalt  }
0x6d: {  	_ =	shalt  }
0x6e: {  	_ =	shalt  }
0x6f: {  	_ =	shalt  }
0x70: {  	_ =	shalt  }
0x71: {  	_ =	shalt  }
0x72: {  	_ =	shalt  }
0x73: {  	_ =	shalt  }
0x74: {  	_ =	shalt  }
0x75: {  	_ =	shalt  }
0x76: {  	_ =	shalt  }
0x77: {  	_ =	shalt  }
0x78: {  	_ =	shalt  }
0x79: {  	_ =	shalt  }
0x7a: {  	_ =	shalt  }
0x7b: {  	_ =	shalt  }
0x7c: {  	_ =	shalt  }
0x7d: {  	_ =	shalt  }
0x7e: {  	_ =	shalt  }
0x7f: {  	_ =	shalt  }
0x80: {  	_ =	shalt  }
0x81: {  	_ =	shalt  }
0x82: {  	_ =	shalt  }
0x83: {  	_ =	shalt  }
0x84: {  	_ =	shalt  }
0x85: {  	_ =	shalt  }
0x86: {  	_ =	shalt  }
0x87: {  	_ =	shalt  }
.Lfunc_end0:
.L_simem_size_0:
called_computation_lowered:
.L_overlay_start_0:
0x88: {  	s2 =	sld [smem:$0x3FD9]  }
0x89: {  	s3 =	sld [smem:$0x3FFE];
	_ =	sdelay $0x1  }
0x8a: {  	s1 =	srdreg.scid  }
0x8b: {  	s0 =	sand.u32 $0x1, s1  }
0x8c: {  	s18 =	sshll.u32 s0, $0xA;
	s2 =	sadd.s32 s3, s2  }
0x8d: {  	s2 =	sadd.s32 s2, s18  }
0x8e: {  	[smem:$0x3FC2] =	sst s2  }
0x8f: {  	_ = 	snop  }
0x90: {  	s2 =	sld [smem:$0x3FC9]  }
0x91: {  	s19 =	sld [smem:$0x3FC8]  }
0x92: {  	s4 =	sld [smem:$0x3FC7]  }
0x93: {  	s5 =	sld [smem:$0x3FC6]  }
0x94: {  	s6 =	sld [smem:$0x3FC5]  }
0x95: {  	s7 =	sld [smem:$0x3FC4]  }
0x96: {  	s8 =	sld [smem:$0x3FD0];
	(tm) =	ssettm $0x1  }
0x97: {  	s9 =	sld [smem:$0x3FFB];
	_ =	sdelay $0x3  }
0x98: {  	_ =	strace s9  }
0x99: {  	s9 =	sld [smem:$0x3FFC];
	_ =	sdelay $0x3  }
0x9a: {  	_ =	strace s9  }
0x9b: {  	s9 =	sld [smem:$0x3FFD];
	_ =	sdelay $0x3  }
0x9c: {  	_ =	strace s9  }
0x9d: {  	_ =	strace $0x8FFFFFFF  }
0x9e: {  	s20 =	sld [smem:$0x3FDB];
	_ =	sdelay $0x1  }
0x9f: {  	s10 =	simm.s32 $_scs_section_size  }
0xa0: {  	s11 =	simm.s32 $_size__tile_overlayer_lowered;
	s12 =	simm.s32 $_tile_overlayer_lowered  }
0xa1: {  	s23 =	simm.s32 $0x1BFF;
	s22 =	sshll.u32 s12, $0x1;
	s9 =	sadd.s32 s10, s20  }
0xa2: {  	s13 =	simm.s32 $0x0;
	s21 =	sshll.u32 s11, $0x1;
	s11 =	sadd.s32 s22, s9  }
0xa3: {  	[timem:s13], [sflag:s23] =	dma.local [hbm:s11], s21  }
0xa4: {  	_ =	swait.ge [sflag:s23], s21  }
0xa5: {  	s10 =	ssub.s32 $0x0, s21;
	[sflag:s23] =	ssyncset.done $0x0  }
0xa6: {  	[sflag:s23] =	ssyncadd.s32 s10;
	_ =	sdelay $0x1  }
0xa7: {  	s24 =	simm.s32 $0x1B8B  }
0xa8: {  	_ =	swait.ge [sflag:s24], $0x1  }
0xa9: {  	[sflag:s24] =	ssyncset.done $0x0  }
0xaa: {  	s25 =	simm.s32 $0x1B8E;
	[sflag:s24] =	ssyncadd.s32 $0xFFFFFFFF  }
0xab: {  	s26 =	simm.s32 $execute0_lowered;
	[smem:$0x3FD2] =	sst s25  }
0xac: {  	s10 =	sshll.u32 s26, $0x1;
	_ =	strace $0x80000046;
	[dreg:$0x1] =	wrdreg $0xFFFFFFFF  }
0xad: {  	s28 =	simm.s32 $_size_execute0_lowered;
	s9 =	sadd.s32 s9, s10;
	[dreg:$0x0] =	wrdreg $0x0  }
0xae: {  	s10 =	sshll.u32 s28, $0x1;
	[dreg:$0x2] =	wrdreg s9  }
0xaf: {  	[dreg:$0x3] =	wrdreg s10  }
0xb0: {  	[dreg:$0x4] =	wrdreg $0xC0  }
0xb1: {  	_ =	task [dreg:s13], $0x5FFFF  }
0xb2: {  	[dreg:$0x1] =	wrdreg $0xFFFFFFFF  }
0xb3: {  	[dreg:$0x0] =	wrdreg $0x60  }
0xb4: {  	[dreg:$0x2] =	wrdreg s2  }
0xb5: {  	[dreg:$0x3] =	wrdreg s19  }
0xb6: {  	[dreg:$0x4] =	wrdreg s4  }
0xb7: {  	[dreg:$0x5] =	wrdreg s5  }
0xb8: {  	[dreg:$0x6] =	wrdreg s6  }
0xb9: {  	[dreg:$0x7] =	wrdreg s7  }
0xba: {  	[dreg:$0x8] =	wrdreg s8  }
0xbb: {  	[dreg:$0x9] =	wrdreg $0x9  }
0xbc: {  	_ =	task.clear_ibuf [dreg:s13], $0xAFFFF;
	_ =	strace $0x90000046  }
0xbd: {  	s29 =	simm.s32 $0x9;
	_ =	strace $0x80000048  }
0xbe: {  	_ =	swait.ge [sflag:s29], $0x1  }
0xbf: {  	[sflag:s29] =	ssyncadd.s32 $0xFFFFFFFF  }
0xc0: {  	_ =	strace $0x90000048  }
0xc1: {  	_ =	sfence  }
0xc2: {  	s30 =	sld [smem:$0x0];
	_ =	sdelay $0x2  }
0xc3: {  	s31 =	sshll.u32 s1, $0xD;
	s1 =	sshrl.u32 s1, $0x2  }
0xc4: {  	s3 =	sand.u32 $0x4000, s31;
	s1 =	sadd.s32 s1, s30  }
0xc5: {  	s0 =	sor.u32 s3, s0;
	s1 =	sshll.u32 s1, $0x11  }
0xc6: {  	s0 =	sor.u32 s1, s0  }
0xc7: {  	s0 =	sadd.s32 $0x8F2B, s0  }
0xc8: {  	[sflag:s0] =	ssyncadd.remote.s32 $0x1  }
0xc9: {  	_ =	sfence.sel $0xFFFF  }
0xca: {  	[dreg:$0x0] =	wrdreg $0xFFFFFFFF;
	(pc) =	sbr.abs _section_cstart, $3  }
0xcb: {  	[dreg:$0x1] =	wrdreg $0xFFFFFFFF  }
0xcc: {  	_ =	task.clear_ibuf [dreg:s13], $0x2FFFF;
	_ =	strace $0x9FFFFFFF  }
0xcd: {  	(tm) =	ssettm $0x7FFFFFFF  }
tec
execute0_lowered:
.L_overlay_start_1:
0x0: {  	(tag) =	ssettag $0x1  }
0x1: {  	v53 =	vlaneseq.u32  }
0x2: {  	v10 =	vimm.s32 $0x0;
	v1 =	vimm.s32 $0xEFCDAB89;
	v2 =	vimm.s32 $0x67452301  }
0x3: {  	vm0 =	vcmask $0xB08;
	vm1 =	vcmask $0x300;
	v3 =	vimm.s32 $0x54761032  }
0x4: {  	vm2 =	vcmask $0x1710;
	vm3 =	vcmask $0x700;
	v5 =	vimm.s32 $0xBA98FEDC  }
0x5: {  	v7 =	vimm.s32 $0x32107654;
	v9 =	vimm.s32 $0x76543210;
	v13 =	vmul.u32 $0x80, v53  }
0x6: {  	v4 =	vor.u32 $0x10, v53;
	v6 =	vor.u32 $0x20, v53;
	v8 =	vor.u32 $0x30, v53  }
0x7: {  	v1 =	vunpack.c.l.s4.s8 v1;
	v2 =	vunpack.c.l.s4.s8 v2;
	vm0 =	vmor vm1, vm0  }
0x8: {  	vm1 =	vcmask $0x1310;
	v3 =	vunpack.c.l.s4.s8 v3;
	vm2 =	vmor vm3, vm2  }
0x9: {  	vm3 =	vcmask $0x2720;
	v5 =	vunpack.c.l.s4.s8 v5;
	v7 =	vunpack.c.l.s4.s8 v7  }
0xa: {  	vm0 =	vmor vm0, vm1;
	vm1 =	vcmask $0x1B18;
	v14 =	vor.u32 $0x800, v13  }
0xb: {  	s2 =	rddreg [dreg:$0x0];
	v15 =	vor.u32 $0x1000, v13;
	v1 =	vunpack.c.0.s8.s32 v1;
	v2 =	vunpack.c.0.s8.s32 v2  }
0xc: {  	s3 =	rddreg [dreg:$0x1];
	v16 =	vor.u32 $0x1800, v13;
	v0 =	vor.u32 $0x2000, v13;
	v18 =	vor.u32 $0x2800, v13  }
0xd: {  	s0 =	rddreg [dreg:$0x2];
	v17 =	vor.u32 $0x3000, v13;
	v1 =	vcombine.low v2, v1;
	v2 =	vimm.s32 $0xDCFE98BA  }
0xe: {  	s1 =	rddreg [dreg:$0x3];
	s9 =	simm.s32 $0x0;
	v20 =	vor.u32 $0x3800, v13;
	v22 =	vor.u32 $0x4000, v13;
	v2 =	vunpack.c.l.s4.s8 v2  }
0xf: {  	[smem:$0x7FF] =	sst s9;
	v19 =	vor.u32 $0x4800, v13;
	v50 =	vor.u32 $0x5000, v13;
	v54 =	vor.u32 $0x5800, v13  }
0x10: {  	s4 =	rddreg [dreg:$0x6];
	_ =	strace $0x80000047;
	v55 =	vor.u32 $0x6000, v13;
	v3 =	vunpack.c.0.s8.s32 v3;
	[tilespmem:$0x1FF40] =	vst v13;
	v2 =	vunpack.c.0.s8.s32 v2  }
0x11: {  	s5 =	srdreg.scid;
	v46 =	vor.u32 $0x6800, v13;
	vm0 =	vmor vm0, vm1;
	vm1 =	vcmask $0x2320;
	[tilespmem:$0x1FF50] =	vst v14  }
0x12: {  	s7 =	stileid.u32;
	s12 =	simm.s32 $0x10400;
	s13 =	simm.s32 $0x11400;
	vm0 =	vmor vm0, vm1;
	vm1 =	vcmask $0x2B28;
	[tilespmem:$0x1FF60] =	vst v15;
	v2 =	vcombine.low v3, v2  }
0x13: {  	s11 =	simm.s32 $0x2;
	s14 =	simm.s32 $0x7A1400;
	s15 =	simm.s32 $0x400;
	[tilespmem:$0x1FF70] =	vst v16;
	v3 =	vunpack.c.0.s8.s32 v5;
	v5 =	vunpack.c.0.s8.s32 v7;
	v7 =	vimm.s32 $0xFEDCBA98  }
0x14: {  	s16 =	simm.s32 $0x8400;
	s17 =	simm.s32 $0x2400;
	s5 =	sand.u32 $0x1, s5;
	v49 =	vor.u32 $0x7000, v13;
	[tilespmem:$0x1FF80] =	vst v0;
	vm0 =	vmor vm0, vm1;
	v7 =	vunpack.c.l.s4.s8 v7  }
0x15: {  	s7 =	sshll.u32 s7, $0x7;
	s6 =	ssub.s32 $0x2, s5;
	s5 =	sshll.u32 s5, $0x6;
	[tilespmem:$0x1FF90] =	vst v17;
	vm1 =	vcmask $0x3330;
	v3 =	vcombine.low v5, v3;
	v5 =	vunpack.c.l.s4.s8 v9  }
0x16: {  	s18 =	simm.s32 $0xA400;
	s19 =	simm.s32 $0x4400;
	s5 =	sor.u32 s5, s7;
	[tilespmem:$0x1FFA0] =	vst v18;
	vm0 =	vmor vm0, vm1;
	vm1 =	vcmask $0x3B38;
	v7 =	vunpack.c.0.s8.s32 v7  }
0x17: {  	s20 =	simm.s32 $0xC400;
	s21 =	simm.s32 $0x6400;
	s2 =	sadd.s32 s2, s5;
	[tilespmem:$0x1FFB0] =	vst v19;
	vm0 =	vmor vm0, vm1;
	vm1 =	vmor vm2, vm3;
	v5 =	vunpack.c.0.s8.s32 v5  }
0x18: {  	s8 =	sshrl.u32 s6, $0x1;
	s29 =	sadd.s32 s3, s5;
	[tilespmem:$0x1FFC0] =	vst v20;
	[dreg:$0x8] =	wrdreg s2;
	v21 =	vand.u32 $0xF, v1;
	v23 =	vand.u32 $0xF, v2;
	v1 =	vand.u32 $0xF, v7  }
0x19: {  	s6 =	ssub.s32 s6, s8;
	s30 =	sadd.s32 s4, s5;
	[dreg:$0x9] =	wrdreg s29;
	vm2 =	vcmask $0x3730;
	[tilespmem:$0x1FFD0] =	vst v23;
	v12 =	vand.u32 $0xF, v3;
	v7 =	vcombine.low v1, v5  }
0x1a: {  	s22 =	simm.s32 $0xE400;
	[dreg:$0xa] =	wrdreg s30;
	s31 =	smax.u32 s6, $0x1;
	vm3 =	vcmask $0xF00;
	vm1 =	vmor vm1, vm2;
	vm2 =	vcmask $0x2F20;
	[tilespmem:$0x1FFE0] =	vst v12  }
0x1b: {  	s23 =	simm.s32 $0x1;
	v56 =	vor.u32 $0x7800, v13;
	s3 =	simm.s32 $0x0;
	[dreg:$0xb] =	wrdreg s31;
	vm2 =	vmor vm3, vm2;
	vm3 =	vmmov $0xff;
	[tilespmem:$0x1FFF0] =	vst v7  }
.LBB2_1:
0x1c: {  	[dreg:$0xc] =	wrdreg s3  }
0x1d: {  	s2 =	rddreg [dreg:$0x8]  }
0x1e: {  	[tilespmem:s9], [sflag:$0x2] =	stream.linear.gather [hbm4b:s2+s9], $0x200, $0x38;
	[tilespmem:$0x12600] =	vst v63  }
0x1f: {  	_ =	swait.ge [sflag:s11], $0x200  }
0x20: {  	[sflag:s11] =	ssyncset.done $0x0  }
0x21: {  	s26 =	simm.s32 $0x200;
	s8 =	rddreg [dreg:$0x9];
	[sflag:s11] =	ssyncadd.s32 $0xFFFFFE00  }
0x22: {  	[tilespmem:s26], [sflag:$0x2] =	stream.linear.gather [hbm4b:s8+s9], $0x200, $0x38;
	[tilespmem:$0x12600] =	vst v63  }
0x23: {  	_ =	swait.ge [sflag:s11], $0x200  }
0x24: {  	[sflag:s11] =	ssyncset.done $0x0  }
0x25: {  	[sflag:s11] =	ssyncadd.s32 $0xFFFFFE00  }
0x26: {  	s10 =	rddreg [dreg:$0x4]  }
0x27: {  	[tilespmem:s12], [sflag:$0x2] =	stream.linear.gather [hbm4b:s10+s9], $0x1000, $0x38;
	[tilespmem:$0x12600] =	vst v63  }
0x28: {  	_ =	swait.ge [sflag:s11], $0x1000  }
0x29: {  	[sflag:s11] =	ssyncset.done $0x0  }
0x2a: {  	[sflag:s11] =	ssyncadd.s32 $0xFFFFF000  }
0x2b: {  	s24 =	rddreg [dreg:$0x5]  }
0x2c: {  	[tilespmem:s13], [sflag:$0x2] =	stream.linear.gather [hbm4b:s24+s9], $0x1000, $0x38;
	[tilespmem:$0x12600] =	vst v63  }
0x2d: {  	_ =	swait.ge [sflag:s11], $0x1000  }
0x2e: {  	[sflag:s11] =	ssyncset.done $0x0  }
0x2f: {  	[sflag:s11] =	ssyncadd.s32 $0xFFFFF000  }
0x30: {  	v1 =	vld [tilespmem:$0x0];
	_ =	sdelay $0x4  }
0x31: {  	v1 =	vshra.s32 v1, $0x7  }
0x32: {  	(v2sf) =	vpush v1, $0x0  }
0x33: {  	v2 =	vld [tilespmem:$0x200];
	_ =	sdelay $0x4  }
0x34: {  	v2 =	vshra.s32 v2, $0x7  }
0x35: {  	(v2sf) =	vpush v2, $0x0;
	_ =	sdelay $0x6  }
0x36: {  	(v2sf) =	vpush v1, $0x1  }
0x37: {  	s2 =	spop (v2sf)  }
0x38: {  	p0 =	slt.s32 s2, $0x1E83  }
0x39: {  	s2 =	simm.s32 @!p0 $0x1E83  }
0x3a: {  	s2 =	sshll.u32 s2, $0x7  }
0x3b: {  	s2 =	sand.u32 $0x1FFFFF80, s2  }
0x3c: {  	s2 =	sadd.s32 s0, s2  }
0x3d: {  	(v2sf) =	vpush v2, $0x1;
	[tilespmem:s15], [sflag:$0x1] =	stream.strided.gather [hbm4b:s2+s15], $0x2000, s14, s15, $0x38;
	[tilespmem:$0x12600] =	vst v63  }
0x3e: {  	s2 =	spop (v2sf)  }
0x3f: {  	p0 =	slt.s32 s2, $0x1E83  }
0x40: {  	s2 =	simm.s32 @!p0 $0x1E83  }
0x41: {  	s2 =	sshll.u32 s2, $0x7  }
0x42: {  	s2 =	sand.u32 $0x1FFFFF80, s2  }
0x43: {  	s2 =	sadd.s32 s1, s2  }
0x44: {  	(v2sf) =	vpush v1, $0x2;
	[tilespmem:s16], [sflag:$0x1] =	stream.strided.gather [hbm4b:s2+s15], $0x2000, s14, s15, $0x38;
	[tilespmem:$0x12600] =	vst v63  }
0x45: {  	s2 =	spop (v2sf)  }
0x46: {  	p0 =	slt.s32 s2, $0x1E83  }
0x47: {  	(v2sf) =	vpush v2, $0x2;
	s2 =	simm.s32 @!p0 $0x1E83  }
0x48: {  	s2 =	sshll.u32 s2, $0x7  }
0x49: {  	s2 =	sand.u32 $0x1FFFFF80, s2  }
0x4a: {  	s2 =	sadd.s32 s0, s2  }
0x4b: {  	[tilespmem:s17], [sflag:$0x1] =	stream.strided.gather [hbm4b:s2+s15], $0x2000, s14, s15, $0x38;
	[tilespmem:$0x12600] =	vst v63  }
0x4c: {  	s2 =	spop (v2sf)  }
0x4d: {  	(v2sf) =	vpush v1, $0x3;
	p0 =	slt.s32 s2, $0x1E83  }
0x4e: {  	s2 =	simm.s32 @!p0 $0x1E83  }
0x4f: {  	s2 =	sshll.u32 s2, $0x7  }
0x50: {  	s2 =	sand.u32 $0x1FFFFF80, s2  }
0x51: {  	s2 =	sadd.s32 s1, s2  }
0x52: {  	[tilespmem:s18], [sflag:$0x1] =	stream.strided.gather [hbm4b:s2+s15], $0x2000, s14, s15, $0x38;
	[tilespmem:$0x12600] =	vst v63  }
0x53: {  	s2 =	spop (v2sf)  }
0x54: {  	p0 =	slt.s32 s2, $0x1E83  }
0x55: {  	(v2sf) =	vpush v2, $0x3;
	s2 =	simm.s32 @!p0 $0x1E83  }
0x56: {  	s2 =	sshll.u32 s2, $0x7;
	s3 =	spop (v2sf)  }
0x57: {  	s2 =	sand.u32 $0x1FFFFF80, s2;
	p0 =	slt.s32 s3, $0x1E83  }
0x58: {  	s2 =	sadd.s32 s0, s2;
	s3 =	simm.s32 @!p0 $0x1E83  }
0x59: {  	[tilespmem:s19], [sflag:$0x1] =	stream.strided.gather [hbm4b:s2+s15], $0x2000, s14, s15, $0x38;
	[tilespmem:$0x12600] =	vst v63  }
0x5a: {  	s25 =	sshll.u32 s3, $0x7  }
0x5b: {  	s2 =	sand.u32 $0x1FFFFF80, s25  }
0x5c: {  	s2 =	sadd.s32 s1, s2;
	s3 =	spop (v2sf)  }
0x5d: {  	[tilespmem:s20], [sflag:$0x1] =	stream.strided.gather [hbm4b:s2+s15], $0x2000, s14, s15, $0x38;
	[tilespmem:$0x12600] =	vst v63  }
0x5e: {  	p0 =	slt.s32 s3, $0x1E83  }
0x5f: {  	s3 =	simm.s32 @!p0 $0x1E83  }
0x60: {  	s31 =	sshll.u32 s3, $0x7  }
0x61: {  	s2 =	sand.u32 $0x1FFFFF80, s31  }
0x62: {  	s2 =	sadd.s32 s0, s2  }
0x63: {  	[tilespmem:s21], [sflag:$0x1] =	stream.strided.gather [hbm4b:s2+s15], $0x2000, s14, s15, $0x38;
	[tilespmem:$0x12600] =	vst v63  }
0x64: {  	s2 =	spop (v2sf)  }
0x65: {  	p0 =	slt.s32 s2, $0x1E83  }
0x66: {  	s2 =	simm.s32 @!p0 $0x1E83  }
0x67: {  	s2 =	sshll.u32 s2, $0x7  }
0x68: {  	s28 =	simm.s32 $0xFFFFFFE0;
	s2 =	sand.u32 $0x1FFFFF80, s2  }
0x69: {  	s29 =	simm.s32 $0x12400;
	s30 =	simm.s32 $0x0;
	s2 =	sadd.s32 s1, s2  }
0x6a: {  	[tilespmem:s22], [sflag:$0x1] =	stream.strided.gather [hbm4b:s2+s15], $0x2000, s14, s15, $0x38;
	[tilespmem:$0x12600] =	vst v63  }
.LBB2_2:
0x6b: {  	s2 =	sadd.s32 $0x21, s28  }
0x6c: {  	v30 =	vld [tilespmem:s30+$0x0];
	s2 =	smin.u32 s2, $0x1F  }
0x6d: {  	v28 =	vld [tilespmem:s26+$0x0];
	s2 =	sshll.u32 s2, $0x4  }
0x6e: {  	v29 =	vld [tilespmem:s2+$0x0]  }
0x6f: {  	v23 =	vld [tilespmem:s2+$0x200];
	_ =	swait.ge [sflag:s23], $0x2000  }
0x70: {  	[sflag:s23] =	ssyncset.done $0x0  }
0x71: {  	[sflag:s23] =	ssyncadd.s32 $0xFFFFE000  }
0x72: {  	_ =	swait.ge [sflag:s23], $0x2000  }
0x73: {  	(v2sf) =	vpush v30, $0x0;
	_ =	sdelay $0x3  }
0x74: {  	(v2sf) =	vpush v28, $0x0;
	_ =	sdelay $0xa  }
0x75: {  	s31 =	spop (v2sf);
	(v2sf) =	vpush v30, $0x4  }
0x76: {  	s3 =	sadd.s32 $0xFFF0BE00, s31;
	s2 =	sand.u32 $0x7F, s31  }
0x77: {  	p0 =	sgt.s32 s3, $0x0;
	v1 =	vor.u32 s2, v13  }
0x78: {  	v3 =	vor.u32 s2, v14;
	s3 =	simm.s32 @!p0 $0x0  }
0x79: {  	s4 =	spop (v2sf);
	v7 =	vor.u32 s2, v15;
	s3 =	sshll.u32 s3, $0x6  }
0x7a: {  	[sflag:s23] =	ssyncset.done $0x0;
	s5 =	sadd.s32 $0xFFF0BE00, s4;
	v2 =	vor.u32 s3, v53  }
0x7b: {  	[sflag:s23] =	ssyncadd.s32 $0xFFFFE000;
	p0 =	sgt.s32 s5, $0x0;
	v5 =	vor.u32 s3, v4  }
0x7c: {  	s5 =	simm.s32 @!p0 $0x0;
	v11 =	vld.idx.msk [tilespmem:v1+s15+$0x0], $0xffff;
	v1 =	vor.u32 s3, v6  }
0x7d: {  	(v2sf) =	vpush v28, $0x4;
	s6 =	sshll.u32 s5, $0x6;
	v12 =	vld.idx.msk [tilespmem:v3+s15+$0x0], $0xffff;
	v3 =	vor.u32 s3, v8  }
0x7e: {  	v26 =	vld.idx.msk [tilespmem:v7+s15+$0x0], $0xffff;
	v7 =	vor.u32 s6, v53  }
0x7f: {  	s4 =	sand.u32 $0x7F, s4;
	v27 =	vld.idx.msk [tilespmem:v2+s12+$0x0], $0xffff;
	v2 =	vor.u32 s2, v16  }
0x80: {  	v34 =	vld.idx.msk [tilespmem:v5+s12+$0x0], $0xffff;
	v5 =	vor.u32 s4, v13  }
0x81: {  	v31 =	vld.idx.msk [tilespmem:v1+s12+$0x0], $0xffff;
	v1 =	vor.u32 s4, v14  }
0x82: {  	v25 =	vld.idx.msk [tilespmem:v3+s12+$0x0], $0xffff;
	v3 =	vor.u32 s4, v15  }
0x83: {  	v39 =	vld.idx.msk [tilespmem:v7+s13+$0x0], $0xffff;
	v7 =	vor.u32 s4, v16  }
0x84: {  	v24 =	vld.idx.msk [tilespmem:v2+s15+$0x0], $0xffff;
	v2 =	vor.u32 s6, v4;
	s3 =	spop (v2sf)  }
0x85: {  	v37 =	vld.idx.msk [tilespmem:v5+s16+$0x0], $0xffff;
	v5 =	vor.u32 s6, v6;
	s2 =	sshra.s32 s3, $0x7  }
0x86: {  	v38 =	vld.idx.msk [tilespmem:v1+s16+$0x0], $0xffff;
	v1 =	vor.u32 s6, v8;
	p0 =	slt.s32 s2, $0x1E83  }
0x87: {  	v35 =	vld.idx.msk [tilespmem:v3+s16+$0x0], $0xffff;
	s2 =	simm.s32 @!p0 $0x1E83  }
0x88: {  	v32 =	vld.idx.msk [tilespmem:v7+s16+$0x0], $0xffff;
	s2 =	sshll.u32 s2, $0x7  }
0x89: {  	v40 =	vld.idx.msk [tilespmem:v2+s13+$0x0], $0xffff;
	s2 =	sand.u32 $0x1FFFFF80, s2  }
0x8a: {  	v36 =	vld.idx.msk [tilespmem:v5+s13+$0x0], $0xffff;
	s2 =	sadd.s32 s0, s2  }
0x8b: {  	v33 =	vld.idx.msk [tilespmem:v1+s13+$0x0], $0xffff;
	[tilespmem:s15], [sflag:$0x1] =	stream.strided.gather [hbm4b:s2+s15], $0x2000, s14, s15, $0x38  }
0x8c: {  	s2 =	spop (v2sf)  }
0x8d: {  	s4 =	sshra.s32 s2, $0x7  }
0x8e: {  	p0 =	slt.s32 s4, $0x1E83  }
0x8f: {  	s4 =	simm.s32 @!p0 $0x1E83  }
0x90: {  	s4 =	sshll.u32 s4, $0x7  }
0x91: {  	s4 =	sand.u32 $0x1FFFFF80, s4  }
0x92: {  	s4 =	sadd.s32 s1, s4  }
0x93: {  	[tilespmem:s16], [sflag:$0x1] =	stream.strided.gather [hbm4b:s4+s15], $0x2000, s14, s15, $0x38;
	[tilespmem:$0x12600] =	vst v63  }
0x94: {  	_ =	swait.ge [sflag:s23], $0x2000  }
0x95: {  	[sflag:s23] =	ssyncset.done $0x0  }
0x96: {  	[sflag:s23] =	ssyncadd.s32 $0xFFFFE000  }
0x97: {  	_ =	swait.ge [sflag:s23], $0x2000  }
0x98: {  	(v2sf) =	vpush v30, $0x1;
	_ =	sdelay $0x3  }
0x99: {  	(v2sf) =	vpush v28, $0x1;
	_ =	sdelay $0xa  }
0x9a: {  	s7 =	spop (v2sf);
	(v2sf) =	vpush v30, $0x5  }
0x9b: {  	s5 =	sadd.s32 $0xFFF0BE00, s7;
	s4 =	sand.u32 $0x7F, s7  }
0x9c: {  	p0 =	sgt.s32 s5, $0x0;
	v1 =	vor.u32 s4, v0  }
0x9d: {  	v3 =	vor.u32 s4, v18;
	s5 =	simm.s32 @!p0 $0x0  }
0x9e: {  	s6 =	spop (v2sf);
	v7 =	vor.u32 s4, v17;
	s5 =	sshll.u32 s5, $0x6  }
0x9f: {  	[sflag:s23] =	ssyncset.done $0x0;
	s7 =	sadd.s32 $0xFFF0BE00, s6;
	v2 =	vor.u32 s5, v53  }
0xa0: {  	[sflag:s23] =	ssyncadd.s32 $0xFFFFE000;
	p0 =	sgt.s32 s7, $0x0;
	v5 =	vor.u32 s5, v4  }
0xa1: {  	s7 =	simm.s32 @!p0 $0x0;
	v41 =	vld.idx.msk [tilespmem:v1+s15+$0x0], $0xffff;
	v1 =	vor.u32 s5, v6  }
0xa2: {  	(v2sf) =	vpush v28, $0x5;
	s9 =	sshll.u32 s7, $0x6;
	v42 =	vld.idx.msk [tilespmem:v3+s15+$0x0], $0xffff;
	v3 =	vor.u32 s5, v8  }
0xa3: {  	v47 =	vld.idx.msk [tilespmem:v7+s15+$0x0], $0xffff;
	v7 =	vor.u32 s9, v53  }
0xa4: {  	s8 =	sand.u32 $0x7F, s6;
	v43 =	vld.idx.msk [tilespmem:v2+s12+$0x0], $0xffff;
	v2 =	vor.u32 s4, v20  }
0xa5: {  	v44 =	vld.idx.msk [tilespmem:v5+s12+$0x0], $0xffff;
	v5 =	vor.u32 s8, v0  }
0xa6: {  	v52 =	vld.idx.msk [tilespmem:v1+s12+$0x0], $0xffff;
	v1 =	vor.u32 s8, v18  }
0xa7: {  	v57 =	vld.idx.msk [tilespmem:v3+s12+$0x0], $0xffff;
	v3 =	vor.u32 s8, v17  }
0xa8: {  	v51 =	vld.idx.msk [tilespmem:v7+s13+$0x0], $0xffff;
	v7 =	vor.u32 s8, v20  }
0xa9: {  	v48 =	vld.idx.msk [tilespmem:v2+s15+$0x0], $0xffff;
	v2 =	vor.u32 s9, v4;
	s5 =	spop (v2sf)  }
0xaa: {  	v45 =	vld.idx.msk [tilespmem:v5+s16+$0x0], $0xffff;
	v5 =	vor.u32 s9, v6;
	s4 =	sshra.s32 s5, $0x7  }
0xab: {  	v58 =	vld.idx.msk [tilespmem:v1+s16+$0x0], $0xffff;
	v1 =	vor.u32 s9, v8;
	p0 =	slt.s32 s4, $0x1E83  }
0xac: {  	v62 =	vld.idx.msk [tilespmem:v3+s16+$0x0], $0xffff;
	s4 =	simm.s32 @!p0 $0x1E83  }
0xad: {  	v59 =	vld.idx.msk [tilespmem:v7+s16+$0x0], $0xffff;
	s4 =	sshll.u32 s4, $0x7  }
0xae: {  	v61 =	vld.idx.msk [tilespmem:v2+s13+$0x0], $0xffff;
	s4 =	sand.u32 $0x1FFFFF80, s4  }
0xaf: {  	v63 =	vld.idx.msk [tilespmem:v5+s13+$0x0], $0xffff;
	s4 =	sadd.s32 s0, s4  }
0xb0: {  	v60 =	vld.idx.msk [tilespmem:v1+s13+$0x0], $0xffff;
	[tilespmem:s17], [sflag:$0x1] =	stream.strided.gather [hbm4b:s4+s15], $0x2000, s14, s15, $0x38  }
0xb1: {  	s4 =	spop (v2sf)  }
0xb2: {  	s6 =	sshra.s32 s4, $0x7  }
0xb3: {  	p0 =	slt.s32 s6, $0x1E83  }
0xb4: {  	s6 =	simm.s32 @!p0 $0x1E83  }
0xb5: {  	s6 =	sshll.u32 s6, $0x7  }
0xb6: {  	s6 =	sand.u32 $0x1FFFFF80, s6  }
0xb7: {  	s6 =	sadd.s32 s1, s6  }
0xb8: {  	[tilespmem:s18], [sflag:$0x1] =	stream.strided.gather [hbm4b:s6+s15], $0x2000, s14, s15, $0x38;
	[tilespmem:$0x12600] =	vst v63  }
0xb9: {  	_ =	swait.ge [sflag:s23], $0x2000  }
0xba: {  	[sflag:s23] =	ssyncset.done $0x0  }
0xbb: {  	[sflag:s23] =	ssyncadd.s32 $0xFFFFE000  }
0xbc: {  	_ =	swait.ge [sflag:s23], $0x2000  }
0xbd: {  	(v2sf) =	vpush v30, $0x2;
	_ =	sdelay $0xe  }
0xbe: {  	s10 =	spop (v2sf)  }
0xbf: {  	s7 =	sadd.s32 $0xFFF0BE00, s10  }
0xc0: {  	p0 =	sgt.s32 s7, $0x0  }
0xc1: {  	s7 =	simm.s32 @!p0 $0x0  }
0xc2: {  	s7 =	sshll.u32 s7, $0x6  }
0xc3: {  	(v2sf) =	vpush v28, $0x2;
	v2 =	vor.u32 s7, v53;
	_ =	sdelay $0x2  }
0xc4: {  	[sflag:s23] =	ssyncset.done $0x0;
	s6 =	sand.u32 $0x7F, s10  }
0xc5: {  	[sflag:s23] =	ssyncadd.s32 $0xFFFFE000;
	v1 =	vor.u32 s6, v22  }
0xc6: {  	v3 =	vor.u32 s6, v19;
	v2 =	vld.idx.msk [tilespmem:v2+s12+$0x0], $0xffff;
	_ =	sdelay $0x3  }
0xc7: {  	v5 =	vor.u32 s7, v4;
	v1 =	vld.idx.msk [tilespmem:v1+s15+$0x0], $0xffff  }
0xc8: {  	v3 =	vld.idx.msk [tilespmem:v3+s15+$0x0], $0xffff;
	[tilespmem:$0x1F3E0] =	vst v2;
	v2 =	vor.u32 s6, v54;
	_ =	sdelay $0x2  }
0xc9: {  	v7 =	vor.u32 s6, v50  }
0xca: {  	v5 =	vld.idx.msk [tilespmem:v5+s12+$0x0], $0xffff;
	[tilespmem:$0x1F3D0] =	vst v1;
	v1 =	vor.u32 s7, v6  }
0xcb: {  	s8 =	spop (v2sf);
	[tilespmem:$0x1F3F0] =	vst v3;
	v3 =	vor.u32 s7, v8;
	v2 =	vld.idx.msk [tilespmem:v2+s15+$0x0], $0xffff  }
0xcc: {  	s9 =	sadd.s32 $0xFFF0BE00, s8  }
0xcd: {  	p0 =	sgt.s32 s9, $0x0  }
0xce: {  	(v2sf) =	vpush v30, $0x6;
	s24 =	sand.u32 $0x7F, s8;
	s9 =	simm.s32 @!p0 $0x0;
	v7 =	vld.idx.msk [tilespmem:v7+s15+$0x0], $0xffff  }
0xcf: {  	s25 =	sshll.u32 s9, $0x6;
	[tilespmem:$0x1F400] =	vst v5;
	v5 =	vor.u32 s24, v22;
	v1 =	vld.idx.msk [tilespmem:v1+s12+$0x0], $0xffff  }
0xd0: {  	v3 =	vld.idx.msk [tilespmem:v3+s12+$0x0], $0xffff;
	[tilespmem:$0x1F430] =	vst v2;
	v2 =	vor.u32 s25, v4;
	_ =	sdelay $0x2  }
0xd1: {  	[tilespmem:$0x1F410] =	vst v7;
	v7 =	vor.u32 s25, v53  }
0xd2: {  	(v2sf) =	vpush v28, $0x6;
	v5 =	vld.idx.msk [tilespmem:v5+s16+$0x0], $0xffff;
	[tilespmem:$0x1F420] =	vst v1;
	v1 =	vor.u32 s24, v19  }
0xd3: {  	[tilespmem:$0x1F440] =	vst v3;
	v3 =	vor.u32 s24, v50;
	v2 =	vld.idx.msk [tilespmem:v2+s13+$0x0], $0xffff;
	_ =	sdelay $0x2  }
0xd4: {  	v7 =	vld.idx.msk [tilespmem:v7+s13+$0x0], $0xffff  }
0xd5: {  	[tilespmem:$0x1F450] =	vst v5;
	v1 =	vld.idx.msk [tilespmem:v1+s16+$0x0], $0xffff  }
0xd6: {  	v5 =	vor.u32 s25, v6;
	[tilespmem:$0x1F480] =	vst v2;
	v2 =	vld.idx.msk [tilespmem:v3+s16+$0x0], $0xffff;
	_ =	sdelay $0x2  }
0xd7: {  	s8 =	spop (v2sf);
	[tilespmem:$0x1F460] =	vst v7  }
0xd8: {  	s6 =	sshra.s32 s8, $0x7;
	[tilespmem:$0x1F470] =	vst v1;
	v1 =	vor.u32 s25, v8  }
0xd9: {  	p0 =	slt.s32 s6, $0x1E83;
	v7 =	vor.u32 s24, v54;
	[tilespmem:$0x1F490] =	vst v2;
	v2 =	vld.idx.msk [tilespmem:v5+s13+$0x0], $0xffff  }
0xda: {  	s6 =	simm.s32 @!p0 $0x1E83  }
0xdb: {  	s6 =	sshll.u32 s6, $0x7  }
0xdc: {  	s6 =	sand.u32 $0x1FFFFF80, s6  }
0xdd: {  	s7 =	spop (v2sf);
	s6 =	sadd.s32 s0, s6;
	v1 =	vld.idx.msk [tilespmem:v1+s13+$0x0], $0xffff  }
0xde: {  	[tilespmem:$0x1F4A0] =	vst v2;
	v2 =	vld.idx.msk [tilespmem:v7+s16+$0x0], $0xffff;
	[tilespmem:s19], [sflag:$0x1] =	stream.strided.gather [hbm4b:s6+s15], $0x2000, s14, s15, $0x38  }
0xdf: {  	s6 =	sshra.s32 s7, $0x7  }
0xe0: {  	p0 =	slt.s32 s6, $0x1E83  }
0xe1: {  	s6 =	simm.s32 @!p0 $0x1E83  }
0xe2: {  	s6 =	sshll.u32 s6, $0x7  }
0xe3: {  	[tilespmem:$0x1F4C0] =	vst v1;
	s6 =	sand.u32 $0x1FFFFF80, s6  }
0xe4: {  	[tilespmem:$0x1F4B0] =	vst v2;
	s6 =	sadd.s32 s1, s6  }
0xe5: {  	[tilespmem:s20], [sflag:$0x1] =	stream.strided.gather [hbm4b:s6+s15], $0x2000, s14, s15, $0x38;
	[tilespmem:$0x12600] =	vst v63  }
0xe6: {  	_ =	swait.ge [sflag:s23], $0x2000  }
0xe7: {  	[sflag:s23] =	ssyncset.done $0x0  }
0xe8: {  	[sflag:s23] =	ssyncadd.s32 $0xFFFFE000  }
0xe9: {  	_ =	swait.ge [sflag:s23], $0x2000  }
0xea: {  	(v2sf) =	vpush v30, $0x3;
	_ =	sdelay $0xe  }
0xeb: {  	s31 =	spop (v2sf)  }
0xec: {  	s9 =	sadd.s32 $0xFFF0BE00, s31  }
0xed: {  	p0 =	sgt.s32 s9, $0x0  }
0xee: {  	s9 =	simm.s32 @!p0 $0x0  }
0xef: {  	s9 =	sshll.u32 s9, $0x6  }
0xf0: {  	(v2sf) =	vpush v28, $0x3;
	v2 =	vor.u32 s9, v53;
	_ =	sdelay $0x2  }
0xf1: {  	[sflag:s23] =	ssyncset.done $0x0;
	s6 =	sand.u32 $0x7F, s31  }
0xf2: {  	[sflag:s23] =	ssyncadd.s32 $0xFFFFE000;
	v1 =	vor.u32 s6, v55  }
0xf3: {  	v3 =	vor.u32 s6, v46;
	v2 =	vld.idx.msk [tilespmem:v2+s12+$0x0], $0xffff;
	_ =	sdelay $0x3  }
0xf4: {  	v5 =	vor.u32 s9, v4;
	v1 =	vld.idx.msk [tilespmem:v1+s15+$0x0], $0xffff  }
0xf5: {  	v3 =	vld.idx.msk [tilespmem:v3+s15+$0x0], $0xffff;
	[tilespmem:$0x1F4E0] =	vst v2;
	v2 =	vor.u32 s6, v56;
	_ =	sdelay $0x2  }
0xf6: {  	v7 =	vor.u32 s6, v49  }
0xf7: {  	v5 =	vld.idx.msk [tilespmem:v5+s12+$0x0], $0xffff;
	[tilespmem:$0x1F4D0] =	vst v1;
	v1 =	vor.u32 s9, v6  }
0xf8: {  	s10 =	spop (v2sf);
	[tilespmem:$0x1F4F0] =	vst v3;
	v3 =	vor.u32 s9, v8;
	v2 =	vld.idx.msk [tilespmem:v2+s15+$0x0], $0xffff  }
0xf9: {  	s24 =	sadd.s32 $0xFFF0BE00, s10  }
0xfa: {  	p0 =	sgt.s32 s24, $0x0  }
0xfb: {  	(v2sf) =	vpush v30, $0x7;
	s10 =	sand.u32 $0x7F, s10;
	s24 =	simm.s32 @!p0 $0x0;
	v7 =	vld.idx.msk [tilespmem:v7+s15+$0x0], $0xffff  }
0xfc: {  	s24 =	sshll.u32 s24, $0x6;
	[tilespmem:$0x1F500] =	vst v5;
	v5 =	vor.u32 s10, v55;
	v1 =	vld.idx.msk [tilespmem:v1+s12+$0x0], $0xffff  }
0xfd: {  	v3 =	vld.idx.msk [tilespmem:v3+s12+$0x0], $0xffff;
	[tilespmem:$0x1F530] =	vst v2;
	v2 =	vor.u32 s24, v4;
	_ =	sdelay $0x2  }
0xfe: {  	[tilespmem:$0x1F510] =	vst v7;
	v7 =	vor.u32 s24, v53  }
0xff: {  	(v2sf) =	vpush v28, $0x7;
	v5 =	vld.idx.msk [tilespmem:v5+s16+$0x0], $0xffff;
	[tilespmem:$0x1F520] =	vst v1;
	v1 =	vor.u32 s10, v46  }
0x100: {  	[tilespmem:$0x1F540] =	vst v3;
	v3 =	vor.u32 s10, v49;
	v2 =	vld.idx.msk [tilespmem:v2+s13+$0x0], $0xffff;
	_ =	sdelay $0x2  }
0x101: {  	v7 =	vld.idx.msk [tilespmem:v7+s13+$0x0], $0xffff  }
0x102: {  	[tilespmem:$0x1F550] =	vst v5;
	v1 =	vld.idx.msk [tilespmem:v1+s16+$0x0], $0xffff  }
0x103: {  	v5 =	vor.u32 s24, v6;
	[tilespmem:$0x1F580] =	vst v2;
	v2 =	vld.idx.msk [tilespmem:v3+s16+$0x0], $0xffff;
	_ =	sdelay $0x2  }
0x104: {  	s9 =	spop (v2sf);
	[tilespmem:$0x1F560] =	vst v7  }
0x105: {  	s6 =	sshra.s32 s9, $0x7;
	[tilespmem:$0x1F570] =	vst v1;
	v1 =	vor.u32 s24, v8  }
0x106: {  	p0 =	slt.s32 s6, $0x1E83;
	v7 =	vor.u32 s10, v56;
	[tilespmem:$0x1F590] =	vst v2;
	v2 =	vld.idx.msk [tilespmem:v5+s13+$0x0], $0xffff  }
0x107: {  	s6 =	simm.s32 @!p0 $0x1E83  }
0x108: {  	s6 =	sshll.u32 s6, $0x7  }
0x109: {  	s6 =	sand.u32 $0x1FFFFF80, s6  }
0x10a: {  	s6 =	sadd.s32 s0, s6;
	s24 =	spop (v2sf);
	v1 =	vld.idx.msk [tilespmem:v1+s13+$0x0], $0xffff  }
0x10b: {  	[tilespmem:$0x1F5A0] =	vst v2;
	v2 =	vld.idx.msk [tilespmem:v7+s16+$0x0], $0xffff;
	[tilespmem:s21], [sflag:$0x1] =	stream.strided.gather [hbm4b:s6+s15], $0x2000, s14, s15, $0x38  }
0x10c: {  	s6 =	sshra.s32 s24, $0x7  }
0x10d: {  	p0 =	slt.s32 s6, $0x1E83  }
0x10e: {  	s6 =	simm.s32 @!p0 $0x1E83  }
0x10f: {  	s6 =	sshll.u32 s6, $0x7  }
0x110: {  	s6 =	sand.u32 $0x1FFFFF80, s6  }
0x111: {  	s6 =	sadd.s32 s1, s6  }
0x112: {  	[tilespmem:s22], [sflag:$0x1] =	stream.strided.gather [hbm4b:s6+s15], $0x2000, s14, s15, $0x38;
	[tilespmem:$0x12600] =	vst v63  }
0x113: {  	s6 =	sadd.s32 $0xFFF0BE00, s3  }
0x114: {  	[tilespmem:$0x1F5C0] =	vst v1;
	p0 =	sgt.s32 s6, $0x0  }
0x115: {  	[tilespmem:$0x1F5B0] =	vst v2;
	s6 =	simm.s32 @!p0 $0x0  }
0x116: {  	_ =	swait.ge [sflag:s23], $0x2000;
	s6 =	sshll.u32 s6, $0x6  }
0x117: {  	[sflag:s23] =	ssyncset.done $0x0;
	v2 =	vor.u32 s6, v53  }
0x118: {  	[sflag:s23] =	ssyncadd.s32 $0xFFFFE000  }
0x119: {  	_ =	swait.ge [sflag:s23], $0x2000  }
0x11a: {  	s3 =	sand.u32 $0x7F, s3;
	[sflag:s23] =	ssyncset.done $0x0  }
0x11b: {  	v1 =	vor.u32 s3, v13;
	[sflag:s23] =	ssyncadd.s32 $0xFFFFE000  }
0x11c: {  	v3 =	vor.u32 s3, v14;
	v2 =	vld.idx.msk [tilespmem:v2+s12+$0x0], $0xffff;
	_ =	sdelay $0x3  }
0x11d: {  	v5 =	vor.u32 s6, v4;
	v1 =	vld.idx.msk [tilespmem:v1+s15+$0x0], $0xffff  }
0x11e: {  	v3 =	vld.idx.msk [tilespmem:v3+s15+$0x0], $0xffff;
	[tilespmem:$0x1F5E0] =	vst v2;
	v2 =	vor.u32 s3, v16;
	_ =	sdelay $0x2  }
0x11f: {  	v7 =	vor.u32 s3, v15  }
0x120: {  	v5 =	vld.idx.msk [tilespmem:v5+s12+$0x0], $0xffff;
	[tilespmem:$0x1F5D0] =	vst v1;
	v1 =	vor.u32 s6, v6  }
0x121: {  	[tilespmem:$0x1F5F0] =	vst v3;
	v3 =	vor.u32 s6, v8;
	v2 =	vld.idx.msk [tilespmem:v2+s15+$0x0], $0xffff  }
0x122: {  	s10 =	sadd.s32 $0xFFF0BE00, s2  }
0x123: {  	p0 =	sgt.s32 s10, $0x0  }
0x124: {  	s2 =	sand.u32 $0x7F, s2;
	s10 =	simm.s32 @!p0 $0x0;
	(v2sf) =	vpush v30, $0x8;
	v7 =	vld.idx.msk [tilespmem:v7+s15+$0x0], $0xffff  }
0x125: {  	s25 =	sshll.u32 s10, $0x6;
	[tilespmem:$0x1F600] =	vst v5;
	v5 =	vor.u32 s2, v13;
	v1 =	vld.idx.msk [tilespmem:v1+s12+$0x0], $0xffff  }
0x126: {  	v3 =	vld.idx.msk [tilespmem:v3+s12+$0x0], $0xffff;
	[tilespmem:$0x1F630] =	vst v2;
	v2 =	vor.u32 s25, v4;
	_ =	sdelay $0x2  }
0x127: {  	[tilespmem:$0x1F610] =	vst v7;
	v7 =	vor.u32 s25, v53  }
0x128: {  	v5 =	vld.idx.msk [tilespmem:v5+s16+$0x0], $0xffff;
	[tilespmem:$0x1F620] =	vst v1;
	v1 =	vor.u32 s2, v14  }
0x129: {  	[tilespmem:$0x1F640] =	vst v3;
	v3 =	vor.u32 s2, v15;
	v2 =	vld.idx.msk [tilespmem:v2+s13+$0x0], $0xffff  }
0x12a: {  	(v2sf) =	vpush v28, $0x8;
	_ =	sdelay $0x1  }
0x12b: {  	v7 =	vld.idx.msk [tilespmem:v7+s13+$0x0], $0xffff  }
0x12c: {  	[tilespmem:$0x1F650] =	vst v5;
	v1 =	vld.idx.msk [tilespmem:v1+s16+$0x0], $0xffff  }
0x12d: {  	v5 =	vor.u32 s25, v6;
	[tilespmem:$0x1F680] =	vst v2;
	v2 =	vld.idx.msk [tilespmem:v3+s16+$0x0], $0xffff;
	_ =	sdelay $0x2  }
0x12e: {  	s31 =	spop (v2sf);
	[tilespmem:$0x1F660] =	vst v7  }
0x12f: {  	v7 =	vor.u32 s2, v16;
	s2 =	sshra.s32 s31, $0x7;
	[tilespmem:$0x1F670] =	vst v1;
	v1 =	vor.u32 s25, v8  }
0x130: {  	p0 =	slt.s32 s2, $0x1E83;
	[tilespmem:$0x1F690] =	vst v2;
	v2 =	vld.idx.msk [tilespmem:v5+s13+$0x0], $0xffff  }
0x131: {  	s2 =	simm.s32 @!p0 $0x1E83  }
0x132: {  	s2 =	sshll.u32 s2, $0x7  }
0x133: {  	s2 =	sand.u32 $0x1FFFFF80, s2  }
0x134: {  	s2 =	sadd.s32 s0, s2;
	v1 =	vld.idx.msk [tilespmem:v1+s13+$0x0], $0xffff  }
0x135: {  	[tilespmem:$0x1F6A0] =	vst v2;
	v2 =	vld.idx.msk [tilespmem:v7+s16+$0x0], $0xffff;
	[tilespmem:s15], [sflag:$0x1] =	stream.strided.gather [hbm4b:s2+s15], $0x2000, s14, s15, $0x38  }
0x136: {  	s2 =	spop (v2sf)  }
0x137: {  	s3 =	sshra.s32 s2, $0x7  }
0x138: {  	p0 =	slt.s32 s3, $0x1E83  }
0x139: {  	s3 =	simm.s32 @!p0 $0x1E83  }
0x13a: {  	s3 =	sshll.u32 s3, $0x7  }
0x13b: {  	s3 =	sand.u32 $0x1FFFFF80, s3  }
0x13c: {  	s3 =	sadd.s32 s1, s3  }
0x13d: {  	[tilespmem:s16], [sflag:$0x1] =	stream.strided.gather [hbm4b:s3+s15], $0x2000, s14, s15, $0x38;
	[tilespmem:$0x12600] =	vst v63  }
0x13e: {  	s3 =	sadd.s32 $0xFFF0BE00, s5  }
0x13f: {  	[tilespmem:$0x1F6C0] =	vst v1;
	p0 =	sgt.s32 s3, $0x0  }
0x140: {  	[tilespmem:$0x1F6B0] =	vst v2;
	s3 =	simm.s32 @!p0 $0x0  }
0x141: {  	_ =	swait.ge [sflag:s23], $0x2000;
	s3 =	sshll.u32 s3, $0x6  }
0x142: {  	[sflag:s23] =	ssyncset.done $0x0;
	v2 =	vor.u32 s3, v53  }
0x143: {  	[sflag:s23] =	ssyncadd.s32 $0xFFFFE000  }
0x144: {  	_ =	swait.ge [sflag:s23], $0x2000  }
0x145: {  	s5 =	sand.u32 $0x7F, s5;
	[sflag:s23] =	ssyncset.done $0x0  }
0x146: {  	v1 =	vor.u32 s5, v0;
	[sflag:s23] =	ssyncadd.s32 $0xFFFFE000  }
0x147: {  	v3 =	vor.u32 s5, v18;
	v2 =	vld.idx.msk [tilespmem:v2+s12+$0x0], $0xffff;
	_ =	sdelay $0x3  }
0x148: {  	v5 =	vor.u32 s3, v4;
	v1 =	vld.idx.msk [tilespmem:v1+s15+$0x0], $0xffff  }
0x149: {  	v3 =	vld.idx.msk [tilespmem:v3+s15+$0x0], $0xffff;
	[tilespmem:$0x1F6E0] =	vst v2;
	v2 =	vor.u32 s5, v20;
	_ =	sdelay $0x2  }
0x14a: {  	v7 =	vor.u32 s5, v17  }
0x14b: {  	v5 =	vld.idx.msk [tilespmem:v5+s12+$0x0], $0xffff;
	[tilespmem:$0x1F6D0] =	vst v1;
	v1 =	vor.u32 s3, v6  }
0x14c: {  	[tilespmem:$0x1F6F0] =	vst v3;
	v3 =	vor.u32 s3, v8;
	v2 =	vld.idx.msk [tilespmem:v2+s15+$0x0], $0xffff  }
0x14d: {  	s6 =	sadd.s32 $0xFFF0BE00, s4  }
0x14e: {  	p0 =	sgt.s32 s6, $0x0  }
0x14f: {  	s4 =	sand.u32 $0x7F, s4;
	s6 =	simm.s32 @!p0 $0x0;
	(v2sf) =	vpush v30, $0x9;
	v7 =	vld.idx.msk [tilespmem:v7+s15+$0x0], $0xffff  }
0x150: {  	[tilespmem:$0x1F700] =	vst v5;
	s5 =	sshll.u32 s6, $0x6;
	v5 =	vor.u32 s4, v0;
	v1 =	vld.idx.msk [tilespmem:v1+s12+$0x0], $0xffff  }
0x151: {  	v3 =	vld.idx.msk [tilespmem:v3+s12+$0x0], $0xffff;
	[tilespmem:$0x1F730] =	vst v2;
	v2 =	vor.u32 s5, v4;
	_ =	sdelay $0x2  }
0x152: {  	[tilespmem:$0x1F710] =	vst v7;
	v7 =	vor.u32 s5, v53  }
0x153: {  	v5 =	vld.idx.msk [tilespmem:v5+s16+$0x0], $0xffff;
	[tilespmem:$0x1F720] =	vst v1;
	v1 =	vor.u32 s4, v18  }
0x154: {  	[tilespmem:$0x1F740] =	vst v3;
	v3 =	vor.u32 s4, v17;
	v2 =	vld.idx.msk [tilespmem:v2+s13+$0x0], $0xffff  }
0x155: {  	(v2sf) =	vpush v28, $0x9;
	_ =	sdelay $0x1  }
0x156: {  	v7 =	vld.idx.msk [tilespmem:v7+s13+$0x0], $0xffff  }
0x157: {  	[tilespmem:$0x1F750] =	vst v5;
	v1 =	vld.idx.msk [tilespmem:v1+s16+$0x0], $0xffff  }
0x158: {  	v5 =	vor.u32 s5, v6;
	[tilespmem:$0x1F780] =	vst v2;
	v2 =	vld.idx.msk [tilespmem:v3+s16+$0x0], $0xffff;
	_ =	sdelay $0x2  }
0x159: {  	s10 =	spop (v2sf);
	[tilespmem:$0x1F760] =	vst v7  }
0x15a: {  	v7 =	vor.u32 s4, v20;
	s4 =	sshra.s32 s10, $0x7;
	[tilespmem:$0x1F770] =	vst v1;
	v1 =	vor.u32 s5, v8  }
0x15b: {  	p0 =	slt.s32 s4, $0x1E83;
	[tilespmem:$0x1F790] =	vst v2;
	v2 =	vld.idx.msk [tilespmem:v5+s13+$0x0], $0xffff  }
0x15c: {  	s4 =	simm.s32 @!p0 $0x1E83  }
0x15d: {  	s6 =	sshll.u32 s4, $0x7  }
0x15e: {  	s3 =	sand.u32 $0x1FFFFF80, s6  }
0x15f: {  	s3 =	sadd.s32 s0, s3;
	v1 =	vld.idx.msk [tilespmem:v1+s13+$0x0], $0xffff  }
0x160: {  	[tilespmem:$0x1F7A0] =	vst v2;
	v2 =	vld.idx.msk [tilespmem:v7+s16+$0x0], $0xffff;
	[tilespmem:s17], [sflag:$0x1] =	stream.strided.gather [hbm4b:s3+s15], $0x2000, s14, s15, $0x38  }
0x161: {  	s3 =	spop (v2sf)  }
0x162: {  	s4 =	sshra.s32 s3, $0x7  }
0x163: {  	p0 =	slt.s32 s4, $0x1E83  }
0x164: {  	s4 =	simm.s32 @!p0 $0x1E83  }
0x165: {  	s4 =	sshll.u32 s4, $0x7  }
0x166: {  	s4 =	sand.u32 $0x1FFFFF80, s4  }
0x167: {  	s4 =	sadd.s32 s1, s4  }
0x168: {  	[tilespmem:s18], [sflag:$0x1] =	stream.strided.gather [hbm4b:s4+s15], $0x2000, s14, s15, $0x38;
	[tilespmem:$0x12600] =	vst v63  }
0x169: {  	s4 =	sadd.s32 $0xFFF0BE00, s8  }
0x16a: {  	[tilespmem:$0x1F7C0] =	vst v1;
	p0 =	sgt.s32 s4, $0x0  }
0x16b: {  	[tilespmem:$0x1F7B0] =	vst v2;
	s4 =	simm.s32 @!p0 $0x0  }
0x16c: {  	_ =	swait.ge [sflag:s23], $0x2000;
	s4 =	sshll.u32 s4, $0x6  }
0x16d: {  	[sflag:s23] =	ssyncset.done $0x0;
	v2 =	vor.u32 s4, v53  }
0x16e: {  	[sflag:s23] =	ssyncadd.s32 $0xFFFFE000  }
0x16f: {  	_ =	swait.ge [sflag:s23], $0x2000  }
0x170: {  	s8 =	sand.u32 $0x7F, s8;
	[sflag:s23] =	ssyncset.done $0x0  }
0x171: {  	v1 =	vor.u32 s8, v22;
	[sflag:s23] =	ssyncadd.s32 $0xFFFFE000  }
0x172: {  	v3 =	vor.u32 s8, v19;
	v2 =	vld.idx.msk [tilespmem:v2+s12+$0x0], $0xffff;
	_ =	sdelay $0x3  }
0x173: {  	v5 =	vor.u32 s4, v4;
	v1 =	vld.idx.msk [tilespmem:v1+s15+$0x0], $0xffff  }
0x174: {  	v3 =	vld.idx.msk [tilespmem:v3+s15+$0x0], $0xffff;
	[tilespmem:$0x1F7E0] =	vst v2;
	v2 =	vor.u32 s8, v54;
	_ =	sdelay $0x2  }
0x175: {  	v7 =	vor.u32 s8, v50  }
0x176: {  	v5 =	vld.idx.msk [tilespmem:v5+s12+$0x0], $0xffff;
	[tilespmem:$0x1F7D0] =	vst v1;
	v1 =	vor.u32 s4, v6  }
0x177: {  	[tilespmem:$0x1F7F0] =	vst v3;
	v3 =	vor.u32 s4, v8;
	v2 =	vld.idx.msk [tilespmem:v2+s15+$0x0], $0xffff  }
0x178: {  	s6 =	sadd.s32 $0xFFF0BE00, s7  }
0x179: {  	p0 =	sgt.s32 s6, $0x0  }
0x17a: {  	s25 =	sand.u32 $0x7F, s7;
	s6 =	simm.s32 @!p0 $0x0;
	(v2sf) =	vpush v30, $0xA;
	v7 =	vld.idx.msk [tilespmem:v7+s15+$0x0], $0xffff  }
0x17b: {  	s7 =	sshll.u32 s6, $0x6;
	[tilespmem:$0x1F800] =	vst v5;
	v5 =	vor.u32 s25, v22;
	v1 =	vld.idx.msk [tilespmem:v1+s12+$0x0], $0xffff  }
0x17c: {  	v3 =	vld.idx.msk [tilespmem:v3+s12+$0x0], $0xffff;
	[tilespmem:$0x1F830] =	vst v2;
	v2 =	vor.u32 s7, v4;
	_ =	sdelay $0x2  }
0x17d: {  	[tilespmem:$0x1F810] =	vst v7;
	v7 =	vor.u32 s7, v53  }
0x17e: {  	(v2sf) =	vpush v28, $0xA;
	v5 =	vld.idx.msk [tilespmem:v5+s16+$0x0], $0xffff;
	[tilespmem:$0x1F820] =	vst v1;
	v1 =	vor.u32 s25, v19  }
0x17f: {  	[tilespmem:$0x1F840] =	vst v3;
	v3 =	vor.u32 s25, v50;
	v2 =	vld.idx.msk [tilespmem:v2+s13+$0x0], $0xffff;
	_ =	sdelay $0x2  }
0x180: {  	v7 =	vld.idx.msk [tilespmem:v7+s13+$0x0], $0xffff  }
0x181: {  	[tilespmem:$0x1F850] =	vst v5;
	v1 =	vld.idx.msk [tilespmem:v1+s16+$0x0], $0xffff  }
0x182: {  	v5 =	vor.u32 s7, v6;
	[tilespmem:$0x1F880] =	vst v2;
	v2 =	vld.idx.msk [tilespmem:v3+s16+$0x0], $0xffff;
	_ =	sdelay $0x2  }
0x183: {  	s6 =	spop (v2sf);
	[tilespmem:$0x1F860] =	vst v7  }
0x184: {  	s5 =	sshra.s32 s6, $0x7;
	[tilespmem:$0x1F870] =	vst v1;
	v1 =	vor.u32 s7, v8  }
0x185: {  	v7 =	vor.u32 s25, v54;
	p0 =	slt.s32 s5, $0x1E83;
	[tilespmem:$0x1F890] =	vst v2;
	v2 =	vld.idx.msk [tilespmem:v5+s13+$0x0], $0xffff  }
0x186: {  	s5 =	simm.s32 @!p0 $0x1E83  }
0x187: {  	s8 =	sshll.u32 s5, $0x7  }
0x188: {  	s4 =	sand.u32 $0x1FFFFF80, s8  }
0x189: {  	s5 =	spop (v2sf);
	s4 =	sadd.s32 s0, s4;
	v1 =	vld.idx.msk [tilespmem:v1+s13+$0x0], $0xffff  }
0x18a: {  	[tilespmem:$0x1F8A0] =	vst v2;
	v2 =	vld.idx.msk [tilespmem:v7+s16+$0x0], $0xffff;
	[tilespmem:s19], [sflag:$0x1] =	stream.strided.gather [hbm4b:s4+s15], $0x2000, s14, s15, $0x38  }
0x18b: {  	s4 =	sshra.s32 s5, $0x7  }
0x18c: {  	p0 =	slt.s32 s4, $0x1E83  }
0x18d: {  	s4 =	simm.s32 @!p0 $0x1E83  }
0x18e: {  	s4 =	sshll.u32 s4, $0x7  }
0x18f: {  	s4 =	sand.u32 $0x1FFFFF80, s4  }
0x190: {  	s4 =	sadd.s32 s1, s4  }
0x191: {  	[tilespmem:s20], [sflag:$0x1] =	stream.strided.gather [hbm4b:s4+s15], $0x2000, s14, s15, $0x38;
	[tilespmem:$0x12600] =	vst v63  }
0x192: {  	s4 =	sadd.s32 $0xFFF0BE00, s9  }
0x193: {  	[tilespmem:$0x1F8C0] =	vst v1;
	p0 =	sgt.s32 s4, $0x0  }
0x194: {  	[tilespmem:$0x1F8B0] =	vst v2;
	s4 =	simm.s32 @!p0 $0x0  }
0x195: {  	_ =	swait.ge [sflag:s23], $0x2000;
	s4 =	sshll.u32 s4, $0x6  }
0x196: {  	[sflag:s23] =	ssyncset.done $0x0;
	v2 =	vor.u32 s4, v53  }
0x197: {  	[sflag:s23] =	ssyncadd.s32 $0xFFFFE000  }
0x198: {  	_ =	swait.ge [sflag:s23], $0x2000  }
0x199: {  	s9 =	sand.u32 $0x7F, s9;
	[sflag:s23] =	ssyncset.done $0x0  }
0x19a: {  	v1 =	vor.u32 s9, v55;
	[sflag:s23] =	ssyncadd.s32 $0xFFFFE000  }
0x19b: {  	v3 =	vor.u32 s9, v46;
	v2 =	vld.idx.msk [tilespmem:v2+s12+$0x0], $0xffff;
	_ =	sdelay $0x3  }
0x19c: {  	v1 =	vld.idx.msk [tilespmem:v1+s15+$0x0], $0xffff  }
0x19d: {  	v3 =	vld.idx.msk [tilespmem:v3+s15+$0x0], $0xffff;
	[tilespmem:$0x1F8E0] =	vst v2;
	v2 =	vor.u32 s9, v56  }
0x19e: {  	v5 =	vor.u32 s4, v4;
	_ =	sdelay $0x1  }
0x19f: {  	v7 =	vor.u32 s9, v49  }
0x1a0: {  	[tilespmem:$0x1F8D0] =	vst v1;
	v1 =	vor.u32 s4, v6  }
0x1a1: {  	[tilespmem:$0x1F8F0] =	vst v3;
	v3 =	vor.u32 s4, v8;
	v2 =	vld.idx.msk [tilespmem:v2+s15+$0x0], $0xffff  }
0x1a2: {  	s8 =	sadd.s32 $0xFFF0BE00, s24;
	v5 =	vld.idx.msk [tilespmem:v5+s12+$0x0], $0xffff  }
0x1a3: {  	p0 =	sgt.s32 s8, $0x0  }
0x1a4: {  	s8 =	simm.s32 @!p0 $0x0;
	v7 =	vld.idx.msk [tilespmem:v7+s15+$0x0], $0xffff  }
0x1a5: {  	(v2sf) =	vpush v30, $0xB;
	s9 =	sshll.u32 s8, $0x6;
	v1 =	vld.idx.msk [tilespmem:v1+s12+$0x0], $0xffff  }
0x1a6: {  	s24 =	sand.u32 $0x7F, s24;
	v3 =	vld.idx.msk [tilespmem:v3+s12+$0x0], $0xffff;
	[tilespmem:$0x1F930] =	vst v2;
	v2 =	vor.u32 s9, v4  }
0x1a7: {  	[tilespmem:$0x1F900] =	vst v5;
	v5 =	vor.u32 s24, v55;
	_ =	sdelay $0x1  }
0x1a8: {  	[tilespmem:$0x1F910] =	vst v7;
	v7 =	vor.u32 s9, v53  }
0x1a9: {  	[tilespmem:$0x1F920] =	vst v1;
	v1 =	vor.u32 s24, v46  }
0x1aa: {  	(v2sf) =	vpush v28, $0xB;
	[tilespmem:$0x1F940] =	vst v3;
	v3 =	vor.u32 s24, v49;
	v2 =	vld.idx.msk [tilespmem:v2+s13+$0x0], $0xffff  }
0x1ab: {  	v5 =	vld.idx.msk [tilespmem:v5+s16+$0x0], $0xffff;
	_ =	sdelay $0x1  }
0x1ac: {  	v7 =	vld.idx.msk [tilespmem:v7+s13+$0x0], $0xffff  }
0x1ad: {  	v1 =	vld.idx.msk [tilespmem:v1+s16+$0x0], $0xffff  }
0x1ae: {  	[tilespmem:$0x1F980] =	vst v2;
	v2 =	vld.idx.msk [tilespmem:v3+s16+$0x0], $0xffff  }
0x1af: {  	[tilespmem:$0x1F950] =	vst v5;
	v5 =	vor.u32 s9, v6;
	_ =	sdelay $0x1  }
0x1b0: {  	[tilespmem:$0x1F960] =	vst v7  }
0x1b1: {  	s25 =	spop (v2sf);
	[tilespmem:$0x1F970] =	vst v1  }
0x1b2: {  	s7 =	sshra.s32 s25, $0x7;
	v1 =	vor.u32 s9, v8;
	[tilespmem:$0x1F990] =	vst v2  }
0x1b3: {  	p0 =	slt.s32 s7, $0x1E83;
	v7 =	vor.u32 s24, v56;
	v2 =	vld.idx.msk [tilespmem:v5+s13+$0x0], $0xffff  }
0x1b4: {  	s7 =	simm.s32 @!p0 $0x1E83  }
0x1b5: {  	s24 =	sshll.u32 s7, $0x7  }
0x1b6: {  	s4 =	sand.u32 $0x1FFFFF80, s24  }
0x1b7: {  	s4 =	sadd.s32 s0, s4;
	v1 =	vld.idx.msk [tilespmem:v1+s13+$0x0], $0xffff;
	s9 =	spop (v2sf)  }
0x1b8: {  	[tilespmem:$0x1F9A0] =	vst v2;
	v2 =	vld.idx.msk [tilespmem:v7+s16+$0x0], $0xffff;
	[tilespmem:s21], [sflag:$0x1] =	stream.strided.gather [hbm4b:s4+s15], $0x2000, s14, s15, $0x38  }
0x1b9: {  	s4 =	sshra.s32 s9, $0x7  }
0x1ba: {  	p0 =	slt.s32 s4, $0x1E83  }
0x1bb: {  	s4 =	simm.s32 @!p0 $0x1E83  }
0x1bc: {  	s4 =	sshll.u32 s4, $0x7  }
0x1bd: {  	s4 =	sand.u32 $0x1FFFFF80, s4  }
0x1be: {  	s4 =	sadd.s32 s1, s4  }
0x1bf: {  	[tilespmem:s22], [sflag:$0x1] =	stream.strided.gather [hbm4b:s4+s15], $0x2000, s14, s15, $0x38;
	[tilespmem:$0x12600] =	vst v63  }
0x1c0: {  	s4 =	sadd.s32 $0xFFF0BE00, s31  }
0x1c1: {  	[tilespmem:$0x1F9C0] =	vst v1;
	p0 =	sgt.s32 s4, $0x0  }
0x1c2: {  	[tilespmem:$0x1F9B0] =	vst v2;
	s4 =	simm.s32 @!p0 $0x0  }
0x1c3: {  	_ =	swait.ge [sflag:s23], $0x2000;
	s4 =	sshll.u32 s4, $0x6  }
0x1c4: {  	[sflag:s23] =	ssyncset.done $0x0;
	v2 =	vor.u32 s4, v53  }
0x1c5: {  	[sflag:s23] =	ssyncadd.s32 $0xFFFFE000  }
0x1c6: {  	_ =	swait.ge [sflag:s23], $0x2000  }
0x1c7: {  	s31 =	sand.u32 $0x7F, s31;
	[sflag:s23] =	ssyncset.done $0x0  }
0x1c8: {  	v1 =	vor.u32 s31, v13;
	[sflag:s23] =	ssyncadd.s32 $0xFFFFE000  }
0x1c9: {  	v3 =	vor.u32 s31, v14;
	v2 =	vld.idx.msk [tilespmem:v2+s12+$0x0], $0xffff;
	_ =	sdelay $0x3  }
0x1ca: {  	v5 =	vor.u32 s4, v4;
	v1 =	vld.idx.msk [tilespmem:v1+s15+$0x0], $0xffff  }
0x1cb: {  	v3 =	vld.idx.msk [tilespmem:v3+s15+$0x0], $0xffff;
	[tilespmem:$0x1F9E0] =	vst v2;
	v2 =	vor.u32 s31, v16;
	_ =	sdelay $0x2  }
0x1cc: {  	v7 =	vor.u32 s31, v15  }
0x1cd: {  	v5 =	vld.idx.msk [tilespmem:v5+s12+$0x0], $0xffff;
	[tilespmem:$0x1F9D0] =	vst v1;
	v1 =	vor.u32 s4, v6  }
0x1ce: {  	[tilespmem:$0x1F9F0] =	vst v3;
	v3 =	vor.u32 s4, v8;
	v2 =	vld.idx.msk [tilespmem:v2+s15+$0x0], $0xffff  }
0x1cf: {  	s8 =	sadd.s32 $0xFFF0BE00, s2  }
0x1d0: {  	p0 =	sgt.s32 s8, $0x0  }
0x1d1: {  	s2 =	sand.u32 $0x7F, s2;
	s8 =	simm.s32 @!p0 $0x0;
	(v2sf) =	vpush v30, $0xC;
	v7 =	vld.idx.msk [tilespmem:v7+s15+$0x0], $0xffff  }
0x1d2: {  	s8 =	sshll.u32 s8, $0x6;
	[tilespmem:$0x1FA00] =	vst v5;
	v5 =	vor.u32 s2, v13;
	v1 =	vld.idx.msk [tilespmem:v1+s12+$0x0], $0xffff  }
0x1d3: {  	v3 =	vld.idx.msk [tilespmem:v3+s12+$0x0], $0xffff;
	[tilespmem:$0x1FA30] =	vst v2;
	v2 =	vor.u32 s8, v4;
	_ =	sdelay $0x2  }
0x1d4: {  	[tilespmem:$0x1FA10] =	vst v7;
	v7 =	vor.u32 s8, v53  }
0x1d5: {  	(v2sf) =	vpush v28, $0xC;
	v5 =	vld.idx.msk [tilespmem:v5+s16+$0x0], $0xffff;
	[tilespmem:$0x1FA20] =	vst v1;
	v1 =	vor.u32 s2, v14  }
0x1d6: {  	[tilespmem:$0x1FA40] =	vst v3;
	v3 =	vor.u32 s2, v15;
	v2 =	vld.idx.msk [tilespmem:v2+s13+$0x0], $0xffff;
	_ =	sdelay $0x2  }
0x1d7: {  	v7 =	vld.idx.msk [tilespmem:v7+s13+$0x0], $0xffff  }
0x1d8: {  	[tilespmem:$0x1FA50] =	vst v5;
	v1 =	vld.idx.msk [tilespmem:v1+s16+$0x0], $0xffff  }
0x1d9: {  	v5 =	vor.u32 s8, v6;
	[tilespmem:$0x1FA80] =	vst v2;
	v2 =	vld.idx.msk [tilespmem:v3+s16+$0x0], $0xffff;
	_ =	sdelay $0x2  }
0x1da: {  	s31 =	spop (v2sf);
	[tilespmem:$0x1FA60] =	vst v7  }
0x1db: {  	v7 =	vor.u32 s2, v16;
	s2 =	sshra.s32 s31, $0x7;
	[tilespmem:$0x1FA70] =	vst v1;
	v1 =	vor.u32 s8, v8  }
0x1dc: {  	p0 =	slt.s32 s2, $0x1E83;
	[tilespmem:$0x1FA90] =	vst v2;
	v2 =	vld.idx.msk [tilespmem:v5+s13+$0x0], $0xffff  }
0x1dd: {  	s2 =	simm.s32 @!p0 $0x1E83  }
0x1de: {  	s2 =	sshll.u32 s2, $0x7  }
0x1df: {  	s2 =	sand.u32 $0x1FFFFF80, s2  }
0x1e0: {  	s4 =	spop (v2sf);
	s2 =	sadd.s32 s0, s2;
	v1 =	vld.idx.msk [tilespmem:v1+s13+$0x0], $0xffff  }
0x1e1: {  	[tilespmem:$0x1FAA0] =	vst v2;
	v2 =	vld.idx.msk [tilespmem:v7+s16+$0x0], $0xffff;
	[tilespmem:s15], [sflag:$0x1] =	stream.strided.gather [hbm4b:s2+s15], $0x2000, s14, s15, $0x38  }
0x1e2: {  	s2 =	sshra.s32 s4, $0x7  }
0x1e3: {  	p0 =	slt.s32 s2, $0x1E83  }
0x1e4: {  	s2 =	simm.s32 @!p0 $0x1E83  }
0x1e5: {  	s2 =	sshll.u32 s2, $0x7  }
0x1e6: {  	s2 =	sand.u32 $0x1FFFFF80, s2  }
0x1e7: {  	s2 =	sadd.s32 s1, s2  }
0x1e8: {  	[tilespmem:s16], [sflag:$0x1] =	stream.strided.gather [hbm4b:s2+s15], $0x2000, s14, s15, $0x38;
	[tilespmem:$0x12600] =	vst v63  }
0x1e9: {  	s2 =	sadd.s32 $0xFFF0BE00, s10  }
0x1ea: {  	[tilespmem:$0x1FAC0] =	vst v1;
	p0 =	sgt.s32 s2, $0x0  }
0x1eb: {  	[tilespmem:$0x1FAB0] =	vst v2;
	s2 =	simm.s32 @!p0 $0x0  }
0x1ec: {  	_ =	swait.ge [sflag:s23], $0x2000;
	s2 =	sshll.u32 s2, $0x6  }
0x1ed: {  	[sflag:s23] =	ssyncset.done $0x0;
	v2 =	vor.u32 s2, v53  }
0x1ee: {  	[sflag:s23] =	ssyncadd.s32 $0xFFFFE000  }
0x1ef: {  	_ =	swait.ge [sflag:s23], $0x2000  }
0x1f0: {  	s24 =	sand.u32 $0x7F, s10;
	[sflag:s23] =	ssyncset.done $0x0  }
0x1f1: {  	v1 =	vor.u32 s24, v0;
	[sflag:s23] =	ssyncadd.s32 $0xFFFFE000  }
0x1f2: {  	v3 =	vor.u32 s24, v18;
	v2 =	vld.idx.msk [tilespmem:v2+s12+$0x0], $0xffff;
	_ =	sdelay $0x3  }
0x1f3: {  	v5 =	vor.u32 s2, v4;
	v1 =	vld.idx.msk [tilespmem:v1+s15+$0x0], $0xffff  }
0x1f4: {  	v3 =	vld.idx.msk [tilespmem:v3+s15+$0x0], $0xffff;
	[tilespmem:$0x1FAE0] =	vst v2;
	v2 =	vor.u32 s24, v20;
	_ =	sdelay $0x2  }
0x1f5: {  	v7 =	vor.u32 s24, v17  }
0x1f6: {  	v5 =	vld.idx.msk [tilespmem:v5+s12+$0x0], $0xffff;
	[tilespmem:$0x1FAD0] =	vst v1;
	v1 =	vor.u32 s2, v6  }
0x1f7: {  	[tilespmem:$0x1FAF0] =	vst v3;
	v3 =	vor.u32 s2, v8;
	v2 =	vld.idx.msk [tilespmem:v2+s15+$0x0], $0xffff  }
0x1f8: {  	s8 =	sadd.s32 $0xFFF0BE00, s3  }
0x1f9: {  	p0 =	sgt.s32 s8, $0x0  }
0x1fa: {  	s3 =	sand.u32 $0x7F, s3;
	s8 =	simm.s32 @!p0 $0x0;
	(v2sf) =	vpush v30, $0xD;
	v7 =	vld.idx.msk [tilespmem:v7+s15+$0x0], $0xffff  }
0x1fb: {  	s7 =	sshll.u32 s8, $0x6;
	[tilespmem:$0x1FB00] =	vst v5;
	v5 =	vor.u32 s3, v0;
	v1 =	vld.idx.msk [tilespmem:v1+s12+$0x0], $0xffff  }
0x1fc: {  	v3 =	vld.idx.msk [tilespmem:v3+s12+$0x0], $0xffff;
	[tilespmem:$0x1FB30] =	vst v2;
	v2 =	vor.u32 s7, v4;
	_ =	sdelay $0x2  }
0x1fd: {  	[tilespmem:$0x1FB10] =	vst v7;
	v7 =	vor.u32 s7, v53  }
0x1fe: {  	(v2sf) =	vpush v28, $0xD;
	v5 =	vld.idx.msk [tilespmem:v5+s16+$0x0], $0xffff;
	[tilespmem:$0x1FB20] =	vst v1;
	v1 =	vor.u32 s3, v18  }
0x1ff: {  	[tilespmem:$0x1FB40] =	vst v3;
	v3 =	vor.u32 s3, v17;
	v2 =	vld.idx.msk [tilespmem:v2+s13+$0x0], $0xffff;
	_ =	sdelay $0x2  }
0x200: {  	v7 =	vld.idx.msk [tilespmem:v7+s13+$0x0], $0xffff  }
0x201: {  	[tilespmem:$0x1FB50] =	vst v5;
	v1 =	vld.idx.msk [tilespmem:v1+s16+$0x0], $0xffff  }
0x202: {  	v5 =	vor.u32 s7, v6;
	[tilespmem:$0x1FB80] =	vst v2;
	v2 =	vld.idx.msk [tilespmem:v3+s16+$0x0], $0xffff;
	_ =	sdelay $0x2  }
0x203: {  	s8 =	spop (v2sf);
	[tilespmem:$0x1FB60] =	vst v7  }
0x204: {  	v7 =	vor.u32 s3, v20;
	s3 =	sshra.s32 s8, $0x7;
	[tilespmem:$0x1FB70] =	vst v1;
	v1 =	vor.u32 s7, v8  }
0x205: {  	p0 =	slt.s32 s3, $0x1E83;
	[tilespmem:$0x1FB90] =	vst v2;
	v2 =	vld.idx.msk [tilespmem:v5+s13+$0x0], $0xffff  }
0x206: {  	s3 =	simm.s32 @!p0 $0x1E83  }
0x207: {  	s10 =	sshll.u32 s3, $0x7  }
0x208: {  	s2 =	sand.u32 $0x1FFFFF80, s10  }
0x209: {  	s2 =	sadd.s32 s0, s2;
	s7 =	spop (v2sf);
	v1 =	vld.idx.msk [tilespmem:v1+s13+$0x0], $0xffff  }
0x20a: {  	[tilespmem:$0x1FBA0] =	vst v2;
	v2 =	vld.idx.msk [tilespmem:v7+s16+$0x0], $0xffff;
	[tilespmem:s17], [sflag:$0x1] =	stream.strided.gather [hbm4b:s2+s15], $0x2000, s14, s15, $0x38  }
0x20b: {  	s2 =	sshra.s32 s7, $0x7  }
0x20c: {  	p0 =	slt.s32 s2, $0x1E83  }
0x20d: {  	s2 =	simm.s32 @!p0 $0x1E83  }
0x20e: {  	s2 =	sshll.u32 s2, $0x7  }
0x20f: {  	s2 =	sand.u32 $0x1FFFFF80, s2  }
0x210: {  	s2 =	sadd.s32 s1, s2  }
0x211: {  	[tilespmem:s18], [sflag:$0x1] =	stream.strided.gather [hbm4b:s2+s15], $0x2000, s14, s15, $0x38;
	[tilespmem:$0x12600] =	vst v63  }
0x212: {  	s2 =	sadd.s32 $0xFFF0BE00, s6  }
0x213: {  	[tilespmem:$0x1FBC0] =	vst v1;
	p0 =	sgt.s32 s2, $0x0  }
0x214: {  	[tilespmem:$0x1FBB0] =	vst v2;
	s2 =	simm.s32 @!p0 $0x0  }
0x215: {  	_ =	swait.ge [sflag:s23], $0x2000;
	s2 =	sshll.u32 s2, $0x6  }
0x216: {  	[sflag:s23] =	ssyncset.done $0x0;
	v2 =	vor.u32 s2, v53  }
0x217: {  	[sflag:s23] =	ssyncadd.s32 $0xFFFFE000  }
0x218: {  	_ =	swait.ge [sflag:s23], $0x2000  }
0x219: {  	s24 =	sand.u32 $0x7F, s6;
	[sflag:s23] =	ssyncset.done $0x0  }
0x21a: {  	v1 =	vor.u32 s24, v22;
	[sflag:s23] =	ssyncadd.s32 $0xFFFFE000  }
0x21b: {  	v3 =	vor.u32 s24, v19;
	v2 =	vld.idx.msk [tilespmem:v2+s12+$0x0], $0xffff;
	_ =	sdelay $0x3  }
0x21c: {  	v5 =	vor.u32 s2, v4;
	v1 =	vld.idx.msk [tilespmem:v1+s15+$0x0], $0xffff  }
0x21d: {  	v3 =	vld.idx.msk [tilespmem:v3+s15+$0x0], $0xffff;
	[tilespmem:$0x1FBE0] =	vst v2;
	v2 =	vor.u32 s24, v54;
	_ =	sdelay $0x2  }
0x21e: {  	v7 =	vor.u32 s24, v50  }
0x21f: {  	v5 =	vld.idx.msk [tilespmem:v5+s12+$0x0], $0xffff;
	[tilespmem:$0x1FBD0] =	vst v1;
	v1 =	vor.u32 s2, v6  }
0x220: {  	[tilespmem:$0x1FBF0] =	vst v3;
	v3 =	vor.u32 s2, v8;
	v2 =	vld.idx.msk [tilespmem:v2+s15+$0x0], $0xffff  }
0x221: {  	s6 =	sadd.s32 $0xFFF0BE00, s5  }
0x222: {  	p0 =	sgt.s32 s6, $0x0  }
0x223: {  	s10 =	sand.u32 $0x7F, s5;
	s6 =	simm.s32 @!p0 $0x0;
	(v2sf) =	vpush v30, $0xE;
	v7 =	vld.idx.msk [tilespmem:v7+s15+$0x0], $0xffff  }
0x224: {  	s5 =	sshll.u32 s6, $0x6;
	[tilespmem:$0x1FC00] =	vst v5;
	v5 =	vor.u32 s10, v22;
	v1 =	vld.idx.msk [tilespmem:v1+s12+$0x0], $0xffff  }
0x225: {  	v3 =	vld.idx.msk [tilespmem:v3+s12+$0x0], $0xffff;
	[tilespmem:$0x1FC30] =	vst v2;
	v2 =	vor.u32 s5, v4;
	_ =	sdelay $0x2  }
0x226: {  	[tilespmem:$0x1FC10] =	vst v7;
	v7 =	vor.u32 s5, v53  }
0x227: {  	(v2sf) =	vpush v28, $0xE;
	v5 =	vld.idx.msk [tilespmem:v5+s16+$0x0], $0xffff;
	[tilespmem:$0x1FC20] =	vst v1;
	v1 =	vor.u32 s10, v19  }
0x228: {  	[tilespmem:$0x1FC40] =	vst v3;
	v3 =	vor.u32 s10, v50;
	v2 =	vld.idx.msk [tilespmem:v2+s13+$0x0], $0xffff;
	_ =	sdelay $0x2  }
0x229: {  	v7 =	vld.idx.msk [tilespmem:v7+s13+$0x0], $0xffff  }
0x22a: {  	[tilespmem:$0x1FC50] =	vst v5;
	v1 =	vld.idx.msk [tilespmem:v1+s16+$0x0], $0xffff  }
0x22b: {  	v5 =	vor.u32 s5, v6;
	[tilespmem:$0x1FC80] =	vst v2;
	v2 =	vld.idx.msk [tilespmem:v3+s16+$0x0], $0xffff;
	_ =	sdelay $0x2  }
0x22c: {  	s24 =	spop (v2sf);
	[tilespmem:$0x1FC60] =	vst v7  }
0x22d: {  	s3 =	sshra.s32 s24, $0x7;
	[tilespmem:$0x1FC70] =	vst v1;
	v1 =	vor.u32 s5, v8  }
0x22e: {  	v7 =	vor.u32 s10, v54;
	p0 =	slt.s32 s3, $0x1E83;
	[tilespmem:$0x1FC90] =	vst v2;
	v2 =	vld.idx.msk [tilespmem:v5+s13+$0x0], $0xffff  }
0x22f: {  	s3 =	simm.s32 @!p0 $0x1E83  }
0x230: {  	s6 =	sshll.u32 s3, $0x7  }
0x231: {  	s2 =	sand.u32 $0x1FFFFF80, s6  }
0x232: {  	s3 =	spop (v2sf);
	s2 =	sadd.s32 s0, s2;
	v1 =	vld.idx.msk [tilespmem:v1+s13+$0x0], $0xffff  }
0x233: {  	[tilespmem:$0x1FCA0] =	vst v2;
	v2 =	vld.idx.msk [tilespmem:v7+s16+$0x0], $0xffff;
	[tilespmem:s19], [sflag:$0x1] =	stream.strided.gather [hbm4b:s2+s15], $0x2000, s14, s15, $0x38  }
0x234: {  	s2 =	sshra.s32 s3, $0x7  }
0x235: {  	p0 =	slt.s32 s2, $0x1E83  }
0x236: {  	s2 =	simm.s32 @!p0 $0x1E83  }
0x237: {  	s2 =	sshll.u32 s2, $0x7  }
0x238: {  	s2 =	sand.u32 $0x1FFFFF80, s2  }
0x239: {  	s2 =	sadd.s32 s1, s2  }
0x23a: {  	[tilespmem:s20], [sflag:$0x1] =	stream.strided.gather [hbm4b:s2+s15], $0x2000, s14, s15, $0x38;
	[tilespmem:$0x12600] =	vst v63  }
0x23b: {  	s2 =	sadd.s32 $0xFFF0BE00, s25  }
0x23c: {  	[tilespmem:$0x1FCC0] =	vst v1;
	p0 =	sgt.s32 s2, $0x0  }
0x23d: {  	[tilespmem:$0x1FCB0] =	vst v2;
	s2 =	simm.s32 @!p0 $0x0  }
0x23e: {  	_ =	swait.ge [sflag:s23], $0x2000;
	s2 =	sshll.u32 s2, $0x6  }
0x23f: {  	[sflag:s23] =	ssyncset.done $0x0;
	v2 =	vor.u32 s2, v53  }
0x240: {  	[sflag:s23] =	ssyncadd.s32 $0xFFFFE000  }
0x241: {  	_ =	swait.ge [sflag:s23], $0x2000  }
0x242: {  	s10 =	sand.u32 $0x7F, s25;
	[sflag:s23] =	ssyncset.done $0x0  }
0x243: {  	v1 =	vor.u32 s10, v55;
	[sflag:s23] =	ssyncadd.s32 $0xFFFFE000  }
0x244: {  	v3 =	vor.u32 s10, v46;
	v2 =	vld.idx.msk [tilespmem:v2+s12+$0x0], $0xffff;
	_ =	sdelay $0x3  }
0x245: {  	v5 =	vor.u32 s2, v4;
	v1 =	vld.idx.msk [tilespmem:v1+s15+$0x0], $0xffff  }
0x246: {  	v3 =	vld.idx.msk [tilespmem:v3+s15+$0x0], $0xffff;
	[tilespmem:$0x1FCE0] =	vst v2;
	v2 =	vor.u32 s10, v56;
	_ =	sdelay $0x2  }
0x247: {  	v7 =	vor.u32 s10, v49  }
0x248: {  	v5 =	vld.idx.msk [tilespmem:v5+s12+$0x0], $0xffff;
	[tilespmem:$0x1FCD0] =	vst v1;
	v1 =	vor.u32 s2, v6  }
0x249: {  	[tilespmem:$0x1FCF0] =	vst v3;
	v3 =	vor.u32 s2, v8;
	v2 =	vld.idx.msk [tilespmem:v2+s15+$0x0], $0xffff  }
0x24a: {  	s6 =	sadd.s32 $0xFFF0BE00, s9  }
0x24b: {  	p0 =	sgt.s32 s6, $0x0  }
0x24c: {  	s25 =	sand.u32 $0x7F, s9;
	s6 =	simm.s32 @!p0 $0x0;
	(v2sf) =	vpush v30, $0xF;
	v7 =	vld.idx.msk [tilespmem:v7+s15+$0x0], $0xffff  }
0x24d: {  	s6 =	sshll.u32 s6, $0x6;
	[tilespmem:$0x1FD00] =	vst v5;
	v5 =	vor.u32 s25, v55;
	v1 =	vld.idx.msk [tilespmem:v1+s12+$0x0], $0xffff  }
0x24e: {  	v3 =	vld.idx.msk [tilespmem:v3+s12+$0x0], $0xffff;
	[tilespmem:$0x1FD30] =	vst v2;
	v2 =	vor.u32 s6, v4;
	_ =	sdelay $0x2  }
0x24f: {  	[tilespmem:$0x1FD10] =	vst v7;
	v7 =	vor.u32 s6, v53  }
0x250: {  	v5 =	vld.idx.msk [tilespmem:v5+s16+$0x0], $0xffff;
	[tilespmem:$0x1FD20] =	vst v1;
	v1 =	vor.u32 s25, v46  }
0x251: {  	[tilespmem:$0x1FD40] =	vst v3;
	v3 =	vor.u32 s25, v49;
	v2 =	vld.idx.msk [tilespmem:v2+s13+$0x0], $0xffff  }
0x252: {  	(v2sf) =	vpush v28, $0xF;
	_ =	sdelay $0x1  }
0x253: {  	v7 =	vld.idx.msk [tilespmem:v7+s13+$0x0], $0xffff  }
0x254: {  	[tilespmem:$0x1FD50] =	vst v5;
	v1 =	vld.idx.msk [tilespmem:v1+s16+$0x0], $0xffff  }
0x255: {  	v5 =	vor.u32 s6, v6;
	[tilespmem:$0x1FD80] =	vst v2;
	v2 =	vld.idx.msk [tilespmem:v3+s16+$0x0], $0xffff;
	_ =	sdelay $0x2  }
0x256: {  	s2 =	spop (v2sf);
	[tilespmem:$0x1FD60] =	vst v7  }
0x257: {  	s5 =	sshra.s32 s2, $0x7;
	[tilespmem:$0x1FD70] =	vst v1;
	v1 =	vor.u32 s6, v8  }
0x258: {  	v7 =	vor.u32 s25, v56;
	p0 =	slt.s32 s5, $0x1E83;
	[tilespmem:$0x1FD90] =	vst v2;
	v2 =	vld.idx.msk [tilespmem:v5+s13+$0x0], $0xffff  }
0x259: {  	s5 =	simm.s32 @!p0 $0x1E83  }
0x25a: {  	s5 =	sshll.u32 s5, $0x7  }
0x25b: {  	s5 =	sand.u32 $0x1FFFFF80, s5  }
0x25c: {  	s5 =	sadd.s32 s0, s5;
	v1 =	vld.idx.msk [tilespmem:v1+s13+$0x0], $0xffff  }
0x25d: {  	[tilespmem:$0x1FDA0] =	vst v2;
	v2 =	vld.idx.msk [tilespmem:v7+s16+$0x0], $0xffff;
	[tilespmem:s21], [sflag:$0x1] =	stream.strided.gather [hbm4b:s5+s15], $0x2000, s14, s15, $0x38  }
0x25e: {  	s5 =	spop (v2sf)  }
0x25f: {  	s6 =	sshra.s32 s5, $0x7  }
0x260: {  	p0 =	slt.s32 s6, $0x1E83  }
0x261: {  	s6 =	simm.s32 @!p0 $0x1E83  }
0x262: {  	s6 =	sshll.u32 s6, $0x7  }
0x263: {  	s6 =	sand.u32 $0x1FFFFF80, s6  }
0x264: {  	s6 =	sadd.s32 s1, s6  }
0x265: {  	[tilespmem:s22], [sflag:$0x1] =	stream.strided.gather [hbm4b:s6+s15], $0x2000, s14, s15, $0x38;
	[tilespmem:$0x12600] =	vst v63  }
0x266: {  	s6 =	sadd.s32 $0xFFF0BE00, s31  }
0x267: {  	[tilespmem:$0x1FDC0] =	vst v1;
	p1 =	sgt.s32 s6, $0x0  }
0x268: {  	[tilespmem:$0x1FDB0] =	vst v2;
	s6 =	simm.s32 @!p1 $0x0  }
0x269: {  	_ =	swait.ge [sflag:s23], $0x2000;
	s6 =	sshll.u32 s6, $0x6  }
0x26a: {  	[sflag:s23] =	ssyncset.done $0x0;
	v3 =	vor.u32 s6, v53  }
0x26b: {  	[sflag:s23] =	ssyncadd.s32 $0xFFFFE000  }
0x26c: {  	s31 =	sand.u32 $0x7F, s31;
	_ =	swait.ge [sflag:s23], $0x2000  }
0x26d: {  	vm4 =	vgt.s32 v30, $0xF41FF;
	v7 =	vor.u32 s31, v14;
	[sflag:s23] =	ssyncset.done $0x0  }
0x26e: {  	vm5 =	vgt.s32 v28, $0xF41FF;
	v30 =	vsel vm4, $0x1, v10;
	[sflag:s23] =	ssyncadd.s32 $0xFFFFE000  }
0x26f: {  	v28 =	vsel vm5, $0x1, v10;
	v2 =	vbroadcast v30, $0x0;
	v3 =	vld.idx.msk [tilespmem:v3+s12+$0x0], $0xffff  }
0x270: {  	v5 =	vbroadcast v28, $0x0  }
0x271: {  	v2 =	vand.u32 $0x1, v2  }
0x272: {  	vm4 =	veq.s32 v2, $0x1;
	v2 =	vand.u32 $0x1, v5;
	v5 =	vor.u32 s31, v15;
	v7 =	vld.idx.msk [tilespmem:v7+s15+$0x0], $0xffff;
	_ =	sdelay $0x1  }
0x273: {  	[tilespmem:$0x1FDE0] =	vst v3;
	v3 =	vor.u32 s31, v16;
	_ =	sdelay $0x2  }
0x274: {  	v5 =	vld.idx.msk [tilespmem:v5+s15+$0x0], $0xffff;
	[tilespmem:$0x1FDF0] =	vst v7;
	v7 =	vor.u32 s6, v8  }
0x275: {  	s10 =	sadd.s32 $0xFFF0BE00, s4;
	v1 =	vor.u32 s31, v13  }
0x276: {  	p1 =	sgt.s32 s10, $0x0;
	v3 =	vld.idx.msk [tilespmem:v3+s15+$0x0], $0xffff  }
0x277: {  	s10 =	simm.s32 @!p1 $0x0;
	v9 =	vor.u32 s6, v4  }
0x278: {  	vm5 =	veq.s32 v2, $0x1;
	s10 =	sshll.u32 s10, $0x6  }
0x279: {  	v10 =	vsel vm4, v27, v11;
	v11 =	vsel vm5, v39, v37;
	[tilespmem:$0x1FE10] =	vst v5;
	v5 =	vor.u32 s10, v53;
	v7 =	vld.idx.msk [tilespmem:v7+s12+$0x0], $0xffff  }
0x27a: {  	v2 =	vsel vm4, v34, v12;
	v12 =	vsel vm5, v40, v38;
	v10 =	vmul.f32 v11, v10;
	v1 =	vld.idx.msk [tilespmem:v1+s15+$0x0], $0xffff  }
0x27b: {  	v2 =	vmul.f32 v12, v2;
	[tilespmem:$0x1FE30] =	vst v3;
	v3 =	vbroadcast v30, $0x1  }
0x27c: {  	v11 =	vsel vm4, v31, v26;
	v12 =	vsel vm5, v36, v35;
	v9 =	vld.idx.msk [tilespmem:v9+s12+$0x0], $0xffff  }
0x27d: {  	s4 =	sand.u32 $0x7F, s4;
	v2 =	vadd.f32 v2, v10;
	v10 =	vmul.f32 v12, v11;
	v3 =	vand.u32 $0x1, v3  }
0x27e: {  	v11 =	vsel vm4, v25, v24;
	[tilespmem:$0x1FE40] =	vst v7;
	v7 =	vor.u32 s4, v15;
	vm4 =	veq.s32 v3, $0x1;
	v3 =	vld.idx.msk [tilespmem:v5+s13+$0x0], $0xffff  }
0x27f: {  	[tilespmem:$0x1FDD0] =	vst v1;
	v1 =	vor.u32 s6, v6;
	_ =	sdelay $0x1  }
0x280: {  	[tilespmem:$0x1FE00] =	vst v9;
	v9 =	vor.u32 s4, v13  }
0x281: {  	v12 =	vor.u32 s10, v4;
	v13 =	vsel vm5, v33, v32  }
0x282: {  	v2 =	vadd.f32 v10, v2;
	v10 =	vmul.f32 v13, v11;
	v11 =	vor.u32 s4, v16;
	[tilespmem:$0x1FE60] =	vst v3;
	v3 =	vld.idx.msk [tilespmem:v7+s16+$0x0], $0xffff  }
0x283: {  	v1 =	vld.idx.msk [tilespmem:v1+s12+$0x0], $0xffff  }
0x284: {  	v2 =	vadd.f32 v10, v2;
	v5 =	vbroadcast v28, $0x1  }
0x285: {  	v9 =	vld.idx.msk [tilespmem:v9+s16+$0x0], $0xffff  }
0x286: {  	[tilespmem:$0x1FF00] =	vst v2;
	v2 =	vsel vm4, v43, v41;
	v13 =	vsel vm4, v52, v47;
	v52 =	vld.idx.msk [tilespmem:v12+s13+$0x0], $0xffff;
	v5 =	vand.u32 $0x1, v5  }
0x287: {  	v10 =	vsel vm4, v44, v42;
	v12 =	vsel vm4, v57, v48;
	vm4 =	veq.s32 v5, $0x1;
	[tilespmem:$0x1FE80] =	vst v3;
	v3 =	vld.idx.msk [tilespmem:v11+s16+$0x0], $0xffff  }
0x288: {  	[tilespmem:$0x1FE20] =	vst v1;
	v1 =	vor.u32 s4, v14;
	v14 =	vsel vm4, v61, v58;
	v7 =	vsel vm4, v51, v45  }
0x289: {  	v2 =	vmul.f32 v7, v2;
	v7 =	vmul.f32 v14, v10  }
0x28a: {  	[tilespmem:$0x1FE50] =	vst v9;
	v9 =	vor.u32 s10, v6  }
0x28b: {  	v2 =	vadd.f32 v7, v2;
	v7 =	vld [tilespmem:$0x1F3E0]  }
0x28c: {  	[tilespmem:$0x1FE90] =	vst v3;
	v3 =	vld [tilespmem:$0x1F3D0]  }
0x28d: {  	v5 =	vbroadcast v30, $0x2;
	_ =	sdelay $0x1  }
0x28e: {  	v51 =	vld.idx.msk [tilespmem:v9+s13+$0x0], $0xffff;
	v5 =	vand.u32 $0x1, v5  }
0x28f: {  	v15 =	vsel vm4, v63, v62;
	v9 =	vsel vm4, v60, v59;
	vm4 =	veq.s32 v5, $0x1;
	v10 =	vld [tilespmem:$0x1F400]  }
0x290: {  	v7 =	vsel vm4, v7, v3;
	v3 =	vld [tilespmem:$0x1F3F0]  }
0x291: {  	v1 =	vld.idx.msk [tilespmem:v1+s16+$0x0], $0xffff;
	_ =	sdelay $0x2  }
0x292: {  	v11 =	vld [tilespmem:$0x1F420]  }
0x293: {  	v10 =	vsel vm4, v10, v3;
	v3 =	vld [tilespmem:$0x1F410]  }
0x294: {  	[tilespmem:$0x1FE70] =	vst v1;
	v1 =	vor.u32 s10, v8;
	_ =	sdelay $0x2  }
0x295: {  	v5 =	vmul.f32 v15, v13;
	v13 =	vld [tilespmem:$0x1F440]  }
0x296: {  	v11 =	vsel vm4, v11, v3;
	v3 =	vld [tilespmem:$0x1F430]  }
0x297: {  	v1 =	vld.idx.msk [tilespmem:v1+s13+$0x0], $0xffff;
	_ =	sdelay $0x2  }
0x298: {  	v9 =	vmul.f32 v9, v12;
	v12 =	vld [tilespmem:$0x1F460]  }
0x299: {  	v13 =	vsel vm4, v13, v3;
	v3 =	vld [tilespmem:$0x1F450]  }
0x29a: {  	[tilespmem:$0x1FEA0] =	vst v1;
	v1 =	vbroadcast v28, $0x2;
	_ =	sdelay $0x1  }
0x29b: {  	v1 =	vand.u32 $0x1, v1  }
0x29c: {  	v14 =	vld [tilespmem:$0x1F480];
	vm4 =	veq.s32 v1, $0x1  }
0x29d: {  	v12 =	vsel vm4, v12, v3;
	v3 =	vld [tilespmem:$0x1F470];
	_ =	sdelay $0x3  }
0x29e: {  	v15 =	vld [tilespmem:$0x1F4A0]  }
0x29f: {  	v14 =	vsel vm4, v14, v3;
	v3 =	vld [tilespmem:$0x1F490];
	_ =	sdelay $0x3  }
0x2a0: {  	v16 =	vld [tilespmem:$0x1F4C0]  }
0x2a1: {  	v15 =	vsel vm4, v15, v3;
	v3 =	vld [tilespmem:$0x1F4B0];
	_ =	sdelay $0x1  }
0x2a2: {  	v1 =	vbroadcast v30, $0x3;
	_ =	sdelay $0x1  }
0x2a3: {  	v1 =	vand.u32 $0x1, v1  }
0x2a4: {  	v58 =	vsel vm4, v16, v3;
	vm4 =	veq.s32 v1, $0x1;
	v1 =	vld [tilespmem:$0x1F4D0]  }
0x2a5: {  	p0 =	seq.s32 s28, $0xFFFFFFFF;
	v3 =	vld [tilespmem:$0x1F4E0]  }
0x2a6: {  	(v2sf) =	vpush @!p0 v29, $0x0;
	_ =	sdelay $0x2  }
0x2a7: {  	v7 =	vmul.f32 v12, v7;
	v12 =	vld [tilespmem:$0x1F500]  }
0x2a8: {  	v1 =	vsel vm4, v3, v1;
	v3 =	vld [tilespmem:$0x1F4F0];
	_ =	sdelay $0x3  }
0x2a9: {  	v16 =	vld [tilespmem:$0x1F520]  }
0x2aa: {  	(v2sf) =	vpush @!p0 v23, $0x0;
	v12 =	vsel vm4, v12, v3;
	v3 =	vld [tilespmem:$0x1F510];
	_ =	sdelay $0x4  }
0x2ab: {  	v59 =	vsel vm4, v16, v3;
	v3 =	vld [tilespmem:$0x1F530]  }
0x2ac: {  	s9 =	spop @!p0 (v2sf);
	v16 =	vld [tilespmem:$0x1F540]  }
0x2ad: {  	s9 =	sshra.s32 @!p0 s9, $0x7  }
0x2ae: {  	p1 =	slt.s32 @!p0 s9, $0x1E83  }
0x2af: {  	p1 =	por !p1, p0  }
0x2b0: {  	s9 =	simm.s32 @p1 $0x1E83;
	v10 =	vmul.f32 v14, v10;
	v14 =	vld [tilespmem:$0x1F560]  }
0x2b1: {  	s4 =	sshll.u32 @!p0 s9, $0x7;
	v60 =	vsel vm4, v16, v3;
	v3 =	vld [tilespmem:$0x1F550]  }
0x2b2: {  	v27 =	vmov v23;
	v23 =	vbroadcast v28, $0x3;
	s4 =	sand.u32 @!p0 $0x1FFFFF80, s4  }
0x2b3: {  	s31 =	simm.s32 @!p0 $0x7A1400;
	s6 =	sadd.s32 @!p0 s0, s4;
	s4 =	simm.s32 @!p0 $0x400  }
0x2b4: {  	v23 =	vand.u32 $0x1, v23;
	[tilespmem:s4], [sflag:$0x1] =	stream.strided.gather @!p0 [hbm4b:s6+s4], $0x2000, s31, s4, $0x38;
	[tilespmem:$0x12600] =	vst v63  }
0x2b5: {  	s6 =	spop @!p0 (v2sf);
	vm4 =	veq.s32 v23, $0x1;
	v16 =	vld [tilespmem:$0x1F580]  }
0x2b6: {  	s6 =	sshra.s32 @!p0 s6, $0x7;
	v14 =	vsel vm4, v14, v3;
	v3 =	vld [tilespmem:$0x1F570]  }
0x2b7: {  	p1 =	slt.s32 @!p0 s6, $0x1E83  }
0x2b8: {  	p1 =	por !p1, p0  }
0x2b9: {  	s6 =	simm.s32 @p1 $0x1E83  }
0x2ba: {  	s6 =	sshll.u32 @!p0 s6, $0x7;
	v7 =	vadd.f32 v10, v7;
	v10 =	vmul.f32 v15, v11;
	v11 =	vld [tilespmem:$0x1F5A0]  }
0x2bb: {  	s6 =	sand.u32 @!p0 $0x1FFFFF80, s6;
	v23 =	vsel vm4, v16, v3;
	v3 =	vld [tilespmem:$0x1F590]  }
0x2bc: {  	s9 =	simm.s32 @!p0 $0x8400;
	s6 =	sadd.s32 @!p0 s1, s6  }
0x2bd: {  	v2 =	vadd.f32 v5, v2;
	[tilespmem:s9], [sflag:$0x1] =	stream.strided.gather @!p0 [hbm4b:s6+s4], $0x2000, s31, s4, $0x38;
	[tilespmem:$0x12600] =	vst v63  }
0x2be: {  	_ =	swait.ge [sflag:s23], $0x2000  }
0x2bf: {  	v2 =	vadd.f32 v9, v2;
	v9 =	vld [tilespmem:$0x1F5C0]  }
0x2c0: {  	v11 =	vsel vm4, v11, v3;
	v3 =	vld [tilespmem:$0x1F5B0]  }
0x2c1: {  	[sflag:s23] =	ssyncset.done $0x0  }
0x2c2: {  	[tilespmem:$0x1FEE0] =	vst v2;
	[sflag:s23] =	ssyncadd.s32 $0xFFFFE000  }
0x2c3: {  	_ =	swait.ge [sflag:s23], $0x2000  }
0x2c4: {  	v1 =	vmul.f32 v14, v1;
	v5 =	vmul.f32 v23, v12;
	v2 =	vadd.f32 v10, v7;
	v10 =	vld [tilespmem:$0x1F5E0]  }
0x2c5: {  	v9 =	vsel vm4, v9, v3;
	v3 =	vld [tilespmem:$0x1F5D0]  }
0x2c6: {  	v1 =	vadd.f32 v5, v1;
	v5 =	vmul.f32 v11, v59;
	v11 =	vbroadcast v30, $0x4;
	_ =	sdelay $0x1  }
0x2c7: {  	v1 =	vadd.f32 v5, v1;
	v5 =	vand.u32 $0x1, v11  }
0x2c8: {  	v11 =	vld [tilespmem:$0x1F600];
	vm4 =	veq.s32 v5, $0x1  }
0x2c9: {  	v10 =	vsel vm4, v10, v3;
	v3 =	vld [tilespmem:$0x1F5F0];
	_ =	sdelay $0x3  }
0x2ca: {  	v12 =	vld [tilespmem:$0x1F620]  }
0x2cb: {  	v11 =	vsel vm4, v11, v3;
	v3 =	vld [tilespmem:$0x1F610];
	_ =	sdelay $0x3  }
0x2cc: {  	v14 =	vld [tilespmem:$0x1F640]  }
0x2cd: {  	v12 =	vsel vm4, v12, v3;
	v3 =	vld [tilespmem:$0x1F630];
	_ =	sdelay $0x3  }
0x2ce: {  	v15 =	vld [tilespmem:$0x1F660]  }
0x2cf: {  	v14 =	vsel vm4, v14, v3;
	v3 =	vld [tilespmem:$0x1F650]  }
0x2d0: {  	v5 =	vbroadcast v28, $0x4;
	_ =	sdelay $0x1  }
0x2d1: {  	v5 =	vand.u32 $0x1, v5  }
0x2d2: {  	v16 =	vld [tilespmem:$0x1F680];
	vm4 =	veq.s32 v5, $0x1  }
0x2d3: {  	v7 =	vmul.f32 v58, v13;
	v15 =	vsel vm4, v15, v3;
	v3 =	vld [tilespmem:$0x1F670];
	_ =	sdelay $0x1  }
0x2d4: {  	v2 =	vadd.f32 v7, v2;
	_ =	sdelay $0x1  }
0x2d5: {  	[tilespmem:$0x1FF20] =	vst v2;
	v2 =	vld [tilespmem:$0x1F690];
	v9 =	vmul.f32 v9, v60  }
0x2d6: {  	v23 =	vsel vm4, v16, v3;
	v3 =	vld [tilespmem:$0x1F6A0]  }
0x2d7: {  	v1 =	vadd.f32 v9, v1  }
0x2d8: {  	s6 =	sadd.s32 $0xFFF0BE00, s8;
	s8 =	sand.u32 $0x7F, s8  }
0x2d9: {  	[tilespmem:$0x1FF10] =	vst v1;
	v1 =	vor.u32 s8, v17  }
0x2da: {  	v13 =	vor.u32 s8, v0;
	v10 =	vmul.f32 v15, v10;
	v11 =	vmul.f32 v23, v11  }
0x2db: {  	v2 =	vsel vm4, v3, v2  }
0x2dc: {  	[sflag:s23] =	ssyncset.done $0x0;
	v7 =	vadd.f32 v11, v10;
	v10 =	vbroadcast v30, $0x5;
	v2 =	vmul.f32 v2, v12  }
0x2dd: {  	s9 =	sadd.s32 $0xFFF0BE00, s7;
	s7 =	sand.u32 $0x7F, s7;
	[sflag:s23] =	ssyncadd.s32 $0xFFFFE000  }
0x2de: {  	p1 =	sgt.s32 s6, $0x0;
	v2 =	vadd.f32 v2, v7;
	v7 =	vand.u32 $0x1, v10;
	v10 =	vor.u32 s7, v0;
	v0 =	vld.idx.msk [tilespmem:v1+s15+$0x0], $0xffff  }
0x2df: {  	v42 =	vmov v49;
	s6 =	simm.s32 @!p1 $0x0;
	v49 =	vld.idx.msk [tilespmem:v13+s15+$0x0], $0xffff  }
0x2e0: {  	s6 =	sshll.u32 s6, $0x6;
	v13 =	vld [tilespmem:$0x1F6E0]  }
0x2e1: {  	v15 =	vor.u32 s6, v4;
	v11 =	vld [tilespmem:$0x1F6B0]  }
0x2e2: {  	v12 =	vld [tilespmem:$0x1F6C0]  }
0x2e3: {  	[tilespmem:$0x1FEB0] =	vst v0;
	v0 =	vld [tilespmem:$0x1F6D0];
	_ =	sdelay $0x2  }
0x2e4: {  	v44 =	vld.idx.msk [tilespmem:v15+s12+$0x0], $0xffff  }
0x2e5: {  	v5 =	vor.u32 s6, v53;
	v15 =	vld [tilespmem:$0x1F700];
	v11 =	vsel vm4, v12, v11;
	vm4 =	veq.s32 v7, $0x1  }
0x2e6: {  	v13 =	vsel vm4, v13, v0;
	v0 =	vld [tilespmem:$0x1F6F0];
	_ =	sdelay $0x2  }
0x2e7: {  	v16 =	vld [tilespmem:$0x1F720]  }
0x2e8: {  	v3 =	vmov v46;
	v46 =	vld.idx.msk [tilespmem:v5+s12+$0x0], $0xffff  }
0x2e9: {  	v5 =	vor.u32 s8, v20;
	v15 =	vsel vm4, v15, v0;
	v0 =	vld [tilespmem:$0x1F710];
	_ =	sdelay $0x4  }
0x2ea: {  	v23 =	vsel vm4, v16, v0;
	v0 =	vld.idx.msk [tilespmem:v5+s15+$0x0], $0xffff;
	_ =	sdelay $0x2  }
0x2eb: {  	v12 =	vor.u32 s6, v8  }
0x2ec: {  	v16 =	vld [tilespmem:$0x1F740]  }
0x2ed: {  	[tilespmem:$0x1FEC0] =	vst v0;
	v0 =	vld [tilespmem:$0x1F730];
	_ =	sdelay $0x2  }
0x2ee: {  	v39 =	vld.idx.msk [tilespmem:v12+s12+$0x0], $0xffff  }
0x2ef: {  	v12 =	vld [tilespmem:$0x1F760]  }
0x2f0: {  	v62 =	vsel vm4, v16, v0;
	v0 =	vld [tilespmem:$0x1F750]  }
0x2f1: {  	v1 =	vbroadcast v28, $0x5;
	_ =	sdelay $0x1  }
0x2f2: {  	v1 =	vand.u32 $0x1, v1  }
0x2f3: {  	v11 =	vmul.f32 v11, v14;
	v14 =	vld [tilespmem:$0x1F780];
	vm4 =	veq.s32 v1, $0x1  }
0x2f4: {  	v12 =	vsel vm4, v12, v0;
	v0 =	vld [tilespmem:$0x1F770];
	_ =	sdelay $0x4  }
0x2f5: {  	v9 =	vor.u32 s6, v6;
	v14 =	vsel vm4, v14, v0;
	v0 =	vadd.f32 v11, v2  }
0x2f6: {  	v2 =	vld [tilespmem:$0x1F7A0]  }
0x2f7: {  	[tilespmem:$0x1FF30] =	vst v0;
	v0 =	vld [tilespmem:$0x1F790];
	_ =	sdelay $0x2  }
0x2f8: {  	v43 =	vld.idx.msk [tilespmem:v9+s12+$0x0], $0xffff;
	v9 =	vor.u32 s7, v18  }
0x2f9: {  	v11 =	vld [tilespmem:$0x1F7C0]  }
0x2fa: {  	p1 =	sgt.s32 s9, $0x0;
	v2 =	vsel vm4, v2, v0;
	v0 =	vld [tilespmem:$0x1F7B0]  }
0x2fb: {  	s9 =	simm.s32 @!p1 $0x0  }
0x2fc: {  	s25 =	sshll.u32 s9, $0x6  }
0x2fd: {  	v34 =	vld.idx.msk [tilespmem:v9+s16+$0x0], $0xffff;
	v9 =	vbroadcast v30, $0x6;
	v7 =	vor.u32 s25, v53  }
0x2fe: {  	v40 =	vld.idx.msk [tilespmem:v10+s16+$0x0], $0xffff;
	v10 =	vor.u32 s25, v6  }
0x2ff: {  	v9 =	vand.u32 $0x1, v9;
	v11 =	vsel vm4, v11, v0;
	v0 =	vld [tilespmem:$0x1F7D0]  }
0x300: {  	vm4 =	veq.s32 v9, $0x1;
	v9 =	vld [tilespmem:$0x1F7E0];
	_ =	sdelay $0x1  }
0x301: {  	v37 =	vld.idx.msk [tilespmem:v7+s13+$0x0], $0xffff  }
0x302: {  	v7 =	vor.u32 s7, v20;
	v32 =	vld.idx.msk [tilespmem:v10+s13+$0x0], $0xffff  }
0x303: {  	v10 =	vld [tilespmem:$0x1F800]  }
0x304: {  	v9 =	vsel vm4, v9, v0;
	v0 =	vld [tilespmem:$0x1F7F0];
	_ =	sdelay $0x2  }
0x305: {  	v31 =	vld.idx.msk [tilespmem:v7+s16+$0x0], $0xffff;
	v5 =	vor.u32 s25, v4  }
0x306: {  	v7 =	vld [tilespmem:$0x1F820]  }
0x307: {  	v10 =	vsel vm4, v10, v0;
	v0 =	vld [tilespmem:$0x1F810];
	_ =	sdelay $0x1  }
0x308: {  	v12 =	vmul.f32 v12, v13;
	v13 =	vmul.f32 v14, v15  }
0x309: {  	v35 =	vld.idx.msk [tilespmem:v5+s13+$0x0], $0xffff;
	v1 =	vor.u32 s7, v17  }
0x30a: {  	v5 =	vadd.f32 v13, v12;
	v12 =	vld [tilespmem:$0x1F840]  }
0x30b: {  	v7 =	vsel vm4, v7, v0;
	v0 =	vld [tilespmem:$0x1F830];
	_ =	sdelay $0x2  }
0x30c: {  	v36 =	vld.idx.msk [tilespmem:v1+s16+$0x0], $0xffff;
	v1 =	vbroadcast v28, $0x6;
	_ =	sdelay $0x1  }
0x30d: {  	v1 =	vand.u32 $0x1, v1;
	v12 =	vsel vm4, v12, v0;
	v0 =	vld [tilespmem:$0x1F850]  }
0x30e: {  	vm4 =	veq.s32 v1, $0x1;
	v1 =	vld [tilespmem:$0x1F860];
	_ =	sdelay $0x3  }
0x30f: {  	v13 =	vld [tilespmem:$0x1F880]  }
0x310: {  	v1 =	vsel vm4, v1, v0;
	v0 =	vld [tilespmem:$0x1F870];
	_ =	sdelay $0x1  }
0x311: {  	v14 =	vor.u32 s25, v8;
	_ =	sdelay $0x1  }
0x312: {  	v1 =	vmul.f32 v1, v9;
	v9 =	vld [tilespmem:$0x1F8A0]  }
0x313: {  	v13 =	vsel vm4, v13, v0;
	v0 =	vld [tilespmem:$0x1F890];
	_ =	sdelay $0x1  }
0x314: {  	v33 =	vld.idx.msk [tilespmem:v14+s13+$0x0], $0xffff;
	v14 =	vbroadcast v30, $0x7;
	v2 =	vmul.f32 v2, v23;
	_ =	sdelay $0x1  }
0x315: {  	v2 =	vadd.f32 v2, v5;
	v5 =	vmul.f32 v13, v10;
	v10 =	vand.u32 $0x1, v14;
	v14 =	vld [tilespmem:$0x1F8C0]  }
0x316: {  	v9 =	vsel vm4, v9, v0;
	v0 =	vld [tilespmem:$0x1F8B0];
	_ =	sdelay $0x3  }
0x317: {  	v1 =	vadd.f32 v5, v1;
	v5 =	vld [tilespmem:$0x1F8E0]  }
0x318: {  	v14 =	vsel vm4, v14, v0;
	v0 =	vld [tilespmem:$0x1F8D0];
	_ =	sdelay $0x3  }
0x319: {  	vm4 =	veq.s32 v10, $0x1;
	v10 =	vld [tilespmem:$0x1F900]  }
0x31a: {  	v5 =	vsel vm4, v5, v0;
	v0 =	vld [tilespmem:$0x1F8F0]  }
0x31b: {  	(v2sf) =	vpush @!p0 v29, $0x1;
	_ =	sdelay $0x2  }
0x31c: {  	v15 =	vld [tilespmem:$0x1F920]  }
0x31d: {  	v10 =	vsel vm4, v10, v0;
	v0 =	vld [tilespmem:$0x1F910];
	_ =	sdelay $0x3  }
0x31e: {  	v16 =	vld [tilespmem:$0x1F940]  }
0x31f: {  	(v2sf) =	vpush @!p0 v27, $0x1;
	v15 =	vsel vm4, v15, v0;
	v0 =	vld [tilespmem:$0x1F930];
	_ =	sdelay $0x3  }
0x320: {  	v7 =	vmul.f32 v9, v7;
	v9 =	vld [tilespmem:$0x1F960]  }
0x321: {  	v23 =	vsel vm4, v16, v0;
	v0 =	vld [tilespmem:$0x1F950]  }
0x322: {  	v61 =	vor.u32 s8, v18;
	s8 =	spop @!p0 (v2sf);
	v13 =	vbroadcast v28, $0x7  }
0x323: {  	s8 =	sshra.s32 @!p0 s8, $0x7  }
0x324: {  	p1 =	slt.s32 @!p0 s8, $0x1E83;
	v13 =	vand.u32 $0x1, v13  }
0x325: {  	p1 =	por !p1, p0;
	vm4 =	veq.s32 v13, $0x1;
	v13 =	vld [tilespmem:$0x1F980]  }
0x326: {  	s8 =	simm.s32 @p1 $0x1E83;
	v9 =	vsel vm4, v9, v0;
	v0 =	vld [tilespmem:$0x1F970]  }
0x327: {  	s6 =	sshll.u32 @!p0 s8, $0x7  }
0x328: {  	s6 =	sand.u32 @!p0 $0x1FFFFF80, s6  }
0x329: {  	v47 =	vld.idx.msk [tilespmem:v61+s15+$0x0], $0xffff;
	s6 =	sadd.s32 @!p0 s0, s6;
	s7 =	simm.s32 @!p0 $0x2400  }
0x32a: {  	[tilespmem:s7], [sflag:$0x1] =	stream.strided.gather @!p0 [hbm4b:s6+s4], $0x2000, s31, s4, $0x38;
	v1 =	vadd.f32 v7, v1;
	v7 =	vld [tilespmem:$0x1F9A0]  }
0x32b: {  	s6 =	spop @!p0 (v2sf);
	v13 =	vsel vm4, v13, v0;
	v0 =	vld [tilespmem:$0x1F990]  }
0x32c: {  	s6 =	sshra.s32 @!p0 s6, $0x7  }
0x32d: {  	p1 =	slt.s32 @!p0 s6, $0x1E83;
	v11 =	vmul.f32 v11, v62  }
0x32e: {  	p1 =	por !p1, p0  }
0x32f: {  	s6 =	simm.s32 @p1 $0x1E83;
	v48 =	vadd.f32 v11, v2;
	v2 =	vmul.f32 v9, v5;
	v5 =	vmul.f32 v13, v10;
	v10 =	vld [tilespmem:$0x1F9C0]  }
0x330: {  	s6 =	sshll.u32 @!p0 s6, $0x7;
	v7 =	vsel vm4, v7, v0;
	v0 =	vld [tilespmem:$0x1F9B0]  }
0x331: {  	[tilespmem:$0x1FED0] =	vst v29;
	s6 =	sand.u32 @!p0 $0x1FFFFF80, s6  }
0x332: {  	[tilespmem:$0x1FEF0] =	vst v27;
	s7 =	simm.s32 @!p0 $0xA400;
	s6 =	sadd.s32 @!p0 s1, s6  }
0x333: {  	[tilespmem:s7], [sflag:$0x1] =	stream.strided.gather @!p0 [hbm4b:s6+s4], $0x2000, s31, s4, $0x38;
	v9 =	vbroadcast v30, $0x8;
	[tilespmem:$0x12600] =	vst v63  }
0x334: {  	_ =	swait.ge [sflag:s23], $0x2000  }
0x335: {  	v9 =	vand.u32 $0x1, v9;
	v10 =	vsel vm4, v10, v0;
	v0 =	vld [tilespmem:$0x1F9D0]  }
0x336: {  	vm4 =	veq.s32 v9, $0x1;
	v9 =	vld [tilespmem:$0x1F9E0];
	_ =	sdelay $0x1  }
0x337: {  	v2 =	vadd.f32 v5, v2;
	v5 =	vmul.f32 v7, v15;
	_ =	sdelay $0x1  }
0x338: {  	v2 =	vadd.f32 v5, v2;
	v5 =	vmul.f32 v10, v23;
	v10 =	vld [tilespmem:$0x1FA00]  }
0x339: {  	v9 =	vsel vm4, v9, v0;
	v0 =	vld [tilespmem:$0x1F9F0];
	_ =	sdelay $0x3  }
0x33a: {  	v7 =	vmul.f32 v14, v12;
	v12 =	vld [tilespmem:$0x1FA20]  }
0x33b: {  	v10 =	vsel vm4, v10, v0;
	v0 =	vld [tilespmem:$0x1FA10];
	_ =	sdelay $0x3  }
0x33c: {  	v13 =	vld [tilespmem:$0x1FA40]  }
0x33d: {  	v12 =	vsel vm4, v12, v0;
	v0 =	vld [tilespmem:$0x1FA30]  }
0x33e: {  	[sflag:s23] =	ssyncset.done $0x0  }
0x33f: {  	[sflag:s23] =	ssyncadd.s32 $0xFFFFE000  }
0x340: {  	_ =	swait.ge [sflag:s23], $0x2000  }
0x341: {  	v41 =	vadd.f32 v7, v1;
	v1 =	vld [tilespmem:$0x1FA60]  }
0x342: {  	v13 =	vsel vm4, v13, v0;
	v0 =	vld [tilespmem:$0x1FA50]  }
0x343: {  	v11 =	vbroadcast v28, $0x8;
	_ =	sdelay $0x1  }
0x344: {  	v11 =	vand.u32 $0x1, v11  }
0x345: {  	v38 =	vadd.f32 v5, v2;
	v2 =	vld [tilespmem:$0x1FA80];
	vm4 =	veq.s32 v11, $0x1  }
0x346: {  	v1 =	vsel vm4, v1, v0;
	v0 =	vld [tilespmem:$0x1FA70];
	_ =	sdelay $0x3  }
0x347: {  	v1 =	vmul.f32 v1, v9;
	v9 =	vld [tilespmem:$0x1FAA0]  }
0x348: {  	v2 =	vsel vm4, v2, v0;
	v0 =	vld [tilespmem:$0x1FA90];
	_ =	sdelay $0x3  }
0x349: {  	v2 =	vmul.f32 v2, v10;
	v10 =	vld [tilespmem:$0x1FAC0]  }
0x34a: {  	v9 =	vsel vm4, v9, v0;
	v0 =	vld [tilespmem:$0x1FAB0];
	_ =	sdelay $0x3  }
0x34b: {  	v11 =	vld [tilespmem:$0x1FAE0]  }
0x34c: {  	v14 =	vsel vm4, v10, v0;
	v0 =	vld [tilespmem:$0x1FAD0]  }
0x34d: {  	v5 =	vbroadcast v30, $0x9;
	_ =	sdelay $0x1  }
0x34e: {  	v1 =	vadd.f32 v2, v1;
	v2 =	vand.u32 $0x1, v5  }
0x34f: {  	v16 =	vld [tilespmem:$0x1FB00];
	vm4 =	veq.s32 v2, $0x1  }
0x350: {  	v11 =	vsel vm4, v11, v0;
	v0 =	vld [tilespmem:$0x1FAF0];
	_ =	sdelay $0x4  }
0x351: {  	v63 =	vsel vm4, v16, v0;
	v0 =	vld [tilespmem:$0x1FB10]  }
0x352: {  	v16 =	vld [tilespmem:$0x1FB20];
	_ =	sdelay $0x4  }
0x353: {  	s6 =	sadd.s32 $0xFFF0BE00, s24;
	(v2sf) =	vpush @!p0 v29, $0x2;
	v29 =	vsel vm4, v16, v0;
	v0 =	vld [tilespmem:$0x1FB30]  }
0x354: {  	p1 =	sgt.s32 s6, $0x0;
	v16 =	vld [tilespmem:$0x1FB40]  }
0x355: {  	s9 =	sand.u32 $0x7F, s24;
	s6 =	simm.s32 @!p1 $0x0  }
0x356: {  	s6 =	sshll.u32 s6, $0x6;
	v7 =	vor.u32 s9, v22;
	v9 =	vmul.f32 v9, v12  }
0x357: {  	v2 =	vor.u32 s6, v4  }
0x358: {  	v17 =	vadd.f32 v9, v1;
	v1 =	vld [tilespmem:$0x1FB60]  }
0x359: {  	[sflag:s23] =	ssyncset.done $0x0;
	v16 =	vsel vm4, v16, v0;
	v0 =	vld [tilespmem:$0x1FB50]  }
0x35a: {  	[sflag:s23] =	ssyncadd.s32 $0xFFFFE000;
	v12 =	vbroadcast v28, $0x9  }
0x35b: {  	v26 =	vld.idx.msk [tilespmem:v7+s15+$0x0], $0xffff  }
0x35c: {  	v7 =	vor.u32 s6, v6;
	v12 =	vand.u32 $0x1, v12;
	v23 =	vld.idx.msk [tilespmem:v2+s12+$0x0], $0xffff  }
0x35d: {  	v2 =	vld [tilespmem:$0x1FB80];
	vm4 =	veq.s32 v12, $0x1  }
0x35e: {  	v1 =	vsel vm4, v1, v0;
	v0 =	vld [tilespmem:$0x1FB70];
	_ =	sdelay $0x2  }
0x35f: {  	v11 =	vmul.f32 v1, v11;
	v1 =	vld.idx.msk [tilespmem:v7+s12+$0x0], $0xffff  }
0x360: {  	v10 =	vor.u32 s6, v53;
	v7 =	vld [tilespmem:$0x1FBA0]  }
0x361: {  	v9 =	vsel vm4, v2, v0;
	v0 =	vld [tilespmem:$0x1FB90];
	_ =	sdelay $0x3  }
0x362: {  	v25 =	vld.idx.msk [tilespmem:v10+s12+$0x0], $0xffff  }
0x363: {  	v5 =	vor.u32 s9, v19;
	v18 =	vsel vm4, v7, v0;
	v0 =	vld [tilespmem:$0x1FBB0]  }
0x364: {  	v10 =	vor.u32 s9, v54;
	v7 =	vld [tilespmem:$0x1FBC0];
	_ =	sdelay $0x2  }
0x365: {  	v45 =	vmov v27  }
0x366: {  	v27 =	vbroadcast v30, $0xA;
	s8 =	sadd.s32 $0xFFF0BE00, s3;
	s3 =	sand.u32 $0x7F, s3;
	(v2sf) =	vpush @!p0 v45, $0x2;
	v24 =	vld.idx.msk [tilespmem:v5+s15+$0x0], $0xffff  }
0x367: {  	v45 =	vor.u32 s3, v19;
	v5 =	vor.u32 s6, v8;
	v19 =	vsel vm4, v7, v0;
	v7 =	vld.idx.msk [tilespmem:v10+s15+$0x0], $0xffff  }
0x368: {  	v12 =	vor.u32 s3, v22;
	v10 =	vand.u32 $0x1, v27;
	v0 =	vld [tilespmem:$0x1FBD0]  }
0x369: {  	vm4 =	veq.s32 v10, $0x1;
	v10 =	vld [tilespmem:$0x1FBE0]  }
0x36a: {  	v9 =	vmul.f32 v9, v63  }
0x36b: {  	v62 =	vld [tilespmem:$0x1FC00]  }
0x36c: {  	v15 =	vor.u32 s9, v50;
	v60 =	vadd.f32 v9, v11;
	v9 =	vld.idx.msk [tilespmem:v5+s12+$0x0], $0xffff  }
0x36d: {  	v5 =	vld.idx.msk [tilespmem:v12+s16+$0x0], $0xffff  }
0x36e: {  	p1 =	sgt.s32 s8, $0x0;
	v12 =	vmul.f32 v18, v29;
	v18 =	vsel vm4, v10, v0;
	v0 =	vld [tilespmem:$0x1FBF0]  }
0x36f: {  	s8 =	simm.s32 @!p1 $0x0  }
0x370: {  	s10 =	sshll.u32 s8, $0x6  }
0x371: {  	v2 =	vld.idx.msk [tilespmem:v15+s15+$0x0], $0xffff;
	v15 =	vor.u32 s10, v53  }
0x372: {  	v63 =	vld [tilespmem:$0x1FC20]  }
0x373: {  	v57 =	vsel vm4, v62, v0;
	v0 =	vld [tilespmem:$0x1FC10];
	_ =	sdelay $0x1  }
0x374: {  	v59 =	vld.idx.msk [tilespmem:v45+s16+$0x0], $0xffff  }
0x375: {  	v10 =	vld.idx.msk [tilespmem:v15+s13+$0x0], $0xffff  }
0x376: {  	v15 =	vor.u32 s3, v54;
	v62 =	vmov v54;
	v54 =	vld [tilespmem:$0x1FC40]  }
0x377: {  	v45 =	vmov v56;
	v56 =	vsel vm4, v63, v0;
	v0 =	vld [tilespmem:$0x1FC30];
	_ =	sdelay $0x3  }
0x378: {  	v63 =	vadd.f32 v12, v60;
	v12 =	vld [tilespmem:$0x1FC60]  }
0x379: {  	v54 =	vsel vm4, v54, v0;
	v0 =	vld [tilespmem:$0x1FC50]  }
0x37a: {  	v11 =	vbroadcast v28, $0xA;
	_ =	sdelay $0x1  }
0x37b: {  	v11 =	vand.u32 $0x1, v11  }
0x37c: {  	v16 =	vmul.f32 v19, v16;
	v19 =	vld [tilespmem:$0x1FC80];
	vm4 =	veq.s32 v11, $0x1  }
0x37d: {  	v14 =	vmul.f32 v14, v13;
	v13 =	vsel vm4, v12, v0;
	v0 =	vld [tilespmem:$0x1FC70];
	_ =	sdelay $0x2  }
0x37e: {  	v29 =	vadd.f32 v14, v17;
	v14 =	vld.idx.msk [tilespmem:v15+s16+$0x0], $0xffff  }
0x37f: {  	v27 =	vor.u32 s3, v50;
	v15 =	vld [tilespmem:$0x1FCA0]  }
0x380: {  	v19 =	vsel vm4, v19, v0;
	v0 =	vld [tilespmem:$0x1FC90];
	_ =	sdelay $0x3  }
0x381: {  	v12 =	vld.idx.msk [tilespmem:v27+s16+$0x0], $0xffff  }
0x382: {  	v20 =	vor.u32 s10, v6;
	v27 =	vadd.f32 v16, v63;
	v16 =	vsel vm4, v15, v0;
	v0 =	vld [tilespmem:$0x1FCB0]  }
0x383: {  	v15 =	vld [tilespmem:$0x1FCC0];
	_ =	sdelay $0x1  }
0x384: {  	v18 =	vmul.f32 v13, v18  }
0x385: {  	v17 =	vmul.f32 v19, v57;
	v19 =	vbroadcast v30, $0xB  }
0x386: {  	v13 =	vld.idx.msk [tilespmem:v20+s13+$0x0], $0xffff  }
0x387: {  	v17 =	vadd.f32 v17, v18;
	v18 =	vand.u32 $0x1, v19;
	v20 =	vsel vm4, v15, v0;
	v0 =	vld [tilespmem:$0x1FCD0]  }
0x388: {  	vm4 =	veq.s32 v18, $0x1;
	v18 =	vld [tilespmem:$0x1FCE0];
	_ =	sdelay $0x2  }
0x389: {  	v58 =	vor.u32 s10, v4  }
0x38a: {  	v57 =	vld [tilespmem:$0x1FD00]  }
0x38b: {  	v18 =	vsel vm4, v18, v0;
	v0 =	vld [tilespmem:$0x1FCF0];
	_ =	sdelay $0x2  }
0x38c: {  	v11 =	vld.idx.msk [tilespmem:v58+s13+$0x0], $0xffff  }
0x38d: {  	v61 =	vmov v55;
	v55 =	vor.u32 s10, v8;
	v58 =	vld [tilespmem:$0x1FD20]  }
0x38e: {  	v20 =	vmul.f32 v20, v54;
	v54 =	vsel vm4, v57, v0;
	v0 =	vld [tilespmem:$0x1FD10];
	_ =	sdelay $0x2  }
0x38f: {  	v60 =	vld [tilespmem:$0x1FD40]  }
0x390: {  	v15 =	vld.idx.msk [tilespmem:v55+s13+$0x0], $0xffff  }
0x391: {  	v55 =	vsel vm4, v58, v0;
	v0 =	vld [tilespmem:$0x1FD30];
	_ =	sdelay $0x2  }
0x392: {  	v19 =	vbroadcast v28, $0xB;
	_ =	sdelay $0x1  }
0x393: {  	v19 =	vand.u32 $0x1, v19;
	v16 =	vmul.f32 v16, v56;
	v56 =	vsel vm4, v60, v0;
	v0 =	vld [tilespmem:$0x1FD50]  }
0x394: {  	vm4 =	veq.s32 v19, $0x1;
	v19 =	vld [tilespmem:$0x1FD60];
	_ =	sdelay $0x3  }
0x395: {  	v63 =	vld [tilespmem:$0x1FD80]  }
0x396: {  	v19 =	vsel vm4, v19, v0;
	v0 =	vld [tilespmem:$0x1FD70];
	_ =	sdelay $0x3  }
0x397: {  	v16 =	vadd.f32 v16, v17;
	v17 =	vmul.f32 v19, v18;
	v19 =	vld [tilespmem:$0x1FDA0]  }
0x398: {  	v57 =	vsel vm4, v63, v0;
	v0 =	vld [tilespmem:$0x1FD90];
	_ =	sdelay $0x1  }
0x399: {  	v60 =	vbroadcast v30, $0xC;
	_ =	sdelay $0x1  }
0x39a: {  	v63 =	vand.u32 $0x1, v60;
	v60 =	vld [tilespmem:$0x1FDC0]  }
0x39b: {  	v19 =	vsel vm4, v19, v0;
	v0 =	vld [tilespmem:$0x1FDB0];
	_ =	sdelay $0x1  }
0x39c: {  	v18 =	vmul.f32 v57, v54;
	_ =	sdelay $0x1  }
0x39d: {  	v17 =	vadd.f32 v18, v17;
	v18 =	vld [tilespmem:$0x1FDE0]  }
0x39e: {  	v58 =	vsel vm4, v60, v0;
	v0 =	vld [tilespmem:$0x1FDD0];
	_ =	sdelay $0x3  }
0x39f: {  	vm4 =	veq.s32 v63, $0x1;
	v63 =	vld [tilespmem:$0x1FE00]  }
0x3a0: {  	v18 =	vsel vm4, v18, v0;
	v0 =	vld [tilespmem:$0x1FDF0];
	_ =	sdelay $0x3  }
0x3a1: {  	v60 =	vld [tilespmem:$0x1FE20]  }
0x3a2: {  	v54 =	vsel vm4, v63, v0;
	v0 =	vld [tilespmem:$0x1FE10];
	_ =	sdelay $0x3  }
0x3a3: {  	v63 =	vmov v50;
	v50 =	vld [tilespmem:$0x1FE40]  }
0x3a4: {  	s7 =	spop @!p0 (v2sf);
	v60 =	vsel vm4, v60, v0;
	v0 =	vld [tilespmem:$0x1FE30]  }
0x3a5: {  	s7 =	sshra.s32 @!p0 s7, $0x7  }
0x3a6: {  	p1 =	slt.s32 @!p0 s7, $0x1E83  }
0x3a7: {  	p1 =	por !p1, p0;
	v57 =	vbroadcast v28, $0xC  }
0x3a8: {  	s7 =	simm.s32 @p1 $0x1E83  }
0x3a9: {  	s3 =	sshll.u32 @!p0 s7, $0x7;
	v57 =	vand.u32 $0x1, v57;
	v50 =	vsel vm4, v50, v0;
	v0 =	vld [tilespmem:$0x1FE50]  }
0x3aa: {  	s3 =	sand.u32 @!p0 $0x1FFFFF80, s3;
	vm4 =	veq.s32 v57, $0x1;
	v57 =	vld [tilespmem:$0x1FE60]  }
0x3ab: {  	s6 =	simm.s32 @!p0 $0x4400;
	s3 =	sadd.s32 @!p0 s0, s3  }
0x3ac: {  	[tilespmem:s6], [sflag:$0x1] =	stream.strided.gather @!p0 [hbm4b:s3+s4], $0x2000, s31, s4, $0x38;
	[tilespmem:$0x12600] =	vst v63  }
0x3ad: {  	s3 =	spop @!p0 (v2sf)  }
0x3ae: {  	s3 =	sshra.s32 @!p0 s3, $0x7  }
0x3af: {  	p1 =	slt.s32 @!p0 s3, $0x1E83;
	v19 =	vmul.f32 v19, v55;
	v55 =	vsel vm4, v57, v0;
	v0 =	vld [tilespmem:$0x1FE70]  }
0x3b0: {  	p1 =	por !p1, p0  }
0x3b1: {  	s3 =	simm.s32 @p1 $0x1E83  }
0x3b2: {  	s3 =	sshll.u32 @!p0 s3, $0x7  }
0x3b3: {  	s3 =	sand.u32 @!p0 $0x1FFFFF80, s3  }
0x3b4: {  	s6 =	simm.s32 @!p0 $0xC400;
	s3 =	sadd.s32 @!p0 s1, s3;
	v17 =	vadd.f32 v19, v17;
	v19 =	vmul.f32 v58, v56;
	v52 =	vsel vm4, v52, v0  }
0x3b5: {  	[tilespmem:s6], [sflag:$0x1] =	stream.strided.gather @!p0 [hbm4b:s3+s4], $0x2000, s31, s4, $0x38;
	v56 =	vld [tilespmem:$0x1FE80];
	v18 =	vmul.f32 v55, v18;
	v52 =	vmul.f32 v52, v54  }
0x3b6: {  	_ =	swait.ge [sflag:s23], $0x2000  }
0x3b7: {  	v18 =	vadd.f32 v52, v18;
	v52 =	vadd.f32 v19, v17;
	v17 =	vld [tilespmem:$0x1FE90]  }
0x3b8: {  	s24 =	sand.u32 $0x7F, s2;
	s2 =	sadd.s32 $0xFFF0BE00, s2;
	v19 =	vld [tilespmem:$0x1FEA0]  }
0x3b9: {  	p1 =	sgt.s32 s2, $0x0;
	[sflag:s23] =	ssyncset.done $0x0  }
0x3ba: {  	s2 =	simm.s32 @!p1 $0x0;
	v51 =	vsel vm4, v51, v56;
	[sflag:s23] =	ssyncadd.s32 $0xFFFFE000  }
0x3bb: {  	s2 =	sshll.u32 s2, $0x6;
	v56 =	vmul.f32 v51, v60;
	v60 =	vbroadcast v30, $0xD;
	v51 =	vadd.f32 v20, v16;
	_ =	swait.ge [sflag:s23], $0x2000  }
0x3bc: {  	v16 =	vor.u32 s2, v53;
	v20 =	vor.u32 s2, v4;
	v54 =	vor.u32 s24, v61;
	v58 =	vld [tilespmem:$0x1FEB0]  }
0x3bd: {  	v57 =	vor.u32 s24, v42;
	v17 =	vsel vm4, v19, v17;
	v19 =	vand.u32 $0x1, v60;
	v60 =	vld [tilespmem:$0x1FEC0]  }
0x3be: {  	v55 =	vor.u32 s24, v3;
	v0 =	vmovc v22;
	v22 =	vor.u32 s24, v45;
	v18 =	vadd.f32 v56, v18  }
0x3bf: {  	[sflag:s23] =	ssyncset.done $0x0;
	vm4 =	veq.s32 v19, $0x1;
	v19 =	vbroadcast v28, $0xD;
	v17 =	vmul.f32 v17, v50  }
0x3c0: {  	[sflag:s23] =	ssyncadd.s32 $0xFFFFE000;
	v50 =	vor.u32 s2, v8;
	v46 =	vsel vm4, v46, v49;
	v44 =	vsel vm4, v44, v47  }
0x3c1: {  	v47 =	vld.idx.msk [tilespmem:v54+s15+$0x0], $0xffff;
	v54 =	vmovc v62;
	v49 =	vor.u32 s2, v6;
	s2 =	sadd.s32 $0xFFF0BE00, s5;
	v43 =	vsel vm4, v43, v58;
	v62 =	vbroadcast v30, $0xE  }
0x3c2: {  	v19 =	vand.u32 $0x1, v19;
	p1 =	sgt.s32 s2, $0x0;
	v17 =	vadd.f32 v17, v18;
	v39 =	vsel vm4, v39, v60  }
0x3c3: {  	s2 =	simm.s32 @!p1 $0x0;
	vm4 =	veq.s32 v19, $0x1;
	v60 =	vand.u32 $0x1, v62;
	v62 =	vbroadcast v28, $0xE  }
0x3c4: {  	s2 =	sshll.u32 s2, $0x6;
	v18 =	vsel vm4, v37, v40;
	v19 =	vsel vm4, v35, v34;
	v32 =	vsel vm4, v32, v36  }
0x3c5: {  	v37 =	vld.idx.msk [tilespmem:v57+s15+$0x0], $0xffff;
	v31 =	vsel vm4, v33, v31;
	vm4 =	veq.s32 v60, $0x1;
	v57 =	vor.u32 s2, v6  }
0x3c6: {  	v16 =	vld.idx.msk [tilespmem:v16+s12+$0x0], $0xffff;
	v18 =	vmul.f32 v18, v46;
	v19 =	vmul.f32 v19, v44;
	v25 =	vsel vm4, v25, v26  }
0x3c7: {  	v35 =	vld.idx.msk [tilespmem:v49+s12+$0x0], $0xffff;
	v23 =	vsel vm4, v23, v24;
	v1 =	vsel vm4, v1, v2;
	v7 =	vsel vm4, v9, v7  }
0x3c8: {  	s25 =	sand.u32 $0x7F, s5;
	v49 =	vmovc v42;
	v9 =	vand.u32 $0x1, v62;
	v18 =	vadd.f32 v19, v18;
	v19 =	vld.idx.msk [tilespmem:v22+s15+$0x0], $0xffff;
	v22 =	vor.u32 s2, v4  }
0x3c9: {  	v33 =	vld.idx.msk [tilespmem:v50+s12+$0x0], $0xffff;
	v50 =	vmovc v63;
	v63 =	vor.u32 s25, v49;
	vm4 =	veq.s32 v9, $0x1;
	v9 =	vbroadcast v30, $0xF  }
0x3ca: {  	v20 =	vld.idx.msk [tilespmem:v20+s12+$0x0], $0xffff  }
0x3cb: {  	v34 =	vld.idx.msk [tilespmem:v55+s15+$0x0], $0xffff;
	v5 =	vsel vm4, v10, v5;
	v10 =	vsel vm4, v11, v59;
	v9 =	vand.u32 $0x1, v9  }
0x3cc: {  	v12 =	vsel vm4, v13, v12;
	v14 =	vsel vm4, v15, v14;
	vm4 =	veq.s32 v9, $0x1;
	v9 =	vld.idx.msk [tilespmem:v57+s13+$0x0], $0xffff  }
0x3cd: {  	v11 =	vld.idx.msk [tilespmem:v22+s13+$0x0], $0xffff  }
0x3ce: {  	v22 =	vld.idx.msk [tilespmem:v63+s16+$0x0], $0xffff  }
0x3cf: {  	v36 =	vor.u32 s25, v61;
	v13 =	vbroadcast v28, $0xF  }
0x3d0: {  	v55 =	vmov v61;
	v58 =	vor.u32 s2, v53;
	v61 =	vor.u32 s25, v3  }
0x3d1: {  	v13 =	vand.u32 $0x1, v13;
	v15 =	vsel vm4, v16, v47;
	v16 =	vsel vm4, v20, v34  }
0x3d2: {  	v63 =	vsel vm4, v35, v37;
	v19 =	vsel vm4, v33, v19;
	vm4 =	veq.s32 v13, $0x1  }
0x3d3: {  	v56 =	vmov v45;
	v9 =	vsel vm4, v9, v22;
	v22 =	vmov v0;
	v0 =	vld [tilespmem:$0x1FED0]  }
0x3d4: {  	v60 =	vor.u32 s25, v56;
	v2 =	vld.idx.msk [tilespmem:v36+s16+$0x0], $0xffff  }
0x3d5: {  	v62 =	vor.u32 s2, v8;
	v58 =	vld.idx.msk [tilespmem:v58+s13+$0x0], $0xffff  }
0x3d6: {  	v61 =	vld.idx.msk [tilespmem:v61+s16+$0x0], $0xffff;
	_ =	sdelay $0x1  }
0x3d7: {  	(v2sf) =	vpush @!p0 v0, $0x3;
	v0 =	vld [tilespmem:$0x1FEF0]  }
0x3d8: {  	v20 =	vld.idx.msk [tilespmem:v60+s16+$0x0], $0xffff  }
0x3d9: {  	v5 =	vmul.f32 v5, v25;
	v13 =	vld.idx.msk [tilespmem:v62+s13+$0x0], $0xffff  }
0x3da: {  	v10 =	vmul.f32 v10, v23;
	v2 =	vsel vm4, v58, v2;
	v11 =	vsel vm4, v11, v61  }
0x3db: {  	v46 =	vmov v3;
	v3 =	vld [tilespmem:$0x1FEE0];
	v2 =	vmul.f32 v2, v15;
	v11 =	vmul.f32 v11, v16  }
0x3dc: {  	v1 =	vmul.f32 v12, v1;
	v5 =	vadd.f32 v10, v5;
	(v2sf) =	vpush @!p0 v0, $0x3;
	v0 =	vld [tilespmem:$0x1FF00]  }
0x3dd: {  	v9 =	vmul.f32 v9, v63;
	v2 =	vadd.f32 v11, v2  }
0x3de: {  	v1 =	vadd.f32 v1, v5;
	v5 =	vmul.f32 v14, v7;
	v7 =	vsel vm4, v13, v20  }
0x3df: {  	v14 =	vld [tilespmem:$0x1FF10];
	v7 =	vmul.f32 v7, v19;
	v2 =	vadd.f32 v9, v2  }
0x3e0: {  	v32 =	vmul.f32 v32, v43;
	v1 =	vadd.f32 v5, v1;
	v13 =	vld [tilespmem:$0x1FF20]  }
0x3e1: {  	v5 =	vperm.xlane v3, v21;
	v2 =	vadd.f32 v7, v2;
	v7 =	vperm.xlane v0, v21  }
0x3e2: {  	v18 =	vadd.f32 v32, v18  }
0x3e3: {  	v10 =	vmul.f32 v31, v39;
	v5 =	vadd.f32 v5, v3;
	v3 =	vadd.f32 v7, v0;
	v0 =	vld [tilespmem:$0x1FF30];
	_ =	sdelay $0x1  }
0x3e4: {  	v9 =	vadd.f32 v10, v18;
	v10 =	vperm.xlane v14, v21;
	v11 =	vperm.xlane v13, v21  }
0x3e5: {  	v15 =	vperm.xlane v51, v21  }
0x3e6: {  	v20 =	vperm.xlane v1, v21;
	v10 =	vadd.f32 v10, v14;
	v11 =	vadd.f32 v11, v13  }
0x3e7: {  	v7 =	vperm.xlane v48, v21;
	v12 =	vperm.xlane v0, v21  }
0x3e8: {  	v10 =	vsel vm0, v11, v10;
	v11 =	vperm.xlane v38, v21;
	v3 =	vsel vm0, v3, v5  }
0x3e9: {  	v5 =	vadd.f32 v7, v48;
	v7 =	vadd.f32 v12, v0;
	v12 =	vperm.xlane v41, v21  }
0x3ea: {  	v23 =	vld [tilespmem:$0x1FFD0];
	v15 =	vadd.f32 v15, v51;
	v18 =	vperm.xlane v17, v21;
	v13 =	vperm.xlane v29, v21  }
0x3eb: {  	v16 =	vperm.xlane v9, v21;
	v11 =	vadd.f32 v11, v38;
	v12 =	vadd.f32 v12, v41  }
0x3ec: {  	v1 =	vadd.f32 v20, v1;
	v14 =	vperm.xlane v52, v21;
	v19 =	vperm.xlane v2, v21  }
0x3ed: {  	v9 =	vadd.f32 v16, v9;
	s2 =	spop @!p0 (v2sf);
	v11 =	vsel vm0, v12, v11;
	v12 =	vadd.f32 v18, v17  }
0x3ee: {  	v2 =	vadd.f32 v19, v2;
	s2 =	sshra.s32 @!p0 s2, $0x7;
	v5 =	vsel vm0, v7, v5;
	v7 =	vperm.xlane v27, v21  }
0x3ef: {  	v13 =	vadd.f32 v13, v29;
	p1 =	slt.s32 @!p0 s2, $0x1E83;
	v9 =	vsel vm0, v12, v9;
	v12 =	vperm.xlane v5, v23  }
0x3f0: {  	v14 =	vadd.f32 v14, v52;
	v1 =	vsel vm0, v1, v2;
	p1 =	por !p1, p0;
	v7 =	vadd.f32 v7, v27  }
0x3f1: {  	s2 =	simm.s32 @p1 $0x1E83;
	v2 =	vperm.xlane v11, v23;
	v5 =	vadd.f32 v12, v5;
	v12 =	vperm.xlane v1, v23  }
0x3f2: {  	s2 =	sshll.u32 @!p0 s2, $0x7;
	v7 =	vsel vm0, v13, v7;
	v13 =	vsel vm0, v15, v14;
	v14 =	vperm.xlane v10, v23  }
0x3f3: {  	s2 =	sand.u32 @!p0 $0x1FFFFF80, s2;
	v15 =	vperm.xlane v3, v23;
	v2 =	vadd.f32 v2, v11;
	v1 =	vadd.f32 v12, v1;
	v12 =	vld [tilespmem:$0x1FFE0]  }
0x3f4: {  	s3 =	simm.s32 @!p0 $0x6400;
	s2 =	sadd.s32 @!p0 s0, s2;
	v11 =	vperm.xlane v13, v23;
	v10 =	vadd.f32 v14, v10;
	v14 =	vperm.xlane v7, v23  }
0x3f5: {  	[tilespmem:s3], [sflag:$0x1] =	stream.strided.gather @!p0 [hbm4b:s2+s4], $0x2000, s31, s4, $0x38;
	v3 =	vadd.f32 v15, v3;
	v15 =	vperm.xlane v9, v23;
	[tilespmem:$0x12600] =	vst v63  }
0x3f6: {  	s2 =	spop @!p0 (v2sf);
	v11 =	vadd.f32 v11, v13;
	v7 =	vadd.f32 v14, v7  }
0x3f7: {  	s2 =	sshra.s32 @!p0 s2, $0x7;
	v9 =	vadd.f32 v15, v9;
	v2 =	vsel vm1, v5, v2  }
0x3f8: {  	p1 =	slt.s32 @!p0 s2, $0x1E83;
	v3 =	vsel vm1, v3, v10;
	v5 =	vsel vm1, v7, v11;
	v7 =	vperm.xlane v2, v12  }
0x3f9: {  	p1 =	por !p1, p0;
	v1 =	vsel vm1, v9, v1;
	v9 =	vperm.xlane v3, v12  }
0x3fa: {  	s2 =	simm.s32 @p1 $0x1E83;
	v10 =	vperm.xlane v1, v12;
	v11 =	vperm.xlane v5, v12;
	v2 =	vadd.f32 v7, v2;
	v7 =	vld [tilespmem:$0x1FFF0]  }
0x3fb: {  	s2 =	sshll.u32 @!p0 s2, $0x7;
	v3 =	vadd.f32 v9, v3  }
0x3fc: {  	v20 =	vld [tilespmem:$0x1FFC0];
	s2 =	sand.u32 @!p0 $0x1FFFFF80, s2;
	v1 =	vadd.f32 v10, v1;
	v5 =	vadd.f32 v11, v5  }
0x3fd: {  	s28 =	sadd.s32 $0x1, s28;
	v16 =	vld [tilespmem:$0x1FF70];
	s3 =	simm.s32 @!p0 $0xE400;
	s2 =	sadd.s32 @!p0 s1, s2  }
0x3fe: {  	v19 =	vld [tilespmem:$0x1FFB0];
	[tilespmem:s3], [sflag:$0x1] =	stream.strided.gather @!p0 [hbm4b:s2+s4], $0x2000, s31, s4, $0x38;
	v2 =	vsel vm2, v3, v2;
	v1 =	vsel vm2, v5, v1  }
0x3ff: {  	v0 =	vld [tilespmem:$0x1FF80];
	p0 =	seq.s32 s28, $0x0;
	v3 =	vperm.xlane v1, v7;
	v5 =	vperm.xlane v2, v7  }
.Ltmp0:
0x400: {  	v18 =	vld [tilespmem:$0x1FFA0];
	(pc) =	sbr.rel @!p0 .LBB2_2-.Ltmp0, $4  }
0x401: {  	v17 =	vld [tilespmem:$0x1FF90];
	v1 =	vadd.f32 v1, v3;
	v2 =	vadd.f32 v5, v2  }
0x402: {  	v13 =	vld [tilespmem:$0x1FF40]  }
0x403: {  	v14 =	vld [tilespmem:$0x1FF50];
	v1 =	vsel vm3, v2, v1  }
0x404: {  	s30 =	sadd.s32 $0x10, s30;
	s26 =	sadd.s32 $0x10, s26;
	v15 =	vld [tilespmem:$0x1FF60];
	v10 =	vimm.s32 $0x0;
	[tilespmem:s29+$0x0] =	vst v1;
	s29 =	sadd.s32 $0x10, s29  }
0x405: {  	s9 =	simm.s32 $0x0;
	s2 =	rddreg [dreg:$0xa];
	s3 =	simm.s32 $0x12400  }
0x406: {  	[hbm4b:s2+s9] =	stream.linear.scatter [tilespmem:s3], [sflag:$0x2], $0x200, $0x38;
	[tilespmem:$0x12600] =	vst v63  }
0x407: {  	_ =	swait.ge [sflag:s11], $0x200  }
0x408: {  	s30 =	rddreg [dreg:$0xc]  }
0x409: {  	s31 =	rddreg [dreg:$0xb];
	s3 =	sadd.s32 $0x1, s30  }
0x40a: {  	p0 =	sne.s32 s3, s31  }
.Ltmp1:
0x40b: {  	_ = 	snop;
	(pc) =	sbr.rel @p0 .LBB2_1-.Ltmp1, $3  }
0x40c: {  	_ =	sdelay $0x1  }
0x40d: {  	[sflag:s11] =	ssyncset.done $0x0  }
0x40e: {  	[sflag:s11] =	ssyncadd.s32 $0xFFFFFE00  }
0x40f: {  	_ =	sfence.sel $0x180000  }
0x410: {  	[bflag:$0x0] =	sbarrier.arrive $0xFFFF  }
0x411: {  	_ =	strace $0x90000047  }
0x412: {  	s0 =	stileid.u32;
	[bflag:$0x2] =	sbarrier.arrive $0xFFFF  }
0x413: {  	p0 =	sne.s32 s0, $0x0;
	s0 =	rddreg [dreg:$0x7]  }
0x414: {  	s0 =	sadd.s32 @!p0 $0x100000, s0  }
0x415: {  	[sflag:s0] =	ssyncadd.tile.s32 @!p0 $0x1;
	_ =	shalt  }
.Lfunc_end2:
_tile_overlayer_lowered:
.L_overlay_start_2:
0x416: {  	(tag) =	ssettag $0x2  }
0x417: {  	s0 =	rddreg [dreg:$0x0];
	s2 =	stileid.u32  }
0x418: {  	s1 =	rddreg [dreg:$0x1];
	p0 =	sne.s32 s2, $0x0  }
0x419: {  	s3 =	rddreg [dreg:$0x2];
	[bflag:$0x3] =	sbarrier.arrive $0xFFFF;
	s2 =	simm.s32 @!p0 $0x1C02  }
0x41a: {  	[timem:s3], [sflag:s2] =	dma.local @!p0 [hbm:s0], s1  }
0x41b: {  	s0 =	simm.s32 @!p0 $0x2  }
0x41c: {  	_ =	swait.ge @!p0 [sflag:s0], s1  }
0x41d: {  	s1 =	ssub.s32 @!p0 $0x0, s1;
	[sflag:s0] =	ssyncset.done @!p0 $0x0  }
0x41e: {  	[sflag:s0] =	ssyncadd.s32 @!p0 s1  }
0x41f: {  	[bflag:$0x3] =	sbarrier.arrive $0xFFFF  }
0x420: {  	_ =	shalt  }

</sc_bundles>
